<compile_context>
chip_gen: v7x
topology: tpu7x:2x2x1
jax: 0.10.2.dev20260603
libtpu: 0.0.44.dev20260713+nightly
codegen_flags: <defaults>
</compile_context>

<pallas_src>
import functools

import jax
import jax.numpy as jnp
from jax import lax
from jax.experimental import pallas as pl
from jax.experimental.pallas import tpu as pltpu
from jax.experimental.pallas import tpu_sc as plsc

N16 = 10240
CHUNK = 128
E_PAD = 331776
BN = 1024


def _edge_pass_builder(D, HS, n_chunks, split_edges):
    assert D == 128
    mesh = plsc.VectorSubcoreMesh(core_axis_name="c", subcore_axis_name="s")
    NH = N16 // 2
    rpt = NH // 16
    CP = 64
    nvr = D // 16
    nmul = 4 * HS
    DR = 2 * N16 // 128

    @functools.partial(
        pl.kernel, mesh=mesh,
        out_type=(jax.ShapeDtypeStruct((2, N16, D), jnp.float32),
                  jax.ShapeDtypeStruct((2, DR, 128), jnp.float32)),
        compiler_params=pltpu.CompilerParams(needs_layout_passes=False),
        scratch_types=[
            pltpu.VMEM((HS * N16,), jnp.float32),
            pltpu.VMEM((HS * N16,), jnp.float32),
            pltpu.VMEM((CHUNK,), jnp.int32),
            pltpu.VMEM((CHUNK,), jnp.int32),
            pltpu.VMEM((CHUNK,), jnp.int32),
            pltpu.VMEM((CHUNK, D), jnp.float32),
            pltpu.VMEM((CHUNK, 128), jnp.float32),
            pltpu.VMEM((HS * CHUNK,), jnp.float32),
            pltpu.VMEM_SHARED((NH + 8, D), jnp.float32),
            pltpu.VMEM_SHARED((DR, 128), jnp.float32),
            pltpu.SemaphoreType.DMA,
        ],
    )
    def k(src_h, dst_h, tab_h, as_h, ad_h, out_h, outd_h,
          abuf_s, abuf_d, sidx, didx, didx2, rows, drows, evals,
          num_sh, den_sh, sem):
        c = lax.axis_index("c")
        w = lax.axis_index("s")
        lane = lax.broadcasted_iota(jnp.int32, (16,), 0)

        for h in range(HS):
            pltpu.sync_copy(as_h.at[c * HS + h], abuf_s.at[pl.ds(h * N16, N16)])
            pltpu.sync_copy(ad_h.at[c * HS + h], abuf_d.at[pl.ds(h * N16, N16)])

        epc = n_chunks * CHUNK
        if split_edges:
            base0 = c * 16 * epc + w * epc
            off = 0
        else:
            base0 = w * epc
            off = c * N16

        for phase in range(2):
            lo = phase * NH

            def zrow(i, _):
                def zcol(r, __):
                    rows[i, pl.ds(r * 16, 16)] = jnp.zeros((16,), jnp.float32)
                    if phase == 0:
                        drows[i, pl.ds(r * 16, 16)] = jnp.zeros(
                            (16,), jnp.float32)
                    return 0
                return lax.fori_loop(0, nvr, zcol, 0)
            lax.fori_loop(0, CHUNK, zrow, 0)

            def zacc(kk, _):
                pltpu.sync_copy(rows.at[pl.ds(0, CP)],
                                num_sh.at[pl.ds(w * rpt + kk * CP, CP)])
                return 0
            lax.fori_loop(0, rpt // CP, zacc, 0)
            if phase == 0:
                @pl.when(w < DR // 16)
                def _zden():
                    pltpu.sync_copy(drows.at[pl.ds(0, 16)],
                                    den_sh.at[pl.ds(w * 16, 16)])
            plsc.subcore_barrier()

            def chunk(g, _):
                base = base0 + g * CHUNK
                pltpu.sync_copy(src_h.at[pl.ds(base, CHUNK)], sidx)
                pltpu.sync_copy(dst_h.at[pl.ds(base, CHUNK)], didx)
                if not split_edges:
                    for q in range(CHUNK // 16):
                        sidx[pl.ds(q * 16, 16)] = sidx[pl.ds(q * 16, 16)] + off
                dma = pltpu.async_copy(tab_h.at[sidx], rows, sem)
                for q in range(CHUNK // 16):
                    sv = sidx[pl.ds(q * 16, 16)] - off
                    dv = didx[pl.ds(q * 16, 16)]
                    for h in range(HS):
                        a = (plsc.load_gather(abuf_s, [sv + h * N16])
                             + plsc.load_gather(abuf_d, [dv + h * N16]))
                        ev = jnp.exp(jnp.where(a > 0, a, a * 0.2))
                        evals[pl.ds(h * CHUNK + q * 16, 16)] = ev
                        if phase == 0:
                            plsc.store_scatter(
                                drows, [lane + q * 16, (dv & 63) * 2 + h], ev)
                    if phase == 0:
                        didx2[pl.ds(q * 16, 16)] = lax.shift_right_logical(dv, 6)
                if phase == 0:
                    pltpu.sync_copy(drows, den_sh.at[didx2], add=True)
                    for q in range(CHUNK // 16):
                        dv = didx[pl.ds(q * 16, 16)]
                        for h in range(HS):
                            plsc.store_scatter(
                                drows, [lane + q * 16, (dv & 63) * 2 + h],
                                jnp.zeros((16,), jnp.float32))
                for q in range(CHUNK // 16):
                    dv = didx[pl.ds(q * 16, 16)]
                    dvp = dv - lo
                    inr = (dvp >= 0) & (dvp < NH)
                    didx[pl.ds(q * 16, 16)] = jnp.where(inr, dvp, NH)

                def medge(j, _):
                    jv = jnp.zeros((16,), jnp.int32) + j
                    spl0 = plsc.load_gather(evals, [jv])
                    if HS == 2:
                        spl1 = plsc.load_gather(evals, [jv + CHUNK])
                    for r in range(nmul):
                        m = spl0 if r < 4 else spl1
                        rows[j, pl.ds(r * 16, 16)] = (
                            rows[j, pl.ds(r * 16, 16)] * m)
                    return 0
                dma.wait()
                lax.fori_loop(0, CHUNK, medge, 0)
                pltpu.sync_copy(rows, num_sh.at[didx], add=True)
                return 0
            lax.fori_loop(0, n_chunks, chunk, 0)
            plsc.subcore_barrier()

            def cpout(kk, _):
                st = w * rpt + kk * CP
                pltpu.sync_copy(num_sh.at[pl.ds(st, CP)], rows.at[pl.ds(0, CP)])
                pltpu.sync_copy(rows.at[pl.ds(0, CP)],
                                out_h.at[c, pl.ds(lo + st, CP)])
                return 0
            lax.fori_loop(0, rpt // CP, cpout, 0)
            if phase == 0:
                @pl.when(w < DR // 16)
                def _cpden():
                    pltpu.sync_copy(den_sh.at[pl.ds(w * 16, 16)],
                                    drows.at[pl.ds(0, 16)])
                    pltpu.sync_copy(drows.at[pl.ds(0, 16)],
                                    outd_h.at[c, pl.ds(w * 16, 16)])
            if phase == 0:
                plsc.subcore_barrier()

    return k


_edge_cache = {}


def _edge_pass(D, HS, n_chunks, split_edges):
    key = (D, HS, n_chunks, split_edges)
    if key not in _edge_cache:
        _edge_cache[key] = _edge_pass_builder(D, HS, n_chunks, split_edges)
    return _edge_cache[key]


def _tc1(x_ref, w_ref, aa_ref, hm_ref, a8_ref):
    hm = jnp.dot(x_ref[...], w_ref[...], preferred_element_type=jnp.float32)
    hm_ref[...] = hm
    a8_ref[...] = jnp.dot(hm, aa_ref[...], preferred_element_type=jnp.float32)


def _tc2(in_ref, dn_ref, b1_ref, w2_ref, aa_ref, hm_ref, a2_ref):
    blk = in_ref[...]
    dn = dn_ref[...]
    outs = []
    for hh in range(4):
        num = blk[:, hh * 64:(hh + 1) * 64]
        den = dn[:, hh:hh + 1]
        outs.append(jnp.maximum(num / den + b1_ref[0, hh * 64:(hh + 1) * 64], 0.0))
    h1 = jnp.concatenate(outs, axis=1)
    hm2 = jnp.dot(h1, w2_ref[...], preferred_element_type=jnp.float32)
    hm_ref[...] = hm2
    a2_ref[...] = jnp.dot(hm2, aa_ref[...], preferred_element_type=jnp.float32)


def _tc3(p0_ref, p1_ref, d0_ref, d1_ref, b2_ref, g_ref, bb_ref, out_ref):
    s = p0_ref[...] + p1_ref[...]
    den = d0_ref[:, 0:1] + d1_ref[:, 0:1]
    h2 = jnp.maximum(s[:, :64] / den + b2_ref[0, :], 0.0)
    mu = jnp.mean(h2, axis=1, keepdims=True)
    var = jnp.mean((h2 - mu) * (h2 - mu), axis=1, keepdims=True)
    out_ref[...] = (h2 - mu) * lax.rsqrt(var + 1e-5) * g_ref[0, :] + bb_ref[0, :]


def _tc4(hs_ref, fw_ref, fb_ref, out_ref):
    blk = hs_ref[...]
    acc = jnp.zeros((blk.shape[0], 64), jnp.float32)
    for t in range(12):
        acc = acc + blk[:, 64 * t: 64 * t + 64]
    hcomb = blk[:, 64 * 11: 64 * 12] + 0.025 * acc
    out_ref[...] = (jnp.dot(hcomb, fw_ref[...], preferred_element_type=jnp.float32)
                    + fb_ref[0, :])


def _rows(n):
    return pl.BlockSpec((BN, n), lambda i: (i, 0))


def _full(r, n):
    return pl.BlockSpec((r, n), lambda i: (0, 0))


def kernel(x, edge_index, W1, att_src1, att_dst1, b1, W2, att_src2, att_dst2,
           b2, ln_g, ln_b, fc_w, fc_b):
    N = x.shape[0]
    G = N16 // BN

    loop = jnp.arange(N, dtype=edge_index.dtype)
    src = jnp.concatenate([edge_index[0], loop]).astype(jnp.int32)
    dst = jnp.concatenate([edge_index[1], loop]).astype(jnp.int32)
    src = jnp.pad(src, (0, E_PAD - src.shape[0]))
    dst = jnp.pad(dst, (0, E_PAD - dst.shape[0]),
                  constant_values=N)
    x_pad = jnp.pad(x, ((0, N16 - N), (0, 0), (0, 0)))
    xs = jnp.moveaxis(x_pad, 1, 0)

    eye4 = jnp.eye(4, dtype=jnp.float32)
    A1 = jnp.concatenate(
        [(eye4[:, None, :] * att_src1[:, :, None]).reshape(256, 4),
         (eye4[:, None, :] * att_dst1[:, :, None]).reshape(256, 4)], axis=1)
    A2 = jnp.concatenate([att_src2.T, att_dst2.T], axis=1)
    zeros64 = jnp.zeros((N16, 64), jnp.float32)
    b1_2d = b1.reshape(1, 256)
    b2_2d = b2.reshape(1, 64)
    g_2d = ln_g.reshape(1, 64)
    bb_2d = ln_b.reshape(1, 64)
    fb_2d = fc_b.reshape(1, 1)

    tck1 = pl.pallas_call(
        _tc1, grid=(G,),
        in_specs=[_rows(128), _full(128, 256), _full(256, 8)],
        out_specs=[_rows(256), _rows(8)],
        out_shape=[jax.ShapeDtypeStruct((N16, 256), jnp.float32),
                   jax.ShapeDtypeStruct((N16, 8), jnp.float32)])
    tck2 = pl.pallas_call(
        _tc2, grid=(G,),
        in_specs=[_rows(256), _rows(4), _full(1, 256), _full(256, 64),
                  _full(64, 2)],
        out_specs=[_rows(64), _rows(2)],
        out_shape=[jax.ShapeDtypeStruct((N16, 64), jnp.float32),
                   jax.ShapeDtypeStruct((N16, 2), jnp.float32)])
    tck3 = pl.pallas_call(
        _tc3, grid=(G,),
        in_specs=[_rows(128), _rows(128), _rows(2), _rows(2),
                  _full(1, 64), _full(1, 64), _full(1, 64)],
        out_specs=_rows(64),
        out_shape=jax.ShapeDtypeStruct((N16, 64), jnp.float32))
    tck4 = pl.pallas_call(
        _tc4, grid=(G,),
        in_specs=[_rows(768), _full(64, 1), _full(1, 1)],
        out_specs=_rows(1),
        out_shape=jax.ShapeDtypeStruct((N16, 1), jnp.float32))

    def step(carry, xt):
        hm, a8 = tck1(xt, W1, A1)
        tab1 = hm.reshape(N16, 2, 128).transpose(1, 0, 2).reshape(2 * N16, 128)
        as1 = a8[:, :4].T
        ad1 = a8[:, 4:].T
        num1, den1p = _edge_pass(128, 2, E_PAD // (16 * CHUNK), False)(
            src, dst, tab1, as1, ad1)
        in2 = num1.transpose(1, 0, 2).reshape(N16, 256)
        den1 = jnp.concatenate(
            [den1p[0].reshape(N16, 2), den1p[1].reshape(N16, 2)], axis=1)
        hm2, a2 = tck2(in2, den1, b1_2d, W2, A2)
        tab2 = jnp.concatenate([hm2, zeros64], axis=1)
        as2 = jnp.tile(a2[:, 0].reshape(1, N16), (2, 1))
        ad2 = jnp.tile(a2[:, 1].reshape(1, N16), (2, 1))
        num2, den2p = _edge_pass(128, 1, E_PAD // (2 * 16 * CHUNK), True)(
            src, dst, tab2, as2, ad2)
        hln = tck3(num2[0], num2[1], den2p[0].reshape(N16, 2),
                   den2p[1].reshape(N16, 2), b2_2d, g_2d, bb_2d)
        return carry, hln

    _, hseq = lax.scan(step, 0, xs)
    hcat = hseq.transpose(1, 0, 2).reshape(N16, 768)
    y = tck4(hcat, fc_w, fb_2d)
    return y[:N, 0]

# --- scband reference (transcript-rebuilt; emitter-appended) ---
"""Pipeline reference for scband-stgat-22849226014867 (READ-ONLY COPY).

The authoritative reference and input builder live on the scoring server;
editing this copy changes nothing except your own understanding.
"""

import jax, jax.numpy as jnp
import numpy as np

N_NODES = 10000
WINDOW = 12
FEAT = 128
N_EDGES = 320000


def _gat_conv(x, src, dst, N, W, att_s, att_d, b, heads, out_ch, concat):
    h = (x @ W).reshape(N, heads, out_ch)
    a_src = jnp.sum(h * att_s, axis=-1)  # [N, H]
    a_dst = jnp.sum(h * att_d, axis=-1)  # [N, H]
    alpha = jax.nn.leaky_relu(a_src[src] + a_dst[dst], 0.2)  # [E, H]
    amax = jax.ops.segment_max(alpha, dst, num_segments=N)
    e = jnp.exp(alpha - amax[dst])
    denom = jax.ops.segment_sum(e, dst, num_segments=N)
    coef = e / (denom[dst] + 1e-16)
    out = jax.ops.segment_sum(h[src] * coef[..., None], dst, num_segments=N)
    if concat:
        out = out.reshape(N, heads * out_ch)
    else:
        out = out.mean(axis=1)
    return out + b


def setup_inputs(seed: int = 0) -> dict:
    key = jax.random.key(seed)
    ks = jax.random.split(key, 16)
    x = jax.random.normal(ks[0], (N_NODES, WINDOW, FEAT), dtype=jnp.float32)
    edge_index = jax.random.randint(ks[1], (2, N_EDGES), 0, N_NODES)
    # gat1: GATConv(128, 64, heads=4, concat=True)
    W1 = jax.random.normal(ks[2], (FEAT, 4 * 64), dtype=jnp.float32) * (1.0 / np.sqrt(FEAT))
    att_src1 = jax.random.normal(ks[3], (4, 64), dtype=jnp.float32) * 0.1
    att_dst1 = jax.random.normal(ks[4], (4, 64), dtype=jnp.float32) * 0.1
    b1 = jnp.zeros((4 * 64,), dtype=jnp.float32)
    # gat2: GATConv(256, 64, heads=1, concat=False)
    W2 = jax.random.normal(ks[5], (256, 64), dtype=jnp.float32) * (1.0 / np.sqrt(256))
    att_src2 = jax.random.normal(ks[6], (1, 64), dtype=jnp.float32) * 0.1
    att_dst2 = jax.random.normal(ks[7], (1, 64), dtype=jnp.float32) * 0.1
    b2 = jnp.zeros((64,), dtype=jnp.float32)
    # layernorm(64)
    ln_g = jnp.ones((64,), dtype=jnp.float32)
    ln_b = jnp.zeros((64,), dtype=jnp.float32)
    # fc: Linear(64, 1)
    fc_w = jax.random.normal(ks[8], (64, 1), dtype=jnp.float32) * (1.0 / np.sqrt(64))
    fc_b = jnp.zeros((1,), dtype=jnp.float32)
    return {"x": x, "edge_index": edge_index, "W1": W1, "att_src1": att_src1,
            "att_dst1": att_dst1, "b1": b1, "W2": W2, "att_src2": att_src2,
            "att_dst2": att_dst2, "b2": b2, "ln_g": ln_g, "ln_b": ln_b,
            "fc_w": fc_w, "fc_b": fc_b}


def reference(x, edge_index, W1, att_src1, att_dst1, b1, W2, att_src2, att_dst2,
              b2, ln_g, ln_b, fc_w, fc_b):
    N, Wn, F = x.shape
    # PyG GATConv default: add self-loops
    loop = jnp.arange(N)
    src = jnp.concatenate([edge_index[0], loop])
    dst = jnp.concatenate([edge_index[1], loop])
    embs = []
    for t in range(Wn):
        xt = x[:, t, :]
        h = jax.nn.relu(_gat_conv(xt, src, dst, N, W1, att_src1, att_dst1, b1, 4, 64, True))
        h = jax.nn.relu(_gat_conv(h, src, dst, N, W2, att_src2, att_dst2, b2, 1, 64, False))
        # dropout in eval mode: identity
        mu = h.mean(axis=-1, keepdims=True)
        var = jnp.var(h, axis=-1, keepdims=True)
        h = (h - mu) / jnp.sqrt(var + 1e-5) * ln_g + ln_b
        embs.append(h)
    h_seq = jnp.stack(embs, axis=1)  # [N, W, 64]
    h_last = h_seq[:, -1, :]
    h_mean = jnp.mean(h_seq, axis=1)
    h_combined = h_last + 0.3 * h_mean
    out = h_combined @ fc_w + fc_b
    return out.squeeze()

if __name__ == "__main__":
    import jax
    _d = setup_inputs()
    print(jax.jit(kernel)(*tuple(_d.values())))

</pallas_src>

<mosaic_0001>
#map = affine_map<(d0, d1) -> (0)>
#map1 = affine_map<(d0, d1) -> (0, 0)>
#map2 = affine_map<(d0, d1) -> (0, 0, 0)>
module attributes {stable_mosaic.version = 14 : i64} {
  func.func @k(%arg0: i32, %arg1: i32, %arg2: memref<331776xi32, #tpu.memory_space<hbm>>, %arg3: memref<331776xi32, #tpu.memory_space<hbm>>, %arg4: memref<10240x128xf32, #tpu.memory_space<hbm>>, %arg5: memref<2x10240xf32, #tpu.memory_space<hbm>>, %arg6: memref<2x10240xf32, #tpu.memory_space<hbm>>, %arg7: memref<2x10240x128xf32, #tpu.memory_space<hbm>>, %arg8: memref<2x160x128xf32, #tpu.memory_space<hbm>>, %arg9: memref<10240xf32, #tpu.memory_space<vmem>>, %arg10: memref<10240xf32, #tpu.memory_space<vmem>>, %arg11: memref<128xi32, #tpu.memory_space<vmem>>, %arg12: memref<128xi32, #tpu.memory_space<vmem>>, %arg13: memref<128xi32, #tpu.memory_space<vmem>>, %arg14: memref<128x128xf32, #tpu.memory_space<vmem>>, %arg15: memref<128x128xf32, #tpu.memory_space<vmem>>, %arg16: memref<128xf32, #tpu.memory_space<vmem>>, %arg17: memref<5128x128xf32, #tpu.memory_space<vmem_shared>>, %arg18: memref<160x128xf32, #tpu.memory_space<vmem_shared>>, %arg19: memref<!tpu.dma_semaphore, #tpu.memory_space<semaphore_mem>>) attributes {dimension_semantics = [#tpu.dimension_semantics<core_parallel>, #tpu.dimension_semantics<subcore_parallel>], iteration_bounds = array<i64: 2, 16>, scalar_prefetch = 0 : i64, scratch_operands = 11 : i64, tpu.core_type = #tpu.core_type<sc_vector_subcore>, window_params = [{transform_indices = #map}, {transform_indices = #map}, {transform_indices = #map1}, {transform_indices = #map1}, {transform_indices = #map1}, {transform_indices = #map2}, {transform_indices = #map2}]} {
    %iota3A = tpu.iota {dimensions = array<i32: 0>} : vector<16xi32>
    %mul3A = arith.constant 1 : i32
    %mul3A_0 = arith.muli %arg0, %mul3A : i32
    %add3A = arith.constant 0 : i32
    %add3A_1 = arith.addi %mul3A_0, %add3A : i32
    "tpu.region"() ({
      %run_scoped3A = tpu.sem_alloc : memref<!tpu.dma_semaphore, #tpu.memory_space<semaphore_mem>>
      %dma_start3A = arith.constant 0 : i32
      %dma_start3A_79 = tpu.memref_slice %arg9[%dma_start3A] : memref<10240xf32, #tpu.memory_space<vmem>> -> memref<10240xf32, #tpu.memory_space<vmem>>
      %dma_start3A_80 = arith.constant 0 : i32
      %dma_start3A_81 = tpu.memref_slice %arg5[%add3A_1, %dma_start3A_80] : memref<2x10240xf32, #tpu.memory_space<hbm>> -> memref<1x10240xf32, #tpu.memory_space<hbm>>
      %dma_start3A_82 = tpu.memref_squeeze %dma_start3A_81 : memref<1x10240xf32, #tpu.memory_space<hbm>> -> memref<10240xf32, #tpu.memory_space<hbm>>
      %dma_start3A_83 = arith.constant 0 : i32
      %dma_start3A_84 = tpu.memref_slice %arg9[%dma_start3A_83] : memref<10240xf32, #tpu.memory_space<vmem>> -> memref<10240xf32, #tpu.memory_space<vmem>>
      %dma_start3A_85 = arith.constant 0 : i32
      %dma_start3A_86 = tpu.memref_slice %arg5[%add3A_1, %dma_start3A_85] : memref<2x10240xf32, #tpu.memory_space<hbm>> -> memref<1x10240xf32, #tpu.memory_space<hbm>>
      %dma_start3A_87 = tpu.memref_squeeze %dma_start3A_86 : memref<1x10240xf32, #tpu.memory_space<hbm>> -> memref<10240xf32, #tpu.memory_space<hbm>>
      tpu.enqueue_dma source(%dma_start3A_87 : memref<10240xf32, #tpu.memory_space<hbm>>) target(%dma_start3A_84 : memref<10240xf32, #tpu.memory_space<vmem>>) target_semaphore(%run_scoped3A : memref<!tpu.dma_semaphore, #tpu.memory_space<semaphore_mem>>)
      %dma_wait3A = arith.constant 0 : i32
      %dma_wait3A_88 = tpu.memref_slice %arg9[%dma_wait3A] : memref<10240xf32, #tpu.memory_space<vmem>> -> memref<10240xf32, #tpu.memory_space<vmem>>
      %dma_wait3A_89 = arith.constant 0 : i32
      %dma_wait3A_90 = tpu.memref_slice %arg5[%add3A_1, %dma_wait3A_89] : memref<2x10240xf32, #tpu.memory_space<hbm>> -> memref<1x10240xf32, #tpu.memory_space<hbm>>
      %dma_wait3A_91 = tpu.memref_squeeze %dma_wait3A_90 : memref<1x10240xf32, #tpu.memory_space<hbm>> -> memref<10240xf32, #tpu.memory_space<hbm>>
      %dma_wait3A_92 = arith.constant 0 : i32
      %dma_wait3A_93 = tpu.memref_slice %arg9[%dma_wait3A_92] : memref<10240xf32, #tpu.memory_space<vmem>> -> memref<10240xf32, #tpu.memory_space<vmem>>
      %dma_wait3A_94 = arith.constant 0 : i32
      %dma_wait3A_95 = tpu.memref_slice %arg5[%add3A_1, %dma_wait3A_94] : memref<2x10240xf32, #tpu.memory_space<hbm>> -> memref<1x10240xf32, #tpu.memory_space<hbm>>
      %dma_wait3A_96 = tpu.memref_squeeze %dma_wait3A_95 : memref<1x10240xf32, #tpu.memory_space<hbm>> -> memref<10240xf32, #tpu.memory_space<hbm>>
      tpu.wait_dma2 semaphore(%run_scoped3A : memref<!tpu.dma_semaphore, #tpu.memory_space<semaphore_mem>>) src(%dma_wait3A_96 : memref<10240xf32, #tpu.memory_space<hbm>>) dst(%dma_wait3A_93 : memref<10240xf32, #tpu.memory_space<vmem>>)
      tpu.yield
    }) : () -> ()
    %mul3A_2 = arith.constant 1 : i32
    %mul3A_3 = arith.muli %arg0, %mul3A_2 : i32
    %add3A_4 = arith.constant 0 : i32
    %add3A_5 = arith.addi %mul3A_3, %add3A_4 : i32
    "tpu.region"() ({
      %run_scoped3A = tpu.sem_alloc : memref<!tpu.dma_semaphore, #tpu.memory_space<semaphore_mem>>
      %dma_start3A = arith.constant 0 : i32
      %dma_start3A_79 = tpu.memref_slice %arg10[%dma_start3A] : memref<10240xf32, #tpu.memory_space<vmem>> -> memref<10240xf32, #tpu.memory_space<vmem>>
      %dma_start3A_80 = arith.constant 0 : i32
      %dma_start3A_81 = tpu.memref_slice %arg6[%add3A_5, %dma_start3A_80] : memref<2x10240xf32, #tpu.memory_space<hbm>> -> memref<1x10240xf32, #tpu.memory_space<hbm>>
      %dma_start3A_82 = tpu.memref_squeeze %dma_start3A_81 : memref<1x10240xf32, #tpu.memory_space<hbm>> -> memref<10240xf32, #tpu.memory_space<hbm>>
      %dma_start3A_83 = arith.constant 0 : i32
      %dma_start3A_84 = tpu.memref_slice %arg10[%dma_start3A_83] : memref<10240xf32, #tpu.memory_space<vmem>> -> memref<10240xf32, #tpu.memory_space<vmem>>
      %dma_start3A_85 = arith.constant 0 : i32
      %dma_start3A_86 = tpu.memref_slice %arg6[%add3A_5, %dma_start3A_85] : memref<2x10240xf32, #tpu.memory_space<hbm>> -> memref<1x10240xf32, #tpu.memory_space<hbm>>
      %dma_start3A_87 = tpu.memref_squeeze %dma_start3A_86 : memref<1x10240xf32, #tpu.memory_space<hbm>> -> memref<10240xf32, #tpu.memory_space<hbm>>
      tpu.enqueue_dma source(%dma_start3A_87 : memref<10240xf32, #tpu.memory_space<hbm>>) target(%dma_start3A_84 : memref<10240xf32, #tpu.memory_space<vmem>>) target_semaphore(%run_scoped3A : memref<!tpu.dma_semaphore, #tpu.memory_space<semaphore_mem>>)
      %dma_wait3A = arith.constant 0 : i32
      %dma_wait3A_88 = tpu.memref_slice %arg10[%dma_wait3A] : memref<10240xf32, #tpu.memory_space<vmem>> -> memref<10240xf32, #tpu.memory_space<vmem>>
      %dma_wait3A_89 = arith.constant 0 : i32
      %dma_wait3A_90 = tpu.memref_slice %arg6[%add3A_5, %dma_wait3A_89] : memref<2x10240xf32, #tpu.memory_space<hbm>> -> memref<1x10240xf32, #tpu.memory_space<hbm>>
      %dma_wait3A_91 = tpu.memref_squeeze %dma_wait3A_90 : memref<1x10240xf32, #tpu.memory_space<hbm>> -> memref<10240xf32, #tpu.memory_space<hbm>>
      %dma_wait3A_92 = arith.constant 0 : i32
      %dma_wait3A_93 = tpu.memref_slice %arg10[%dma_wait3A_92] : memref<10240xf32, #tpu.memory_space<vmem>> -> memref<10240xf32, #tpu.memory_space<vmem>>
      %dma_wait3A_94 = arith.constant 0 : i32
      %dma_wait3A_95 = tpu.memref_slice %arg6[%add3A_5, %dma_wait3A_94] : memref<2x10240xf32, #tpu.memory_space<hbm>> -> memref<1x10240xf32, #tpu.memory_space<hbm>>
      %dma_wait3A_96 = tpu.memref_squeeze %dma_wait3A_95 : memref<1x10240xf32, #tpu.memory_space<hbm>> -> memref<10240xf32, #tpu.memory_space<hbm>>
      tpu.wait_dma2 semaphore(%run_scoped3A : memref<!tpu.dma_semaphore, #tpu.memory_space<semaphore_mem>>) src(%dma_wait3A_96 : memref<10240xf32, #tpu.memory_space<hbm>>) dst(%dma_wait3A_93 : memref<10240xf32, #tpu.memory_space<vmem>>)
      tpu.yield
    }) : () -> ()
    %mul3A_6 = arith.constant 16 : i32
    %mul3A_7 = arith.muli %arg0, %mul3A_6 : i32
    %mul3A_8 = arith.constant 10368 : i32
    %mul3A_9 = arith.muli %mul3A_7, %mul3A_8 : i32
    %mul3A_10 = arith.constant 10368 : i32
    %mul3A_11 = arith.muli %arg1, %mul3A_10 : i32
    %add3A_12 = arith.addi %mul3A_9, %mul3A_11 : i32
    %scan3A = arith.constant 0 : i32
    %scan3A_13 = arith.constant 0 : i32
    %scan3A_14 = arith.constant 128 : i32
    %scan3A_15 = arith.addi %scan3A_13, %scan3A_14 : i32
    %scan3A_16 = arith.constant 1 : i32
    %scan3A_17 = scf.for %scan3A_79 = %scan3A_13 to %scan3A_15 step %scan3A_16 iter_args(%scan3A_80 = %scan3A) -> (i32)  : i32 {
      %scan3A_81 = arith.constant 0 : i32
      %scan3A_82 = arith.constant 0 : i32
      %scan3A_83 = arith.constant 8 : i32
      %scan3A_84 = arith.addi %scan3A_82, %scan3A_83 : i32
      %scan3A_85 = arith.constant 1 : i32
      %scan3A_86 = scf.for %scan3A_88 = %scan3A_82 to %scan3A_84 step %scan3A_85 iter_args(%scan3A_89 = %scan3A_81) -> (i32)  : i32 {
        %broadcast_in_dim3A = arith.constant 0.000000e+00 : f32
        %broadcast_in_dim3A_90 = vector.broadcast %broadcast_in_dim3A : f32 to vector<16xf32>
        %mul3A_91 = arith.constant 16 : i32
        %mul3A_92 = arith.muli %scan3A_88, %mul3A_91 : i32
        %swap3A = arith.index_cast %scan3A_79 : i32 to index
        %swap3A_93 = arith.index_cast %mul3A_92 : i32 to index
        %swap3A_94 = tpu.vector_load %arg14[%swap3A, %swap3A_93] {strides = array<i32>} : memref<128x128xf32, #tpu.memory_space<vmem>>, vector<16xf32>,
        tpu.vector_store %arg14[%swap3A, %swap3A_93], %broadcast_in_dim3A_90 {strides = array<i32>} : memref<128x128xf32, #tpu.memory_space<vmem>>, vector<16xf32>,
        %broadcast_in_dim3A_95 = arith.constant 0.000000e+00 : f32
        %broadcast_in_dim3A_96 = vector.broadcast %broadcast_in_dim3A_95 : f32 to vector<16xf32>
        %mul3A_97 = arith.constant 16 : i32
        %mul3A_98 = arith.muli %scan3A_88, %mul3A_97 : i32
        %swap3A_99 = arith.index_cast %scan3A_79 : i32 to index
        %swap3A_100 = arith.index_cast %mul3A_98 : i32 to index
        %swap3A_101 = tpu.vector_load %arg15[%swap3A_99, %swap3A_100] {strides = array<i32>} : memref<128x128xf32, #tpu.memory_space<vmem>>, vector<16xf32>,
        tpu.vector_store %arg15[%swap3A_99, %swap3A_100], %broadcast_in_dim3A_96 {strides = array<i32>} : memref<128x128xf32, #tpu.memory_space<vmem>>, vector<16xf32>,
        %scan3A_102 = arith.constant 0 : i32
        scf.yield %scan3A_102 : i32
      }
      %scan3A_87 = arith.constant 8 : i32
      scf.yield %scan3A_86 : i32
    }
    %scan3A_18 = arith.constant 128 : i32
    %scan3A_19 = arith.constant 0 : i32
    %scan3A_20 = arith.constant 0 : i32
    %scan3A_21 = arith.constant 5 : i32
    %scan3A_22 = arith.addi %scan3A_20, %scan3A_21 : i32
    %scan3A_23 = arith.constant 1 : i32
    %scan3A_24 = scf.for %scan3A_79 = %scan3A_20 to %scan3A_22 step %scan3A_23 iter_args(%scan3A_80 = %scan3A_19) -> (i32)  : i32 {
      %mul3A_81 = arith.constant 320 : i32
      %mul3A_82 = arith.muli %arg1, %mul3A_81 : i32
      %mul3A_83 = arith.constant 64 : i32
      %mul3A_84 = arith.muli %scan3A_79, %mul3A_83 : i32
      %add3A_85 = arith.addi %mul3A_82, %mul3A_84 : i32
      "tpu.region"() ({
        %run_scoped3A = tpu.sem_alloc : memref<!tpu.dma_semaphore, #tpu.memory_space<semaphore_mem>>
        %dma_start3A = arith.constant 0 : i32
        %dma_start3A_87 = arith.constant 0 : i32
        %dma_start3A_88 = tpu.memref_slice %arg14[%dma_start3A, %dma_start3A_87] : memref<128x128xf32, #tpu.memory_space<vmem>> -> memref<64x128xf32, #tpu.memory_space<vmem>>
        %dma_start3A_89 = arith.constant 0 : i32
        %dma_start3A_90 = tpu.memref_slice %arg17[%add3A_85, %dma_start3A_89] : memref<5128x128xf32, #tpu.memory_space<vmem_shared>> -> memref<64x128xf32, #tpu.memory_space<vmem_shared>>
        %dma_start3A_91 = arith.constant 0 : i32
        %dma_start3A_92 = tpu.memref_slice %arg17[%add3A_85, %dma_start3A_91] : memref<5128x128xf32, #tpu.memory_space<vmem_shared>> -> memref<64x128xf32, #tpu.memory_space<vmem_shared>>
        %dma_start3A_93 = arith.constant 0 : i32
        %dma_start3A_94 = arith.constant 0 : i32
        %dma_start3A_95 = tpu.memref_slice %arg14[%dma_start3A_93, %dma_start3A_94] : memref<128x128xf32, #tpu.memory_space<vmem>> -> memref<64x128xf32, #tpu.memory_space<vmem>>
        tpu.enqueue_dma source(%dma_start3A_95 : memref<64x128xf32, #tpu.memory_space<vmem>>) target(%dma_start3A_92 : memref<64x128xf32, #tpu.memory_space<vmem_shared>>) target_semaphore(%run_scoped3A : memref<!tpu.dma_semaphore, #tpu.memory_space<semaphore_mem>>)
        %dma_wait3A = arith.constant 0 : i32
        %dma_wait3A_96 = arith.constant 0 : i32
        %dma_wait3A_97 = tpu.memref_slice %arg14[%dma_wait3A, %dma_wait3A_96] : memref<128x128xf32, #tpu.memory_space<vmem>> -> memref<64x128xf32, #tpu.memory_space<vmem>>
        %dma_wait3A_98 = arith.constant 0 : i32
        %dma_wait3A_99 = tpu.memref_slice %arg17[%add3A_85, %dma_wait3A_98] : memref<5128x128xf32, #tpu.memory_space<vmem_shared>> -> memref<64x128xf32, #tpu.memory_space<vmem_shared>>
        %dma_wait3A_100 = arith.constant 0 : i32
        %dma_wait3A_101 = tpu.memref_slice %arg17[%add3A_85, %dma_wait3A_100] : memref<5128x128xf32, #tpu.memory_space<vmem_shared>> -> memref<64x128xf32, #tpu.memory_space<vmem_shared>>
        %dma_wait3A_102 = arith.constant 0 : i32
        %dma_wait3A_103 = arith.constant 0 : i32
        %dma_wait3A_104 = tpu.memref_slice %arg14[%dma_wait3A_102, %dma_wait3A_103] : memref<128x128xf32, #tpu.memory_space<vmem>> -> memref<64x128xf32, #tpu.memory_space<vmem>>
        tpu.wait_dma2 semaphore(%run_scoped3A : memref<!tpu.dma_semaphore, #tpu.memory_space<semaphore_mem>>) src(%dma_wait3A_104 : memref<64x128xf32, #tpu.memory_space<vmem>>) dst(%dma_wait3A_101 : memref<64x128xf32, #tpu.memory_space<vmem_shared>>)
        tpu.yield
      }) : () -> ()
      %scan3A_86 = arith.constant 0 : i32
      scf.yield %scan3A_86 : i32
    }
    %scan3A_25 = arith.constant 5 : i32
    %lt3A = arith.constant 10 : i32
    %lt3A_26 = arith.cmpi slt, %arg1, %lt3A : i32
    %convert_element_type3A = arith.extui %lt3A_26 : i1 to i32
    %cond3A = arith.constant 0 : i32
    %cond3A_27 = arith.cmpi ne, %convert_element_type3A, %cond3A : i32
    scf.if %cond3A_27 {
      %mul3A_79 = arith.constant 16 : i32
      %mul3A_80 = arith.muli %arg1, %mul3A_79 : i32
      "tpu.region"() ({
        %run_scoped3A = tpu.sem_alloc : memref<!tpu.dma_semaphore, #tpu.memory_space<semaphore_mem>>
        %dma_start3A = arith.constant 0 : i32
        %dma_start3A_81 = arith.constant 0 : i32
        %dma_start3A_82 = tpu.memref_slice %arg15[%dma_start3A, %dma_start3A_81] : memref<128x128xf32, #tpu.memory_space<vmem>> -> memref<16x128xf32, #tpu.memory_space<vmem>>
        %dma_start3A_83 = arith.constant 0 : i32
        %dma_start3A_84 = tpu.memref_slice %arg18[%mul3A_80, %dma_start3A_83] : memref<160x128xf32, #tpu.memory_space<vmem_shared>> -> memref<16x128xf32, #tpu.memory_space<vmem_shared>>
        %dma_start3A_85 = arith.constant 0 : i32
        %dma_start3A_86 = tpu.memref_slice %arg18[%mul3A_80, %dma_start3A_85] : memref<160x128xf32, #tpu.memory_space<vmem_shared>> -> memref<16x128xf32, #tpu.memory_space<vmem_shared>>
        %dma_start3A_87 = arith.constant 0 : i32
        %dma_start3A_88 = arith.constant 0 : i32
        %dma_start3A_89 = tpu.memref_slice %arg15[%dma_start3A_87, %dma_start3A_88] : memref<128x128xf32, #tpu.memory_space<vmem>> -> memref<16x128xf32, #tpu.memory_space<vmem>>
        tpu.enqueue_dma source(%dma_start3A_89 : memref<16x128xf32, #tpu.memory_space<vmem>>) target(%dma_start3A_86 : memref<16x128xf32, #tpu.memory_space<vmem_shared>>) target_semaphore(%run_scoped3A : memref<!tpu.dma_semaphore, #tpu.memory_space<semaphore_mem>>)
        %dma_wait3A = arith.constant 0 : i32
        %dma_wait3A_90 = arith.constant 0 : i32
        %dma_wait3A_91 = tpu.memref_slice %arg15[%dma_wait3A, %dma_wait3A_90] : memref<128x128xf32, #tpu.memory_space<vmem>> -> memref<16x128xf32, #tpu.memory_space<vmem>>
        %dma_wait3A_92 = arith.constant 0 : i32
        %dma_wait3A_93 = tpu.memref_slice %arg18[%mul3A_80, %dma_wait3A_92] : memref<160x128xf32, #tpu.memory_space<vmem_shared>> -> memref<16x128xf32, #tpu.memory_space<vmem_shared>>
        %dma_wait3A_94 = arith.constant 0 : i32
        %dma_wait3A_95 = tpu.memref_slice %arg18[%mul3A_80, %dma_wait3A_94] : memref<160x128xf32, #tpu.memory_space<vmem_shared>> -> memref<16x128xf32, #tpu.memory_space<vmem_shared>>
        %dma_wait3A_96 = arith.constant 0 : i32
        %dma_wait3A_97 = arith.constant 0 : i32
        %dma_wait3A_98 = tpu.memref_slice %arg15[%dma_wait3A_96, %dma_wait3A_97] : memref<128x128xf32, #tpu.memory_space<vmem>> -> memref<16x128xf32, #tpu.memory_space<vmem>>
        tpu.wait_dma2 semaphore(%run_scoped3A : memref<!tpu.dma_semaphore, #tpu.memory_space<semaphore_mem>>) src(%dma_wait3A_98 : memref<16x128xf32, #tpu.memory_space<vmem>>) dst(%dma_wait3A_95 : memref<16x128xf32, #tpu.memory_space<vmem_shared>>)
        tpu.yield
      }) : () -> ()
    } else {
    }
    %barrier3A = arith.constant 0 : index
    tpu.barrier barrier_id(%barrier3A)
    %scan3A_28 = arith.constant 0 : i32
    %scan3A_29 = arith.constant 0 : i32
    %scan3A_30 = arith.constant 81 : i32
    %scan3A_31 = arith.addi %scan3A_29, %scan3A_30 : i32
    %scan3A_32 = arith.constant 1 : i32
    %scan3A_33 = scf.for %scan3A_79 = %scan3A_29 to %scan3A_31 step %scan3A_32 iter_args(%scan3A_80 = %scan3A_28) -> (i32)  : i32 {
      %mul3A_81 = arith.constant 128 : i32
      %mul3A_82 = arith.muli %scan3A_79, %mul3A_81 : i32
      %add3A_83 = arith.addi %add3A_12, %mul3A_82 : i32
      "tpu.region"() ({
        %run_scoped3A = tpu.sem_alloc : memref<!tpu.dma_semaphore, #tpu.memory_space<semaphore_mem>>
        %dma_start3A_692 = tpu.memref_slice %arg2[%add3A_83] : memref<331776xi32, #tpu.memory_space<hbm>> -> memref<128xi32, #tpu.memory_space<hbm>>
        %dma_start3A_693 = tpu.memref_slice %arg2[%add3A_83] : memref<331776xi32, #tpu.memory_space<hbm>> -> memref<128xi32, #tpu.memory_space<hbm>>
        tpu.enqueue_dma source(%dma_start3A_693 : memref<128xi32, #tpu.memory_space<hbm>>) target(%arg11 : memref<128xi32, #tpu.memory_space<vmem>>) target_semaphore(%run_scoped3A : memref<!tpu.dma_semaphore, #tpu.memory_space<semaphore_mem>>)
        %dma_wait3A_694 = tpu.memref_slice %arg2[%add3A_83] : memref<331776xi32, #tpu.memory_space<hbm>> -> memref<128xi32, #tpu.memory_space<hbm>>
        %dma_wait3A_695 = tpu.memref_slice %arg2[%add3A_83] : memref<331776xi32, #tpu.memory_space<hbm>> -> memref<128xi32, #tpu.memory_space<hbm>>
        tpu.wait_dma2 semaphore(%run_scoped3A : memref<!tpu.dma_semaphore, #tpu.memory_space<semaphore_mem>>) src(%dma_wait3A_695 : memref<128xi32, #tpu.memory_space<hbm>>) dst(%arg11 : memref<128xi32, #tpu.memory_space<vmem>>)
        tpu.yield
      }) : () -> ()
      "tpu.region"() ({
        %run_scoped3A = tpu.sem_alloc : memref<!tpu.dma_semaphore, #tpu.memory_space<semaphore_mem>>
        %dma_start3A_692 = tpu.memref_slice %arg3[%add3A_83] : memref<331776xi32, #tpu.memory_space<hbm>> -> memref<128xi32, #tpu.memory_space<hbm>>
        %dma_start3A_693 = tpu.memref_slice %arg3[%add3A_83] : memref<331776xi32, #tpu.memory_space<hbm>> -> memref<128xi32, #tpu.memory_space<hbm>>
        tpu.enqueue_dma source(%dma_start3A_693 : memref<128xi32, #tpu.memory_space<hbm>>) target(%arg12 : memref<128xi32, #tpu.memory_space<vmem>>) target_semaphore(%run_scoped3A : memref<!tpu.dma_semaphore, #tpu.memory_space<semaphore_mem>>)
        %dma_wait3A_694 = tpu.memref_slice %arg3[%add3A_83] : memref<331776xi32, #tpu.memory_space<hbm>> -> memref<128xi32, #tpu.memory_space<hbm>>
        %dma_wait3A_695 = tpu.memref_slice %arg3[%add3A_83] : memref<331776xi32, #tpu.memory_space<hbm>> -> memref<128xi32, #tpu.memory_space<hbm>>
        tpu.wait_dma2 semaphore(%run_scoped3A : memref<!tpu.dma_semaphore, #tpu.memory_space<semaphore_mem>>) src(%dma_wait3A_695 : memref<128xi32, #tpu.memory_space<hbm>>) dst(%arg12 : memref<128xi32, #tpu.memory_space<vmem>>)
        tpu.yield
      }) : () -> ()
      %dma_start3A = arith.constant 0 : i32
      %dma_start3A_84 = arith.constant 0 : i32
      %dma_start3A_85 = tpu.memref_slice %arg4[%dma_start3A, %dma_start3A_84] : memref<10240x128xf32, #tpu.memory_space<hbm>> -> memref<10240x128xf32, #tpu.memory_space<hbm>>
      tpu.enqueue_indirect_dma source(%dma_start3A_85 : memref<10240x128xf32, #tpu.memory_space<hbm>>) target(%arg14 : memref<128x128xf32, #tpu.memory_space<vmem>>) offsets(%arg11 : memref<128xi32, #tpu.memory_space<vmem>>) semaphore(%arg19 : memref<!tpu.dma_semaphore, #tpu.memory_space<semaphore_mem>>)
      %get3A = arith.constant 0 : index
      %get3A_86 = tpu.vector_load %arg11[%get3A] {strides = array<i32>} : memref<128xi32, #tpu.memory_space<vmem>>, vector<16xi32>,
      %sub3A = arith.constant 0 : i32
      %sub3A_87 = vector.broadcast %sub3A : i32 to vector<16xi32>
      %sub3A_88 = arith.subi %get3A_86, %sub3A_87 : vector<16xi32>
      %get3A_89 = arith.constant 0 : index
      %get3A_90 = tpu.vector_load %arg12[%get3A_89] {strides = array<i32>} : memref<128xi32, #tpu.memory_space<vmem>>, vector<16xi32>,
      %add3A_91 = arith.constant 0 : i32
      %add3A_92 = vector.broadcast %add3A_91 : i32 to vector<16xi32>
      %add3A_93 = arith.addi %sub3A_88, %add3A_92 : vector<16xi32>
      %gather3A = tpu.vector_load_idx %arg9[%add3A_93] : memref<10240xf32, #tpu.memory_space<vmem>>[vector<16xi32>], vector<16xf32>,
      %add3A_94 = arith.constant 0 : i32
      %add3A_95 = vector.broadcast %add3A_94 : i32 to vector<16xi32>
      %add3A_96 = arith.addi %get3A_90, %add3A_95 : vector<16xi32>
      %gather3A_97 = tpu.vector_load_idx %arg10[%add3A_96] : memref<10240xf32, #tpu.memory_space<vmem>>[vector<16xi32>], vector<16xf32>,
      %add3A_98 = arith.addf %gather3A, %gather3A_97 : vector<16xf32>
      %gt3A = arith.constant 0.000000e+00 : f32
      %gt3A_99 = vector.broadcast %gt3A : f32 to vector<16xf32>
      %gt3A_100 = arith.cmpf ogt, %add3A_98, %gt3A_99 : vector<16xf32>
      %mul3A_101 = arith.constant 2.000000e-01 : f32
      %mul3A_102 = vector.broadcast %mul3A_101 : f32 to vector<16xf32>
      %mul3A_103 = arith.mulf %add3A_98, %mul3A_102 : vector<16xf32>
      %select_n3A = arith.select %gt3A_100, %add3A_98, %mul3A_103 : vector<16xi1>, vector<16xf32>
      %exp3A = math.exp %select_n3A : vector<16xf32>
      %swap3A = arith.constant 0 : index
      %swap3A_104 = tpu.vector_load %arg16[%swap3A] {strides = array<i32>} : memref<128xf32, #tpu.memory_space<vmem>>, vector<16xf32>,
      tpu.vector_store %arg16[%swap3A], %exp3A {strides = array<i32>} : memref<128xf32, #tpu.memory_space<vmem>>, vector<16xf32>,
      %add3A_105 = arith.constant 0 : i32
      %add3A_106 = vector.broadcast %add3A_105 : i32 to vector<16xi32>
      %add3A_107 = arith.addi %iota3A, %add3A_106 : vector<16xi32>
      %and3A = arith.constant 63 : i32
      %and3A_108 = vector.broadcast %and3A : i32 to vector<16xi32>
      %and3A_109 = arith.andi %get3A_90, %and3A_108 : vector<16xi32>
      %mul3A_110 = arith.constant 2 : i32
      %mul3A_111 = vector.broadcast %mul3A_110 : i32 to vector<16xi32>
      %mul3A_112 = arith.muli %and3A_109, %mul3A_111 : vector<16xi32>
      %add3A_113 = arith.constant 0 : i32
      %add3A_114 = vector.broadcast %add3A_113 : i32 to vector<16xi32>
      %add3A_115 = arith.addi %mul3A_112, %add3A_114 : vector<16xi32>
      tpu.vector_store_idx %arg15[%add3A_107, %add3A_115], %exp3A : memref<128x128xf32, #tpu.memory_space<vmem>>[vector<16xi32>, vector<16xi32>], vector<16xf32>,
      %shift_right_logical3A = arith.constant 6 : i32
      %shift_right_logical3A_116 = vector.broadcast %shift_right_logical3A : i32 to vector<16xi32>
      %shift_right_logical3A_117 = arith.shrui %get3A_90, %shift_right_logical3A_116 : vector<16xi32>
      %swap3A_118 = arith.constant 0 : index
      %swap3A_119 = tpu.vector_load %arg13[%swap3A_118] {strides = array<i32>} : memref<128xi32, #tpu.memory_space<vmem>>, vector<16xi32>,
      tpu.vector_store %arg13[%swap3A_118], %shift_right_logical3A_117 {strides = array<i32>} : memref<128xi32, #tpu.memory_space<vmem>>, vector<16xi32>,
      %get3A_120 = arith.constant 16 : index
      %get3A_121 = tpu.vector_load %arg11[%get3A_120] {strides = array<i32>} : memref<128xi32, #tpu.memory_space<vmem>>, vector<16xi32>,
      %sub3A_122 = arith.constant 0 : i32
      %sub3A_123 = vector.broadcast %sub3A_122 : i32 to vector<16xi32>
      %sub3A_124 = arith.subi %get3A_121, %sub3A_123 : vector<16xi32>
      %get3A_125 = arith.constant 16 : index
      %get3A_126 = tpu.vector_load %arg12[%get3A_125] {strides = array<i32>} : memref<128xi32, #tpu.memory_space<vmem>>, vector<16xi32>,
      %add3A_127 = arith.constant 0 : i32
      %add3A_128 = vector.broadcast %add3A_127 : i32 to vector<16xi32>
      %add3A_129 = arith.addi %sub3A_124, %add3A_128 : vector<16xi32>
      %gather3A_130 = tpu.vector_load_idx %arg9[%add3A_129] : memref<10240xf32, #tpu.memory_space<vmem>>[vector<16xi32>], vector<16xf32>,
      %add3A_131 = arith.constant 0 : i32
      %add3A_132 = vector.broadcast %add3A_131 : i32 to vector<16xi32>
      %add3A_133 = arith.addi %get3A_126, %add3A_132 : vector<16xi32>
      %gather3A_134 = tpu.vector_load_idx %arg10[%add3A_133] : memref<10240xf32, #tpu.memory_space<vmem>>[vector<16xi32>], vector<16xf32>,
      %add3A_135 = arith.addf %gather3A_130, %gather3A_134 : vector<16xf32>
      %gt3A_136 = arith.constant 0.000000e+00 : f32
      %gt3A_137 = vector.broadcast %gt3A_136 : f32 to vector<16xf32>
      %gt3A_138 = arith.cmpf ogt, %add3A_135, %gt3A_137 : vector<16xf32>
      %mul3A_139 = arith.constant 2.000000e-01 : f32
      %mul3A_140 = vector.broadcast %mul3A_139 : f32 to vector<16xf32>
      %mul3A_141 = arith.mulf %add3A_135, %mul3A_140 : vector<16xf32>
      %select_n3A_142 = arith.select %gt3A_138, %add3A_135, %mul3A_141 : vector<16xi1>, vector<16xf32>
      %exp3A_143 = math.exp %select_n3A_142 : vector<16xf32>
      %swap3A_144 = arith.constant 16 : index
      %swap3A_145 = tpu.vector_load %arg16[%swap3A_144] {strides = array<i32>} : memref<128xf32, #tpu.memory_space<vmem>>, vector<16xf32>,
      tpu.vector_store %arg16[%swap3A_144], %exp3A_143 {strides = array<i32>} : memref<128xf32, #tpu.memory_space<vmem>>, vector<16xf32>,
      %add3A_146 = arith.constant 16 : i32
      %add3A_147 = vector.broadcast %add3A_146 : i32 to vector<16xi32>
      %add3A_148 = arith.addi %iota3A, %add3A_147 : vector<16xi32>
      %and3A_149 = arith.constant 63 : i32
      %and3A_150 = vector.broadcast %and3A_149 : i32 to vector<16xi32>
      %and3A_151 = arith.andi %get3A_126, %and3A_150 : vector<16xi32>
      %mul3A_152 = arith.constant 2 : i32
      %mul3A_153 = vector.broadcast %mul3A_152 : i32 to vector<16xi32>
      %mul3A_154 = arith.muli %and3A_151, %mul3A_153 : vector<16xi32>
      %add3A_155 = arith.constant 0 : i32
      %add3A_156 = vector.broadcast %add3A_155 : i32 to vector<16xi32>
      %add3A_157 = arith.addi %mul3A_154, %add3A_156 : vector<16xi32>
      tpu.vector_store_idx %arg15[%add3A_148, %add3A_157], %exp3A_143 : memref<128x128xf32, #tpu.memory_space<vmem>>[vector<16xi32>, vector<16xi32>], vector<16xf32>,
      %shift_right_logical3A_158 = arith.constant 6 : i32
      %shift_right_logical3A_159 = vector.broadcast %shift_right_logical3A_158 : i32 to vector<16xi32>
      %shift_right_logical3A_160 = arith.shrui %get3A_126, %shift_right_logical3A_159 : vector<16xi32>
      %swap3A_161 = arith.constant 16 : index
      %swap3A_162 = tpu.vector_load %arg13[%swap3A_161] {strides = array<i32>} : memref<128xi32, #tpu.memory_space<vmem>>, vector<16xi32>,
      tpu.vector_store %arg13[%swap3A_161], %shift_right_logical3A_160 {strides = array<i32>} : memref<128xi32, #tpu.memory_space<vmem>>, vector<16xi32>,
      %get3A_163 = arith.constant 32 : index
      %get3A_164 = tpu.vector_load %arg11[%get3A_163] {strides = array<i32>} : memref<128xi32, #tpu.memory_space<vmem>>, vector<16xi32>,
      %sub3A_165 = arith.constant 0 : i32
      %sub3A_166 = vector.broadcast %sub3A_165 : i32 to vector<16xi32>
      %sub3A_167 = arith.subi %get3A_164, %sub3A_166 : vector<16xi32>
      %get3A_168 = arith.constant 32 : index
      %get3A_169 = tpu.vector_load %arg12[%get3A_168] {strides = array<i32>} : memref<128xi32, #tpu.memory_space<vmem>>, vector<16xi32>,
      %add3A_170 = arith.constant 0 : i32
      %add3A_171 = vector.broadcast %add3A_170 : i32 to vector<16xi32>
      %add3A_172 = arith.addi %sub3A_167, %add3A_171 : vector<16xi32>
      %gather3A_173 = tpu.vector_load_idx %arg9[%add3A_172] : memref<10240xf32, #tpu.memory_space<vmem>>[vector<16xi32>], vector<16xf32>,
      %add3A_174 = arith.constant 0 : i32
      %add3A_175 = vector.broadcast %add3A_174 : i32 to vector<16xi32>
      %add3A_176 = arith.addi %get3A_169, %add3A_175 : vector<16xi32>
      %gather3A_177 = tpu.vector_load_idx %arg10[%add3A_176] : memref<10240xf32, #tpu.memory_space<vmem>>[vector<16xi32>], vector<16xf32>,
      %add3A_178 = arith.addf %gather3A_173, %gather3A_177 : vector<16xf32>
      %gt3A_179 = arith.constant 0.000000e+00 : f32
      %gt3A_180 = vector.broadcast %gt3A_179 : f32 to vector<16xf32>
      %gt3A_181 = arith.cmpf ogt, %add3A_178, %gt3A_180 : vector<16xf32>
      %mul3A_182 = arith.constant 2.000000e-01 : f32
      %mul3A_183 = vector.broadcast %mul3A_182 : f32 to vector<16xf32>
      %mul3A_184 = arith.mulf %add3A_178, %mul3A_183 : vector<16xf32>
      %select_n3A_185 = arith.select %gt3A_181, %add3A_178, %mul3A_184 : vector<16xi1>, vector<16xf32>
      %exp3A_186 = math.exp %select_n3A_185 : vector<16xf32>
      %swap3A_187 = arith.constant 32 : index
      %swap3A_188 = tpu.vector_load %arg16[%swap3A_187] {strides = array<i32>} : memref<128xf32, #tpu.memory_space<vmem>>, vector<16xf32>,
      tpu.vector_store %arg16[%swap3A_187], %exp3A_186 {strides = array<i32>} : memref<128xf32, #tpu.memory_space<vmem>>, vector<16xf32>,
      %add3A_189 = arith.constant 32 : i32
      %add3A_190 = vector.broadcast %add3A_189 : i32 to vector<16xi32>
      %add3A_191 = arith.addi %iota3A, %add3A_190 : vector<16xi32>
      %and3A_192 = arith.constant 63 : i32
      %and3A_193 = vector.broadcast %and3A_192 : i32 to vector<16xi32>
      %and3A_194 = arith.andi %get3A_169, %and3A_193 : vector<16xi32>
      %mul3A_195 = arith.constant 2 : i32
      %mul3A_196 = vector.broadcast %mul3A_195 : i32 to vector<16xi32>
      %mul3A_197 = arith.muli %and3A_194, %mul3A_196 : vector<16xi32>
      %add3A_198 = arith.constant 0 : i32
      %add3A_199 = vector.broadcast %add3A_198 : i32 to vector<16xi32>
      %add3A_200 = arith.addi %mul3A_197, %add3A_199 : vector<16xi32>
      tpu.vector_store_idx %arg15[%add3A_191, %add3A_200], %exp3A_186 : memref<128x128xf32, #tpu.memory_space<vmem>>[vector<16xi32>, vector<16xi32>], vector<16xf32>,
      %shift_right_logical3A_201 = arith.constant 6 : i32
      %shift_right_logical3A_202 = vector.broadcast %shift_right_logical3A_201 : i32 to vector<16xi32>
      %shift_right_logical3A_203 = arith.shrui %get3A_169, %shift_right_logical3A_202 : vector<16xi32>
      %swap3A_204 = arith.constant 32 : index
      %swap3A_205 = tpu.vector_load %arg13[%swap3A_204] {strides = array<i32>} : memref<128xi32, #tpu.memory_space<vmem>>, vector<16xi32>,
      tpu.vector_store %arg13[%swap3A_204], %shift_right_logical3A_203 {strides = array<i32>} : memref<128xi32, #tpu.memory_space<vmem>>, vector<16xi32>,
      %get3A_206 = arith.constant 48 : index
      %get3A_207 = tpu.vector_load %arg11[%get3A_206] {strides = array<i32>} : memref<128xi32, #tpu.memory_space<vmem>>, vector<16xi32>,
      %sub3A_208 = arith.constant 0 : i32
      %sub3A_209 = vector.broadcast %sub3A_208 : i32 to vector<16xi32>
      %sub3A_210 = arith.subi %get3A_207, %sub3A_209 : vector<16xi32>
      %get3A_211 = arith.constant 48 : index
      %get3A_212 = tpu.vector_load %arg12[%get3A_211] {strides = array<i32>} : memref<128xi32, #tpu.memory_space<vmem>>, vector<16xi32>,
      %add3A_213 = arith.constant 0 : i32
      %add3A_214 = vector.broadcast %add3A_213 : i32 to vector<16xi32>
      %add3A_215 = arith.addi %sub3A_210, %add3A_214 : vector<16xi32>
      %gather3A_216 = tpu.vector_load_idx %arg9[%add3A_215] : memref<10240xf32, #tpu.memory_space<vmem>>[vector<16xi32>], vector<16xf32>,
      %add3A_217 = arith.constant 0 : i32
      %add3A_218 = vector.broadcast %add3A_217 : i32 to vector<16xi32>
      %add3A_219 = arith.addi %get3A_212, %add3A_218 : vector<16xi32>
      %gather3A_220 = tpu.vector_load_idx %arg10[%add3A_219] : memref<10240xf32, #tpu.memory_space<vmem>>[vector<16xi32>], vector<16xf32>,
      %add3A_221 = arith.addf %gather3A_216, %gather3A_220 : vector<16xf32>
      %gt3A_222 = arith.constant 0.000000e+00 : f32
      %gt3A_223 = vector.broadcast %gt3A_222 : f32 to vector<16xf32>
      %gt3A_224 = arith.cmpf ogt, %add3A_221, %gt3A_223 : vector<16xf32>
      %mul3A_225 = arith.constant 2.000000e-01 : f32
      %mul3A_226 = vector.broadcast %mul3A_225 : f32 to vector<16xf32>
      %mul3A_227 = arith.mulf %add3A_221, %mul3A_226 : vector<16xf32>
      %select_n3A_228 = arith.select %gt3A_224, %add3A_221, %mul3A_227 : vector<16xi1>, vector<16xf32>
      %exp3A_229 = math.exp %select_n3A_228 : vector<16xf32>
      %swap3A_230 = arith.constant 48 : index
      %swap3A_231 = tpu.vector_load %arg16[%swap3A_230] {strides = array<i32>} : memref<128xf32, #tpu.memory_space<vmem>>, vector<16xf32>,
      tpu.vector_store %arg16[%swap3A_230], %exp3A_229 {strides = array<i32>} : memref<128xf32, #tpu.memory_space<vmem>>, vector<16xf32>,
      %add3A_232 = arith.constant 48 : i32
      %add3A_233 = vector.broadcast %add3A_232 : i32 to vector<16xi32>
      %add3A_234 = arith.addi %iota3A, %add3A_233 : vector<16xi32>
      %and3A_235 = arith.constant 63 : i32
      %and3A_236 = vector.broadcast %and3A_235 : i32 to vector<16xi32>
      %and3A_237 = arith.andi %get3A_212, %and3A_236 : vector<16xi32>
      %mul3A_238 = arith.constant 2 : i32
      %mul3A_239 = vector.broadcast %mul3A_238 : i32 to vector<16xi32>
      %mul3A_240 = arith.muli %and3A_237, %mul3A_239 : vector<16xi32>
      %add3A_241 = arith.constant 0 : i32
      %add3A_242 = vector.broadcast %add3A_241 : i32 to vector<16xi32>
      %add3A_243 = arith.addi %mul3A_240, %add3A_242 : vector<16xi32>
      tpu.vector_store_idx %arg15[%add3A_234, %add3A_243], %exp3A_229 : memref<128x128xf32, #tpu.memory_space<vmem>>[vector<16xi32>, vector<16xi32>], vector<16xf32>,
      %shift_right_logical3A_244 = arith.constant 6 : i32
      %shift_right_logical3A_245 = vector.broadcast %shift_right_logical3A_244 : i32 to vector<16xi32>
      %shift_right_logical3A_246 = arith.shrui %get3A_212, %shift_right_logical3A_245 : vector<16xi32>
      %swap3A_247 = arith.constant 48 : index
      %swap3A_248 = tpu.vector_load %arg13[%swap3A_247] {strides = array<i32>} : memref<128xi32, #tpu.memory_space<vmem>>, vector<16xi32>,
      tpu.vector_store %arg13[%swap3A_247], %shift_right_logical3A_246 {strides = array<i32>} : memref<128xi32, #tpu.memory_space<vmem>>, vector<16xi32>,
      %get3A_249 = arith.constant 64 : index
      %get3A_250 = tpu.vector_load %arg11[%get3A_249] {strides = array<i32>} : memref<128xi32, #tpu.memory_space<vmem>>, vector<16xi32>,
      %sub3A_251 = arith.constant 0 : i32
      %sub3A_252 = vector.broadcast %sub3A_251 : i32 to vector<16xi32>
      %sub3A_253 = arith.subi %get3A_250, %sub3A_252 : vector<16xi32>
      %get3A_254 = arith.constant 64 : index
      %get3A_255 = tpu.vector_load %arg12[%get3A_254] {strides = array<i32>} : memref<128xi32, #tpu.memory_space<vmem>>, vector<16xi32>,
      %add3A_256 = arith.constant 0 : i32
      %add3A_257 = vector.broadcast %add3A_256 : i32 to vector<16xi32>
      %add3A_258 = arith.addi %sub3A_253, %add3A_257 : vector<16xi32>
      %gather3A_259 = tpu.vector_load_idx %arg9[%add3A_258] : memref<10240xf32, #tpu.memory_space<vmem>>[vector<16xi32>], vector<16xf32>,
      %add3A_260 = arith.constant 0 : i32
      %add3A_261 = vector.broadcast %add3A_260 : i32 to vector<16xi32>
      %add3A_262 = arith.addi %get3A_255, %add3A_261 : vector<16xi32>
      %gather3A_263 = tpu.vector_load_idx %arg10[%add3A_262] : memref<10240xf32, #tpu.memory_space<vmem>>[vector<16xi32>], vector<16xf32>,
      %add3A_264 = arith.addf %gather3A_259, %gather3A_263 : vector<16xf32>
      %gt3A_265 = arith.constant 0.000000e+00 : f32
      %gt3A_266 = vector.broadcast %gt3A_265 : f32 to vector<16xf32>
      %gt3A_267 = arith.cmpf ogt, %add3A_264, %gt3A_266 : vector<16xf32>
      %mul3A_268 = arith.constant 2.000000e-01 : f32
      %mul3A_269 = vector.broadcast %mul3A_268 : f32 to vector<16xf32>
      %mul3A_270 = arith.mulf %add3A_264, %mul3A_269 : vector<16xf32>
      %select_n3A_271 = arith.select %gt3A_267, %add3A_264, %mul3A_270 : vector<16xi1>, vector<16xf32>
      %exp3A_272 = math.exp %select_n3A_271 : vector<16xf32>
      %swap3A_273 = arith.constant 64 : index
      %swap3A_274 = tpu.vector_load %arg16[%swap3A_273] {strides = array<i32>} : memref<128xf32, #tpu.memory_space<vmem>>, vector<16xf32>,
      tpu.vector_store %arg16[%swap3A_273], %exp3A_272 {strides = array<i32>} : memref<128xf32, #tpu.memory_space<vmem>>, vector<16xf32>,
      %add3A_275 = arith.constant 64 : i32
      %add3A_276 = vector.broadcast %add3A_275 : i32 to vector<16xi32>
      %add3A_277 = arith.addi %iota3A, %add3A_276 : vector<16xi32>
      %and3A_278 = arith.constant 63 : i32
      %and3A_279 = vector.broadcast %and3A_278 : i32 to vector<16xi32>
      %and3A_280 = arith.andi %get3A_255, %and3A_279 : vector<16xi32>
      %mul3A_281 = arith.constant 2 : i32
      %mul3A_282 = vector.broadcast %mul3A_281 : i32 to vector<16xi32>
      %mul3A_283 = arith.muli %and3A_280, %mul3A_282 : vector<16xi32>
      %add3A_284 = arith.constant 0 : i32
      %add3A_285 = vector.broadcast %add3A_284 : i32 to vector<16xi32>
      %add3A_286 = arith.addi %mul3A_283, %add3A_285 : vector<16xi32>
      tpu.vector_store_idx %arg15[%add3A_277, %add3A_286], %exp3A_272 : memref<128x128xf32, #tpu.memory_space<vmem>>[vector<16xi32>, vector<16xi32>], vector<16xf32>,
      %shift_right_logical3A_287 = arith.constant 6 : i32
      %shift_right_logical3A_288 = vector.broadcast %shift_right_logical3A_287 : i32 to vector<16xi32>
      %shift_right_logical3A_289 = arith.shrui %get3A_255, %shift_right_logical3A_288 : vector<16xi32>
      %swap3A_290 = arith.constant 64 : index
      %swap3A_291 = tpu.vector_load %arg13[%swap3A_290] {strides = array<i32>} : memref<128xi32, #tpu.memory_space<vmem>>, vector<16xi32>,
      tpu.vector_store %arg13[%swap3A_290], %shift_right_logical3A_289 {strides = array<i32>} : memref<128xi32, #tpu.memory_space<vmem>>, vector<16xi32>,
      %get3A_292 = arith.constant 80 : index
      %get3A_293 = tpu.vector_load %arg11[%get3A_292] {strides = array<i32>} : memref<128xi32, #tpu.memory_space<vmem>>, vector<16xi32>,
      %sub3A_294 = arith.constant 0 : i32
      %sub3A_295 = vector.broadcast %sub3A_294 : i32 to vector<16xi32>
      %sub3A_296 = arith.subi %get3A_293, %sub3A_295 : vector<16xi32>
      %get3A_297 = arith.constant 80 : index
      %get3A_298 = tpu.vector_load %arg12[%get3A_297] {strides = array<i32>} : memref<128xi32, #tpu.memory_space<vmem>>, vector<16xi32>,
      %add3A_299 = arith.constant 0 : i32
      %add3A_300 = vector.broadcast %add3A_299 : i32 to vector<16xi32>
      %add3A_301 = arith.addi %sub3A_296, %add3A_300 : vector<16xi32>
      %gather3A_302 = tpu.vector_load_idx %arg9[%add3A_301] : memref<10240xf32, #tpu.memory_space<vmem>>[vector<16xi32>], vector<16xf32>,
      %add3A_303 = arith.constant 0 : i32
      %add3A_304 = vector.broadcast %add3A_303 : i32 to vector<16xi32>
      %add3A_305 = arith.addi %get3A_298, %add3A_304 : vector<16xi32>
      %gather3A_306 = tpu.vector_load_idx %arg10[%add3A_305] : memref<10240xf32, #tpu.memory_space<vmem>>[vector<16xi32>], vector<16xf32>,
      %add3A_307 = arith.addf %gather3A_302, %gather3A_306 : vector<16xf32>
      %gt3A_308 = arith.constant 0.000000e+00 : f32
      %gt3A_309 = vector.broadcast %gt3A_308 : f32 to vector<16xf32>
      %gt3A_310 = arith.cmpf ogt, %add3A_307, %gt3A_309 : vector<16xf32>
      %mul3A_311 = arith.constant 2.000000e-01 : f32
      %mul3A_312 = vector.broadcast %mul3A_311 : f32 to vector<16xf32>
      %mul3A_313 = arith.mulf %add3A_307, %mul3A_312 : vector<16xf32>
      %select_n3A_314 = arith.select %gt3A_310, %add3A_307, %mul3A_313 : vector<16xi1>, vector<16xf32>
      %exp3A_315 = math.exp %select_n3A_314 : vector<16xf32>
      %swap3A_316 = arith.constant 80 : index
      %swap3A_317 = tpu.vector_load %arg16[%swap3A_316] {strides = array<i32>} : memref<128xf32, #tpu.memory_space<vmem>>, vector<16xf32>,
      tpu.vector_store %arg16[%swap3A_316], %exp3A_315 {strides = array<i32>} : memref<128xf32, #tpu.memory_space<vmem>>, vector<16xf32>,
      %add3A_318 = arith.constant 80 : i32
      %add3A_319 = vector.broadcast %add3A_318 : i32 to vector<16xi32>
      %add3A_320 = arith.addi %iota3A, %add3A_319 : vector<16xi32>
      %and3A_321 = arith.constant 63 : i32
      %and3A_322 = vector.broadcast %and3A_321 : i32 to vector<16xi32>
      %and3A_323 = arith.andi %get3A_298, %and3A_322 : vector<16xi32>
      %mul3A_324 = arith.constant 2 : i32
      %mul3A_325 = vector.broadcast %mul3A_324 : i32 to vector<16xi32>
      %mul3A_326 = arith.muli %and3A_323, %mul3A_325 : vector<16xi32>
      %add3A_327 = arith.constant 0 : i32
      %add3A_328 = vector.broadcast %add3A_327 : i32 to vector<16xi32>
      %add3A_329 = arith.addi %mul3A_326, %add3A_328 : vector<16xi32>
      tpu.vector_store_idx %arg15[%add3A_320, %add3A_329], %exp3A_315 : memref<128x128xf32, #tpu.memory_space<vmem>>[vector<16xi32>, vector<16xi32>], vector<16xf32>,
      %shift_right_logical3A_330 = arith.constant 6 : i32
      %shift_right_logical3A_331 = vector.broadcast %shift_right_logical3A_330 : i32 to vector<16xi32>
      %shift_right_logical3A_332 = arith.shrui %get3A_298, %shift_right_logical3A_331 : vector<16xi32>
      %swap3A_333 = arith.constant 80 : index
      %swap3A_334 = tpu.vector_load %arg13[%swap3A_333] {strides = array<i32>} : memref<128xi32, #tpu.memory_space<vmem>>, vector<16xi32>,
      tpu.vector_store %arg13[%swap3A_333], %shift_right_logical3A_332 {strides = array<i32>} : memref<128xi32, #tpu.memory_space<vmem>>, vector<16xi32>,
      %get3A_335 = arith.constant 96 : index
      %get3A_336 = tpu.vector_load %arg11[%get3A_335] {strides = array<i32>} : memref<128xi32, #tpu.memory_space<vmem>>, vector<16xi32>,
      %sub3A_337 = arith.constant 0 : i32
      %sub3A_338 = vector.broadcast %sub3A_337 : i32 to vector<16xi32>
      %sub3A_339 = arith.subi %get3A_336, %sub3A_338 : vector<16xi32>
      %get3A_340 = arith.constant 96 : index
      %get3A_341 = tpu.vector_load %arg12[%get3A_340] {strides = array<i32>} : memref<128xi32, #tpu.memory_space<vmem>>, vector<16xi32>,
      %add3A_342 = arith.constant 0 : i32
      %add3A_343 = vector.broadcast %add3A_342 : i32 to vector<16xi32>
      %add3A_344 = arith.addi %sub3A_339, %add3A_343 : vector<16xi32>
      %gather3A_345 = tpu.vector_load_idx %arg9[%add3A_344] : memref<10240xf32, #tpu.memory_space<vmem>>[vector<16xi32>], vector<16xf32>,
      %add3A_346 = arith.constant 0 : i32
      %add3A_347 = vector.broadcast %add3A_346 : i32 to vector<16xi32>
      %add3A_348 = arith.addi %get3A_341, %add3A_347 : vector<16xi32>
      %gather3A_349 = tpu.vector_load_idx %arg10[%add3A_348] : memref<10240xf32, #tpu.memory_space<vmem>>[vector<16xi32>], vector<16xf32>,
      %add3A_350 = arith.addf %gather3A_345, %gather3A_349 : vector<16xf32>
      %gt3A_351 = arith.constant 0.000000e+00 : f32
      %gt3A_352 = vector.broadcast %gt3A_351 : f32 to vector<16xf32>
      %gt3A_353 = arith.cmpf ogt, %add3A_350, %gt3A_352 : vector<16xf32>
      %mul3A_354 = arith.constant 2.000000e-01 : f32
      %mul3A_355 = vector.broadcast %mul3A_354 : f32 to vector<16xf32>
      %mul3A_356 = arith.mulf %add3A_350, %mul3A_355 : vector<16xf32>
      %select_n3A_357 = arith.select %gt3A_353, %add3A_350, %mul3A_356 : vector<16xi1>, vector<16xf32>
      %exp3A_358 = math.exp %select_n3A_357 : vector<16xf32>
      %swap3A_359 = arith.constant 96 : index
      %swap3A_360 = tpu.vector_load %arg16[%swap3A_359] {strides = array<i32>} : memref<128xf32, #tpu.memory_space<vmem>>, vector<16xf32>,
      tpu.vector_store %arg16[%swap3A_359], %exp3A_358 {strides = array<i32>} : memref<128xf32, #tpu.memory_space<vmem>>, vector<16xf32>,
      %add3A_361 = arith.constant 96 : i32
      %add3A_362 = vector.broadcast %add3A_361 : i32 to vector<16xi32>
      %add3A_363 = arith.addi %iota3A, %add3A_362 : vector<16xi32>
      %and3A_364 = arith.constant 63 : i32
      %and3A_365 = vector.broadcast %and3A_364 : i32 to vector<16xi32>
      %and3A_366 = arith.andi %get3A_341, %and3A_365 : vector<16xi32>
      %mul3A_367 = arith.constant 2 : i32
      %mul3A_368 = vector.broadcast %mul3A_367 : i32 to vector<16xi32>
      %mul3A_369 = arith.muli %and3A_366, %mul3A_368 : vector<16xi32>
      %add3A_370 = arith.constant 0 : i32
      %add3A_371 = vector.broadcast %add3A_370 : i32 to vector<16xi32>
      %add3A_372 = arith.addi %mul3A_369, %add3A_371 : vector<16xi32>
      tpu.vector_store_idx %arg15[%add3A_363, %add3A_372], %exp3A_358 : memref<128x128xf32, #tpu.memory_space<vmem>>[vector<16xi32>, vector<16xi32>], vector<16xf32>,
      %shift_right_logical3A_373 = arith.constant 6 : i32
      %shift_right_logical3A_374 = vector.broadcast %shift_right_logical3A_373 : i32 to vector<16xi32>
      %shift_right_logical3A_375 = arith.shrui %get3A_341, %shift_right_logical3A_374 : vector<16xi32>
      %swap3A_376 = arith.constant 96 : index
      %swap3A_377 = tpu.vector_load %arg13[%swap3A_376] {strides = array<i32>} : memref<128xi32, #tpu.memory_space<vmem>>, vector<16xi32>,
      tpu.vector_store %arg13[%swap3A_376], %shift_right_logical3A_375 {strides = array<i32>} : memref<128xi32, #tpu.memory_space<vmem>>, vector<16xi32>,
      %get3A_378 = arith.constant 112 : index
      %get3A_379 = tpu.vector_load %arg11[%get3A_378] {strides = array<i32>} : memref<128xi32, #tpu.memory_space<vmem>>, vector<16xi32>,
      %sub3A_380 = arith.constant 0 : i32
      %sub3A_381 = vector.broadcast %sub3A_380 : i32 to vector<16xi32>
      %sub3A_382 = arith.subi %get3A_379, %sub3A_381 : vector<16xi32>
      %get3A_383 = arith.constant 112 : index
      %get3A_384 = tpu.vector_load %arg12[%get3A_383] {strides = array<i32>} : memref<128xi32, #tpu.memory_space<vmem>>, vector<16xi32>,
      %add3A_385 = arith.constant 0 : i32
      %add3A_386 = vector.broadcast %add3A_385 : i32 to vector<16xi32>
      %add3A_387 = arith.addi %sub3A_382, %add3A_386 : vector<16xi32>
      %gather3A_388 = tpu.vector_load_idx %arg9[%add3A_387] : memref<10240xf32, #tpu.memory_space<vmem>>[vector<16xi32>], vector<16xf32>,
      %add3A_389 = arith.constant 0 : i32
      %add3A_390 = vector.broadcast %add3A_389 : i32 to vector<16xi32>
      %add3A_391 = arith.addi %get3A_384, %add3A_390 : vector<16xi32>
      %gather3A_392 = tpu.vector_load_idx %arg10[%add3A_391] : memref<10240xf32, #tpu.memory_space<vmem>>[vector<16xi32>], vector<16xf32>,
      %add3A_393 = arith.addf %gather3A_388, %gather3A_392 : vector<16xf32>
      %gt3A_394 = arith.constant 0.000000e+00 : f32
      %gt3A_395 = vector.broadcast %gt3A_394 : f32 to vector<16xf32>
      %gt3A_396 = arith.cmpf ogt, %add3A_393, %gt3A_395 : vector<16xf32>
      %mul3A_397 = arith.constant 2.000000e-01 : f32
      %mul3A_398 = vector.broadcast %mul3A_397 : f32 to vector<16xf32>
      %mul3A_399 = arith.mulf %add3A_393, %mul3A_398 : vector<16xf32>
      %select_n3A_400 = arith.select %gt3A_396, %add3A_393, %mul3A_399 : vector<16xi1>, vector<16xf32>
      %exp3A_401 = math.exp %select_n3A_400 : vector<16xf32>
      %swap3A_402 = arith.constant 112 : index
      %swap3A_403 = tpu.vector_load %arg16[%swap3A_402] {strides = array<i32>} : memref<128xf32, #tpu.memory_space<vmem>>, vector<16xf32>,
      tpu.vector_store %arg16[%swap3A_402], %exp3A_401 {strides = array<i32>} : memref<128xf32, #tpu.memory_space<vmem>>, vector<16xf32>,
      %add3A_404 = arith.constant 112 : i32
      %add3A_405 = vector.broadcast %add3A_404 : i32 to vector<16xi32>
      %add3A_406 = arith.addi %iota3A, %add3A_405 : vector<16xi32>
      %and3A_407 = arith.constant 63 : i32
      %and3A_408 = vector.broadcast %and3A_407 : i32 to vector<16xi32>
      %and3A_409 = arith.andi %get3A_384, %and3A_408 : vector<16xi32>
      %mul3A_410 = arith.constant 2 : i32
      %mul3A_411 = vector.broadcast %mul3A_410 : i32 to vector<16xi32>
      %mul3A_412 = arith.muli %and3A_409, %mul3A_411 : vector<16xi32>
      %add3A_413 = arith.constant 0 : i32
      %add3A_414 = vector.broadcast %add3A_413 : i32 to vector<16xi32>
      %add3A_415 = arith.addi %mul3A_412, %add3A_414 : vector<16xi32>
      tpu.vector_store_idx %arg15[%add3A_406, %add3A_415], %exp3A_401 : memref<128x128xf32, #tpu.memory_space<vmem>>[vector<16xi32>, vector<16xi32>], vector<16xf32>,
      %shift_right_logical3A_416 = arith.constant 6 : i32
      %shift_right_logical3A_417 = vector.broadcast %shift_right_logical3A_416 : i32 to vector<16xi32>
      %shift_right_logical3A_418 = arith.shrui %get3A_384, %shift_right_logical3A_417 : vector<16xi32>
      %swap3A_419 = arith.constant 112 : index
      %swap3A_420 = tpu.vector_load %arg13[%swap3A_419] {strides = array<i32>} : memref<128xi32, #tpu.memory_space<vmem>>, vector<16xi32>,
      tpu.vector_store %arg13[%swap3A_419], %shift_right_logical3A_418 {strides = array<i32>} : memref<128xi32, #tpu.memory_space<vmem>>, vector<16xi32>,
      "tpu.region"() ({
        %run_scoped3A = tpu.sem_alloc : memref<!tpu.dma_semaphore, #tpu.memory_space<semaphore_mem>>
        %dma_start3A_692 = arith.constant 0 : i32
        %dma_start3A_693 = arith.constant 0 : i32
        %dma_start3A_694 = tpu.memref_slice %arg18[%dma_start3A_692, %dma_start3A_693] : memref<160x128xf32, #tpu.memory_space<vmem_shared>> -> memref<160x128xf32, #tpu.memory_space<vmem_shared>>
        tpu.enqueue_indirect_dma source(%arg15 : memref<128x128xf32, #tpu.memory_space<vmem>>) target(%dma_start3A_694 : memref<160x128xf32, #tpu.memory_space<vmem_shared>>) offsets(%arg13 : memref<128xi32, #tpu.memory_space<vmem>>) semaphore(%run_scoped3A : memref<!tpu.dma_semaphore, #tpu.memory_space<semaphore_mem>>) {add = true}
        %dma_wait3A_695 = arith.constant 0 : i32
        %dma_wait3A_696 = arith.constant 0 : i32
        %dma_wait3A_697 = tpu.memref_slice %arg18[%dma_wait3A_695, %dma_wait3A_696] : memref<160x128xf32, #tpu.memory_space<vmem_shared>> -> memref<160x128xf32, #tpu.memory_space<vmem_shared>>
        tpu.wait_indirect_dma semaphore(%run_scoped3A : memref<!tpu.dma_semaphore, #tpu.memory_space<semaphore_mem>>) src(%arg15 : memref<128x128xf32, #tpu.memory_space<vmem>>) dst(%dma_wait3A_697 : memref<160x128xf32, #tpu.memory_space<vmem_shared>>)
        tpu.yield
      }) : () -> ()
      %get3A_421 = arith.constant 0 : index
      %get3A_422 = tpu.vector_load %arg12[%get3A_421] {strides = array<i32>} : memref<128xi32, #tpu.memory_space<vmem>>, vector<16xi32>,
      %add3A_423 = arith.constant 0 : i32
      %add3A_424 = vector.broadcast %add3A_423 : i32 to vector<16xi32>
      %add3A_425 = arith.addi %iota3A, %add3A_424 : vector<16xi32>
      %and3A_426 = arith.constant 63 : i32
      %and3A_427 = vector.broadcast %and3A_426 : i32 to vector<16xi32>
      %and3A_428 = arith.andi %get3A_422, %and3A_427 : vector<16xi32>
      %mul3A_429 = arith.constant 2 : i32
      %mul3A_430 = vector.broadcast %mul3A_429 : i32 to vector<16xi32>
      %mul3A_431 = arith.muli %and3A_428, %mul3A_430 : vector<16xi32>
      %add3A_432 = arith.constant 0 : i32
      %add3A_433 = vector.broadcast %add3A_432 : i32 to vector<16xi32>
      %add3A_434 = arith.addi %mul3A_431, %add3A_433 : vector<16xi32>
      %broadcast_in_dim3A = arith.constant 0.000000e+00 : f32
      %broadcast_in_dim3A_435 = vector.broadcast %broadcast_in_dim3A : f32 to vector<16xf32>
      tpu.vector_store_idx %arg15[%add3A_425, %add3A_434], %broadcast_in_dim3A_435 : memref<128x128xf32, #tpu.memory_space<vmem>>[vector<16xi32>, vector<16xi32>], vector<16xf32>,
      %get3A_436 = arith.constant 16 : index
      %get3A_437 = tpu.vector_load %arg12[%get3A_436] {strides = array<i32>} : memref<128xi32, #tpu.memory_space<vmem>>, vector<16xi32>,
      %add3A_438 = arith.constant 16 : i32
      %add3A_439 = vector.broadcast %add3A_438 : i32 to vector<16xi32>
      %add3A_440 = arith.addi %iota3A, %add3A_439 : vector<16xi32>
      %and3A_441 = arith.constant 63 : i32
      %and3A_442 = vector.broadcast %and3A_441 : i32 to vector<16xi32>
      %and3A_443 = arith.andi %get3A_437, %and3A_442 : vector<16xi32>
      %mul3A_444 = arith.constant 2 : i32
      %mul3A_445 = vector.broadcast %mul3A_444 : i32 to vector<16xi32>
      %mul3A_446 = arith.muli %and3A_443, %mul3A_445 : vector<16xi32>
      %add3A_447 = arith.constant 0 : i32
      %add3A_448 = vector.broadcast %add3A_447 : i32 to vector<16xi32>
      %add3A_449 = arith.addi %mul3A_446, %add3A_448 : vector<16xi32>
      %broadcast_in_dim3A_450 = arith.constant 0.000000e+00 : f32
      %broadcast_in_dim3A_451 = vector.broadcast %broadcast_in_dim3A_450 : f32 to vector<16xf32>
      tpu.vector_store_idx %arg15[%add3A_440, %add3A_449], %broadcast_in_dim3A_451 : memref<128x128xf32, #tpu.memory_space<vmem>>[vector<16xi32>, vector<16xi32>], vector<16xf32>,
      %get3A_452 = arith.constant 32 : index
      %get3A_453 = tpu.vector_load %arg12[%get3A_452] {strides = array<i32>} : memref<128xi32, #tpu.memory_space<vmem>>, vector<16xi32>,
      %add3A_454 = arith.constant 32 : i32
      %add3A_455 = vector.broadcast %add3A_454 : i32 to vector<16xi32>
      %add3A_456 = arith.addi %iota3A, %add3A_455 : vector<16xi32>
      %and3A_457 = arith.constant 63 : i32
      %and3A_458 = vector.broadcast %and3A_457 : i32 to vector<16xi32>
      %and3A_459 = arith.andi %get3A_453, %and3A_458 : vector<16xi32>
      %mul3A_460 = arith.constant 2 : i32
      %mul3A_461 = vector.broadcast %mul3A_460 : i32 to vector<16xi32>
      %mul3A_462 = arith.muli %and3A_459, %mul3A_461 : vector<16xi32>
      %add3A_463 = arith.constant 0 : i32
      %add3A_464 = vector.broadcast %add3A_463 : i32 to vector<16xi32>
      %add3A_465 = arith.addi %mul3A_462, %add3A_464 : vector<16xi32>
      %broadcast_in_dim3A_466 = arith.constant 0.000000e+00 : f32
      %broadcast_in_dim3A_467 = vector.broadcast %broadcast_in_dim3A_466 : f32 to vector<16xf32>
      tpu.vector_store_idx %arg15[%add3A_456, %add3A_465], %broadcast_in_dim3A_467 : memref<128x128xf32, #tpu.memory_space<vmem>>[vector<16xi32>, vector<16xi32>], vector<16xf32>,
      %get3A_468 = arith.constant 48 : index
      %get3A_469 = tpu.vector_load %arg12[%get3A_468] {strides = array<i32>} : memref<128xi32, #tpu.memory_space<vmem>>, vector<16xi32>,
      %add3A_470 = arith.constant 48 : i32
      %add3A_471 = vector.broadcast %add3A_470 : i32 to vector<16xi32>
      %add3A_472 = arith.addi %iota3A, %add3A_471 : vector<16xi32>
      %and3A_473 = arith.constant 63 : i32
      %and3A_474 = vector.broadcast %and3A_473 : i32 to vector<16xi32>
      %and3A_475 = arith.andi %get3A_469, %and3A_474 : vector<16xi32>
      %mul3A_476 = arith.constant 2 : i32
      %mul3A_477 = vector.broadcast %mul3A_476 : i32 to vector<16xi32>
      %mul3A_478 = arith.muli %and3A_475, %mul3A_477 : vector<16xi32>
      %add3A_479 = arith.constant 0 : i32
      %add3A_480 = vector.broadcast %add3A_479 : i32 to vector<16xi32>
      %add3A_481 = arith.addi %mul3A_478, %add3A_480 : vector<16xi32>
      %broadcast_in_dim3A_482 = arith.constant 0.000000e+00 : f32
      %broadcast_in_dim3A_483 = vector.broadcast %broadcast_in_dim3A_482 : f32 to vector<16xf32>
      tpu.vector_store_idx %arg15[%add3A_472, %add3A_481], %broadcast_in_dim3A_483 : memref<128x128xf32, #tpu.memory_space<vmem>>[vector<16xi32>, vector<16xi32>], vector<16xf32>,
      %get3A_484 = arith.constant 64 : index
      %get3A_485 = tpu.vector_load %arg12[%get3A_484] {strides = array<i32>} : memref<128xi32, #tpu.memory_space<vmem>>, vector<16xi32>,
      %add3A_486 = arith.constant 64 : i32
      %add3A_487 = vector.broadcast %add3A_486 : i32 to vector<16xi32>
      %add3A_488 = arith.addi %iota3A, %add3A_487 : vector<16xi32>
      %and3A_489 = arith.constant 63 : i32
      %and3A_490 = vector.broadcast %and3A_489 : i32 to vector<16xi32>
      %and3A_491 = arith.andi %get3A_485, %and3A_490 : vector<16xi32>
      %mul3A_492 = arith.constant 2 : i32
      %mul3A_493 = vector.broadcast %mul3A_492 : i32 to vector<16xi32>
      %mul3A_494 = arith.muli %and3A_491, %mul3A_493 : vector<16xi32>
      %add3A_495 = arith.constant 0 : i32
      %add3A_496 = vector.broadcast %add3A_495 : i32 to vector<16xi32>
      %add3A_497 = arith.addi %mul3A_494, %add3A_496 : vector<16xi32>
      %broadcast_in_dim3A_498 = arith.constant 0.000000e+00 : f32
      %broadcast_in_dim3A_499 = vector.broadcast %broadcast_in_dim3A_498 : f32 to vector<16xf32>
      tpu.vector_store_idx %arg15[%add3A_488, %add3A_497], %broadcast_in_dim3A_499 : memref<128x128xf32, #tpu.memory_space<vmem>>[vector<16xi32>, vector<16xi32>], vector<16xf32>,
      %get3A_500 = arith.constant 80 : index
      %get3A_501 = tpu.vector_load %arg12[%get3A_500] {strides = array<i32>} : memref<128xi32, #tpu.memory_space<vmem>>, vector<16xi32>,
      %add3A_502 = arith.constant 80 : i32
      %add3A_503 = vector.broadcast %add3A_502 : i32 to vector<16xi32>
      %add3A_504 = arith.addi %iota3A, %add3A_503 : vector<16xi32>
      %and3A_505 = arith.constant 63 : i32
      %and3A_506 = vector.broadcast %and3A_505 : i32 to vector<16xi32>
      %and3A_507 = arith.andi %get3A_501, %and3A_506 : vector<16xi32>
      %mul3A_508 = arith.constant 2 : i32
      %mul3A_509 = vector.broadcast %mul3A_508 : i32 to vector<16xi32>
      %mul3A_510 = arith.muli %and3A_507, %mul3A_509 : vector<16xi32>
      %add3A_511 = arith.constant 0 : i32
      %add3A_512 = vector.broadcast %add3A_511 : i32 to vector<16xi32>
      %add3A_513 = arith.addi %mul3A_510, %add3A_512 : vector<16xi32>
      %broadcast_in_dim3A_514 = arith.constant 0.000000e+00 : f32
      %broadcast_in_dim3A_515 = vector.broadcast %broadcast_in_dim3A_514 : f32 to vector<16xf32>
      tpu.vector_store_idx %arg15[%add3A_504, %add3A_513], %broadcast_in_dim3A_515 : memref<128x128xf32, #tpu.memory_space<vmem>>[vector<16xi32>, vector<16xi32>], vector<16xf32>,
      %get3A_516 = arith.constant 96 : index
      %get3A_517 = tpu.vector_load %arg12[%get3A_516] {strides = array<i32>} : memref<128xi32, #tpu.memory_space<vmem>>, vector<16xi32>,
      %add3A_518 = arith.constant 96 : i32
      %add3A_519 = vector.broadcast %add3A_518 : i32 to vector<16xi32>
      %add3A_520 = arith.addi %iota3A, %add3A_519 : vector<16xi32>
      %and3A_521 = arith.constant 63 : i32
      %and3A_522 = vector.broadcast %and3A_521 : i32 to vector<16xi32>
      %and3A_523 = arith.andi %get3A_517, %and3A_522 : vector<16xi32>
      %mul3A_524 = arith.constant 2 : i32
      %mul3A_525 = vector.broadcast %mul3A_524 : i32 to vector<16xi32>
      %mul3A_526 = arith.muli %and3A_523, %mul3A_525 : vector<16xi32>
      %add3A_527 = arith.constant 0 : i32
      %add3A_528 = vector.broadcast %add3A_527 : i32 to vector<16xi32>
      %add3A_529 = arith.addi %mul3A_526, %add3A_528 : vector<16xi32>
      %broadcast_in_dim3A_530 = arith.constant 0.000000e+00 : f32
      %broadcast_in_dim3A_531 = vector.broadcast %broadcast_in_dim3A_530 : f32 to vector<16xf32>
      tpu.vector_store_idx %arg15[%add3A_520, %add3A_529], %broadcast_in_dim3A_531 : memref<128x128xf32, #tpu.memory_space<vmem>>[vector<16xi32>, vector<16xi32>], vector<16xf32>,
      %get3A_532 = arith.constant 112 : index
      %get3A_533 = tpu.vector_load %arg12[%get3A_532] {strides = array<i32>} : memref<128xi32, #tpu.memory_space<vmem>>, vector<16xi32>,
      %add3A_534 = arith.constant 112 : i32
      %add3A_535 = vector.broadcast %add3A_534 : i32 to vector<16xi32>
      %add3A_536 = arith.addi %iota3A, %add3A_535 : vector<16xi32>
      %and3A_537 = arith.constant 63 : i32
      %and3A_538 = vector.broadcast %and3A_537 : i32 to vector<16xi32>
      %and3A_539 = arith.andi %get3A_533, %and3A_538 : vector<16xi32>
      %mul3A_540 = arith.constant 2 : i32
      %mul3A_541 = vector.broadcast %mul3A_540 : i32 to vector<16xi32>
      %mul3A_542 = arith.muli %and3A_539, %mul3A_541 : vector<16xi32>
      %add3A_543 = arith.constant 0 : i32
      %add3A_544 = vector.broadcast %add3A_543 : i32 to vector<16xi32>
      %add3A_545 = arith.addi %mul3A_542, %add3A_544 : vector<16xi32>
      %broadcast_in_dim3A_546 = arith.constant 0.000000e+00 : f32
      %broadcast_in_dim3A_547 = vector.broadcast %broadcast_in_dim3A_546 : f32 to vector<16xf32>
      tpu.vector_store_idx %arg15[%add3A_536, %add3A_545], %broadcast_in_dim3A_547 : memref<128x128xf32, #tpu.memory_space<vmem>>[vector<16xi32>, vector<16xi32>], vector<16xf32>,
      %get3A_548 = arith.constant 0 : index
      %get3A_549 = tpu.vector_load %arg12[%get3A_548] {strides = array<i32>} : memref<128xi32, #tpu.memory_space<vmem>>, vector<16xi32>,
      %sub3A_550 = arith.constant 0 : i32
      %sub3A_551 = vector.broadcast %sub3A_550 : i32 to vector<16xi32>
      %sub3A_552 = arith.subi %get3A_549, %sub3A_551 : vector<16xi32>
      %ge3A = arith.constant 0 : i32
      %ge3A_553 = vector.broadcast %ge3A : i32 to vector<16xi32>
      %ge3A_554 = arith.cmpi sge, %sub3A_552, %ge3A_553 : vector<16xi32>
      %lt3A_555 = arith.constant 5120 : i32
      %lt3A_556 = vector.broadcast %lt3A_555 : i32 to vector<16xi32>
      %lt3A_557 = arith.cmpi slt, %sub3A_552, %lt3A_556 : vector<16xi32>
      %and3A_558 = arith.andi %ge3A_554, %lt3A_557 : vector<16xi1>
      %jit3A = arith.constant 5120 : i32
      %broadcast_in_dim3A_559 = vector.broadcast %jit3A : i32 to vector<16xi32>
      %select_n3A_560 = arith.select %and3A_558, %sub3A_552, %broadcast_in_dim3A_559 : vector<16xi1>, vector<16xi32>
      %swap3A_561 = arith.constant 0 : index
      %swap3A_562 = tpu.vector_load %arg12[%swap3A_561] {strides = array<i32>} : memref<128xi32, #tpu.memory_space<vmem>>, vector<16xi32>,
      tpu.vector_store %arg12[%swap3A_561], %select_n3A_560 {strides = array<i32>} : memref<128xi32, #tpu.memory_space<vmem>>, vector<16xi32>,
      %get3A_563 = arith.constant 16 : index
      %get3A_564 = tpu.vector_load %arg12[%get3A_563] {strides = array<i32>} : memref<128xi32, #tpu.memory_space<vmem>>, vector<16xi32>,
      %sub3A_565 = arith.constant 0 : i32
      %sub3A_566 = vector.broadcast %sub3A_565 : i32 to vector<16xi32>
      %sub3A_567 = arith.subi %get3A_564, %sub3A_566 : vector<16xi32>
      %ge3A_568 = arith.constant 0 : i32
      %ge3A_569 = vector.broadcast %ge3A_568 : i32 to vector<16xi32>
      %ge3A_570 = arith.cmpi sge, %sub3A_567, %ge3A_569 : vector<16xi32>
      %lt3A_571 = arith.constant 5120 : i32
      %lt3A_572 = vector.broadcast %lt3A_571 : i32 to vector<16xi32>
      %lt3A_573 = arith.cmpi slt, %sub3A_567, %lt3A_572 : vector<16xi32>
      %and3A_574 = arith.andi %ge3A_570, %lt3A_573 : vector<16xi1>
      %jit3A_575 = arith.constant 5120 : i32
      %broadcast_in_dim3A_576 = vector.broadcast %jit3A_575 : i32 to vector<16xi32>
      %select_n3A_577 = arith.select %and3A_574, %sub3A_567, %broadcast_in_dim3A_576 : vector<16xi1>, vector<16xi32>
      %swap3A_578 = arith.constant 16 : index
      %swap3A_579 = tpu.vector_load %arg12[%swap3A_578] {strides = array<i32>} : memref<128xi32, #tpu.memory_space<vmem>>, vector<16xi32>,
      tpu.vector_store %arg12[%swap3A_578], %select_n3A_577 {strides = array<i32>} : memref<128xi32, #tpu.memory_space<vmem>>, vector<16xi32>,
      %get3A_580 = arith.constant 32 : index
      %get3A_581 = tpu.vector_load %arg12[%get3A_580] {strides = array<i32>} : memref<128xi32, #tpu.memory_space<vmem>>, vector<16xi32>,
      %sub3A_582 = arith.constant 0 : i32
      %sub3A_583 = vector.broadcast %sub3A_582 : i32 to vector<16xi32>
      %sub3A_584 = arith.subi %get3A_581, %sub3A_583 : vector<16xi32>
      %ge3A_585 = arith.constant 0 : i32
      %ge3A_586 = vector.broadcast %ge3A_585 : i32 to vector<16xi32>
      %ge3A_587 = arith.cmpi sge, %sub3A_584, %ge3A_586 : vector<16xi32>
      %lt3A_588 = arith.constant 5120 : i32
      %lt3A_589 = vector.broadcast %lt3A_588 : i32 to vector<16xi32>
      %lt3A_590 = arith.cmpi slt, %sub3A_584, %lt3A_589 : vector<16xi32>
      %and3A_591 = arith.andi %ge3A_587, %lt3A_590 : vector<16xi1>
      %jit3A_592 = arith.constant 5120 : i32
      %broadcast_in_dim3A_593 = vector.broadcast %jit3A_592 : i32 to vector<16xi32>
      %select_n3A_594 = arith.select %and3A_591, %sub3A_584, %broadcast_in_dim3A_593 : vector<16xi1>, vector<16xi32>
      %swap3A_595 = arith.constant 32 : index
      %swap3A_596 = tpu.vector_load %arg12[%swap3A_595] {strides = array<i32>} : memref<128xi32, #tpu.memory_space<vmem>>, vector<16xi32>,
      tpu.vector_store %arg12[%swap3A_595], %select_n3A_594 {strides = array<i32>} : memref<128xi32, #tpu.memory_space<vmem>>, vector<16xi32>,
      %get3A_597 = arith.constant 48 : index
      %get3A_598 = tpu.vector_load %arg12[%get3A_597] {strides = array<i32>} : memref<128xi32, #tpu.memory_space<vmem>>, vector<16xi32>,
      %sub3A_599 = arith.constant 0 : i32
      %sub3A_600 = vector.broadcast %sub3A_599 : i32 to vector<16xi32>
      %sub3A_601 = arith.subi %get3A_598, %sub3A_600 : vector<16xi32>
      %ge3A_602 = arith.constant 0 : i32
      %ge3A_603 = vector.broadcast %ge3A_602 : i32 to vector<16xi32>
      %ge3A_604 = arith.cmpi sge, %sub3A_601, %ge3A_603 : vector<16xi32>
      %lt3A_605 = arith.constant 5120 : i32
      %lt3A_606 = vector.broadcast %lt3A_605 : i32 to vector<16xi32>
      %lt3A_607 = arith.cmpi slt, %sub3A_601, %lt3A_606 : vector<16xi32>
      %and3A_608 = arith.andi %ge3A_604, %lt3A_607 : vector<16xi1>
      %jit3A_609 = arith.constant 5120 : i32
      %broadcast_in_dim3A_610 = vector.broadcast %jit3A_609 : i32 to vector<16xi32>
      %select_n3A_611 = arith.select %and3A_608, %sub3A_601, %broadcast_in_dim3A_610 : vector<16xi1>, vector<16xi32>
      %swap3A_612 = arith.constant 48 : index
      %swap3A_613 = tpu.vector_load %arg12[%swap3A_612] {strides = array<i32>} : memref<128xi32, #tpu.memory_space<vmem>>, vector<16xi32>,
      tpu.vector_store %arg12[%swap3A_612], %select_n3A_611 {strides = array<i32>} : memref<128xi32, #tpu.memory_space<vmem>>, vector<16xi32>,
      %get3A_614 = arith.constant 64 : index
      %get3A_615 = tpu.vector_load %arg12[%get3A_614] {strides = array<i32>} : memref<128xi32, #tpu.memory_space<vmem>>, vector<16xi32>,
      %sub3A_616 = arith.constant 0 : i32
      %sub3A_617 = vector.broadcast %sub3A_616 : i32 to vector<16xi32>
      %sub3A_618 = arith.subi %get3A_615, %sub3A_617 : vector<16xi32>
      %ge3A_619 = arith.constant 0 : i32
      %ge3A_620 = vector.broadcast %ge3A_619 : i32 to vector<16xi32>
      %ge3A_621 = arith.cmpi sge, %sub3A_618, %ge3A_620 : vector<16xi32>
      %lt3A_622 = arith.constant 5120 : i32
      %lt3A_623 = vector.broadcast %lt3A_622 : i32 to vector<16xi32>
      %lt3A_624 = arith.cmpi slt, %sub3A_618, %lt3A_623 : vector<16xi32>
      %and3A_625 = arith.andi %ge3A_621, %lt3A_624 : vector<16xi1>
      %jit3A_626 = arith.constant 5120 : i32
      %broadcast_in_dim3A_627 = vector.broadcast %jit3A_626 : i32 to vector<16xi32>
      %select_n3A_628 = arith.select %and3A_625, %sub3A_618, %broadcast_in_dim3A_627 : vector<16xi1>, vector<16xi32>
      %swap3A_629 = arith.constant 64 : index
      %swap3A_630 = tpu.vector_load %arg12[%swap3A_629] {strides = array<i32>} : memref<128xi32, #tpu.memory_space<vmem>>, vector<16xi32>,
      tpu.vector_store %arg12[%swap3A_629], %select_n3A_628 {strides = array<i32>} : memref<128xi32, #tpu.memory_space<vmem>>, vector<16xi32>,
      %get3A_631 = arith.constant 80 : index
      %get3A_632 = tpu.vector_load %arg12[%get3A_631] {strides = array<i32>} : memref<128xi32, #tpu.memory_space<vmem>>, vector<16xi32>,
      %sub3A_633 = arith.constant 0 : i32
      %sub3A_634 = vector.broadcast %sub3A_633 : i32 to vector<16xi32>
      %sub3A_635 = arith.subi %get3A_632, %sub3A_634 : vector<16xi32>
      %ge3A_636 = arith.constant 0 : i32
      %ge3A_637 = vector.broadcast %ge3A_636 : i32 to vector<16xi32>
      %ge3A_638 = arith.cmpi sge, %sub3A_635, %ge3A_637 : vector<16xi32>
      %lt3A_639 = arith.constant 5120 : i32
      %lt3A_640 = vector.broadcast %lt3A_639 : i32 to vector<16xi32>
      %lt3A_641 = arith.cmpi slt, %sub3A_635, %lt3A_640 : vector<16xi32>
      %and3A_642 = arith.andi %ge3A_638, %lt3A_641 : vector<16xi1>
      %jit3A_643 = arith.constant 5120 : i32
      %broadcast_in_dim3A_644 = vector.broadcast %jit3A_643 : i32 to vector<16xi32>
      %select_n3A_645 = arith.select %and3A_642, %sub3A_635, %broadcast_in_dim3A_644 : vector<16xi1>, vector<16xi32>
      %swap3A_646 = arith.constant 80 : index
      %swap3A_647 = tpu.vector_load %arg12[%swap3A_646] {strides = array<i32>} : memref<128xi32, #tpu.memory_space<vmem>>, vector<16xi32>,
      tpu.vector_store %arg12[%swap3A_646], %select_n3A_645 {strides = array<i32>} : memref<128xi32, #tpu.memory_space<vmem>>, vector<16xi32>,
      %get3A_648 = arith.constant 96 : index
      %get3A_649 = tpu.vector_load %arg12[%get3A_648] {strides = array<i32>} : memref<128xi32, #tpu.memory_space<vmem>>, vector<16xi32>,
      %sub3A_650 = arith.constant 0 : i32
      %sub3A_651 = vector.broadcast %sub3A_650 : i32 to vector<16xi32>
      %sub3A_652 = arith.subi %get3A_649, %sub3A_651 : vector<16xi32>
      %ge3A_653 = arith.constant 0 : i32
      %ge3A_654 = vector.broadcast %ge3A_653 : i32 to vector<16xi32>
      %ge3A_655 = arith.cmpi sge, %sub3A_652, %ge3A_654 : vector<16xi32>
      %lt3A_656 = arith.constant 5120 : i32
      %lt3A_657 = vector.broadcast %lt3A_656 : i32 to vector<16xi32>
      %lt3A_658 = arith.cmpi slt, %sub3A_652, %lt3A_657 : vector<16xi32>
      %and3A_659 = arith.andi %ge3A_655, %lt3A_658 : vector<16xi1>
      %jit3A_660 = arith.constant 5120 : i32
      %broadcast_in_dim3A_661 = vector.broadcast %jit3A_660 : i32 to vector<16xi32>
      %select_n3A_662 = arith.select %and3A_659, %sub3A_652, %broadcast_in_dim3A_661 : vector<16xi1>, vector<16xi32>
      %swap3A_663 = arith.constant 96 : index
      %swap3A_664 = tpu.vector_load %arg12[%swap3A_663] {strides = array<i32>} : memref<128xi32, #tpu.memory_space<vmem>>, vector<16xi32>,
      tpu.vector_store %arg12[%swap3A_663], %select_n3A_662 {strides = array<i32>} : memref<128xi32, #tpu.memory_space<vmem>>, vector<16xi32>,
      %get3A_665 = arith.constant 112 : index
      %get3A_666 = tpu.vector_load %arg12[%get3A_665] {strides = array<i32>} : memref<128xi32, #tpu.memory_space<vmem>>, vector<16xi32>,
      %sub3A_667 = arith.constant 0 : i32
      %sub3A_668 = vector.broadcast %sub3A_667 : i32 to vector<16xi32>
      %sub3A_669 = arith.subi %get3A_666, %sub3A_668 : vector<16xi32>
      %ge3A_670 = arith.constant 0 : i32
      %ge3A_671 = vector.broadcast %ge3A_670 : i32 to vector<16xi32>
      %ge3A_672 = arith.cmpi sge, %sub3A_669, %ge3A_671 : vector<16xi32>
      %lt3A_673 = arith.constant 5120 : i32
      %lt3A_674 = vector.broadcast %lt3A_673 : i32 to vector<16xi32>
      %lt3A_675 = arith.cmpi slt, %sub3A_669, %lt3A_674 : vector<16xi32>
      %and3A_676 = arith.andi %ge3A_672, %lt3A_675 : vector<16xi1>
      %jit3A_677 = arith.constant 5120 : i32
      %broadcast_in_dim3A_678 = vector.broadcast %jit3A_677 : i32 to vector<16xi32>
      %select_n3A_679 = arith.select %and3A_676, %sub3A_669, %broadcast_in_dim3A_678 : vector<16xi1>, vector<16xi32>
      %swap3A_680 = arith.constant 112 : index
      %swap3A_681 = tpu.vector_load %arg12[%swap3A_680] {strides = array<i32>} : memref<128xi32, #tpu.memory_space<vmem>>, vector<16xi32>,
      tpu.vector_store %arg12[%swap3A_680], %select_n3A_679 {strides = array<i32>} : memref<128xi32, #tpu.memory_space<vmem>>, vector<16xi32>,
      %dma_wait3A = arith.constant 0 : i32
      %dma_wait3A_682 = arith.constant 0 : i32
      %dma_wait3A_683 = tpu.memref_slice %arg4[%dma_wait3A, %dma_wait3A_682] : memref<10240x128xf32, #tpu.memory_space<hbm>> -> memref<10240x128xf32, #tpu.memory_space<hbm>>
      tpu.wait_indirect_dma semaphore(%arg19 : memref<!tpu.dma_semaphore, #tpu.memory_space<semaphore_mem>>) src(%dma_wait3A_683 : memref<10240x128xf32, #tpu.memory_space<hbm>>) dst(%arg14 : memref<128x128xf32, #tpu.memory_space<vmem>>)
      %scan3A_684 = arith.constant 0 : i32
      %scan3A_685 = arith.constant 0 : i32
      %scan3A_686 = arith.constant 128 : i32
      %scan3A_687 = arith.addi %scan3A_685, %scan3A_686 : i32
      %scan3A_688 = arith.constant 1 : i32
      %scan3A_689 = scf.for %scan3A_692 = %scan3A_685 to %scan3A_687 step %scan3A_688 iter_args(%scan3A_693 = %scan3A_684) -> (i32)  : i32 {
        %broadcast_in_dim3A_694 = arith.constant 0 : i32
        %broadcast_in_dim3A_695 = vector.broadcast %broadcast_in_dim3A_694 : i32 to vector<16xi32>
        %add3A_696 = vector.broadcast %scan3A_692 : i32 to vector<16xi32>
        %add3A_697 = arith.addi %broadcast_in_dim3A_695, %add3A_696 : vector<16xi32>
        %gather3A_698 = tpu.vector_load_idx %arg16[%add3A_697] : memref<128xf32, #tpu.memory_space<vmem>>[vector<16xi32>], vector<16xf32>,
        %get3A_699 = arith.index_cast %scan3A_692 : i32 to index
        %get3A_700 = arith.constant 0 : index
        %get3A_701 = tpu.vector_load %arg14[%get3A_699, %get3A_700] {strides = array<i32>} : memref<128x128xf32, #tpu.memory_space<vmem>>, vector<16xf32>,
        %mul3A_702 = arith.mulf %get3A_701, %gather3A_698 : vector<16xf32>
        %swap3A_703 = arith.index_cast %scan3A_692 : i32 to index
        %swap3A_704 = arith.constant 0 : index
        %swap3A_705 = tpu.vector_load %arg14[%swap3A_703, %swap3A_704] {strides = array<i32>} : memref<128x128xf32, #tpu.memory_space<vmem>>, vector<16xf32>,
        tpu.vector_store %arg14[%swap3A_703, %swap3A_704], %mul3A_702 {strides = array<i32>} : memref<128x128xf32, #tpu.memory_space<vmem>>, vector<16xf32>,
        %get3A_706 = arith.index_cast %scan3A_692 : i32 to index
        %get3A_707 = arith.constant 16 : index
        %get3A_708 = tpu.vector_load %arg14[%get3A_706, %get3A_707] {strides = array<i32>} : memref<128x128xf32, #tpu.memory_space<vmem>>, vector<16xf32>,
        %mul3A_709 = arith.mulf %get3A_708, %gather3A_698 : vector<16xf32>
        %swap3A_710 = arith.index_cast %scan3A_692 : i32 to index
        %swap3A_711 = arith.constant 16 : index
        %swap3A_712 = tpu.vector_load %arg14[%swap3A_710, %swap3A_711] {strides = array<i32>} : memref<128x128xf32, #tpu.memory_space<vmem>>, vector<16xf32>,
        tpu.vector_store %arg14[%swap3A_710, %swap3A_711], %mul3A_709 {strides = array<i32>} : memref<128x128xf32, #tpu.memory_space<vmem>>, vector<16xf32>,
        %get3A_713 = arith.index_cast %scan3A_692 : i32 to index
        %get3A_714 = arith.constant 32 : index
        %get3A_715 = tpu.vector_load %arg14[%get3A_713, %get3A_714] {strides = array<i32>} : memref<128x128xf32, #tpu.memory_space<vmem>>, vector<16xf32>,
        %mul3A_716 = arith.mulf %get3A_715, %gather3A_698 : vector<16xf32>
        %swap3A_717 = arith.index_cast %scan3A_692 : i32 to index
        %swap3A_718 = arith.constant 32 : index
        %swap3A_719 = tpu.vector_load %arg14[%swap3A_717, %swap3A_718] {strides = array<i32>} : memref<128x128xf32, #tpu.memory_space<vmem>>, vector<16xf32>,
        tpu.vector_store %arg14[%swap3A_717, %swap3A_718], %mul3A_716 {strides = array<i32>} : memref<128x128xf32, #tpu.memory_space<vmem>>, vector<16xf32>,
        %get3A_720 = arith.index_cast %scan3A_692 : i32 to index
        %get3A_721 = arith.constant 48 : index
        %get3A_722 = tpu.vector_load %arg14[%get3A_720, %get3A_721] {strides = array<i32>} : memref<128x128xf32, #tpu.memory_space<vmem>>, vector<16xf32>,
        %mul3A_723 = arith.mulf %get3A_722, %gather3A_698 : vector<16xf32>
        %swap3A_724 = arith.index_cast %scan3A_692 : i32 to index
        %swap3A_725 = arith.constant 48 : index
        %swap3A_726 = tpu.vector_load %arg14[%swap3A_724, %swap3A_725] {strides = array<i32>} : memref<128x128xf32, #tpu.memory_space<vmem>>, vector<16xf32>,
        tpu.vector_store %arg14[%swap3A_724, %swap3A_725], %mul3A_723 {strides = array<i32>} : memref<128x128xf32, #tpu.memory_space<vmem>>, vector<16xf32>,
        %scan3A_727 = arith.constant 0 : i32
        scf.yield %scan3A_727 : i32
      }
      %scan3A_690 = arith.constant 128 : i32
      "tpu.region"() ({
        %run_scoped3A = tpu.sem_alloc : memref<!tpu.dma_semaphore, #tpu.memory_space<semaphore_mem>>
        %dma_start3A_692 = arith.constant 0 : i32
        %dma_start3A_693 = arith.constant 0 : i32
        %dma_start3A_694 = tpu.memref_slice %arg17[%dma_start3A_692, %dma_start3A_693] : memref<5128x128xf32, #tpu.memory_space<vmem_shared>> -> memref<5128x128xf32, #tpu.memory_space<vmem_shared>>
        tpu.enqueue_indirect_dma source(%arg14 : memref<128x128xf32, #tpu.memory_space<vmem>>) target(%dma_start3A_694 : memref<5128x128xf32, #tpu.memory_space<vmem_shared>>) offsets(%arg12 : memref<128xi32, #tpu.memory_space<vmem>>) semaphore(%run_scoped3A : memref<!tpu.dma_semaphore, #tpu.memory_space<semaphore_mem>>) {add = true}
        %dma_wait3A_695 = arith.constant 0 : i32
        %dma_wait3A_696 = arith.constant 0 : i32
        %dma_wait3A_697 = tpu.memref_slice %arg17[%dma_wait3A_695, %dma_wait3A_696] : memref<5128x128xf32, #tpu.memory_space<vmem_shared>> -> memref<5128x128xf32, #tpu.memory_space<vmem_shared>>
        tpu.wait_indirect_dma semaphore(%run_scoped3A : memref<!tpu.dma_semaphore, #tpu.memory_space<semaphore_mem>>) src(%arg14 : memref<128x128xf32, #tpu.memory_space<vmem>>) dst(%dma_wait3A_697 : memref<5128x128xf32, #tpu.memory_space<vmem_shared>>)
        tpu.yield
      }) : () -> ()
      %scan3A_691 = arith.constant 0 : i32
      scf.yield %scan3A_691 : i32
    }
    %scan3A_34 = arith.constant 81 : i32
    %barrier3A_35 = arith.constant 0 : index
    tpu.barrier barrier_id(%barrier3A_35)
    %scan3A_36 = arith.constant 0 : i32
    %scan3A_37 = arith.constant 0 : i32
    %scan3A_38 = arith.constant 5 : i32
    %scan3A_39 = arith.addi %scan3A_37, %scan3A_38 : i32
    %scan3A_40 = arith.constant 1 : i32
    %scan3A_41 = scf.for %scan3A_79 = %scan3A_37 to %scan3A_39 step %scan3A_40 iter_args(%scan3A_80 = %scan3A_36) -> (i32)  : i32 {
      %mul3A_81 = arith.constant 320 : i32
      %mul3A_82 = arith.muli %arg1, %mul3A_81 : i32
      %mul3A_83 = arith.constant 64 : i32
      %mul3A_84 = arith.muli %scan3A_79, %mul3A_83 : i32
      %add3A_85 = arith.addi %mul3A_82, %mul3A_84 : i32
      "tpu.region"() ({
        %run_scoped3A = tpu.sem_alloc : memref<!tpu.dma_semaphore, #tpu.memory_space<semaphore_mem>>
        %dma_start3A = arith.constant 0 : i32
        %dma_start3A_89 = arith.constant 0 : i32
        %dma_start3A_90 = tpu.memref_slice %arg14[%dma_start3A, %dma_start3A_89] : memref<128x128xf32, #tpu.memory_space<vmem>> -> memref<64x128xf32, #tpu.memory_space<vmem>>
        %dma_start3A_91 = arith.constant 0 : i32
        %dma_start3A_92 = tpu.memref_slice %arg17[%add3A_85, %dma_start3A_91] : memref<5128x128xf32, #tpu.memory_space<vmem_shared>> -> memref<64x128xf32, #tpu.memory_space<vmem_shared>>
        %dma_start3A_93 = arith.constant 0 : i32
        %dma_start3A_94 = arith.constant 0 : i32
        %dma_start3A_95 = tpu.memref_slice %arg14[%dma_start3A_93, %dma_start3A_94] : memref<128x128xf32, #tpu.memory_space<vmem>> -> memref<64x128xf32, #tpu.memory_space<vmem>>
        %dma_start3A_96 = arith.constant 0 : i32
        %dma_start3A_97 = tpu.memref_slice %arg17[%add3A_85, %dma_start3A_96] : memref<5128x128xf32, #tpu.memory_space<vmem_shared>> -> memref<64x128xf32, #tpu.memory_space<vmem_shared>>
        tpu.enqueue_dma source(%dma_start3A_97 : memref<64x128xf32, #tpu.memory_space<vmem_shared>>) target(%dma_start3A_95 : memref<64x128xf32, #tpu.memory_space<vmem>>) target_semaphore(%run_scoped3A : memref<!tpu.dma_semaphore, #tpu.memory_space<semaphore_mem>>)
        %dma_wait3A = arith.constant 0 : i32
        %dma_wait3A_98 = arith.constant 0 : i32
        %dma_wait3A_99 = tpu.memref_slice %arg14[%dma_wait3A, %dma_wait3A_98] : memref<128x128xf32, #tpu.memory_space<vmem>> -> memref<64x128xf32, #tpu.memory_space<vmem>>
        %dma_wait3A_100 = arith.constant 0 : i32
        %dma_wait3A_101 = tpu.memref_slice %arg17[%add3A_85, %dma_wait3A_100] : memref<5128x128xf32, #tpu.memory_space<vmem_shared>> -> memref<64x128xf32, #tpu.memory_space<vmem_shared>>
        %dma_wait3A_102 = arith.constant 0 : i32
        %dma_wait3A_103 = arith.constant 0 : i32
        %dma_wait3A_104 = tpu.memref_slice %arg14[%dma_wait3A_102, %dma_wait3A_103] : memref<128x128xf32, #tpu.memory_space<vmem>> -> memref<64x128xf32, #tpu.memory_space<vmem>>
        %dma_wait3A_105 = arith.constant 0 : i32
        %dma_wait3A_106 = tpu.memref_slice %arg17[%add3A_85, %dma_wait3A_105] : memref<5128x128xf32, #tpu.memory_space<vmem_shared>> -> memref<64x128xf32, #tpu.memory_space<vmem_shared>>
        tpu.wait_dma2 semaphore(%run_scoped3A : memref<!tpu.dma_semaphore, #tpu.memory_space<semaphore_mem>>) src(%dma_wait3A_106 : memref<64x128xf32, #tpu.memory_space<vmem_shared>>) dst(%dma_wait3A_104 : memref<64x128xf32, #tpu.memory_space<vmem>>)
        tpu.yield
      }) : () -> ()
      %add3A_86 = arith.constant 0 : i32
      %add3A_87 = arith.addi %add3A_86, %add3A_85 : i32
      "tpu.region"() ({
        %run_scoped3A = tpu.sem_alloc : memref<!tpu.dma_semaphore, #tpu.memory_space<semaphore_mem>>
        %dma_start3A = arith.constant 0 : i32
        %dma_start3A_89 = arith.constant 0 : i32
        %dma_start3A_90 = tpu.memref_slice %arg14[%dma_start3A, %dma_start3A_89] : memref<128x128xf32, #tpu.memory_space<vmem>> -> memref<64x128xf32, #tpu.memory_space<vmem>>
        %dma_start3A_91 = arith.constant 0 : i32
        %dma_start3A_92 = tpu.memref_slice %arg7[%arg0, %add3A_87, %dma_start3A_91] : memref<2x10240x128xf32, #tpu.memory_space<hbm>> -> memref<1x64x128xf32, #tpu.memory_space<hbm>>
        %dma_start3A_93 = tpu.memref_squeeze %dma_start3A_92 : memref<1x64x128xf32, #tpu.memory_space<hbm>> -> memref<64x128xf32, #tpu.memory_space<hbm>>
        %dma_start3A_94 = arith.constant 0 : i32
        %dma_start3A_95 = tpu.memref_slice %arg7[%arg0, %add3A_87, %dma_start3A_94] : memref<2x10240x128xf32, #tpu.memory_space<hbm>> -> memref<1x64x128xf32, #tpu.memory_space<hbm>>
        %dma_start3A_96 = tpu.memref_squeeze %dma_start3A_95 : memref<1x64x128xf32, #tpu.memory_space<hbm>> -> memref<64x128xf32, #tpu.memory_space<hbm>>
        %dma_start3A_97 = arith.constant 0 : i32
        %dma_start3A_98 = arith.constant 0 : i32
        %dma_start3A_99 = tpu.memref_slice %arg14[%dma_start3A_97, %dma_start3A_98] : memref<128x128xf32, #tpu.memory_space<vmem>> -> memref<64x128xf32, #tpu.memory_space<vmem>>
        tpu.enqueue_dma source(%dma_start3A_99 : memref<64x128xf32, #tpu.memory_space<vmem>>) target(%dma_start3A_96 : memref<64x128xf32, #tpu.memory_space<hbm>>) target_semaphore(%run_scoped3A : memref<!tpu.dma_semaphore, #tpu.memory_space<semaphore_mem>>)
        %dma_wait3A = arith.constant 0 : i32
        %dma_wait3A_100 = arith.constant 0 : i32
        %dma_wait3A_101 = tpu.memref_slice %arg14[%dma_wait3A, %dma_wait3A_100] : memref<128x128xf32, #tpu.memory_space<vmem>> -> memref<64x128xf32, #tpu.memory_space<vmem>>
        %dma_wait3A_102 = arith.constant 0 : i32
        %dma_wait3A_103 = tpu.memref_slice %arg7[%arg0, %add3A_87, %dma_wait3A_102] : memref<2x10240x128xf32, #tpu.memory_space<hbm>> -> memref<1x64x128xf32, #tpu.memory_space<hbm>>
        %dma_wait3A_104 = tpu.memref_squeeze %dma_wait3A_103 : memref<1x64x128xf32, #tpu.memory_space<hbm>> -> memref<64x128xf32, #tpu.memory_space<hbm>>
        %dma_wait3A_105 = arith.constant 0 : i32
        %dma_wait3A_106 = tpu.memref_slice %arg7[%arg0, %add3A_87, %dma_wait3A_105] : memref<2x10240x128xf32, #tpu.memory_space<hbm>> -> memref<1x64x128xf32, #tpu.memory_space<hbm>>
        %dma_wait3A_107 = tpu.memref_squeeze %dma_wait3A_106 : memref<1x64x128xf32, #tpu.memory_space<hbm>> -> memref<64x128xf32, #tpu.memory_space<hbm>>
        %dma_wait3A_108 = arith.constant 0 : i32
        %dma_wait3A_109 = arith.constant 0 : i32
        %dma_wait3A_110 = tpu.memref_slice %arg14[%dma_wait3A_108, %dma_wait3A_109] : memref<128x128xf32, #tpu.memory_space<vmem>> -> memref<64x128xf32, #tpu.memory_space<vmem>>
        tpu.wait_dma2 semaphore(%run_scoped3A : memref<!tpu.dma_semaphore, #tpu.memory_space<semaphore_mem>>) src(%dma_wait3A_110 : memref<64x128xf32, #tpu.memory_space<vmem>>) dst(%dma_wait3A_107 : memref<64x128xf32, #tpu.memory_space<hbm>>)
        tpu.yield
      }) : () -> ()
      %scan3A_88 = arith.constant 0 : i32
      scf.yield %scan3A_88 : i32
    }
    %scan3A_42 = arith.constant 5 : i32
    %lt3A_43 = arith.constant 10 : i32
    %lt3A_44 = arith.cmpi slt, %arg1, %lt3A_43 : i32
    %convert_element_type3A_45 = arith.extui %lt3A_44 : i1 to i32
    %cond3A_46 = arith.constant 0 : i32
    %cond3A_47 = arith.cmpi ne, %convert_element_type3A_45, %cond3A_46 : i32
    scf.if %cond3A_47 {
      %mul3A_79 = arith.constant 16 : i32
      %mul3A_80 = arith.muli %arg1, %mul3A_79 : i32
      "tpu.region"() ({
        %run_scoped3A = tpu.sem_alloc : memref<!tpu.dma_semaphore, #tpu.memory_space<semaphore_mem>>
        %dma_start3A = arith.constant 0 : i32
        %dma_start3A_83 = arith.constant 0 : i32
        %dma_start3A_84 = tpu.memref_slice %arg15[%dma_start3A, %dma_start3A_83] : memref<128x128xf32, #tpu.memory_space<vmem>> -> memref<16x128xf32, #tpu.memory_space<vmem>>
        %dma_start3A_85 = arith.constant 0 : i32
        %dma_start3A_86 = tpu.memref_slice %arg18[%mul3A_80, %dma_start3A_85] : memref<160x128xf32, #tpu.memory_space<vmem_shared>> -> memref<16x128xf32, #tpu.memory_space<vmem_shared>>
        %dma_start3A_87 = arith.constant 0 : i32
        %dma_start3A_88 = arith.constant 0 : i32
        %dma_start3A_89 = tpu.memref_slice %arg15[%dma_start3A_87, %dma_start3A_88] : memref<128x128xf32, #tpu.memory_space<vmem>> -> memref<16x128xf32, #tpu.memory_space<vmem>>
        %dma_start3A_90 = arith.constant 0 : i32
        %dma_start3A_91 = tpu.memref_slice %arg18[%mul3A_80, %dma_start3A_90] : memref<160x128xf32, #tpu.memory_space<vmem_shared>> -> memref<16x128xf32, #tpu.memory_space<vmem_shared>>
        tpu.enqueue_dma source(%dma_start3A_91 : memref<16x128xf32, #tpu.memory_space<vmem_shared>>) target(%dma_start3A_89 : memref<16x128xf32, #tpu.memory_space<vmem>>) target_semaphore(%run_scoped3A : memref<!tpu.dma_semaphore, #tpu.memory_space<semaphore_mem>>)
        %dma_wait3A = arith.constant 0 : i32
        %dma_wait3A_92 = arith.constant 0 : i32
        %dma_wait3A_93 = tpu.memref_slice %arg15[%dma_wait3A, %dma_wait3A_92] : memref<128x128xf32, #tpu.memory_space<vmem>> -> memref<16x128xf32, #tpu.memory_space<vmem>>
        %dma_wait3A_94 = arith.constant 0 : i32
        %dma_wait3A_95 = tpu.memref_slice %arg18[%mul3A_80, %dma_wait3A_94] : memref<160x128xf32, #tpu.memory_space<vmem_shared>> -> memref<16x128xf32, #tpu.memory_space<vmem_shared>>
        %dma_wait3A_96 = arith.constant 0 : i32
        %dma_wait3A_97 = arith.constant 0 : i32
        %dma_wait3A_98 = tpu.memref_slice %arg15[%dma_wait3A_96, %dma_wait3A_97] : memref<128x128xf32, #tpu.memory_space<vmem>> -> memref<16x128xf32, #tpu.memory_space<vmem>>
        %dma_wait3A_99 = arith.constant 0 : i32
        %dma_wait3A_100 = tpu.memref_slice %arg18[%mul3A_80, %dma_wait3A_99] : memref<160x128xf32, #tpu.memory_space<vmem_shared>> -> memref<16x128xf32, #tpu.memory_space<vmem_shared>>
        tpu.wait_dma2 semaphore(%run_scoped3A : memref<!tpu.dma_semaphore, #tpu.memory_space<semaphore_mem>>) src(%dma_wait3A_100 : memref<16x128xf32, #tpu.memory_space<vmem_shared>>) dst(%dma_wait3A_98 : memref<16x128xf32, #tpu.memory_space<vmem>>)
        tpu.yield
      }) : () -> ()
      %mul3A_81 = arith.constant 16 : i32
      %mul3A_82 = arith.muli %arg1, %mul3A_81 : i32
      "tpu.region"() ({
        %run_scoped3A = tpu.sem_alloc : memref<!tpu.dma_semaphore, #tpu.memory_space<semaphore_mem>>
        %dma_start3A = arith.constant 0 : i32
        %dma_start3A_83 = arith.constant 0 : i32
        %dma_start3A_84 = tpu.memref_slice %arg15[%dma_start3A, %dma_start3A_83] : memref<128x128xf32, #tpu.memory_space<vmem>> -> memref<16x128xf32, #tpu.memory_space<vmem>>
        %dma_start3A_85 = arith.constant 0 : i32
        %dma_start3A_86 = tpu.memref_slice %arg8[%arg0, %mul3A_82, %dma_start3A_85] : memref<2x160x128xf32, #tpu.memory_space<hbm>> -> memref<1x16x128xf32, #tpu.memory_space<hbm>>
        %dma_start3A_87 = tpu.memref_squeeze %dma_start3A_86 : memref<1x16x128xf32, #tpu.memory_space<hbm>> -> memref<16x128xf32, #tpu.memory_space<hbm>>
        %dma_start3A_88 = arith.constant 0 : i32
        %dma_start3A_89 = tpu.memref_slice %arg8[%arg0, %mul3A_82, %dma_start3A_88] : memref<2x160x128xf32, #tpu.memory_space<hbm>> -> memref<1x16x128xf32, #tpu.memory_space<hbm>>
        %dma_start3A_90 = tpu.memref_squeeze %dma_start3A_89 : memref<1x16x128xf32, #tpu.memory_space<hbm>> -> memref<16x128xf32, #tpu.memory_space<hbm>>
        %dma_start3A_91 = arith.constant 0 : i32
        %dma_start3A_92 = arith.constant 0 : i32
        %dma_start3A_93 = tpu.memref_slice %arg15[%dma_start3A_91, %dma_start3A_92] : memref<128x128xf32, #tpu.memory_space<vmem>> -> memref<16x128xf32, #tpu.memory_space<vmem>>
        tpu.enqueue_dma source(%dma_start3A_93 : memref<16x128xf32, #tpu.memory_space<vmem>>) target(%dma_start3A_90 : memref<16x128xf32, #tpu.memory_space<hbm>>) target_semaphore(%run_scoped3A : memref<!tpu.dma_semaphore, #tpu.memory_space<semaphore_mem>>)
        %dma_wait3A = arith.constant 0 : i32
        %dma_wait3A_94 = arith.constant 0 : i32
        %dma_wait3A_95 = tpu.memref_slice %arg15[%dma_wait3A, %dma_wait3A_94] : memref<128x128xf32, #tpu.memory_space<vmem>> -> memref<16x128xf32, #tpu.memory_space<vmem>>
        %dma_wait3A_96 = arith.constant 0 : i32
        %dma_wait3A_97 = tpu.memref_slice %arg8[%arg0, %mul3A_82, %dma_wait3A_96] : memref<2x160x128xf32, #tpu.memory_space<hbm>> -> memref<1x16x128xf32, #tpu.memory_space<hbm>>
        %dma_wait3A_98 = tpu.memref_squeeze %dma_wait3A_97 : memref<1x16x128xf32, #tpu.memory_space<hbm>> -> memref<16x128xf32, #tpu.memory_space<hbm>>
        %dma_wait3A_99 = arith.constant 0 : i32
        %dma_wait3A_100 = tpu.memref_slice %arg8[%arg0, %mul3A_82, %dma_wait3A_99] : memref<2x160x128xf32, #tpu.memory_space<hbm>> -> memref<1x16x128xf32, #tpu.memory_space<hbm>>
        %dma_wait3A_101 = tpu.memref_squeeze %dma_wait3A_100 : memref<1x16x128xf32, #tpu.memory_space<hbm>> -> memref<16x128xf32, #tpu.memory_space<hbm>>
        %dma_wait3A_102 = arith.constant 0 : i32
        %dma_wait3A_103 = arith.constant 0 : i32
        %dma_wait3A_104 = tpu.memref_slice %arg15[%dma_wait3A_102, %dma_wait3A_103] : memref<128x128xf32, #tpu.memory_space<vmem>> -> memref<16x128xf32, #tpu.memory_space<vmem>>
        tpu.wait_dma2 semaphore(%run_scoped3A : memref<!tpu.dma_semaphore, #tpu.memory_space<semaphore_mem>>) src(%dma_wait3A_104 : memref<16x128xf32, #tpu.memory_space<vmem>>) dst(%dma_wait3A_101 : memref<16x128xf32, #tpu.memory_space<hbm>>)
        tpu.yield
      }) : () -> ()
    } else {
    }
    %barrier3A_48 = arith.constant 0 : index
    tpu.barrier barrier_id(%barrier3A_48)
    %scan3A_49 = arith.constant 0 : i32
    %scan3A_50 = arith.constant 0 : i32
    %scan3A_51 = arith.constant 128 : i32
    %scan3A_52 = arith.addi %scan3A_50, %scan3A_51 : i32
    %scan3A_53 = arith.constant 1 : i32
    %scan3A_54 = scf.for %scan3A_79 = %scan3A_50 to %scan3A_52 step %scan3A_53 iter_args(%scan3A_80 = %scan3A_49) -> (i32)  : i32 {
      %scan3A_81 = arith.constant 0 : i32
      %scan3A_82 = arith.constant 0 : i32
      %scan3A_83 = arith.constant 8 : i32
      %scan3A_84 = arith.addi %scan3A_82, %scan3A_83 : i32
      %scan3A_85 = arith.constant 1 : i32
      %scan3A_86 = scf.for %scan3A_88 = %scan3A_82 to %scan3A_84 step %scan3A_85 iter_args(%scan3A_89 = %scan3A_81) -> (i32)  : i32 {
        %broadcast_in_dim3A = arith.constant 0.000000e+00 : f32
        %broadcast_in_dim3A_90 = vector.broadcast %broadcast_in_dim3A : f32 to vector<16xf32>
        %mul3A_91 = arith.constant 16 : i32
        %mul3A_92 = arith.muli %scan3A_88, %mul3A_91 : i32
        %swap3A = arith.index_cast %scan3A_79 : i32 to index
        %swap3A_93 = arith.index_cast %mul3A_92 : i32 to index
        %swap3A_94 = tpu.vector_load %arg14[%swap3A, %swap3A_93] {strides = array<i32>} : memref<128x128xf32, #tpu.memory_space<vmem>>, vector<16xf32>,
        tpu.vector_store %arg14[%swap3A, %swap3A_93], %broadcast_in_dim3A_90 {strides = array<i32>} : memref<128x128xf32, #tpu.memory_space<vmem>>, vector<16xf32>,
        %scan3A_95 = arith.constant 0 : i32
        scf.yield %scan3A_95 : i32
      }
      %scan3A_87 = arith.constant 8 : i32
      scf.yield %scan3A_86 : i32
    }
    %scan3A_55 = arith.constant 128 : i32
    %scan3A_56 = arith.constant 0 : i32
    %scan3A_57 = arith.constant 0 : i32
    %scan3A_58 = arith.constant 5 : i32
    %scan3A_59 = arith.addi %scan3A_57, %scan3A_58 : i32
    %scan3A_60 = arith.constant 1 : i32
    %scan3A_61 = scf.for %scan3A_79 = %scan3A_57 to %scan3A_59 step %scan3A_60 iter_args(%scan3A_80 = %scan3A_56) -> (i32)  : i32 {
      %mul3A_81 = arith.constant 320 : i32
      %mul3A_82 = arith.muli %arg1, %mul3A_81 : i32
      %mul3A_83 = arith.constant 64 : i32
      %mul3A_84 = arith.muli %scan3A_79, %mul3A_83 : i32
      %add3A_85 = arith.addi %mul3A_82, %mul3A_84 : i32
      "tpu.region"() ({
        %run_scoped3A = tpu.sem_alloc : memref<!tpu.dma_semaphore, #tpu.memory_space<semaphore_mem>>
        %dma_start3A = arith.constant 0 : i32
        %dma_start3A_87 = arith.constant 0 : i32
        %dma_start3A_88 = tpu.memref_slice %arg14[%dma_start3A, %dma_start3A_87] : memref<128x128xf32, #tpu.memory_space<vmem>> -> memref<64x128xf32, #tpu.memory_space<vmem>>
        %dma_start3A_89 = arith.constant 0 : i32
        %dma_start3A_90 = tpu.memref_slice %arg17[%add3A_85, %dma_start3A_89] : memref<5128x128xf32, #tpu.memory_space<vmem_shared>> -> memref<64x128xf32, #tpu.memory_space<vmem_shared>>
        %dma_start3A_91 = arith.constant 0 : i32
        %dma_start3A_92 = tpu.memref_slice %arg17[%add3A_85, %dma_start3A_91] : memref<5128x128xf32, #tpu.memory_space<vmem_shared>> -> memref<64x128xf32, #tpu.memory_space<vmem_shared>>
        %dma_start3A_93 = arith.constant 0 : i32
        %dma_start3A_94 = arith.constant 0 : i32
        %dma_start3A_95 = tpu.memref_slice %arg14[%dma_start3A_93, %dma_start3A_94] : memref<128x128xf32, #tpu.memory_space<vmem>> -> memref<64x128xf32, #tpu.memory_space<vmem>>
        tpu.enqueue_dma source(%dma_start3A_95 : memref<64x128xf32, #tpu.memory_space<vmem>>) target(%dma_start3A_92 : memref<64x128xf32, #tpu.memory_space<vmem_shared>>) target_semaphore(%run_scoped3A : memref<!tpu.dma_semaphore, #tpu.memory_space<semaphore_mem>>)
        %dma_wait3A = arith.constant 0 : i32
        %dma_wait3A_96 = arith.constant 0 : i32
        %dma_wait3A_97 = tpu.memref_slice %arg14[%dma_wait3A, %dma_wait3A_96] : memref<128x128xf32, #tpu.memory_space<vmem>> -> memref<64x128xf32, #tpu.memory_space<vmem>>
        %dma_wait3A_98 = arith.constant 0 : i32
        %dma_wait3A_99 = tpu.memref_slice %arg17[%add3A_85, %dma_wait3A_98] : memref<5128x128xf32, #tpu.memory_space<vmem_shared>> -> memref<64x128xf32, #tpu.memory_space<vmem_shared>>
        %dma_wait3A_100 = arith.constant 0 : i32
        %dma_wait3A_101 = tpu.memref_slice %arg17[%add3A_85, %dma_wait3A_100] : memref<5128x128xf32, #tpu.memory_space<vmem_shared>> -> memref<64x128xf32, #tpu.memory_space<vmem_shared>>
        %dma_wait3A_102 = arith.constant 0 : i32
        %dma_wait3A_103 = arith.constant 0 : i32
        %dma_wait3A_104 = tpu.memref_slice %arg14[%dma_wait3A_102, %dma_wait3A_103] : memref<128x128xf32, #tpu.memory_space<vmem>> -> memref<64x128xf32, #tpu.memory_space<vmem>>
        tpu.wait_dma2 semaphore(%run_scoped3A : memref<!tpu.dma_semaphore, #tpu.memory_space<semaphore_mem>>) src(%dma_wait3A_104 : memref<64x128xf32, #tpu.memory_space<vmem>>) dst(%dma_wait3A_101 : memref<64x128xf32, #tpu.memory_space<vmem_shared>>)
        tpu.yield
      }) : () -> ()
      %scan3A_86 = arith.constant 0 : i32
      scf.yield %scan3A_86 : i32
    }
    %scan3A_62 = arith.constant 5 : i32
    %barrier3A_63 = arith.constant 0 : index
    tpu.barrier barrier_id(%barrier3A_63)
    %scan3A_64 = arith.constant 0 : i32
    %scan3A_65 = arith.constant 0 : i32
    %scan3A_66 = arith.constant 81 : i32
    %scan3A_67 = arith.addi %scan3A_65, %scan3A_66 : i32
    %scan3A_68 = arith.constant 1 : i32
    %scan3A_69 = scf.for %scan3A_79 = %scan3A_65 to %scan3A_67 step %scan3A_68 iter_args(%scan3A_80 = %scan3A_64) -> (i32)  : i32 {
      %mul3A_81 = arith.constant 128 : i32
      %mul3A_82 = arith.muli %scan3A_79, %mul3A_81 : i32
      %add3A_83 = arith.addi %add3A_12, %mul3A_82 : i32
      "tpu.region"() ({
        %run_scoped3A = tpu.sem_alloc : memref<!tpu.dma_semaphore, #tpu.memory_space<semaphore_mem>>
        %dma_start3A_429 = tpu.memref_slice %arg2[%add3A_83] : memref<331776xi32, #tpu.memory_space<hbm>> -> memref<128xi32, #tpu.memory_space<hbm>>
        %dma_start3A_430 = tpu.memref_slice %arg2[%add3A_83] : memref<331776xi32, #tpu.memory_space<hbm>> -> memref<128xi32, #tpu.memory_space<hbm>>
        tpu.enqueue_dma source(%dma_start3A_430 : memref<128xi32, #tpu.memory_space<hbm>>) target(%arg11 : memref<128xi32, #tpu.memory_space<vmem>>) target_semaphore(%run_scoped3A : memref<!tpu.dma_semaphore, #tpu.memory_space<semaphore_mem>>)
        %dma_wait3A_431 = tpu.memref_slice %arg2[%add3A_83] : memref<331776xi32, #tpu.memory_space<hbm>> -> memref<128xi32, #tpu.memory_space<hbm>>
        %dma_wait3A_432 = tpu.memref_slice %arg2[%add3A_83] : memref<331776xi32, #tpu.memory_space<hbm>> -> memref<128xi32, #tpu.memory_space<hbm>>
        tpu.wait_dma2 semaphore(%run_scoped3A : memref<!tpu.dma_semaphore, #tpu.memory_space<semaphore_mem>>) src(%dma_wait3A_432 : memref<128xi32, #tpu.memory_space<hbm>>) dst(%arg11 : memref<128xi32, #tpu.memory_space<vmem>>)
        tpu.yield
      }) : () -> ()
      "tpu.region"() ({
        %run_scoped3A = tpu.sem_alloc : memref<!tpu.dma_semaphore, #tpu.memory_space<semaphore_mem>>
        %dma_start3A_429 = tpu.memref_slice %arg3[%add3A_83] : memref<331776xi32, #tpu.memory_space<hbm>> -> memref<128xi32, #tpu.memory_space<hbm>>
        %dma_start3A_430 = tpu.memref_slice %arg3[%add3A_83] : memref<331776xi32, #tpu.memory_space<hbm>> -> memref<128xi32, #tpu.memory_space<hbm>>
        tpu.enqueue_dma source(%dma_start3A_430 : memref<128xi32, #tpu.memory_space<hbm>>) target(%arg12 : memref<128xi32, #tpu.memory_space<vmem>>) target_semaphore(%run_scoped3A : memref<!tpu.dma_semaphore, #tpu.memory_space<semaphore_mem>>)
        %dma_wait3A_431 = tpu.memref_slice %arg3[%add3A_83] : memref<331776xi32, #tpu.memory_space<hbm>> -> memref<128xi32, #tpu.memory_space<hbm>>
        %dma_wait3A_432 = tpu.memref_slice %arg3[%add3A_83] : memref<331776xi32, #tpu.memory_space<hbm>> -> memref<128xi32, #tpu.memory_space<hbm>>
        tpu.wait_dma2 semaphore(%run_scoped3A : memref<!tpu.dma_semaphore, #tpu.memory_space<semaphore_mem>>) src(%dma_wait3A_432 : memref<128xi32, #tpu.memory_space<hbm>>) dst(%arg12 : memref<128xi32, #tpu.memory_space<vmem>>)
        tpu.yield
      }) : () -> ()
      %dma_start3A = arith.constant 0 : i32
      %dma_start3A_84 = arith.constant 0 : i32
      %dma_start3A_85 = tpu.memref_slice %arg4[%dma_start3A, %dma_start3A_84] : memref<10240x128xf32, #tpu.memory_space<hbm>> -> memref<10240x128xf32, #tpu.memory_space<hbm>>
      tpu.enqueue_indirect_dma source(%dma_start3A_85 : memref<10240x128xf32, #tpu.memory_space<hbm>>) target(%arg14 : memref<128x128xf32, #tpu.memory_space<vmem>>) offsets(%arg11 : memref<128xi32, #tpu.memory_space<vmem>>) semaphore(%arg19 : memref<!tpu.dma_semaphore, #tpu.memory_space<semaphore_mem>>)
      %get3A = arith.constant 0 : index
      %get3A_86 = tpu.vector_load %arg11[%get3A] {strides = array<i32>} : memref<128xi32, #tpu.memory_space<vmem>>, vector<16xi32>,
      %sub3A = arith.constant 0 : i32
      %sub3A_87 = vector.broadcast %sub3A : i32 to vector<16xi32>
      %sub3A_88 = arith.subi %get3A_86, %sub3A_87 : vector<16xi32>
      %get3A_89 = arith.constant 0 : index
      %get3A_90 = tpu.vector_load %arg12[%get3A_89] {strides = array<i32>} : memref<128xi32, #tpu.memory_space<vmem>>, vector<16xi32>,
      %add3A_91 = arith.constant 0 : i32
      %add3A_92 = vector.broadcast %add3A_91 : i32 to vector<16xi32>
      %add3A_93 = arith.addi %sub3A_88, %add3A_92 : vector<16xi32>
      %gather3A = tpu.vector_load_idx %arg9[%add3A_93] : memref<10240xf32, #tpu.memory_space<vmem>>[vector<16xi32>], vector<16xf32>,
      %add3A_94 = arith.constant 0 : i32
      %add3A_95 = vector.broadcast %add3A_94 : i32 to vector<16xi32>
      %add3A_96 = arith.addi %get3A_90, %add3A_95 : vector<16xi32>
      %gather3A_97 = tpu.vector_load_idx %arg10[%add3A_96] : memref<10240xf32, #tpu.memory_space<vmem>>[vector<16xi32>], vector<16xf32>,
      %add3A_98 = arith.addf %gather3A, %gather3A_97 : vector<16xf32>
      %gt3A = arith.constant 0.000000e+00 : f32
      %gt3A_99 = vector.broadcast %gt3A : f32 to vector<16xf32>
      %gt3A_100 = arith.cmpf ogt, %add3A_98, %gt3A_99 : vector<16xf32>
      %mul3A_101 = arith.constant 2.000000e-01 : f32
      %mul3A_102 = vector.broadcast %mul3A_101 : f32 to vector<16xf32>
      %mul3A_103 = arith.mulf %add3A_98, %mul3A_102 : vector<16xf32>
      %select_n3A = arith.select %gt3A_100, %add3A_98, %mul3A_103 : vector<16xi1>, vector<16xf32>
      %exp3A = math.exp %select_n3A : vector<16xf32>
      %swap3A = arith.constant 0 : index
      %swap3A_104 = tpu.vector_load %arg16[%swap3A] {strides = array<i32>} : memref<128xf32, #tpu.memory_space<vmem>>, vector<16xf32>,
      tpu.vector_store %arg16[%swap3A], %exp3A {strides = array<i32>} : memref<128xf32, #tpu.memory_space<vmem>>, vector<16xf32>,
      %get3A_105 = arith.constant 16 : index
      %get3A_106 = tpu.vector_load %arg11[%get3A_105] {strides = array<i32>} : memref<128xi32, #tpu.memory_space<vmem>>, vector<16xi32>,
      %sub3A_107 = arith.constant 0 : i32
      %sub3A_108 = vector.broadcast %sub3A_107 : i32 to vector<16xi32>
      %sub3A_109 = arith.subi %get3A_106, %sub3A_108 : vector<16xi32>
      %get3A_110 = arith.constant 16 : index
      %get3A_111 = tpu.vector_load %arg12[%get3A_110] {strides = array<i32>} : memref<128xi32, #tpu.memory_space<vmem>>, vector<16xi32>,
      %add3A_112 = arith.constant 0 : i32
      %add3A_113 = vector.broadcast %add3A_112 : i32 to vector<16xi32>
      %add3A_114 = arith.addi %sub3A_109, %add3A_113 : vector<16xi32>
      %gather3A_115 = tpu.vector_load_idx %arg9[%add3A_114] : memref<10240xf32, #tpu.memory_space<vmem>>[vector<16xi32>], vector<16xf32>,
      %add3A_116 = arith.constant 0 : i32
      %add3A_117 = vector.broadcast %add3A_116 : i32 to vector<16xi32>
      %add3A_118 = arith.addi %get3A_111, %add3A_117 : vector<16xi32>
      %gather3A_119 = tpu.vector_load_idx %arg10[%add3A_118] : memref<10240xf32, #tpu.memory_space<vmem>>[vector<16xi32>], vector<16xf32>,
      %add3A_120 = arith.addf %gather3A_115, %gather3A_119 : vector<16xf32>
      %gt3A_121 = arith.constant 0.000000e+00 : f32
      %gt3A_122 = vector.broadcast %gt3A_121 : f32 to vector<16xf32>
      %gt3A_123 = arith.cmpf ogt, %add3A_120, %gt3A_122 : vector<16xf32>
      %mul3A_124 = arith.constant 2.000000e-01 : f32
      %mul3A_125 = vector.broadcast %mul3A_124 : f32 to vector<16xf32>
      %mul3A_126 = arith.mulf %add3A_120, %mul3A_125 : vector<16xf32>
      %select_n3A_127 = arith.select %gt3A_123, %add3A_120, %mul3A_126 : vector<16xi1>, vector<16xf32>
      %exp3A_128 = math.exp %select_n3A_127 : vector<16xf32>
      %swap3A_129 = arith.constant 16 : index
      %swap3A_130 = tpu.vector_load %arg16[%swap3A_129] {strides = array<i32>} : memref<128xf32, #tpu.memory_space<vmem>>, vector<16xf32>,
      tpu.vector_store %arg16[%swap3A_129], %exp3A_128 {strides = array<i32>} : memref<128xf32, #tpu.memory_space<vmem>>, vector<16xf32>,
      %get3A_131 = arith.constant 32 : index
      %get3A_132 = tpu.vector_load %arg11[%get3A_131] {strides = array<i32>} : memref<128xi32, #tpu.memory_space<vmem>>, vector<16xi32>,
      %sub3A_133 = arith.constant 0 : i32
      %sub3A_134 = vector.broadcast %sub3A_133 : i32 to vector<16xi32>
      %sub3A_135 = arith.subi %get3A_132, %sub3A_134 : vector<16xi32>
      %get3A_136 = arith.constant 32 : index
      %get3A_137 = tpu.vector_load %arg12[%get3A_136] {strides = array<i32>} : memref<128xi32, #tpu.memory_space<vmem>>, vector<16xi32>,
      %add3A_138 = arith.constant 0 : i32
      %add3A_139 = vector.broadcast %add3A_138 : i32 to vector<16xi32>
      %add3A_140 = arith.addi %sub3A_135, %add3A_139 : vector<16xi32>
      %gather3A_141 = tpu.vector_load_idx %arg9[%add3A_140] : memref<10240xf32, #tpu.memory_space<vmem>>[vector<16xi32>], vector<16xf32>,
      %add3A_142 = arith.constant 0 : i32
      %add3A_143 = vector.broadcast %add3A_142 : i32 to vector<16xi32>
      %add3A_144 = arith.addi %get3A_137, %add3A_143 : vector<16xi32>
      %gather3A_145 = tpu.vector_load_idx %arg10[%add3A_144] : memref<10240xf32, #tpu.memory_space<vmem>>[vector<16xi32>], vector<16xf32>,
      %add3A_146 = arith.addf %gather3A_141, %gather3A_145 : vector<16xf32>
      %gt3A_147 = arith.constant 0.000000e+00 : f32
      %gt3A_148 = vector.broadcast %gt3A_147 : f32 to vector<16xf32>
      %gt3A_149 = arith.cmpf ogt, %add3A_146, %gt3A_148 : vector<16xf32>
      %mul3A_150 = arith.constant 2.000000e-01 : f32
      %mul3A_151 = vector.broadcast %mul3A_150 : f32 to vector<16xf32>
      %mul3A_152 = arith.mulf %add3A_146, %mul3A_151 : vector<16xf32>
      %select_n3A_153 = arith.select %gt3A_149, %add3A_146, %mul3A_152 : vector<16xi1>, vector<16xf32>
      %exp3A_154 = math.exp %select_n3A_153 : vector<16xf32>
      %swap3A_155 = arith.constant 32 : index
      %swap3A_156 = tpu.vector_load %arg16[%swap3A_155] {strides = array<i32>} : memref<128xf32, #tpu.memory_space<vmem>>, vector<16xf32>,
      tpu.vector_store %arg16[%swap3A_155], %exp3A_154 {strides = array<i32>} : memref<128xf32, #tpu.memory_space<vmem>>, vector<16xf32>,
      %get3A_157 = arith.constant 48 : index
      %get3A_158 = tpu.vector_load %arg11[%get3A_157] {strides = array<i32>} : memref<128xi32, #tpu.memory_space<vmem>>, vector<16xi32>,
      %sub3A_159 = arith.constant 0 : i32
      %sub3A_160 = vector.broadcast %sub3A_159 : i32 to vector<16xi32>
      %sub3A_161 = arith.subi %get3A_158, %sub3A_160 : vector<16xi32>
      %get3A_162 = arith.constant 48 : index
      %get3A_163 = tpu.vector_load %arg12[%get3A_162] {strides = array<i32>} : memref<128xi32, #tpu.memory_space<vmem>>, vector<16xi32>,
      %add3A_164 = arith.constant 0 : i32
      %add3A_165 = vector.broadcast %add3A_164 : i32 to vector<16xi32>
      %add3A_166 = arith.addi %sub3A_161, %add3A_165 : vector<16xi32>
      %gather3A_167 = tpu.vector_load_idx %arg9[%add3A_166] : memref<10240xf32, #tpu.memory_space<vmem>>[vector<16xi32>], vector<16xf32>,
      %add3A_168 = arith.constant 0 : i32
      %add3A_169 = vector.broadcast %add3A_168 : i32 to vector<16xi32>
      %add3A_170 = arith.addi %get3A_163, %add3A_169 : vector<16xi32>
      %gather3A_171 = tpu.vector_load_idx %arg10[%add3A_170] : memref<10240xf32, #tpu.memory_space<vmem>>[vector<16xi32>], vector<16xf32>,
      %add3A_172 = arith.addf %gather3A_167, %gather3A_171 : vector<16xf32>
      %gt3A_173 = arith.constant 0.000000e+00 : f32
      %gt3A_174 = vector.broadcast %gt3A_173 : f32 to vector<16xf32>
      %gt3A_175 = arith.cmpf ogt, %add3A_172, %gt3A_174 : vector<16xf32>
      %mul3A_176 = arith.constant 2.000000e-01 : f32
      %mul3A_177 = vector.broadcast %mul3A_176 : f32 to vector<16xf32>
      %mul3A_178 = arith.mulf %add3A_172, %mul3A_177 : vector<16xf32>
      %select_n3A_179 = arith.select %gt3A_175, %add3A_172, %mul3A_178 : vector<16xi1>, vector<16xf32>
      %exp3A_180 = math.exp %select_n3A_179 : vector<16xf32>
      %swap3A_181 = arith.constant 48 : index
      %swap3A_182 = tpu.vector_load %arg16[%swap3A_181] {strides = array<i32>} : memref<128xf32, #tpu.memory_space<vmem>>, vector<16xf32>,
      tpu.vector_store %arg16[%swap3A_181], %exp3A_180 {strides = array<i32>} : memref<128xf32, #tpu.memory_space<vmem>>, vector<16xf32>,
      %get3A_183 = arith.constant 64 : index
      %get3A_184 = tpu.vector_load %arg11[%get3A_183] {strides = array<i32>} : memref<128xi32, #tpu.memory_space<vmem>>, vector<16xi32>,
      %sub3A_185 = arith.constant 0 : i32
      %sub3A_186 = vector.broadcast %sub3A_185 : i32 to vector<16xi32>
      %sub3A_187 = arith.subi %get3A_184, %sub3A_186 : vector<16xi32>
      %get3A_188 = arith.constant 64 : index
      %get3A_189 = tpu.vector_load %arg12[%get3A_188] {strides = array<i32>} : memref<128xi32, #tpu.memory_space<vmem>>, vector<16xi32>,
      %add3A_190 = arith.constant 0 : i32
      %add3A_191 = vector.broadcast %add3A_190 : i32 to vector<16xi32>
      %add3A_192 = arith.addi %sub3A_187, %add3A_191 : vector<16xi32>
      %gather3A_193 = tpu.vector_load_idx %arg9[%add3A_192] : memref<10240xf32, #tpu.memory_space<vmem>>[vector<16xi32>], vector<16xf32>,
      %add3A_194 = arith.constant 0 : i32
      %add3A_195 = vector.broadcast %add3A_194 : i32 to vector<16xi32>
      %add3A_196 = arith.addi %get3A_189, %add3A_195 : vector<16xi32>
      %gather3A_197 = tpu.vector_load_idx %arg10[%add3A_196] : memref<10240xf32, #tpu.memory_space<vmem>>[vector<16xi32>], vector<16xf32>,
      %add3A_198 = arith.addf %gather3A_193, %gather3A_197 : vector<16xf32>
      %gt3A_199 = arith.constant 0.000000e+00 : f32
      %gt3A_200 = vector.broadcast %gt3A_199 : f32 to vector<16xf32>
      %gt3A_201 = arith.cmpf ogt, %add3A_198, %gt3A_200 : vector<16xf32>
      %mul3A_202 = arith.constant 2.000000e-01 : f32
      %mul3A_203 = vector.broadcast %mul3A_202 : f32 to vector<16xf32>
      %mul3A_204 = arith.mulf %add3A_198, %mul3A_203 : vector<16xf32>
      %select_n3A_205 = arith.select %gt3A_201, %add3A_198, %mul3A_204 : vector<16xi1>, vector<16xf32>
      %exp3A_206 = math.exp %select_n3A_205 : vector<16xf32>
      %swap3A_207 = arith.constant 64 : index
      %swap3A_208 = tpu.vector_load %arg16[%swap3A_207] {strides = array<i32>} : memref<128xf32, #tpu.memory_space<vmem>>, vector<16xf32>,
      tpu.vector_store %arg16[%swap3A_207], %exp3A_206 {strides = array<i32>} : memref<128xf32, #tpu.memory_space<vmem>>, vector<16xf32>,
      %get3A_209 = arith.constant 80 : index
      %get3A_210 = tpu.vector_load %arg11[%get3A_209] {strides = array<i32>} : memref<128xi32, #tpu.memory_space<vmem>>, vector<16xi32>,
      %sub3A_211 = arith.constant 0 : i32
      %sub3A_212 = vector.broadcast %sub3A_211 : i32 to vector<16xi32>
      %sub3A_213 = arith.subi %get3A_210, %sub3A_212 : vector<16xi32>
      %get3A_214 = arith.constant 80 : index
      %get3A_215 = tpu.vector_load %arg12[%get3A_214] {strides = array<i32>} : memref<128xi32, #tpu.memory_space<vmem>>, vector<16xi32>,
      %add3A_216 = arith.constant 0 : i32
      %add3A_217 = vector.broadcast %add3A_216 : i32 to vector<16xi32>
      %add3A_218 = arith.addi %sub3A_213, %add3A_217 : vector<16xi32>
      %gather3A_219 = tpu.vector_load_idx %arg9[%add3A_218] : memref<10240xf32, #tpu.memory_space<vmem>>[vector<16xi32>], vector<16xf32>,
      %add3A_220 = arith.constant 0 : i32
      %add3A_221 = vector.broadcast %add3A_220 : i32 to vector<16xi32>
      %add3A_222 = arith.addi %get3A_215, %add3A_221 : vector<16xi32>
      %gather3A_223 = tpu.vector_load_idx %arg10[%add3A_222] : memref<10240xf32, #tpu.memory_space<vmem>>[vector<16xi32>], vector<16xf32>,
      %add3A_224 = arith.addf %gather3A_219, %gather3A_223 : vector<16xf32>
      %gt3A_225 = arith.constant 0.000000e+00 : f32
      %gt3A_226 = vector.broadcast %gt3A_225 : f32 to vector<16xf32>
      %gt3A_227 = arith.cmpf ogt, %add3A_224, %gt3A_226 : vector<16xf32>
      %mul3A_228 = arith.constant 2.000000e-01 : f32
      %mul3A_229 = vector.broadcast %mul3A_228 : f32 to vector<16xf32>
      %mul3A_230 = arith.mulf %add3A_224, %mul3A_229 : vector<16xf32>
      %select_n3A_231 = arith.select %gt3A_227, %add3A_224, %mul3A_230 : vector<16xi1>, vector<16xf32>
      %exp3A_232 = math.exp %select_n3A_231 : vector<16xf32>
      %swap3A_233 = arith.constant 80 : index
      %swap3A_234 = tpu.vector_load %arg16[%swap3A_233] {strides = array<i32>} : memref<128xf32, #tpu.memory_space<vmem>>, vector<16xf32>,
      tpu.vector_store %arg16[%swap3A_233], %exp3A_232 {strides = array<i32>} : memref<128xf32, #tpu.memory_space<vmem>>, vector<16xf32>,
      %get3A_235 = arith.constant 96 : index
      %get3A_236 = tpu.vector_load %arg11[%get3A_235] {strides = array<i32>} : memref<128xi32, #tpu.memory_space<vmem>>, vector<16xi32>,
      %sub3A_237 = arith.constant 0 : i32
      %sub3A_238 = vector.broadcast %sub3A_237 : i32 to vector<16xi32>
      %sub3A_239 = arith.subi %get3A_236, %sub3A_238 : vector<16xi32>
      %get3A_240 = arith.constant 96 : index
      %get3A_241 = tpu.vector_load %arg12[%get3A_240] {strides = array<i32>} : memref<128xi32, #tpu.memory_space<vmem>>, vector<16xi32>,
      %add3A_242 = arith.constant 0 : i32
      %add3A_243 = vector.broadcast %add3A_242 : i32 to vector<16xi32>
      %add3A_244 = arith.addi %sub3A_239, %add3A_243 : vector<16xi32>
      %gather3A_245 = tpu.vector_load_idx %arg9[%add3A_244] : memref<10240xf32, #tpu.memory_space<vmem>>[vector<16xi32>], vector<16xf32>,
      %add3A_246 = arith.constant 0 : i32
      %add3A_247 = vector.broadcast %add3A_246 : i32 to vector<16xi32>
      %add3A_248 = arith.addi %get3A_241, %add3A_247 : vector<16xi32>
      %gather3A_249 = tpu.vector_load_idx %arg10[%add3A_248] : memref<10240xf32, #tpu.memory_space<vmem>>[vector<16xi32>], vector<16xf32>,
      %add3A_250 = arith.addf %gather3A_245, %gather3A_249 : vector<16xf32>
      %gt3A_251 = arith.constant 0.000000e+00 : f32
      %gt3A_252 = vector.broadcast %gt3A_251 : f32 to vector<16xf32>
      %gt3A_253 = arith.cmpf ogt, %add3A_250, %gt3A_252 : vector<16xf32>
      %mul3A_254 = arith.constant 2.000000e-01 : f32
      %mul3A_255 = vector.broadcast %mul3A_254 : f32 to vector<16xf32>
      %mul3A_256 = arith.mulf %add3A_250, %mul3A_255 : vector<16xf32>
      %select_n3A_257 = arith.select %gt3A_253, %add3A_250, %mul3A_256 : vector<16xi1>, vector<16xf32>
      %exp3A_258 = math.exp %select_n3A_257 : vector<16xf32>
      %swap3A_259 = arith.constant 96 : index
      %swap3A_260 = tpu.vector_load %arg16[%swap3A_259] {strides = array<i32>} : memref<128xf32, #tpu.memory_space<vmem>>, vector<16xf32>,
      tpu.vector_store %arg16[%swap3A_259], %exp3A_258 {strides = array<i32>} : memref<128xf32, #tpu.memory_space<vmem>>, vector<16xf32>,
      %get3A_261 = arith.constant 112 : index
      %get3A_262 = tpu.vector_load %arg11[%get3A_261] {strides = array<i32>} : memref<128xi32, #tpu.memory_space<vmem>>, vector<16xi32>,
      %sub3A_263 = arith.constant 0 : i32
      %sub3A_264 = vector.broadcast %sub3A_263 : i32 to vector<16xi32>
      %sub3A_265 = arith.subi %get3A_262, %sub3A_264 : vector<16xi32>
      %get3A_266 = arith.constant 112 : index
      %get3A_267 = tpu.vector_load %arg12[%get3A_266] {strides = array<i32>} : memref<128xi32, #tpu.memory_space<vmem>>, vector<16xi32>,
      %add3A_268 = arith.constant 0 : i32
      %add3A_269 = vector.broadcast %add3A_268 : i32 to vector<16xi32>
      %add3A_270 = arith.addi %sub3A_265, %add3A_269 : vector<16xi32>
      %gather3A_271 = tpu.vector_load_idx %arg9[%add3A_270] : memref<10240xf32, #tpu.memory_space<vmem>>[vector<16xi32>], vector<16xf32>,
      %add3A_272 = arith.constant 0 : i32
      %add3A_273 = vector.broadcast %add3A_272 : i32 to vector<16xi32>
      %add3A_274 = arith.addi %get3A_267, %add3A_273 : vector<16xi32>
      %gather3A_275 = tpu.vector_load_idx %arg10[%add3A_274] : memref<10240xf32, #tpu.memory_space<vmem>>[vector<16xi32>], vector<16xf32>,
      %add3A_276 = arith.addf %gather3A_271, %gather3A_275 : vector<16xf32>
      %gt3A_277 = arith.constant 0.000000e+00 : f32
      %gt3A_278 = vector.broadcast %gt3A_277 : f32 to vector<16xf32>
      %gt3A_279 = arith.cmpf ogt, %add3A_276, %gt3A_278 : vector<16xf32>
      %mul3A_280 = arith.constant 2.000000e-01 : f32
      %mul3A_281 = vector.broadcast %mul3A_280 : f32 to vector<16xf32>
      %mul3A_282 = arith.mulf %add3A_276, %mul3A_281 : vector<16xf32>
      %select_n3A_283 = arith.select %gt3A_279, %add3A_276, %mul3A_282 : vector<16xi1>, vector<16xf32>
      %exp3A_284 = math.exp %select_n3A_283 : vector<16xf32>
      %swap3A_285 = arith.constant 112 : index
      %swap3A_286 = tpu.vector_load %arg16[%swap3A_285] {strides = array<i32>} : memref<128xf32, #tpu.memory_space<vmem>>, vector<16xf32>,
      tpu.vector_store %arg16[%swap3A_285], %exp3A_284 {strides = array<i32>} : memref<128xf32, #tpu.memory_space<vmem>>, vector<16xf32>,
      %get3A_287 = arith.constant 0 : index
      %get3A_288 = tpu.vector_load %arg12[%get3A_287] {strides = array<i32>} : memref<128xi32, #tpu.memory_space<vmem>>, vector<16xi32>,
      %sub3A_289 = arith.constant 5120 : i32
      %sub3A_290 = vector.broadcast %sub3A_289 : i32 to vector<16xi32>
      %sub3A_291 = arith.subi %get3A_288, %sub3A_290 : vector<16xi32>
      %ge3A = arith.constant 0 : i32
      %ge3A_292 = vector.broadcast %ge3A : i32 to vector<16xi32>
      %ge3A_293 = arith.cmpi sge, %sub3A_291, %ge3A_292 : vector<16xi32>
      %lt3A_294 = arith.constant 5120 : i32
      %lt3A_295 = vector.broadcast %lt3A_294 : i32 to vector<16xi32>
      %lt3A_296 = arith.cmpi slt, %sub3A_291, %lt3A_295 : vector<16xi32>
      %and3A = arith.andi %ge3A_293, %lt3A_296 : vector<16xi1>
      %jit3A = arith.constant 5120 : i32
      %broadcast_in_dim3A = vector.broadcast %jit3A : i32 to vector<16xi32>
      %select_n3A_297 = arith.select %and3A, %sub3A_291, %broadcast_in_dim3A : vector<16xi1>, vector<16xi32>
      %swap3A_298 = arith.constant 0 : index
      %swap3A_299 = tpu.vector_load %arg12[%swap3A_298] {strides = array<i32>} : memref<128xi32, #tpu.memory_space<vmem>>, vector<16xi32>,
      tpu.vector_store %arg12[%swap3A_298], %select_n3A_297 {strides = array<i32>} : memref<128xi32, #tpu.memory_space<vmem>>, vector<16xi32>,
      %get3A_300 = arith.constant 16 : index
      %get3A_301 = tpu.vector_load %arg12[%get3A_300] {strides = array<i32>} : memref<128xi32, #tpu.memory_space<vmem>>, vector<16xi32>,
      %sub3A_302 = arith.constant 5120 : i32
      %sub3A_303 = vector.broadcast %sub3A_302 : i32 to vector<16xi32>
      %sub3A_304 = arith.subi %get3A_301, %sub3A_303 : vector<16xi32>
      %ge3A_305 = arith.constant 0 : i32
      %ge3A_306 = vector.broadcast %ge3A_305 : i32 to vector<16xi32>
      %ge3A_307 = arith.cmpi sge, %sub3A_304, %ge3A_306 : vector<16xi32>
      %lt3A_308 = arith.constant 5120 : i32
      %lt3A_309 = vector.broadcast %lt3A_308 : i32 to vector<16xi32>
      %lt3A_310 = arith.cmpi slt, %sub3A_304, %lt3A_309 : vector<16xi32>
      %and3A_311 = arith.andi %ge3A_307, %lt3A_310 : vector<16xi1>
      %jit3A_312 = arith.constant 5120 : i32
      %broadcast_in_dim3A_313 = vector.broadcast %jit3A_312 : i32 to vector<16xi32>
      %select_n3A_314 = arith.select %and3A_311, %sub3A_304, %broadcast_in_dim3A_313 : vector<16xi1>, vector<16xi32>
      %swap3A_315 = arith.constant 16 : index
      %swap3A_316 = tpu.vector_load %arg12[%swap3A_315] {strides = array<i32>} : memref<128xi32, #tpu.memory_space<vmem>>, vector<16xi32>,
      tpu.vector_store %arg12[%swap3A_315], %select_n3A_314 {strides = array<i32>} : memref<128xi32, #tpu.memory_space<vmem>>, vector<16xi32>,
      %get3A_317 = arith.constant 32 : index
      %get3A_318 = tpu.vector_load %arg12[%get3A_317] {strides = array<i32>} : memref<128xi32, #tpu.memory_space<vmem>>, vector<16xi32>,
      %sub3A_319 = arith.constant 5120 : i32
      %sub3A_320 = vector.broadcast %sub3A_319 : i32 to vector<16xi32>
      %sub3A_321 = arith.subi %get3A_318, %sub3A_320 : vector<16xi32>
      %ge3A_322 = arith.constant 0 : i32
      %ge3A_323 = vector.broadcast %ge3A_322 : i32 to vector<16xi32>
      %ge3A_324 = arith.cmpi sge, %sub3A_321, %ge3A_323 : vector<16xi32>
      %lt3A_325 = arith.constant 5120 : i32
      %lt3A_326 = vector.broadcast %lt3A_325 : i32 to vector<16xi32>
      %lt3A_327 = arith.cmpi slt, %sub3A_321, %lt3A_326 : vector<16xi32>
      %and3A_328 = arith.andi %ge3A_324, %lt3A_327 : vector<16xi1>
      %jit3A_329 = arith.constant 5120 : i32
      %broadcast_in_dim3A_330 = vector.broadcast %jit3A_329 : i32 to vector<16xi32>
      %select_n3A_331 = arith.select %and3A_328, %sub3A_321, %broadcast_in_dim3A_330 : vector<16xi1>, vector<16xi32>
      %swap3A_332 = arith.constant 32 : index
      %swap3A_333 = tpu.vector_load %arg12[%swap3A_332] {strides = array<i32>} : memref<128xi32, #tpu.memory_space<vmem>>, vector<16xi32>,
      tpu.vector_store %arg12[%swap3A_332], %select_n3A_331 {strides = array<i32>} : memref<128xi32, #tpu.memory_space<vmem>>, vector<16xi32>,
      %get3A_334 = arith.constant 48 : index
      %get3A_335 = tpu.vector_load %arg12[%get3A_334] {strides = array<i32>} : memref<128xi32, #tpu.memory_space<vmem>>, vector<16xi32>,
      %sub3A_336 = arith.constant 5120 : i32
      %sub3A_337 = vector.broadcast %sub3A_336 : i32 to vector<16xi32>
      %sub3A_338 = arith.subi %get3A_335, %sub3A_337 : vector<16xi32>
      %ge3A_339 = arith.constant 0 : i32
      %ge3A_340 = vector.broadcast %ge3A_339 : i32 to vector<16xi32>
      %ge3A_341 = arith.cmpi sge, %sub3A_338, %ge3A_340 : vector<16xi32>
      %lt3A_342 = arith.constant 5120 : i32
      %lt3A_343 = vector.broadcast %lt3A_342 : i32 to vector<16xi32>
      %lt3A_344 = arith.cmpi slt, %sub3A_338, %lt3A_343 : vector<16xi32>
      %and3A_345 = arith.andi %ge3A_341, %lt3A_344 : vector<16xi1>
      %jit3A_346 = arith.constant 5120 : i32
      %broadcast_in_dim3A_347 = vector.broadcast %jit3A_346 : i32 to vector<16xi32>
      %select_n3A_348 = arith.select %and3A_345, %sub3A_338, %broadcast_in_dim3A_347 : vector<16xi1>, vector<16xi32>
      %swap3A_349 = arith.constant 48 : index
      %swap3A_350 = tpu.vector_load %arg12[%swap3A_349] {strides = array<i32>} : memref<128xi32, #tpu.memory_space<vmem>>, vector<16xi32>,
      tpu.vector_store %arg12[%swap3A_349], %select_n3A_348 {strides = array<i32>} : memref<128xi32, #tpu.memory_space<vmem>>, vector<16xi32>,
      %get3A_351 = arith.constant 64 : index
      %get3A_352 = tpu.vector_load %arg12[%get3A_351] {strides = array<i32>} : memref<128xi32, #tpu.memory_space<vmem>>, vector<16xi32>,
      %sub3A_353 = arith.constant 5120 : i32
      %sub3A_354 = vector.broadcast %sub3A_353 : i32 to vector<16xi32>
      %sub3A_355 = arith.subi %get3A_352, %sub3A_354 : vector<16xi32>
      %ge3A_356 = arith.constant 0 : i32
      %ge3A_357 = vector.broadcast %ge3A_356 : i32 to vector<16xi32>
      %ge3A_358 = arith.cmpi sge, %sub3A_355, %ge3A_357 : vector<16xi32>
      %lt3A_359 = arith.constant 5120 : i32
      %lt3A_360 = vector.broadcast %lt3A_359 : i32 to vector<16xi32>
      %lt3A_361 = arith.cmpi slt, %sub3A_355, %lt3A_360 : vector<16xi32>
      %and3A_362 = arith.andi %ge3A_358, %lt3A_361 : vector<16xi1>
      %jit3A_363 = arith.constant 5120 : i32
      %broadcast_in_dim3A_364 = vector.broadcast %jit3A_363 : i32 to vector<16xi32>
      %select_n3A_365 = arith.select %and3A_362, %sub3A_355, %broadcast_in_dim3A_364 : vector<16xi1>, vector<16xi32>
      %swap3A_366 = arith.constant 64 : index
      %swap3A_367 = tpu.vector_load %arg12[%swap3A_366] {strides = array<i32>} : memref<128xi32, #tpu.memory_space<vmem>>, vector<16xi32>,
      tpu.vector_store %arg12[%swap3A_366], %select_n3A_365 {strides = array<i32>} : memref<128xi32, #tpu.memory_space<vmem>>, vector<16xi32>,
      %get3A_368 = arith.constant 80 : index
      %get3A_369 = tpu.vector_load %arg12[%get3A_368] {strides = array<i32>} : memref<128xi32, #tpu.memory_space<vmem>>, vector<16xi32>,
      %sub3A_370 = arith.constant 5120 : i32
      %sub3A_371 = vector.broadcast %sub3A_370 : i32 to vector<16xi32>
      %sub3A_372 = arith.subi %get3A_369, %sub3A_371 : vector<16xi32>
      %ge3A_373 = arith.constant 0 : i32
      %ge3A_374 = vector.broadcast %ge3A_373 : i32 to vector<16xi32>
      %ge3A_375 = arith.cmpi sge, %sub3A_372, %ge3A_374 : vector<16xi32>
      %lt3A_376 = arith.constant 5120 : i32
      %lt3A_377 = vector.broadcast %lt3A_376 : i32 to vector<16xi32>
      %lt3A_378 = arith.cmpi slt, %sub3A_372, %lt3A_377 : vector<16xi32>
      %and3A_379 = arith.andi %ge3A_375, %lt3A_378 : vector<16xi1>
      %jit3A_380 = arith.constant 5120 : i32
      %broadcast_in_dim3A_381 = vector.broadcast %jit3A_380 : i32 to vector<16xi32>
      %select_n3A_382 = arith.select %and3A_379, %sub3A_372, %broadcast_in_dim3A_381 : vector<16xi1>, vector<16xi32>
      %swap3A_383 = arith.constant 80 : index
      %swap3A_384 = tpu.vector_load %arg12[%swap3A_383] {strides = array<i32>} : memref<128xi32, #tpu.memory_space<vmem>>, vector<16xi32>,
      tpu.vector_store %arg12[%swap3A_383], %select_n3A_382 {strides = array<i32>} : memref<128xi32, #tpu.memory_space<vmem>>, vector<16xi32>,
      %get3A_385 = arith.constant 96 : index
      %get3A_386 = tpu.vector_load %arg12[%get3A_385] {strides = array<i32>} : memref<128xi32, #tpu.memory_space<vmem>>, vector<16xi32>,
      %sub3A_387 = arith.constant 5120 : i32
      %sub3A_388 = vector.broadcast %sub3A_387 : i32 to vector<16xi32>
      %sub3A_389 = arith.subi %get3A_386, %sub3A_388 : vector<16xi32>
      %ge3A_390 = arith.constant 0 : i32
      %ge3A_391 = vector.broadcast %ge3A_390 : i32 to vector<16xi32>
      %ge3A_392 = arith.cmpi sge, %sub3A_389, %ge3A_391 : vector<16xi32>
      %lt3A_393 = arith.constant 5120 : i32
      %lt3A_394 = vector.broadcast %lt3A_393 : i32 to vector<16xi32>
      %lt3A_395 = arith.cmpi slt, %sub3A_389, %lt3A_394 : vector<16xi32>
      %and3A_396 = arith.andi %ge3A_392, %lt3A_395 : vector<16xi1>
      %jit3A_397 = arith.constant 5120 : i32
      %broadcast_in_dim3A_398 = vector.broadcast %jit3A_397 : i32 to vector<16xi32>
      %select_n3A_399 = arith.select %and3A_396, %sub3A_389, %broadcast_in_dim3A_398 : vector<16xi1>, vector<16xi32>
      %swap3A_400 = arith.constant 96 : index
      %swap3A_401 = tpu.vector_load %arg12[%swap3A_400] {strides = array<i32>} : memref<128xi32, #tpu.memory_space<vmem>>, vector<16xi32>,
      tpu.vector_store %arg12[%swap3A_400], %select_n3A_399 {strides = array<i32>} : memref<128xi32, #tpu.memory_space<vmem>>, vector<16xi32>,
      %get3A_402 = arith.constant 112 : index
      %get3A_403 = tpu.vector_load %arg12[%get3A_402] {strides = array<i32>} : memref<128xi32, #tpu.memory_space<vmem>>, vector<16xi32>,
      %sub3A_404 = arith.constant 5120 : i32
      %sub3A_405 = vector.broadcast %sub3A_404 : i32 to vector<16xi32>
      %sub3A_406 = arith.subi %get3A_403, %sub3A_405 : vector<16xi32>
      %ge3A_407 = arith.constant 0 : i32
      %ge3A_408 = vector.broadcast %ge3A_407 : i32 to vector<16xi32>
      %ge3A_409 = arith.cmpi sge, %sub3A_406, %ge3A_408 : vector<16xi32>
      %lt3A_410 = arith.constant 5120 : i32
      %lt3A_411 = vector.broadcast %lt3A_410 : i32 to vector<16xi32>
      %lt3A_412 = arith.cmpi slt, %sub3A_406, %lt3A_411 : vector<16xi32>
      %and3A_413 = arith.andi %ge3A_409, %lt3A_412 : vector<16xi1>
      %jit3A_414 = arith.constant 5120 : i32
      %broadcast_in_dim3A_415 = vector.broadcast %jit3A_414 : i32 to vector<16xi32>
      %select_n3A_416 = arith.select %and3A_413, %sub3A_406, %broadcast_in_dim3A_415 : vector<16xi1>, vector<16xi32>
      %swap3A_417 = arith.constant 112 : index
      %swap3A_418 = tpu.vector_load %arg12[%swap3A_417] {strides = array<i32>} : memref<128xi32, #tpu.memory_space<vmem>>, vector<16xi32>,
      tpu.vector_store %arg12[%swap3A_417], %select_n3A_416 {strides = array<i32>} : memref<128xi32, #tpu.memory_space<vmem>>, vector<16xi32>,
      %dma_wait3A = arith.constant 0 : i32
      %dma_wait3A_419 = arith.constant 0 : i32
      %dma_wait3A_420 = tpu.memref_slice %arg4[%dma_wait3A, %dma_wait3A_419] : memref<10240x128xf32, #tpu.memory_space<hbm>> -> memref<10240x128xf32, #tpu.memory_space<hbm>>
      tpu.wait_indirect_dma semaphore(%arg19 : memref<!tpu.dma_semaphore, #tpu.memory_space<semaphore_mem>>) src(%dma_wait3A_420 : memref<10240x128xf32, #tpu.memory_space<hbm>>) dst(%arg14 : memref<128x128xf32, #tpu.memory_space<vmem>>)
      %scan3A_421 = arith.constant 0 : i32
      %scan3A_422 = arith.constant 0 : i32
      %scan3A_423 = arith.constant 128 : i32
      %scan3A_424 = arith.addi %scan3A_422, %scan3A_423 : i32
      %scan3A_425 = arith.constant 1 : i32
      %scan3A_426 = scf.for %scan3A_429 = %scan3A_422 to %scan3A_424 step %scan3A_425 iter_args(%scan3A_430 = %scan3A_421) -> (i32)  : i32 {
        %broadcast_in_dim3A_431 = arith.constant 0 : i32
        %broadcast_in_dim3A_432 = vector.broadcast %broadcast_in_dim3A_431 : i32 to vector<16xi32>
        %add3A_433 = vector.broadcast %scan3A_429 : i32 to vector<16xi32>
        %add3A_434 = arith.addi %broadcast_in_dim3A_432, %add3A_433 : vector<16xi32>
        %gather3A_435 = tpu.vector_load_idx %arg16[%add3A_434] : memref<128xf32, #tpu.memory_space<vmem>>[vector<16xi32>], vector<16xf32>,
        %get3A_436 = arith.index_cast %scan3A_429 : i32 to index
        %get3A_437 = arith.constant 0 : index
        %get3A_438 = tpu.vector_load %arg14[%get3A_436, %get3A_437] {strides = array<i32>} : memref<128x128xf32, #tpu.memory_space<vmem>>, vector<16xf32>,
        %mul3A_439 = arith.mulf %get3A_438, %gather3A_435 : vector<16xf32>
        %swap3A_440 = arith.index_cast %scan3A_429 : i32 to index
        %swap3A_441 = arith.constant 0 : index
        %swap3A_442 = tpu.vector_load %arg14[%swap3A_440, %swap3A_441] {strides = array<i32>} : memref<128x128xf32, #tpu.memory_space<vmem>>, vector<16xf32>,
        tpu.vector_store %arg14[%swap3A_440, %swap3A_441], %mul3A_439 {strides = array<i32>} : memref<128x128xf32, #tpu.memory_space<vmem>>, vector<16xf32>,
        %get3A_443 = arith.index_cast %scan3A_429 : i32 to index
        %get3A_444 = arith.constant 16 : index
        %get3A_445 = tpu.vector_load %arg14[%get3A_443, %get3A_444] {strides = array<i32>} : memref<128x128xf32, #tpu.memory_space<vmem>>, vector<16xf32>,
        %mul3A_446 = arith.mulf %get3A_445, %gather3A_435 : vector<16xf32>
        %swap3A_447 = arith.index_cast %scan3A_429 : i32 to index
        %swap3A_448 = arith.constant 16 : index
        %swap3A_449 = tpu.vector_load %arg14[%swap3A_447, %swap3A_448] {strides = array<i32>} : memref<128x128xf32, #tpu.memory_space<vmem>>, vector<16xf32>,
        tpu.vector_store %arg14[%swap3A_447, %swap3A_448], %mul3A_446 {strides = array<i32>} : memref<128x128xf32, #tpu.memory_space<vmem>>, vector<16xf32>,
        %get3A_450 = arith.index_cast %scan3A_429 : i32 to index
        %get3A_451 = arith.constant 32 : index
        %get3A_452 = tpu.vector_load %arg14[%get3A_450, %get3A_451] {strides = array<i32>} : memref<128x128xf32, #tpu.memory_space<vmem>>, vector<16xf32>,
        %mul3A_453 = arith.mulf %get3A_452, %gather3A_435 : vector<16xf32>
        %swap3A_454 = arith.index_cast %scan3A_429 : i32 to index
        %swap3A_455 = arith.constant 32 : index
        %swap3A_456 = tpu.vector_load %arg14[%swap3A_454, %swap3A_455] {strides = array<i32>} : memref<128x128xf32, #tpu.memory_space<vmem>>, vector<16xf32>,
        tpu.vector_store %arg14[%swap3A_454, %swap3A_455], %mul3A_453 {strides = array<i32>} : memref<128x128xf32, #tpu.memory_space<vmem>>, vector<16xf32>,
        %get3A_457 = arith.index_cast %scan3A_429 : i32 to index
        %get3A_458 = arith.constant 48 : index
        %get3A_459 = tpu.vector_load %arg14[%get3A_457, %get3A_458] {strides = array<i32>} : memref<128x128xf32, #tpu.memory_space<vmem>>, vector<16xf32>,
        %mul3A_460 = arith.mulf %get3A_459, %gather3A_435 : vector<16xf32>
        %swap3A_461 = arith.index_cast %scan3A_429 : i32 to index
        %swap3A_462 = arith.constant 48 : index
        %swap3A_463 = tpu.vector_load %arg14[%swap3A_461, %swap3A_462] {strides = array<i32>} : memref<128x128xf32, #tpu.memory_space<vmem>>, vector<16xf32>,
        tpu.vector_store %arg14[%swap3A_461, %swap3A_462], %mul3A_460 {strides = array<i32>} : memref<128x128xf32, #tpu.memory_space<vmem>>, vector<16xf32>,
        %scan3A_464 = arith.constant 0 : i32
        scf.yield %scan3A_464 : i32
      }
      %scan3A_427 = arith.constant 128 : i32
      "tpu.region"() ({
        %run_scoped3A = tpu.sem_alloc : memref<!tpu.dma_semaphore, #tpu.memory_space<semaphore_mem>>
        %dma_start3A_429 = arith.constant 0 : i32
        %dma_start3A_430 = arith.constant 0 : i32
        %dma_start3A_431 = tpu.memref_slice %arg17[%dma_start3A_429, %dma_start3A_430] : memref<5128x128xf32, #tpu.memory_space<vmem_shared>> -> memref<5128x128xf32, #tpu.memory_space<vmem_shared>>
        tpu.enqueue_indirect_dma source(%arg14 : memref<128x128xf32, #tpu.memory_space<vmem>>) target(%dma_start3A_431 : memref<5128x128xf32, #tpu.memory_space<vmem_shared>>) offsets(%arg12 : memref<128xi32, #tpu.memory_space<vmem>>) semaphore(%run_scoped3A : memref<!tpu.dma_semaphore, #tpu.memory_space<semaphore_mem>>) {add = true}
        %dma_wait3A_432 = arith.constant 0 : i32
        %dma_wait3A_433 = arith.constant 0 : i32
        %dma_wait3A_434 = tpu.memref_slice %arg17[%dma_wait3A_432, %dma_wait3A_433] : memref<5128x128xf32, #tpu.memory_space<vmem_shared>> -> memref<5128x128xf32, #tpu.memory_space<vmem_shared>>
        tpu.wait_indirect_dma semaphore(%run_scoped3A : memref<!tpu.dma_semaphore, #tpu.memory_space<semaphore_mem>>) src(%arg14 : memref<128x128xf32, #tpu.memory_space<vmem>>) dst(%dma_wait3A_434 : memref<5128x128xf32, #tpu.memory_space<vmem_shared>>)
        tpu.yield
      }) : () -> ()
      %scan3A_428 = arith.constant 0 : i32
      scf.yield %scan3A_428 : i32
    }
    %scan3A_70 = arith.constant 81 : i32
    %barrier3A_71 = arith.constant 0 : index
    tpu.barrier barrier_id(%barrier3A_71)
    %scan3A_72 = arith.constant 0 : i32
    %scan3A_73 = arith.constant 0 : i32
    %scan3A_74 = arith.constant 5 : i32
    %scan3A_75 = arith.addi %scan3A_73, %scan3A_74 : i32
    %scan3A_76 = arith.constant 1 : i32
    %scan3A_77 = scf.for %scan3A_79 = %scan3A_73 to %scan3A_75 step %scan3A_76 iter_args(%scan3A_80 = %scan3A_72) -> (i32)  : i32 {
      %mul3A_81 = arith.constant 320 : i32
      %mul3A_82 = arith.muli %arg1, %mul3A_81 : i32
      %mul3A_83 = arith.constant 64 : i32
      %mul3A_84 = arith.muli %scan3A_79, %mul3A_83 : i32
      %add3A_85 = arith.addi %mul3A_82, %mul3A_84 : i32
      "tpu.region"() ({
        %run_scoped3A = tpu.sem_alloc : memref<!tpu.dma_semaphore, #tpu.memory_space<semaphore_mem>>
        %dma_start3A = arith.constant 0 : i32
        %dma_start3A_89 = arith.constant 0 : i32
        %dma_start3A_90 = tpu.memref_slice %arg14[%dma_start3A, %dma_start3A_89] : memref<128x128xf32, #tpu.memory_space<vmem>> -> memref<64x128xf32, #tpu.memory_space<vmem>>
        %dma_start3A_91 = arith.constant 0 : i32
        %dma_start3A_92 = tpu.memref_slice %arg17[%add3A_85, %dma_start3A_91] : memref<5128x128xf32, #tpu.memory_space<vmem_shared>> -> memref<64x128xf32, #tpu.memory_space<vmem_shared>>
        %dma_start3A_93 = arith.constant 0 : i32
        %dma_start3A_94 = arith.constant 0 : i32
        %dma_start3A_95 = tpu.memref_slice %arg14[%dma_start3A_93, %dma_start3A_94] : memref<128x128xf32, #tpu.memory_space<vmem>> -> memref<64x128xf32, #tpu.memory_space<vmem>>
        %dma_start3A_96 = arith.constant 0 : i32
        %dma_start3A_97 = tpu.memref_slice %arg17[%add3A_85, %dma_start3A_96] : memref<5128x128xf32, #tpu.memory_space<vmem_shared>> -> memref<64x128xf32, #tpu.memory_space<vmem_shared>>
        tpu.enqueue_dma source(%dma_start3A_97 : memref<64x128xf32, #tpu.memory_space<vmem_shared>>) target(%dma_start3A_95 : memref<64x128xf32, #tpu.memory_space<vmem>>) target_semaphore(%run_scoped3A : memref<!tpu.dma_semaphore, #tpu.memory_space<semaphore_mem>>)
        %dma_wait3A = arith.constant 0 : i32
        %dma_wait3A_98 = arith.constant 0 : i32
        %dma_wait3A_99 = tpu.memref_slice %arg14[%dma_wait3A, %dma_wait3A_98] : memref<128x128xf32, #tpu.memory_space<vmem>> -> memref<64x128xf32, #tpu.memory_space<vmem>>
        %dma_wait3A_100 = arith.constant 0 : i32
        %dma_wait3A_101 = tpu.memref_slice %arg17[%add3A_85, %dma_wait3A_100] : memref<5128x128xf32, #tpu.memory_space<vmem_shared>> -> memref<64x128xf32, #tpu.memory_space<vmem_shared>>
        %dma_wait3A_102 = arith.constant 0 : i32
        %dma_wait3A_103 = arith.constant 0 : i32
        %dma_wait3A_104 = tpu.memref_slice %arg14[%dma_wait3A_102, %dma_wait3A_103] : memref<128x128xf32, #tpu.memory_space<vmem>> -> memref<64x128xf32, #tpu.memory_space<vmem>>
        %dma_wait3A_105 = arith.constant 0 : i32
        %dma_wait3A_106 = tpu.memref_slice %arg17[%add3A_85, %dma_wait3A_105] : memref<5128x128xf32, #tpu.memory_space<vmem_shared>> -> memref<64x128xf32, #tpu.memory_space<vmem_shared>>
        tpu.wait_dma2 semaphore(%run_scoped3A : memref<!tpu.dma_semaphore, #tpu.memory_space<semaphore_mem>>) src(%dma_wait3A_106 : memref<64x128xf32, #tpu.memory_space<vmem_shared>>) dst(%dma_wait3A_104 : memref<64x128xf32, #tpu.memory_space<vmem>>)
        tpu.yield
      }) : () -> ()
      %add3A_86 = arith.constant 5120 : i32
      %add3A_87 = arith.addi %add3A_86, %add3A_85 : i32
      "tpu.region"() ({
        %run_scoped3A = tpu.sem_alloc : memref<!tpu.dma_semaphore, #tpu.memory_space<semaphore_mem>>
        %dma_start3A = arith.constant 0 : i32
        %dma_start3A_89 = arith.constant 0 : i32
        %dma_start3A_90 = tpu.memref_slice %arg14[%dma_start3A, %dma_start3A_89] : memref<128x128xf32, #tpu.memory_space<vmem>> -> memref<64x128xf32, #tpu.memory_space<vmem>>
        %dma_start3A_91 = arith.constant 0 : i32
        %dma_start3A_92 = tpu.memref_slice %arg7[%arg0, %add3A_87, %dma_start3A_91] : memref<2x10240x128xf32, #tpu.memory_space<hbm>> -> memref<1x64x128xf32, #tpu.memory_space<hbm>>
        %dma_start3A_93 = tpu.memref_squeeze %dma_start3A_92 : memref<1x64x128xf32, #tpu.memory_space<hbm>> -> memref<64x128xf32, #tpu.memory_space<hbm>>
        %dma_start3A_94 = arith.constant 0 : i32
        %dma_start3A_95 = tpu.memref_slice %arg7[%arg0, %add3A_87, %dma_start3A_94] : memref<2x10240x128xf32, #tpu.memory_space<hbm>> -> memref<1x64x128xf32, #tpu.memory_space<hbm>>
        %dma_start3A_96 = tpu.memref_squeeze %dma_start3A_95 : memref<1x64x128xf32, #tpu.memory_space<hbm>> -> memref<64x128xf32, #tpu.memory_space<hbm>>
        %dma_start3A_97 = arith.constant 0 : i32
        %dma_start3A_98 = arith.constant 0 : i32
        %dma_start3A_99 = tpu.memref_slice %arg14[%dma_start3A_97, %dma_start3A_98] : memref<128x128xf32, #tpu.memory_space<vmem>> -> memref<64x128xf32, #tpu.memory_space<vmem>>
        tpu.enqueue_dma source(%dma_start3A_99 : memref<64x128xf32, #tpu.memory_space<vmem>>) target(%dma_start3A_96 : memref<64x128xf32, #tpu.memory_space<hbm>>) target_semaphore(%run_scoped3A : memref<!tpu.dma_semaphore, #tpu.memory_space<semaphore_mem>>)
        %dma_wait3A = arith.constant 0 : i32
        %dma_wait3A_100 = arith.constant 0 : i32
        %dma_wait3A_101 = tpu.memref_slice %arg14[%dma_wait3A, %dma_wait3A_100] : memref<128x128xf32, #tpu.memory_space<vmem>> -> memref<64x128xf32, #tpu.memory_space<vmem>>
        %dma_wait3A_102 = arith.constant 0 : i32
        %dma_wait3A_103 = tpu.memref_slice %arg7[%arg0, %add3A_87, %dma_wait3A_102] : memref<2x10240x128xf32, #tpu.memory_space<hbm>> -> memref<1x64x128xf32, #tpu.memory_space<hbm>>
        %dma_wait3A_104 = tpu.memref_squeeze %dma_wait3A_103 : memref<1x64x128xf32, #tpu.memory_space<hbm>> -> memref<64x128xf32, #tpu.memory_space<hbm>>
        %dma_wait3A_105 = arith.constant 0 : i32
        %dma_wait3A_106 = tpu.memref_slice %arg7[%arg0, %add3A_87, %dma_wait3A_105] : memref<2x10240x128xf32, #tpu.memory_space<hbm>> -> memref<1x64x128xf32, #tpu.memory_space<hbm>>
        %dma_wait3A_107 = tpu.memref_squeeze %dma_wait3A_106 : memref<1x64x128xf32, #tpu.memory_space<hbm>> -> memref<64x128xf32, #tpu.memory_space<hbm>>
        %dma_wait3A_108 = arith.constant 0 : i32
        %dma_wait3A_109 = arith.constant 0 : i32
        %dma_wait3A_110 = tpu.memref_slice %arg14[%dma_wait3A_108, %dma_wait3A_109] : memref<128x128xf32, #tpu.memory_space<vmem>> -> memref<64x128xf32, #tpu.memory_space<vmem>>
        tpu.wait_dma2 semaphore(%run_scoped3A : memref<!tpu.dma_semaphore, #tpu.memory_space<semaphore_mem>>) src(%dma_wait3A_110 : memref<64x128xf32, #tpu.memory_space<vmem>>) dst(%dma_wait3A_107 : memref<64x128xf32, #tpu.memory_space<hbm>>)
        tpu.yield
      }) : () -> ()
      %scan3A_88 = arith.constant 0 : i32
      scf.yield %scan3A_88 : i32
    }
    %scan3A_78 = arith.constant 5 : i32
    return
  }
}

#map = affine_map<(d0, d1) -> (0)>
#map1 = affine_map<(d0, d1) -> (0, 0)>
#map2 = affine_map<(d0, d1) -> (0, 0, 0)>
module attributes {stable_mosaic.version = 14 : i64} {
  func.func @k(%arg0: i32, %arg1: i32, %arg2: memref<331776xi32, #tpu.memory_space<hbm>>, %arg3: memref<331776xi32, #tpu.memory_space<hbm>>, %arg4: memref<20480x128xf32, #tpu.memory_space<hbm>>, %arg5: memref<4x10240xf32, #tpu.memory_space<hbm>>, %arg6: memref<4x10240xf32, #tpu.memory_space<hbm>>, %arg7: memref<2x10240x128xf32, #tpu.memory_space<hbm>>, %arg8: memref<2x160x128xf32, #tpu.memory_space<hbm>>, %arg9: memref<20480xf32, #tpu.memory_space<vmem>>, %arg10: memref<20480xf32, #tpu.memory_space<vmem>>, %arg11: memref<128xi32, #tpu.memory_space<vmem>>, %arg12: memref<128xi32, #tpu.memory_space<vmem>>, %arg13: memref<128xi32, #tpu.memory_space<vmem>>, %arg14: memref<128x128xf32, #tpu.memory_space<vmem>>, %arg15: memref<128x128xf32, #tpu.memory_space<vmem>>, %arg16: memref<256xf32, #tpu.memory_space<vmem>>, %arg17: memref<5128x128xf32, #tpu.memory_space<vmem_shared>>, %arg18: memref<160x128xf32, #tpu.memory_space<vmem_shared>>, %arg19: memref<!tpu.dma_semaphore, #tpu.memory_space<semaphore_mem>>) attributes {dimension_semantics = [#tpu.dimension_semantics<core_parallel>, #tpu.dimension_semantics<subcore_parallel>], iteration_bounds = array<i64: 2, 16>, scalar_prefetch = 0 : i64, scratch_operands = 11 : i64, tpu.core_type = #tpu.core_type<sc_vector_subcore>, window_params = [{transform_indices = #map}, {transform_indices = #map}, {transform_indices = #map1}, {transform_indices = #map1}, {transform_indices = #map1}, {transform_indices = #map2}, {transform_indices = #map2}]} {
    %iota3A = tpu.iota {dimensions = array<i32: 0>} : vector<16xi32>
    %mul3A = arith.constant 2 : i32
    %mul3A_0 = arith.muli %arg0, %mul3A : i32
    %add3A = arith.constant 0 : i32
    %add3A_1 = arith.addi %mul3A_0, %add3A : i32
    "tpu.region"() ({
      %run_scoped3A = tpu.sem_alloc : memref<!tpu.dma_semaphore, #tpu.memory_space<semaphore_mem>>
      %dma_start3A = arith.constant 0 : i32
      %dma_start3A_84 = tpu.memref_slice %arg9[%dma_start3A] : memref<20480xf32, #tpu.memory_space<vmem>> -> memref<10240xf32, #tpu.memory_space<vmem>>
      %dma_start3A_85 = arith.constant 0 : i32
      %dma_start3A_86 = tpu.memref_slice %arg5[%add3A_1, %dma_start3A_85] : memref<4x10240xf32, #tpu.memory_space<hbm>> -> memref<1x10240xf32, #tpu.memory_space<hbm>>
      %dma_start3A_87 = tpu.memref_squeeze %dma_start3A_86 : memref<1x10240xf32, #tpu.memory_space<hbm>> -> memref<10240xf32, #tpu.memory_space<hbm>>
      %dma_start3A_88 = arith.constant 0 : i32
      %dma_start3A_89 = tpu.memref_slice %arg9[%dma_start3A_88] : memref<20480xf32, #tpu.memory_space<vmem>> -> memref<10240xf32, #tpu.memory_space<vmem>>
      %dma_start3A_90 = arith.constant 0 : i32
      %dma_start3A_91 = tpu.memref_slice %arg5[%add3A_1, %dma_start3A_90] : memref<4x10240xf32, #tpu.memory_space<hbm>> -> memref<1x10240xf32, #tpu.memory_space<hbm>>
      %dma_start3A_92 = tpu.memref_squeeze %dma_start3A_91 : memref<1x10240xf32, #tpu.memory_space<hbm>> -> memref<10240xf32, #tpu.memory_space<hbm>>
      tpu.enqueue_dma source(%dma_start3A_92 : memref<10240xf32, #tpu.memory_space<hbm>>) target(%dma_start3A_89 : memref<10240xf32, #tpu.memory_space<vmem>>) target_semaphore(%run_scoped3A : memref<!tpu.dma_semaphore, #tpu.memory_space<semaphore_mem>>)
      %dma_wait3A = arith.constant 0 : i32
      %dma_wait3A_93 = tpu.memref_slice %arg9[%dma_wait3A] : memref<20480xf32, #tpu.memory_space<vmem>> -> memref<10240xf32, #tpu.memory_space<vmem>>
      %dma_wait3A_94 = arith.constant 0 : i32
      %dma_wait3A_95 = tpu.memref_slice %arg5[%add3A_1, %dma_wait3A_94] : memref<4x10240xf32, #tpu.memory_space<hbm>> -> memref<1x10240xf32, #tpu.memory_space<hbm>>
      %dma_wait3A_96 = tpu.memref_squeeze %dma_wait3A_95 : memref<1x10240xf32, #tpu.memory_space<hbm>> -> memref<10240xf32, #tpu.memory_space<hbm>>
      %dma_wait3A_97 = arith.constant 0 : i32
      %dma_wait3A_98 = tpu.memref_slice %arg9[%dma_wait3A_97] : memref<20480xf32, #tpu.memory_space<vmem>> -> memref<10240xf32, #tpu.memory_space<vmem>>
      %dma_wait3A_99 = arith.constant 0 : i32
      %dma_wait3A_100 = tpu.memref_slice %arg5[%add3A_1, %dma_wait3A_99] : memref<4x10240xf32, #tpu.memory_space<hbm>> -> memref<1x10240xf32, #tpu.memory_space<hbm>>
      %dma_wait3A_101 = tpu.memref_squeeze %dma_wait3A_100 : memref<1x10240xf32, #tpu.memory_space<hbm>> -> memref<10240xf32, #tpu.memory_space<hbm>>
      tpu.wait_dma2 semaphore(%run_scoped3A : memref<!tpu.dma_semaphore, #tpu.memory_space<semaphore_mem>>) src(%dma_wait3A_101 : memref<10240xf32, #tpu.memory_space<hbm>>) dst(%dma_wait3A_98 : memref<10240xf32, #tpu.memory_space<vmem>>)
      tpu.yield
    }) : () -> ()
    %mul3A_2 = arith.constant 2 : i32
    %mul3A_3 = arith.muli %arg0, %mul3A_2 : i32
    %add3A_4 = arith.constant 0 : i32
    %add3A_5 = arith.addi %mul3A_3, %add3A_4 : i32
    "tpu.region"() ({
      %run_scoped3A = tpu.sem_alloc : memref<!tpu.dma_semaphore, #tpu.memory_space<semaphore_mem>>
      %dma_start3A = arith.constant 0 : i32
      %dma_start3A_84 = tpu.memref_slice %arg10[%dma_start3A] : memref<20480xf32, #tpu.memory_space<vmem>> -> memref<10240xf32, #tpu.memory_space<vmem>>
      %dma_start3A_85 = arith.constant 0 : i32
      %dma_start3A_86 = tpu.memref_slice %arg6[%add3A_5, %dma_start3A_85] : memref<4x10240xf32, #tpu.memory_space<hbm>> -> memref<1x10240xf32, #tpu.memory_space<hbm>>
      %dma_start3A_87 = tpu.memref_squeeze %dma_start3A_86 : memref<1x10240xf32, #tpu.memory_space<hbm>> -> memref<10240xf32, #tpu.memory_space<hbm>>
      %dma_start3A_88 = arith.constant 0 : i32
      %dma_start3A_89 = tpu.memref_slice %arg10[%dma_start3A_88] : memref<20480xf32, #tpu.memory_space<vmem>> -> memref<10240xf32, #tpu.memory_space<vmem>>
      %dma_start3A_90 = arith.constant 0 : i32
      %dma_start3A_91 = tpu.memref_slice %arg6[%add3A_5, %dma_start3A_90] : memref<4x10240xf32, #tpu.memory_space<hbm>> -> memref<1x10240xf32, #tpu.memory_space<hbm>>
      %dma_start3A_92 = tpu.memref_squeeze %dma_start3A_91 : memref<1x10240xf32, #tpu.memory_space<hbm>> -> memref<10240xf32, #tpu.memory_space<hbm>>
      tpu.enqueue_dma source(%dma_start3A_92 : memref<10240xf32, #tpu.memory_space<hbm>>) target(%dma_start3A_89 : memref<10240xf32, #tpu.memory_space<vmem>>) target_semaphore(%run_scoped3A : memref<!tpu.dma_semaphore, #tpu.memory_space<semaphore_mem>>)
      %dma_wait3A = arith.constant 0 : i32
      %dma_wait3A_93 = tpu.memref_slice %arg10[%dma_wait3A] : memref<20480xf32, #tpu.memory_space<vmem>> -> memref<10240xf32, #tpu.memory_space<vmem>>
      %dma_wait3A_94 = arith.constant 0 : i32
      %dma_wait3A_95 = tpu.memref_slice %arg6[%add3A_5, %dma_wait3A_94] : memref<4x10240xf32, #tpu.memory_space<hbm>> -> memref<1x10240xf32, #tpu.memory_space<hbm>>
      %dma_wait3A_96 = tpu.memref_squeeze %dma_wait3A_95 : memref<1x10240xf32, #tpu.memory_space<hbm>> -> memref<10240xf32, #tpu.memory_space<hbm>>
      %dma_wait3A_97 = arith.constant 0 : i32
      %dma_wait3A_98 = tpu.memref_slice %arg10[%dma_wait3A_97] : memref<20480xf32, #tpu.memory_space<vmem>> -> memref<10240xf32, #tpu.memory_space<vmem>>
      %dma_wait3A_99 = arith.constant 0 : i32
      %dma_wait3A_100 = tpu.memref_slice %arg6[%add3A_5, %dma_wait3A_99] : memref<4x10240xf32, #tpu.memory_space<hbm>> -> memref<1x10240xf32, #tpu.memory_space<hbm>>
      %dma_wait3A_101 = tpu.memref_squeeze %dma_wait3A_100 : memref<1x10240xf32, #tpu.memory_space<hbm>> -> memref<10240xf32, #tpu.memory_space<hbm>>
      tpu.wait_dma2 semaphore(%run_scoped3A : memref<!tpu.dma_semaphore, #tpu.memory_space<semaphore_mem>>) src(%dma_wait3A_101 : memref<10240xf32, #tpu.memory_space<hbm>>) dst(%dma_wait3A_98 : memref<10240xf32, #tpu.memory_space<vmem>>)
      tpu.yield
    }) : () -> ()
    %mul3A_6 = arith.constant 2 : i32
    %mul3A_7 = arith.muli %arg0, %mul3A_6 : i32
    %add3A_8 = arith.constant 1 : i32
    %add3A_9 = arith.addi %mul3A_7, %add3A_8 : i32
    "tpu.region"() ({
      %run_scoped3A = tpu.sem_alloc : memref<!tpu.dma_semaphore, #tpu.memory_space<semaphore_mem>>
      %dma_start3A = arith.constant 10240 : i32
      %dma_start3A_84 = tpu.memref_slice %arg9[%dma_start3A] : memref<20480xf32, #tpu.memory_space<vmem>> -> memref<10240xf32, #tpu.memory_space<vmem>>
      %dma_start3A_85 = arith.constant 0 : i32
      %dma_start3A_86 = tpu.memref_slice %arg5[%add3A_9, %dma_start3A_85] : memref<4x10240xf32, #tpu.memory_space<hbm>> -> memref<1x10240xf32, #tpu.memory_space<hbm>>
      %dma_start3A_87 = tpu.memref_squeeze %dma_start3A_86 : memref<1x10240xf32, #tpu.memory_space<hbm>> -> memref<10240xf32, #tpu.memory_space<hbm>>
      %dma_start3A_88 = arith.constant 10240 : i32
      %dma_start3A_89 = tpu.memref_slice %arg9[%dma_start3A_88] : memref<20480xf32, #tpu.memory_space<vmem>> -> memref<10240xf32, #tpu.memory_space<vmem>>
      %dma_start3A_90 = arith.constant 0 : i32
      %dma_start3A_91 = tpu.memref_slice %arg5[%add3A_9, %dma_start3A_90] : memref<4x10240xf32, #tpu.memory_space<hbm>> -> memref<1x10240xf32, #tpu.memory_space<hbm>>
      %dma_start3A_92 = tpu.memref_squeeze %dma_start3A_91 : memref<1x10240xf32, #tpu.memory_space<hbm>> -> memref<10240xf32, #tpu.memory_space<hbm>>
      tpu.enqueue_dma source(%dma_start3A_92 : memref<10240xf32, #tpu.memory_space<hbm>>) target(%dma_start3A_89 : memref<10240xf32, #tpu.memory_space<vmem>>) target_semaphore(%run_scoped3A : memref<!tpu.dma_semaphore, #tpu.memory_space<semaphore_mem>>)
      %dma_wait3A = arith.constant 10240 : i32
      %dma_wait3A_93 = tpu.memref_slice %arg9[%dma_wait3A] : memref<20480xf32, #tpu.memory_space<vmem>> -> memref<10240xf32, #tpu.memory_space<vmem>>
      %dma_wait3A_94 = arith.constant 0 : i32
      %dma_wait3A_95 = tpu.memref_slice %arg5[%add3A_9, %dma_wait3A_94] : memref<4x10240xf32, #tpu.memory_space<hbm>> -> memref<1x10240xf32, #tpu.memory_space<hbm>>
      %dma_wait3A_96 = tpu.memref_squeeze %dma_wait3A_95 : memref<1x10240xf32, #tpu.memory_space<hbm>> -> memref<10240xf32, #tpu.memory_space<hbm>>
      %dma_wait3A_97 = arith.constant 10240 : i32
      %dma_wait3A_98 = tpu.memref_slice %arg9[%dma_wait3A_97] : memref<20480xf32, #tpu.memory_space<vmem>> -> memref<10240xf32, #tpu.memory_space<vmem>>
      %dma_wait3A_99 = arith.constant 0 : i32
      %dma_wait3A_100 = tpu.memref_slice %arg5[%add3A_9, %dma_wait3A_99] : memref<4x10240xf32, #tpu.memory_space<hbm>> -> memref<1x10240xf32, #tpu.memory_space<hbm>>
      %dma_wait3A_101 = tpu.memref_squeeze %dma_wait3A_100 : memref<1x10240xf32, #tpu.memory_space<hbm>> -> memref<10240xf32, #tpu.memory_space<hbm>>
      tpu.wait_dma2 semaphore(%run_scoped3A : memref<!tpu.dma_semaphore, #tpu.memory_space<semaphore_mem>>) src(%dma_wait3A_101 : memref<10240xf32, #tpu.memory_space<hbm>>) dst(%dma_wait3A_98 : memref<10240xf32, #tpu.memory_space<vmem>>)
      tpu.yield
    }) : () -> ()
    %mul3A_10 = arith.constant 2 : i32
    %mul3A_11 = arith.muli %arg0, %mul3A_10 : i32
    %add3A_12 = arith.constant 1 : i32
    %add3A_13 = arith.addi %mul3A_11, %add3A_12 : i32
    "tpu.region"() ({
      %run_scoped3A = tpu.sem_alloc : memref<!tpu.dma_semaphore, #tpu.memory_space<semaphore_mem>>
      %dma_start3A = arith.constant 10240 : i32
      %dma_start3A_84 = tpu.memref_slice %arg10[%dma_start3A] : memref<20480xf32, #tpu.memory_space<vmem>> -> memref<10240xf32, #tpu.memory_space<vmem>>
      %dma_start3A_85 = arith.constant 0 : i32
      %dma_start3A_86 = tpu.memref_slice %arg6[%add3A_13, %dma_start3A_85] : memref<4x10240xf32, #tpu.memory_space<hbm>> -> memref<1x10240xf32, #tpu.memory_space<hbm>>
      %dma_start3A_87 = tpu.memref_squeeze %dma_start3A_86 : memref<1x10240xf32, #tpu.memory_space<hbm>> -> memref<10240xf32, #tpu.memory_space<hbm>>
      %dma_start3A_88 = arith.constant 10240 : i32
      %dma_start3A_89 = tpu.memref_slice %arg10[%dma_start3A_88] : memref<20480xf32, #tpu.memory_space<vmem>> -> memref<10240xf32, #tpu.memory_space<vmem>>
      %dma_start3A_90 = arith.constant 0 : i32
      %dma_start3A_91 = tpu.memref_slice %arg6[%add3A_13, %dma_start3A_90] : memref<4x10240xf32, #tpu.memory_space<hbm>> -> memref<1x10240xf32, #tpu.memory_space<hbm>>
      %dma_start3A_92 = tpu.memref_squeeze %dma_start3A_91 : memref<1x10240xf32, #tpu.memory_space<hbm>> -> memref<10240xf32, #tpu.memory_space<hbm>>
      tpu.enqueue_dma source(%dma_start3A_92 : memref<10240xf32, #tpu.memory_space<hbm>>) target(%dma_start3A_89 : memref<10240xf32, #tpu.memory_space<vmem>>) target_semaphore(%run_scoped3A : memref<!tpu.dma_semaphore, #tpu.memory_space<semaphore_mem>>)
      %dma_wait3A = arith.constant 10240 : i32
      %dma_wait3A_93 = tpu.memref_slice %arg10[%dma_wait3A] : memref<20480xf32, #tpu.memory_space<vmem>> -> memref<10240xf32, #tpu.memory_space<vmem>>
      %dma_wait3A_94 = arith.constant 0 : i32
      %dma_wait3A_95 = tpu.memref_slice %arg6[%add3A_13, %dma_wait3A_94] : memref<4x10240xf32, #tpu.memory_space<hbm>> -> memref<1x10240xf32, #tpu.memory_space<hbm>>
      %dma_wait3A_96 = tpu.memref_squeeze %dma_wait3A_95 : memref<1x10240xf32, #tpu.memory_space<hbm>> -> memref<10240xf32, #tpu.memory_space<hbm>>
      %dma_wait3A_97 = arith.constant 10240 : i32
      %dma_wait3A_98 = tpu.memref_slice %arg10[%dma_wait3A_97] : memref<20480xf32, #tpu.memory_space<vmem>> -> memref<10240xf32, #tpu.memory_space<vmem>>
      %dma_wait3A_99 = arith.constant 0 : i32
      %dma_wait3A_100 = tpu.memref_slice %arg6[%add3A_13, %dma_wait3A_99] : memref<4x10240xf32, #tpu.memory_space<hbm>> -> memref<1x10240xf32, #tpu.memory_space<hbm>>
      %dma_wait3A_101 = tpu.memref_squeeze %dma_wait3A_100 : memref<1x10240xf32, #tpu.memory_space<hbm>> -> memref<10240xf32, #tpu.memory_space<hbm>>
      tpu.wait_dma2 semaphore(%run_scoped3A : memref<!tpu.dma_semaphore, #tpu.memory_space<semaphore_mem>>) src(%dma_wait3A_101 : memref<10240xf32, #tpu.memory_space<hbm>>) dst(%dma_wait3A_98 : memref<10240xf32, #tpu.memory_space<vmem>>)
      tpu.yield
    }) : () -> ()
    %mul3A_14 = arith.constant 20736 : i32
    %mul3A_15 = arith.muli %arg1, %mul3A_14 : i32
    %mul3A_16 = arith.constant 10240 : i32
    %mul3A_17 = arith.muli %arg0, %mul3A_16 : i32
    %scan3A = arith.constant 0 : i32
    %scan3A_18 = arith.constant 0 : i32
    %scan3A_19 = arith.constant 128 : i32
    %scan3A_20 = arith.addi %scan3A_18, %scan3A_19 : i32
    %scan3A_21 = arith.constant 1 : i32
    %scan3A_22 = scf.for %scan3A_84 = %scan3A_18 to %scan3A_20 step %scan3A_21 iter_args(%scan3A_85 = %scan3A) -> (i32)  : i32 {
      %scan3A_86 = arith.constant 0 : i32
      %scan3A_87 = arith.constant 0 : i32
      %scan3A_88 = arith.constant 8 : i32
      %scan3A_89 = arith.addi %scan3A_87, %scan3A_88 : i32
      %scan3A_90 = arith.constant 1 : i32
      %scan3A_91 = scf.for %scan3A_93 = %scan3A_87 to %scan3A_89 step %scan3A_90 iter_args(%scan3A_94 = %scan3A_86) -> (i32)  : i32 {
        %broadcast_in_dim3A = arith.constant 0.000000e+00 : f32
        %broadcast_in_dim3A_95 = vector.broadcast %broadcast_in_dim3A : f32 to vector<16xf32>
        %mul3A_96 = arith.constant 16 : i32
        %mul3A_97 = arith.muli %scan3A_93, %mul3A_96 : i32
        %swap3A = arith.index_cast %scan3A_84 : i32 to index
        %swap3A_98 = arith.index_cast %mul3A_97 : i32 to index
        %swap3A_99 = tpu.vector_load %arg14[%swap3A, %swap3A_98] {strides = array<i32>} : memref<128x128xf32, #tpu.memory_space<vmem>>, vector<16xf32>,
        tpu.vector_store %arg14[%swap3A, %swap3A_98], %broadcast_in_dim3A_95 {strides = array<i32>} : memref<128x128xf32, #tpu.memory_space<vmem>>, vector<16xf32>,
        %broadcast_in_dim3A_100 = arith.constant 0.000000e+00 : f32
        %broadcast_in_dim3A_101 = vector.broadcast %broadcast_in_dim3A_100 : f32 to vector<16xf32>
        %mul3A_102 = arith.constant 16 : i32
        %mul3A_103 = arith.muli %scan3A_93, %mul3A_102 : i32
        %swap3A_104 = arith.index_cast %scan3A_84 : i32 to index
        %swap3A_105 = arith.index_cast %mul3A_103 : i32 to index
        %swap3A_106 = tpu.vector_load %arg15[%swap3A_104, %swap3A_105] {strides = array<i32>} : memref<128x128xf32, #tpu.memory_space<vmem>>, vector<16xf32>,
        tpu.vector_store %arg15[%swap3A_104, %swap3A_105], %broadcast_in_dim3A_101 {strides = array<i32>} : memref<128x128xf32, #tpu.memory_space<vmem>>, vector<16xf32>,
        %scan3A_107 = arith.constant 0 : i32
        scf.yield %scan3A_107 : i32
      }
      %scan3A_92 = arith.constant 8 : i32
      scf.yield %scan3A_91 : i32
    }
    %scan3A_23 = arith.constant 128 : i32
    %scan3A_24 = arith.constant 0 : i32
    %scan3A_25 = arith.constant 0 : i32
    %scan3A_26 = arith.constant 5 : i32
    %scan3A_27 = arith.addi %scan3A_25, %scan3A_26 : i32
    %scan3A_28 = arith.constant 1 : i32
    %scan3A_29 = scf.for %scan3A_84 = %scan3A_25 to %scan3A_27 step %scan3A_28 iter_args(%scan3A_85 = %scan3A_24) -> (i32)  : i32 {
      %mul3A_86 = arith.constant 320 : i32
      %mul3A_87 = arith.muli %arg1, %mul3A_86 : i32
      %mul3A_88 = arith.constant 64 : i32
      %mul3A_89 = arith.muli %scan3A_84, %mul3A_88 : i32
      %add3A_90 = arith.addi %mul3A_87, %mul3A_89 : i32
      "tpu.region"() ({
        %run_scoped3A = tpu.sem_alloc : memref<!tpu.dma_semaphore, #tpu.memory_space<semaphore_mem>>
        %dma_start3A = arith.constant 0 : i32
        %dma_start3A_92 = arith.constant 0 : i32
        %dma_start3A_93 = tpu.memref_slice %arg14[%dma_start3A, %dma_start3A_92] : memref<128x128xf32, #tpu.memory_space<vmem>> -> memref<64x128xf32, #tpu.memory_space<vmem>>
        %dma_start3A_94 = arith.constant 0 : i32
        %dma_start3A_95 = tpu.memref_slice %arg17[%add3A_90, %dma_start3A_94] : memref<5128x128xf32, #tpu.memory_space<vmem_shared>> -> memref<64x128xf32, #tpu.memory_space<vmem_shared>>
        %dma_start3A_96 = arith.constant 0 : i32
        %dma_start3A_97 = tpu.memref_slice %arg17[%add3A_90, %dma_start3A_96] : memref<5128x128xf32, #tpu.memory_space<vmem_shared>> -> memref<64x128xf32, #tpu.memory_space<vmem_shared>>
        %dma_start3A_98 = arith.constant 0 : i32
        %dma_start3A_99 = arith.constant 0 : i32
        %dma_start3A_100 = tpu.memref_slice %arg14[%dma_start3A_98, %dma_start3A_99] : memref<128x128xf32, #tpu.memory_space<vmem>> -> memref<64x128xf32, #tpu.memory_space<vmem>>
        tpu.enqueue_dma source(%dma_start3A_100 : memref<64x128xf32, #tpu.memory_space<vmem>>) target(%dma_start3A_97 : memref<64x128xf32, #tpu.memory_space<vmem_shared>>) target_semaphore(%run_scoped3A : memref<!tpu.dma_semaphore, #tpu.memory_space<semaphore_mem>>)
        %dma_wait3A = arith.constant 0 : i32
        %dma_wait3A_101 = arith.constant 0 : i32
        %dma_wait3A_102 = tpu.memref_slice %arg14[%dma_wait3A, %dma_wait3A_101] : memref<128x128xf32, #tpu.memory_space<vmem>> -> memref<64x128xf32, #tpu.memory_space<vmem>>
        %dma_wait3A_103 = arith.constant 0 : i32
        %dma_wait3A_104 = tpu.memref_slice %arg17[%add3A_90, %dma_wait3A_103] : memref<5128x128xf32, #tpu.memory_space<vmem_shared>> -> memref<64x128xf32, #tpu.memory_space<vmem_shared>>
        %dma_wait3A_105 = arith.constant 0 : i32
        %dma_wait3A_106 = tpu.memref_slice %arg17[%add3A_90, %dma_wait3A_105] : memref<5128x128xf32, #tpu.memory_space<vmem_shared>> -> memref<64x128xf32, #tpu.memory_space<vmem_shared>>
        %dma_wait3A_107 = arith.constant 0 : i32
        %dma_wait3A_108 = arith.constant 0 : i32
        %dma_wait3A_109 = tpu.memref_slice %arg14[%dma_wait3A_107, %dma_wait3A_108] : memref<128x128xf32, #tpu.memory_space<vmem>> -> memref<64x128xf32, #tpu.memory_space<vmem>>
        tpu.wait_dma2 semaphore(%run_scoped3A : memref<!tpu.dma_semaphore, #tpu.memory_space<semaphore_mem>>) src(%dma_wait3A_109 : memref<64x128xf32, #tpu.memory_space<vmem>>) dst(%dma_wait3A_106 : memref<64x128xf32, #tpu.memory_space<vmem_shared>>)
        tpu.yield
      }) : () -> ()
      %scan3A_91 = arith.constant 0 : i32
      scf.yield %scan3A_91 : i32
    }
    %scan3A_30 = arith.constant 5 : i32
    %lt3A = arith.constant 10 : i32
    %lt3A_31 = arith.cmpi slt, %arg1, %lt3A : i32
    %convert_element_type3A = arith.extui %lt3A_31 : i1 to i32
    %cond3A = arith.constant 0 : i32
    %cond3A_32 = arith.cmpi ne, %convert_element_type3A, %cond3A : i32
    scf.if %cond3A_32 {
      %mul3A_84 = arith.constant 16 : i32
      %mul3A_85 = arith.muli %arg1, %mul3A_84 : i32
      "tpu.region"() ({
        %run_scoped3A = tpu.sem_alloc : memref<!tpu.dma_semaphore, #tpu.memory_space<semaphore_mem>>
        %dma_start3A = arith.constant 0 : i32
        %dma_start3A_86 = arith.constant 0 : i32
        %dma_start3A_87 = tpu.memref_slice %arg15[%dma_start3A, %dma_start3A_86] : memref<128x128xf32, #tpu.memory_space<vmem>> -> memref<16x128xf32, #tpu.memory_space<vmem>>
        %dma_start3A_88 = arith.constant 0 : i32
        %dma_start3A_89 = tpu.memref_slice %arg18[%mul3A_85, %dma_start3A_88] : memref<160x128xf32, #tpu.memory_space<vmem_shared>> -> memref<16x128xf32, #tpu.memory_space<vmem_shared>>
        %dma_start3A_90 = arith.constant 0 : i32
        %dma_start3A_91 = tpu.memref_slice %arg18[%mul3A_85, %dma_start3A_90] : memref<160x128xf32, #tpu.memory_space<vmem_shared>> -> memref<16x128xf32, #tpu.memory_space<vmem_shared>>
        %dma_start3A_92 = arith.constant 0 : i32
        %dma_start3A_93 = arith.constant 0 : i32
        %dma_start3A_94 = tpu.memref_slice %arg15[%dma_start3A_92, %dma_start3A_93] : memref<128x128xf32, #tpu.memory_space<vmem>> -> memref<16x128xf32, #tpu.memory_space<vmem>>
        tpu.enqueue_dma source(%dma_start3A_94 : memref<16x128xf32, #tpu.memory_space<vmem>>) target(%dma_start3A_91 : memref<16x128xf32, #tpu.memory_space<vmem_shared>>) target_semaphore(%run_scoped3A : memref<!tpu.dma_semaphore, #tpu.memory_space<semaphore_mem>>)
        %dma_wait3A = arith.constant 0 : i32
        %dma_wait3A_95 = arith.constant 0 : i32
        %dma_wait3A_96 = tpu.memref_slice %arg15[%dma_wait3A, %dma_wait3A_95] : memref<128x128xf32, #tpu.memory_space<vmem>> -> memref<16x128xf32, #tpu.memory_space<vmem>>
        %dma_wait3A_97 = arith.constant 0 : i32
        %dma_wait3A_98 = tpu.memref_slice %arg18[%mul3A_85, %dma_wait3A_97] : memref<160x128xf32, #tpu.memory_space<vmem_shared>> -> memref<16x128xf32, #tpu.memory_space<vmem_shared>>
        %dma_wait3A_99 = arith.constant 0 : i32
        %dma_wait3A_100 = tpu.memref_slice %arg18[%mul3A_85, %dma_wait3A_99] : memref<160x128xf32, #tpu.memory_space<vmem_shared>> -> memref<16x128xf32, #tpu.memory_space<vmem_shared>>
        %dma_wait3A_101 = arith.constant 0 : i32
        %dma_wait3A_102 = arith.constant 0 : i32
        %dma_wait3A_103 = tpu.memref_slice %arg15[%dma_wait3A_101, %dma_wait3A_102] : memref<128x128xf32, #tpu.memory_space<vmem>> -> memref<16x128xf32, #tpu.memory_space<vmem>>
        tpu.wait_dma2 semaphore(%run_scoped3A : memref<!tpu.dma_semaphore, #tpu.memory_space<semaphore_mem>>) src(%dma_wait3A_103 : memref<16x128xf32, #tpu.memory_space<vmem>>) dst(%dma_wait3A_100 : memref<16x128xf32, #tpu.memory_space<vmem_shared>>)
        tpu.yield
      }) : () -> ()
    } else {
    }
    %barrier3A = arith.constant 0 : index
    tpu.barrier barrier_id(%barrier3A)
    %scan3A_33 = arith.constant 0 : i32
    %scan3A_34 = arith.constant 0 : i32
    %scan3A_35 = arith.constant 162 : i32
    %scan3A_36 = arith.addi %scan3A_34, %scan3A_35 : i32
    %scan3A_37 = arith.constant 1 : i32
    %scan3A_38 = scf.for %scan3A_84 = %scan3A_34 to %scan3A_36 step %scan3A_37 iter_args(%scan3A_85 = %scan3A_33) -> (i32)  : i32 {
      %mul3A_86 = arith.constant 128 : i32
      %mul3A_87 = arith.muli %scan3A_84, %mul3A_86 : i32
      %add3A_88 = arith.addi %mul3A_15, %mul3A_87 : i32
      "tpu.region"() ({
        %run_scoped3A = tpu.sem_alloc : memref<!tpu.dma_semaphore, #tpu.memory_space<semaphore_mem>>
        %dma_start3A_1097 = tpu.memref_slice %arg2[%add3A_88] : memref<331776xi32, #tpu.memory_space<hbm>> -> memref<128xi32, #tpu.memory_space<hbm>>
        %dma_start3A_1098 = tpu.memref_slice %arg2[%add3A_88] : memref<331776xi32, #tpu.memory_space<hbm>> -> memref<128xi32, #tpu.memory_space<hbm>>
        tpu.enqueue_dma source(%dma_start3A_1098 : memref<128xi32, #tpu.memory_space<hbm>>) target(%arg11 : memref<128xi32, #tpu.memory_space<vmem>>) target_semaphore(%run_scoped3A : memref<!tpu.dma_semaphore, #tpu.memory_space<semaphore_mem>>)
        %dma_wait3A_1099 = tpu.memref_slice %arg2[%add3A_88] : memref<331776xi32, #tpu.memory_space<hbm>> -> memref<128xi32, #tpu.memory_space<hbm>>
        %dma_wait3A_1100 = tpu.memref_slice %arg2[%add3A_88] : memref<331776xi32, #tpu.memory_space<hbm>> -> memref<128xi32, #tpu.memory_space<hbm>>
        tpu.wait_dma2 semaphore(%run_scoped3A : memref<!tpu.dma_semaphore, #tpu.memory_space<semaphore_mem>>) src(%dma_wait3A_1100 : memref<128xi32, #tpu.memory_space<hbm>>) dst(%arg11 : memref<128xi32, #tpu.memory_space<vmem>>)
        tpu.yield
      }) : () -> ()
      "tpu.region"() ({
        %run_scoped3A = tpu.sem_alloc : memref<!tpu.dma_semaphore, #tpu.memory_space<semaphore_mem>>
        %dma_start3A_1097 = tpu.memref_slice %arg3[%add3A_88] : memref<331776xi32, #tpu.memory_space<hbm>> -> memref<128xi32, #tpu.memory_space<hbm>>
        %dma_start3A_1098 = tpu.memref_slice %arg3[%add3A_88] : memref<331776xi32, #tpu.memory_space<hbm>> -> memref<128xi32, #tpu.memory_space<hbm>>
        tpu.enqueue_dma source(%dma_start3A_1098 : memref<128xi32, #tpu.memory_space<hbm>>) target(%arg12 : memref<128xi32, #tpu.memory_space<vmem>>) target_semaphore(%run_scoped3A : memref<!tpu.dma_semaphore, #tpu.memory_space<semaphore_mem>>)
        %dma_wait3A_1099 = tpu.memref_slice %arg3[%add3A_88] : memref<331776xi32, #tpu.memory_space<hbm>> -> memref<128xi32, #tpu.memory_space<hbm>>
        %dma_wait3A_1100 = tpu.memref_slice %arg3[%add3A_88] : memref<331776xi32, #tpu.memory_space<hbm>> -> memref<128xi32, #tpu.memory_space<hbm>>
        tpu.wait_dma2 semaphore(%run_scoped3A : memref<!tpu.dma_semaphore, #tpu.memory_space<semaphore_mem>>) src(%dma_wait3A_1100 : memref<128xi32, #tpu.memory_space<hbm>>) dst(%arg12 : memref<128xi32, #tpu.memory_space<vmem>>)
        tpu.yield
      }) : () -> ()
      %get3A = arith.constant 0 : index
      %get3A_89 = tpu.vector_load %arg11[%get3A] {strides = array<i32>} : memref<128xi32, #tpu.memory_space<vmem>>, vector<16xi32>,
      %add3A_90 = vector.broadcast %mul3A_17 : i32 to vector<16xi32>
      %add3A_91 = arith.addi %get3A_89, %add3A_90 : vector<16xi32>
      %swap3A = arith.constant 0 : index
      %swap3A_92 = tpu.vector_load %arg11[%swap3A] {strides = array<i32>} : memref<128xi32, #tpu.memory_space<vmem>>, vector<16xi32>,
      tpu.vector_store %arg11[%swap3A], %add3A_91 {strides = array<i32>} : memref<128xi32, #tpu.memory_space<vmem>>, vector<16xi32>,
      %get3A_93 = arith.constant 16 : index
      %get3A_94 = tpu.vector_load %arg11[%get3A_93] {strides = array<i32>} : memref<128xi32, #tpu.memory_space<vmem>>, vector<16xi32>,
      %add3A_95 = vector.broadcast %mul3A_17 : i32 to vector<16xi32>
      %add3A_96 = arith.addi %get3A_94, %add3A_95 : vector<16xi32>
      %swap3A_97 = arith.constant 16 : index
      %swap3A_98 = tpu.vector_load %arg11[%swap3A_97] {strides = array<i32>} : memref<128xi32, #tpu.memory_space<vmem>>, vector<16xi32>,
      tpu.vector_store %arg11[%swap3A_97], %add3A_96 {strides = array<i32>} : memref<128xi32, #tpu.memory_space<vmem>>, vector<16xi32>,
      %get3A_99 = arith.constant 32 : index
      %get3A_100 = tpu.vector_load %arg11[%get3A_99] {strides = array<i32>} : memref<128xi32, #tpu.memory_space<vmem>>, vector<16xi32>,
      %add3A_101 = vector.broadcast %mul3A_17 : i32 to vector<16xi32>
      %add3A_102 = arith.addi %get3A_100, %add3A_101 : vector<16xi32>
      %swap3A_103 = arith.constant 32 : index
      %swap3A_104 = tpu.vector_load %arg11[%swap3A_103] {strides = array<i32>} : memref<128xi32, #tpu.memory_space<vmem>>, vector<16xi32>,
      tpu.vector_store %arg11[%swap3A_103], %add3A_102 {strides = array<i32>} : memref<128xi32, #tpu.memory_space<vmem>>, vector<16xi32>,
      %get3A_105 = arith.constant 48 : index
      %get3A_106 = tpu.vector_load %arg11[%get3A_105] {strides = array<i32>} : memref<128xi32, #tpu.memory_space<vmem>>, vector<16xi32>,
      %add3A_107 = vector.broadcast %mul3A_17 : i32 to vector<16xi32>
      %add3A_108 = arith.addi %get3A_106, %add3A_107 : vector<16xi32>
      %swap3A_109 = arith.constant 48 : index
      %swap3A_110 = tpu.vector_load %arg11[%swap3A_109] {strides = array<i32>} : memref<128xi32, #tpu.memory_space<vmem>>, vector<16xi32>,
      tpu.vector_store %arg11[%swap3A_109], %add3A_108 {strides = array<i32>} : memref<128xi32, #tpu.memory_space<vmem>>, vector<16xi32>,
      %get3A_111 = arith.constant 64 : index
      %get3A_112 = tpu.vector_load %arg11[%get3A_111] {strides = array<i32>} : memref<128xi32, #tpu.memory_space<vmem>>, vector<16xi32>,
      %add3A_113 = vector.broadcast %mul3A_17 : i32 to vector<16xi32>
      %add3A_114 = arith.addi %get3A_112, %add3A_113 : vector<16xi32>
      %swap3A_115 = arith.constant 64 : index
      %swap3A_116 = tpu.vector_load %arg11[%swap3A_115] {strides = array<i32>} : memref<128xi32, #tpu.memory_space<vmem>>, vector<16xi32>,
      tpu.vector_store %arg11[%swap3A_115], %add3A_114 {strides = array<i32>} : memref<128xi32, #tpu.memory_space<vmem>>, vector<16xi32>,
      %get3A_117 = arith.constant 80 : index
      %get3A_118 = tpu.vector_load %arg11[%get3A_117] {strides = array<i32>} : memref<128xi32, #tpu.memory_space<vmem>>, vector<16xi32>,
      %add3A_119 = vector.broadcast %mul3A_17 : i32 to vector<16xi32>
      %add3A_120 = arith.addi %get3A_118, %add3A_119 : vector<16xi32>
      %swap3A_121 = arith.constant 80 : index
      %swap3A_122 = tpu.vector_load %arg11[%swap3A_121] {strides = array<i32>} : memref<128xi32, #tpu.memory_space<vmem>>, vector<16xi32>,
      tpu.vector_store %arg11[%swap3A_121], %add3A_120 {strides = array<i32>} : memref<128xi32, #tpu.memory_space<vmem>>, vector<16xi32>,
      %get3A_123 = arith.constant 96 : index
      %get3A_124 = tpu.vector_load %arg11[%get3A_123] {strides = array<i32>} : memref<128xi32, #tpu.memory_space<vmem>>, vector<16xi32>,
      %add3A_125 = vector.broadcast %mul3A_17 : i32 to vector<16xi32>
      %add3A_126 = arith.addi %get3A_124, %add3A_125 : vector<16xi32>
      %swap3A_127 = arith.constant 96 : index
      %swap3A_128 = tpu.vector_load %arg11[%swap3A_127] {strides = array<i32>} : memref<128xi32, #tpu.memory_space<vmem>>, vector<16xi32>,
      tpu.vector_store %arg11[%swap3A_127], %add3A_126 {strides = array<i32>} : memref<128xi32, #tpu.memory_space<vmem>>, vector<16xi32>,
      %get3A_129 = arith.constant 112 : index
      %get3A_130 = tpu.vector_load %arg11[%get3A_129] {strides = array<i32>} : memref<128xi32, #tpu.memory_space<vmem>>, vector<16xi32>,
      %add3A_131 = vector.broadcast %mul3A_17 : i32 to vector<16xi32>
      %add3A_132 = arith.addi %get3A_130, %add3A_131 : vector<16xi32>
      %swap3A_133 = arith.constant 112 : index
      %swap3A_134 = tpu.vector_load %arg11[%swap3A_133] {strides = array<i32>} : memref<128xi32, #tpu.memory_space<vmem>>, vector<16xi32>,
      tpu.vector_store %arg11[%swap3A_133], %add3A_132 {strides = array<i32>} : memref<128xi32, #tpu.memory_space<vmem>>, vector<16xi32>,
      %dma_start3A = arith.constant 0 : i32
      %dma_start3A_135 = arith.constant 0 : i32
      %dma_start3A_136 = tpu.memref_slice %arg4[%dma_start3A, %dma_start3A_135] : memref<20480x128xf32, #tpu.memory_space<hbm>> -> memref<20480x128xf32, #tpu.memory_space<hbm>>
      tpu.enqueue_indirect_dma source(%dma_start3A_136 : memref<20480x128xf32, #tpu.memory_space<hbm>>) target(%arg14 : memref<128x128xf32, #tpu.memory_space<vmem>>) offsets(%arg11 : memref<128xi32, #tpu.memory_space<vmem>>) semaphore(%arg19 : memref<!tpu.dma_semaphore, #tpu.memory_space<semaphore_mem>>)
      %get3A_137 = arith.constant 0 : index
      %get3A_138 = tpu.vector_load %arg11[%get3A_137] {strides = array<i32>} : memref<128xi32, #tpu.memory_space<vmem>>, vector<16xi32>,
      %sub3A = vector.broadcast %mul3A_17 : i32 to vector<16xi32>
      %sub3A_139 = arith.subi %get3A_138, %sub3A : vector<16xi32>
      %get3A_140 = arith.constant 0 : index
      %get3A_141 = tpu.vector_load %arg12[%get3A_140] {strides = array<i32>} : memref<128xi32, #tpu.memory_space<vmem>>, vector<16xi32>,
      %add3A_142 = arith.constant 0 : i32
      %add3A_143 = vector.broadcast %add3A_142 : i32 to vector<16xi32>
      %add3A_144 = arith.addi %sub3A_139, %add3A_143 : vector<16xi32>
      %gather3A = tpu.vector_load_idx %arg9[%add3A_144] : memref<20480xf32, #tpu.memory_space<vmem>>[vector<16xi32>], vector<16xf32>,
      %add3A_145 = arith.constant 0 : i32
      %add3A_146 = vector.broadcast %add3A_145 : i32 to vector<16xi32>
      %add3A_147 = arith.addi %get3A_141, %add3A_146 : vector<16xi32>
      %gather3A_148 = tpu.vector_load_idx %arg10[%add3A_147] : memref<20480xf32, #tpu.memory_space<vmem>>[vector<16xi32>], vector<16xf32>,
      %add3A_149 = arith.addf %gather3A, %gather3A_148 : vector<16xf32>
      %gt3A = arith.constant 0.000000e+00 : f32
      %gt3A_150 = vector.broadcast %gt3A : f32 to vector<16xf32>
      %gt3A_151 = arith.cmpf ogt, %add3A_149, %gt3A_150 : vector<16xf32>
      %mul3A_152 = arith.constant 2.000000e-01 : f32
      %mul3A_153 = vector.broadcast %mul3A_152 : f32 to vector<16xf32>
      %mul3A_154 = arith.mulf %add3A_149, %mul3A_153 : vector<16xf32>
      %select_n3A = arith.select %gt3A_151, %add3A_149, %mul3A_154 : vector<16xi1>, vector<16xf32>
      %exp3A = math.exp %select_n3A : vector<16xf32>
      %swap3A_155 = arith.constant 0 : index
      %swap3A_156 = tpu.vector_load %arg16[%swap3A_155] {strides = array<i32>} : memref<256xf32, #tpu.memory_space<vmem>>, vector<16xf32>,
      tpu.vector_store %arg16[%swap3A_155], %exp3A {strides = array<i32>} : memref<256xf32, #tpu.memory_space<vmem>>, vector<16xf32>,
      %add3A_157 = arith.constant 0 : i32
      %add3A_158 = vector.broadcast %add3A_157 : i32 to vector<16xi32>
      %add3A_159 = arith.addi %iota3A, %add3A_158 : vector<16xi32>
      %and3A = arith.constant 63 : i32
      %and3A_160 = vector.broadcast %and3A : i32 to vector<16xi32>
      %and3A_161 = arith.andi %get3A_141, %and3A_160 : vector<16xi32>
      %mul3A_162 = arith.constant 2 : i32
      %mul3A_163 = vector.broadcast %mul3A_162 : i32 to vector<16xi32>
      %mul3A_164 = arith.muli %and3A_161, %mul3A_163 : vector<16xi32>
      %add3A_165 = arith.constant 0 : i32
      %add3A_166 = vector.broadcast %add3A_165 : i32 to vector<16xi32>
      %add3A_167 = arith.addi %mul3A_164, %add3A_166 : vector<16xi32>
      tpu.vector_store_idx %arg15[%add3A_159, %add3A_167], %exp3A : memref<128x128xf32, #tpu.memory_space<vmem>>[vector<16xi32>, vector<16xi32>], vector<16xf32>,
      %add3A_168 = arith.constant 10240 : i32
      %add3A_169 = vector.broadcast %add3A_168 : i32 to vector<16xi32>
      %add3A_170 = arith.addi %sub3A_139, %add3A_169 : vector<16xi32>
      %gather3A_171 = tpu.vector_load_idx %arg9[%add3A_170] : memref<20480xf32, #tpu.memory_space<vmem>>[vector<16xi32>], vector<16xf32>,
      %add3A_172 = arith.constant 10240 : i32
      %add3A_173 = vector.broadcast %add3A_172 : i32 to vector<16xi32>
      %add3A_174 = arith.addi %get3A_141, %add3A_173 : vector<16xi32>
      %gather3A_175 = tpu.vector_load_idx %arg10[%add3A_174] : memref<20480xf32, #tpu.memory_space<vmem>>[vector<16xi32>], vector<16xf32>,
      %add3A_176 = arith.addf %gather3A_171, %gather3A_175 : vector<16xf32>
      %gt3A_177 = arith.constant 0.000000e+00 : f32
      %gt3A_178 = vector.broadcast %gt3A_177 : f32 to vector<16xf32>
      %gt3A_179 = arith.cmpf ogt, %add3A_176, %gt3A_178 : vector<16xf32>
      %mul3A_180 = arith.constant 2.000000e-01 : f32
      %mul3A_181 = vector.broadcast %mul3A_180 : f32 to vector<16xf32>
      %mul3A_182 = arith.mulf %add3A_176, %mul3A_181 : vector<16xf32>
      %select_n3A_183 = arith.select %gt3A_179, %add3A_176, %mul3A_182 : vector<16xi1>, vector<16xf32>
      %exp3A_184 = math.exp %select_n3A_183 : vector<16xf32>
      %swap3A_185 = arith.constant 128 : index
      %swap3A_186 = tpu.vector_load %arg16[%swap3A_185] {strides = array<i32>} : memref<256xf32, #tpu.memory_space<vmem>>, vector<16xf32>,
      tpu.vector_store %arg16[%swap3A_185], %exp3A_184 {strides = array<i32>} : memref<256xf32, #tpu.memory_space<vmem>>, vector<16xf32>,
      %add3A_187 = arith.constant 0 : i32
      %add3A_188 = vector.broadcast %add3A_187 : i32 to vector<16xi32>
      %add3A_189 = arith.addi %iota3A, %add3A_188 : vector<16xi32>
      %and3A_190 = arith.constant 63 : i32
      %and3A_191 = vector.broadcast %and3A_190 : i32 to vector<16xi32>
      %and3A_192 = arith.andi %get3A_141, %and3A_191 : vector<16xi32>
      %mul3A_193 = arith.constant 2 : i32
      %mul3A_194 = vector.broadcast %mul3A_193 : i32 to vector<16xi32>
      %mul3A_195 = arith.muli %and3A_192, %mul3A_194 : vector<16xi32>
      %add3A_196 = arith.constant 1 : i32
      %add3A_197 = vector.broadcast %add3A_196 : i32 to vector<16xi32>
      %add3A_198 = arith.addi %mul3A_195, %add3A_197 : vector<16xi32>
      tpu.vector_store_idx %arg15[%add3A_189, %add3A_198], %exp3A_184 : memref<128x128xf32, #tpu.memory_space<vmem>>[vector<16xi32>, vector<16xi32>], vector<16xf32>,
      %shift_right_logical3A = arith.constant 6 : i32
      %shift_right_logical3A_199 = vector.broadcast %shift_right_logical3A : i32 to vector<16xi32>
      %shift_right_logical3A_200 = arith.shrui %get3A_141, %shift_right_logical3A_199 : vector<16xi32>
      %swap3A_201 = arith.constant 0 : index
      %swap3A_202 = tpu.vector_load %arg13[%swap3A_201] {strides = array<i32>} : memref<128xi32, #tpu.memory_space<vmem>>, vector<16xi32>,
      tpu.vector_store %arg13[%swap3A_201], %shift_right_logical3A_200 {strides = array<i32>} : memref<128xi32, #tpu.memory_space<vmem>>, vector<16xi32>,
      %get3A_203 = arith.constant 16 : index
      %get3A_204 = tpu.vector_load %arg11[%get3A_203] {strides = array<i32>} : memref<128xi32, #tpu.memory_space<vmem>>, vector<16xi32>,
      %sub3A_205 = vector.broadcast %mul3A_17 : i32 to vector<16xi32>
      %sub3A_206 = arith.subi %get3A_204, %sub3A_205 : vector<16xi32>
      %get3A_207 = arith.constant 16 : index
      %get3A_208 = tpu.vector_load %arg12[%get3A_207] {strides = array<i32>} : memref<128xi32, #tpu.memory_space<vmem>>, vector<16xi32>,
      %add3A_209 = arith.constant 0 : i32
      %add3A_210 = vector.broadcast %add3A_209 : i32 to vector<16xi32>
      %add3A_211 = arith.addi %sub3A_206, %add3A_210 : vector<16xi32>
      %gather3A_212 = tpu.vector_load_idx %arg9[%add3A_211] : memref<20480xf32, #tpu.memory_space<vmem>>[vector<16xi32>], vector<16xf32>,
      %add3A_213 = arith.constant 0 : i32
      %add3A_214 = vector.broadcast %add3A_213 : i32 to vector<16xi32>
      %add3A_215 = arith.addi %get3A_208, %add3A_214 : vector<16xi32>
      %gather3A_216 = tpu.vector_load_idx %arg10[%add3A_215] : memref<20480xf32, #tpu.memory_space<vmem>>[vector<16xi32>], vector<16xf32>,
      %add3A_217 = arith.addf %gather3A_212, %gather3A_216 : vector<16xf32>
      %gt3A_218 = arith.constant 0.000000e+00 : f32
      %gt3A_219 = vector.broadcast %gt3A_218 : f32 to vector<16xf32>
      %gt3A_220 = arith.cmpf ogt, %add3A_217, %gt3A_219 : vector<16xf32>
      %mul3A_221 = arith.constant 2.000000e-01 : f32
      %mul3A_222 = vector.broadcast %mul3A_221 : f32 to vector<16xf32>
      %mul3A_223 = arith.mulf %add3A_217, %mul3A_222 : vector<16xf32>
      %select_n3A_224 = arith.select %gt3A_220, %add3A_217, %mul3A_223 : vector<16xi1>, vector<16xf32>
      %exp3A_225 = math.exp %select_n3A_224 : vector<16xf32>
      %swap3A_226 = arith.constant 16 : index
      %swap3A_227 = tpu.vector_load %arg16[%swap3A_226] {strides = array<i32>} : memref<256xf32, #tpu.memory_space<vmem>>, vector<16xf32>,
      tpu.vector_store %arg16[%swap3A_226], %exp3A_225 {strides = array<i32>} : memref<256xf32, #tpu.memory_space<vmem>>, vector<16xf32>,
      %add3A_228 = arith.constant 16 : i32
      %add3A_229 = vector.broadcast %add3A_228 : i32 to vector<16xi32>
      %add3A_230 = arith.addi %iota3A, %add3A_229 : vector<16xi32>
      %and3A_231 = arith.constant 63 : i32
      %and3A_232 = vector.broadcast %and3A_231 : i32 to vector<16xi32>
      %and3A_233 = arith.andi %get3A_208, %and3A_232 : vector<16xi32>
      %mul3A_234 = arith.constant 2 : i32
      %mul3A_235 = vector.broadcast %mul3A_234 : i32 to vector<16xi32>
      %mul3A_236 = arith.muli %and3A_233, %mul3A_235 : vector<16xi32>
      %add3A_237 = arith.constant 0 : i32
      %add3A_238 = vector.broadcast %add3A_237 : i32 to vector<16xi32>
      %add3A_239 = arith.addi %mul3A_236, %add3A_238 : vector<16xi32>
      tpu.vector_store_idx %arg15[%add3A_230, %add3A_239], %exp3A_225 : memref<128x128xf32, #tpu.memory_space<vmem>>[vector<16xi32>, vector<16xi32>], vector<16xf32>,
      %add3A_240 = arith.constant 10240 : i32
      %add3A_241 = vector.broadcast %add3A_240 : i32 to vector<16xi32>
      %add3A_242 = arith.addi %sub3A_206, %add3A_241 : vector<16xi32>
      %gather3A_243 = tpu.vector_load_idx %arg9[%add3A_242] : memref<20480xf32, #tpu.memory_space<vmem>>[vector<16xi32>], vector<16xf32>,
      %add3A_244 = arith.constant 10240 : i32
      %add3A_245 = vector.broadcast %add3A_244 : i32 to vector<16xi32>
      %add3A_246 = arith.addi %get3A_208, %add3A_245 : vector<16xi32>
      %gather3A_247 = tpu.vector_load_idx %arg10[%add3A_246] : memref<20480xf32, #tpu.memory_space<vmem>>[vector<16xi32>], vector<16xf32>,
      %add3A_248 = arith.addf %gather3A_243, %gather3A_247 : vector<16xf32>
      %gt3A_249 = arith.constant 0.000000e+00 : f32
      %gt3A_250 = vector.broadcast %gt3A_249 : f32 to vector<16xf32>
      %gt3A_251 = arith.cmpf ogt, %add3A_248, %gt3A_250 : vector<16xf32>
      %mul3A_252 = arith.constant 2.000000e-01 : f32
      %mul3A_253 = vector.broadcast %mul3A_252 : f32 to vector<16xf32>
      %mul3A_254 = arith.mulf %add3A_248, %mul3A_253 : vector<16xf32>
      %select_n3A_255 = arith.select %gt3A_251, %add3A_248, %mul3A_254 : vector<16xi1>, vector<16xf32>
      %exp3A_256 = math.exp %select_n3A_255 : vector<16xf32>
      %swap3A_257 = arith.constant 144 : index
      %swap3A_258 = tpu.vector_load %arg16[%swap3A_257] {strides = array<i32>} : memref<256xf32, #tpu.memory_space<vmem>>, vector<16xf32>,
      tpu.vector_store %arg16[%swap3A_257], %exp3A_256 {strides = array<i32>} : memref<256xf32, #tpu.memory_space<vmem>>, vector<16xf32>,
      %add3A_259 = arith.constant 16 : i32
      %add3A_260 = vector.broadcast %add3A_259 : i32 to vector<16xi32>
      %add3A_261 = arith.addi %iota3A, %add3A_260 : vector<16xi32>
      %and3A_262 = arith.constant 63 : i32
      %and3A_263 = vector.broadcast %and3A_262 : i32 to vector<16xi32>
      %and3A_264 = arith.andi %get3A_208, %and3A_263 : vector<16xi32>
      %mul3A_265 = arith.constant 2 : i32
      %mul3A_266 = vector.broadcast %mul3A_265 : i32 to vector<16xi32>
      %mul3A_267 = arith.muli %and3A_264, %mul3A_266 : vector<16xi32>
      %add3A_268 = arith.constant 1 : i32
      %add3A_269 = vector.broadcast %add3A_268 : i32 to vector<16xi32>
      %add3A_270 = arith.addi %mul3A_267, %add3A_269 : vector<16xi32>
      tpu.vector_store_idx %arg15[%add3A_261, %add3A_270], %exp3A_256 : memref<128x128xf32, #tpu.memory_space<vmem>>[vector<16xi32>, vector<16xi32>], vector<16xf32>,
      %shift_right_logical3A_271 = arith.constant 6 : i32
      %shift_right_logical3A_272 = vector.broadcast %shift_right_logical3A_271 : i32 to vector<16xi32>
      %shift_right_logical3A_273 = arith.shrui %get3A_208, %shift_right_logical3A_272 : vector<16xi32>
      %swap3A_274 = arith.constant 16 : index
      %swap3A_275 = tpu.vector_load %arg13[%swap3A_274] {strides = array<i32>} : memref<128xi32, #tpu.memory_space<vmem>>, vector<16xi32>,
      tpu.vector_store %arg13[%swap3A_274], %shift_right_logical3A_273 {strides = array<i32>} : memref<128xi32, #tpu.memory_space<vmem>>, vector<16xi32>,
      %get3A_276 = arith.constant 32 : index
      %get3A_277 = tpu.vector_load %arg11[%get3A_276] {strides = array<i32>} : memref<128xi32, #tpu.memory_space<vmem>>, vector<16xi32>,
      %sub3A_278 = vector.broadcast %mul3A_17 : i32 to vector<16xi32>
      %sub3A_279 = arith.subi %get3A_277, %sub3A_278 : vector<16xi32>
      %get3A_280 = arith.constant 32 : index
      %get3A_281 = tpu.vector_load %arg12[%get3A_280] {strides = array<i32>} : memref<128xi32, #tpu.memory_space<vmem>>, vector<16xi32>,
      %add3A_282 = arith.constant 0 : i32
      %add3A_283 = vector.broadcast %add3A_282 : i32 to vector<16xi32>
      %add3A_284 = arith.addi %sub3A_279, %add3A_283 : vector<16xi32>
      %gather3A_285 = tpu.vector_load_idx %arg9[%add3A_284] : memref<20480xf32, #tpu.memory_space<vmem>>[vector<16xi32>], vector<16xf32>,
      %add3A_286 = arith.constant 0 : i32
      %add3A_287 = vector.broadcast %add3A_286 : i32 to vector<16xi32>
      %add3A_288 = arith.addi %get3A_281, %add3A_287 : vector<16xi32>
      %gather3A_289 = tpu.vector_load_idx %arg10[%add3A_288] : memref<20480xf32, #tpu.memory_space<vmem>>[vector<16xi32>], vector<16xf32>,
      %add3A_290 = arith.addf %gather3A_285, %gather3A_289 : vector<16xf32>
      %gt3A_291 = arith.constant 0.000000e+00 : f32
      %gt3A_292 = vector.broadcast %gt3A_291 : f32 to vector<16xf32>
      %gt3A_293 = arith.cmpf ogt, %add3A_290, %gt3A_292 : vector<16xf32>
      %mul3A_294 = arith.constant 2.000000e-01 : f32
      %mul3A_295 = vector.broadcast %mul3A_294 : f32 to vector<16xf32>
      %mul3A_296 = arith.mulf %add3A_290, %mul3A_295 : vector<16xf32>
      %select_n3A_297 = arith.select %gt3A_293, %add3A_290, %mul3A_296 : vector<16xi1>, vector<16xf32>
      %exp3A_298 = math.exp %select_n3A_297 : vector<16xf32>
      %swap3A_299 = arith.constant 32 : index
      %swap3A_300 = tpu.vector_load %arg16[%swap3A_299] {strides = array<i32>} : memref<256xf32, #tpu.memory_space<vmem>>, vector<16xf32>,
      tpu.vector_store %arg16[%swap3A_299], %exp3A_298 {strides = array<i32>} : memref<256xf32, #tpu.memory_space<vmem>>, vector<16xf32>,
      %add3A_301 = arith.constant 32 : i32
      %add3A_302 = vector.broadcast %add3A_301 : i32 to vector<16xi32>
      %add3A_303 = arith.addi %iota3A, %add3A_302 : vector<16xi32>
      %and3A_304 = arith.constant 63 : i32
      %and3A_305 = vector.broadcast %and3A_304 : i32 to vector<16xi32>
      %and3A_306 = arith.andi %get3A_281, %and3A_305 : vector<16xi32>
      %mul3A_307 = arith.constant 2 : i32
      %mul3A_308 = vector.broadcast %mul3A_307 : i32 to vector<16xi32>
      %mul3A_309 = arith.muli %and3A_306, %mul3A_308 : vector<16xi32>
      %add3A_310 = arith.constant 0 : i32
      %add3A_311 = vector.broadcast %add3A_310 : i32 to vector<16xi32>
      %add3A_312 = arith.addi %mul3A_309, %add3A_311 : vector<16xi32>
      tpu.vector_store_idx %arg15[%add3A_303, %add3A_312], %exp3A_298 : memref<128x128xf32, #tpu.memory_space<vmem>>[vector<16xi32>, vector<16xi32>], vector<16xf32>,
      %add3A_313 = arith.constant 10240 : i32
      %add3A_314 = vector.broadcast %add3A_313 : i32 to vector<16xi32>
      %add3A_315 = arith.addi %sub3A_279, %add3A_314 : vector<16xi32>
      %gather3A_316 = tpu.vector_load_idx %arg9[%add3A_315] : memref<20480xf32, #tpu.memory_space<vmem>>[vector<16xi32>], vector<16xf32>,
      %add3A_317 = arith.constant 10240 : i32
      %add3A_318 = vector.broadcast %add3A_317 : i32 to vector<16xi32>
      %add3A_319 = arith.addi %get3A_281, %add3A_318 : vector<16xi32>
      %gather3A_320 = tpu.vector_load_idx %arg10[%add3A_319] : memref<20480xf32, #tpu.memory_space<vmem>>[vector<16xi32>], vector<16xf32>,
      %add3A_321 = arith.addf %gather3A_316, %gather3A_320 : vector<16xf32>
      %gt3A_322 = arith.constant 0.000000e+00 : f32
      %gt3A_323 = vector.broadcast %gt3A_322 : f32 to vector<16xf32>
      %gt3A_324 = arith.cmpf ogt, %add3A_321, %gt3A_323 : vector<16xf32>
      %mul3A_325 = arith.constant 2.000000e-01 : f32
      %mul3A_326 = vector.broadcast %mul3A_325 : f32 to vector<16xf32>
      %mul3A_327 = arith.mulf %add3A_321, %mul3A_326 : vector<16xf32>
      %select_n3A_328 = arith.select %gt3A_324, %add3A_321, %mul3A_327 : vector<16xi1>, vector<16xf32>
      %exp3A_329 = math.exp %select_n3A_328 : vector<16xf32>
      %swap3A_330 = arith.constant 160 : index
      %swap3A_331 = tpu.vector_load %arg16[%swap3A_330] {strides = array<i32>} : memref<256xf32, #tpu.memory_space<vmem>>, vector<16xf32>,
      tpu.vector_store %arg16[%swap3A_330], %exp3A_329 {strides = array<i32>} : memref<256xf32, #tpu.memory_space<vmem>>, vector<16xf32>,
      %add3A_332 = arith.constant 32 : i32
      %add3A_333 = vector.broadcast %add3A_332 : i32 to vector<16xi32>
      %add3A_334 = arith.addi %iota3A, %add3A_333 : vector<16xi32>
      %and3A_335 = arith.constant 63 : i32
      %and3A_336 = vector.broadcast %and3A_335 : i32 to vector<16xi32>
      %and3A_337 = arith.andi %get3A_281, %and3A_336 : vector<16xi32>
      %mul3A_338 = arith.constant 2 : i32
      %mul3A_339 = vector.broadcast %mul3A_338 : i32 to vector<16xi32>
      %mul3A_340 = arith.muli %and3A_337, %mul3A_339 : vector<16xi32>
      %add3A_341 = arith.constant 1 : i32
      %add3A_342 = vector.broadcast %add3A_341 : i32 to vector<16xi32>
      %add3A_343 = arith.addi %mul3A_340, %add3A_342 : vector<16xi32>
      tpu.vector_store_idx %arg15[%add3A_334, %add3A_343], %exp3A_329 : memref<128x128xf32, #tpu.memory_space<vmem>>[vector<16xi32>, vector<16xi32>], vector<16xf32>,
      %shift_right_logical3A_344 = arith.constant 6 : i32
      %shift_right_logical3A_345 = vector.broadcast %shift_right_logical3A_344 : i32 to vector<16xi32>
      %shift_right_logical3A_346 = arith.shrui %get3A_281, %shift_right_logical3A_345 : vector<16xi32>
      %swap3A_347 = arith.constant 32 : index
      %swap3A_348 = tpu.vector_load %arg13[%swap3A_347] {strides = array<i32>} : memref<128xi32, #tpu.memory_space<vmem>>, vector<16xi32>,
      tpu.vector_store %arg13[%swap3A_347], %shift_right_logical3A_346 {strides = array<i32>} : memref<128xi32, #tpu.memory_space<vmem>>, vector<16xi32>,
      %get3A_349 = arith.constant 48 : index
      %get3A_350 = tpu.vector_load %arg11[%get3A_349] {strides = array<i32>} : memref<128xi32, #tpu.memory_space<vmem>>, vector<16xi32>,
      %sub3A_351 = vector.broadcast %mul3A_17 : i32 to vector<16xi32>
      %sub3A_352 = arith.subi %get3A_350, %sub3A_351 : vector<16xi32>
      %get3A_353 = arith.constant 48 : index
      %get3A_354 = tpu.vector_load %arg12[%get3A_353] {strides = array<i32>} : memref<128xi32, #tpu.memory_space<vmem>>, vector<16xi32>,
      %add3A_355 = arith.constant 0 : i32
      %add3A_356 = vector.broadcast %add3A_355 : i32 to vector<16xi32>
      %add3A_357 = arith.addi %sub3A_352, %add3A_356 : vector<16xi32>
      %gather3A_358 = tpu.vector_load_idx %arg9[%add3A_357] : memref<20480xf32, #tpu.memory_space<vmem>>[vector<16xi32>], vector<16xf32>,
      %add3A_359 = arith.constant 0 : i32
      %add3A_360 = vector.broadcast %add3A_359 : i32 to vector<16xi32>
      %add3A_361 = arith.addi %get3A_354, %add3A_360 : vector<16xi32>
      %gather3A_362 = tpu.vector_load_idx %arg10[%add3A_361] : memref<20480xf32, #tpu.memory_space<vmem>>[vector<16xi32>], vector<16xf32>,
      %add3A_363 = arith.addf %gather3A_358, %gather3A_362 : vector<16xf32>
      %gt3A_364 = arith.constant 0.000000e+00 : f32
      %gt3A_365 = vector.broadcast %gt3A_364 : f32 to vector<16xf32>
      %gt3A_366 = arith.cmpf ogt, %add3A_363, %gt3A_365 : vector<16xf32>
      %mul3A_367 = arith.constant 2.000000e-01 : f32
      %mul3A_368 = vector.broadcast %mul3A_367 : f32 to vector<16xf32>
      %mul3A_369 = arith.mulf %add3A_363, %mul3A_368 : vector<16xf32>
      %select_n3A_370 = arith.select %gt3A_366, %add3A_363, %mul3A_369 : vector<16xi1>, vector<16xf32>
      %exp3A_371 = math.exp %select_n3A_370 : vector<16xf32>
      %swap3A_372 = arith.constant 48 : index
      %swap3A_373 = tpu.vector_load %arg16[%swap3A_372] {strides = array<i32>} : memref<256xf32, #tpu.memory_space<vmem>>, vector<16xf32>,
      tpu.vector_store %arg16[%swap3A_372], %exp3A_371 {strides = array<i32>} : memref<256xf32, #tpu.memory_space<vmem>>, vector<16xf32>,
      %add3A_374 = arith.constant 48 : i32
      %add3A_375 = vector.broadcast %add3A_374 : i32 to vector<16xi32>
      %add3A_376 = arith.addi %iota3A, %add3A_375 : vector<16xi32>
      %and3A_377 = arith.constant 63 : i32
      %and3A_378 = vector.broadcast %and3A_377 : i32 to vector<16xi32>
      %and3A_379 = arith.andi %get3A_354, %and3A_378 : vector<16xi32>
      %mul3A_380 = arith.constant 2 : i32
      %mul3A_381 = vector.broadcast %mul3A_380 : i32 to vector<16xi32>
      %mul3A_382 = arith.muli %and3A_379, %mul3A_381 : vector<16xi32>
      %add3A_383 = arith.constant 0 : i32
      %add3A_384 = vector.broadcast %add3A_383 : i32 to vector<16xi32>
      %add3A_385 = arith.addi %mul3A_382, %add3A_384 : vector<16xi32>
      tpu.vector_store_idx %arg15[%add3A_376, %add3A_385], %exp3A_371 : memref<128x128xf32, #tpu.memory_space<vmem>>[vector<16xi32>, vector<16xi32>], vector<16xf32>,
      %add3A_386 = arith.constant 10240 : i32
      %add3A_387 = vector.broadcast %add3A_386 : i32 to vector<16xi32>
      %add3A_388 = arith.addi %sub3A_352, %add3A_387 : vector<16xi32>
      %gather3A_389 = tpu.vector_load_idx %arg9[%add3A_388] : memref<20480xf32, #tpu.memory_space<vmem>>[vector<16xi32>], vector<16xf32>,
      %add3A_390 = arith.constant 10240 : i32
      %add3A_391 = vector.broadcast %add3A_390 : i32 to vector<16xi32>
      %add3A_392 = arith.addi %get3A_354, %add3A_391 : vector<16xi32>
      %gather3A_393 = tpu.vector_load_idx %arg10[%add3A_392] : memref<20480xf32, #tpu.memory_space<vmem>>[vector<16xi32>], vector<16xf32>,
      %add3A_394 = arith.addf %gather3A_389, %gather3A_393 : vector<16xf32>
      %gt3A_395 = arith.constant 0.000000e+00 : f32
      %gt3A_396 = vector.broadcast %gt3A_395 : f32 to vector<16xf32>
      %gt3A_397 = arith.cmpf ogt, %add3A_394, %gt3A_396 : vector<16xf32>
      %mul3A_398 = arith.constant 2.000000e-01 : f32
      %mul3A_399 = vector.broadcast %mul3A_398 : f32 to vector<16xf32>
      %mul3A_400 = arith.mulf %add3A_394, %mul3A_399 : vector<16xf32>
      %select_n3A_401 = arith.select %gt3A_397, %add3A_394, %mul3A_400 : vector<16xi1>, vector<16xf32>
      %exp3A_402 = math.exp %select_n3A_401 : vector<16xf32>
      %swap3A_403 = arith.constant 176 : index
      %swap3A_404 = tpu.vector_load %arg16[%swap3A_403] {strides = array<i32>} : memref<256xf32, #tpu.memory_space<vmem>>, vector<16xf32>,
      tpu.vector_store %arg16[%swap3A_403], %exp3A_402 {strides = array<i32>} : memref<256xf32, #tpu.memory_space<vmem>>, vector<16xf32>,
      %add3A_405 = arith.constant 48 : i32
      %add3A_406 = vector.broadcast %add3A_405 : i32 to vector<16xi32>
      %add3A_407 = arith.addi %iota3A, %add3A_406 : vector<16xi32>
      %and3A_408 = arith.constant 63 : i32
      %and3A_409 = vector.broadcast %and3A_408 : i32 to vector<16xi32>
      %and3A_410 = arith.andi %get3A_354, %and3A_409 : vector<16xi32>
      %mul3A_411 = arith.constant 2 : i32
      %mul3A_412 = vector.broadcast %mul3A_411 : i32 to vector<16xi32>
      %mul3A_413 = arith.muli %and3A_410, %mul3A_412 : vector<16xi32>
      %add3A_414 = arith.constant 1 : i32
      %add3A_415 = vector.broadcast %add3A_414 : i32 to vector<16xi32>
      %add3A_416 = arith.addi %mul3A_413, %add3A_415 : vector<16xi32>
      tpu.vector_store_idx %arg15[%add3A_407, %add3A_416], %exp3A_402 : memref<128x128xf32, #tpu.memory_space<vmem>>[vector<16xi32>, vector<16xi32>], vector<16xf32>,
      %shift_right_logical3A_417 = arith.constant 6 : i32
      %shift_right_logical3A_418 = vector.broadcast %shift_right_logical3A_417 : i32 to vector<16xi32>
      %shift_right_logical3A_419 = arith.shrui %get3A_354, %shift_right_logical3A_418 : vector<16xi32>
      %swap3A_420 = arith.constant 48 : index
      %swap3A_421 = tpu.vector_load %arg13[%swap3A_420] {strides = array<i32>} : memref<128xi32, #tpu.memory_space<vmem>>, vector<16xi32>,
      tpu.vector_store %arg13[%swap3A_420], %shift_right_logical3A_419 {strides = array<i32>} : memref<128xi32, #tpu.memory_space<vmem>>, vector<16xi32>,
      %get3A_422 = arith.constant 64 : index
      %get3A_423 = tpu.vector_load %arg11[%get3A_422] {strides = array<i32>} : memref<128xi32, #tpu.memory_space<vmem>>, vector<16xi32>,
      %sub3A_424 = vector.broadcast %mul3A_17 : i32 to vector<16xi32>
      %sub3A_425 = arith.subi %get3A_423, %sub3A_424 : vector<16xi32>
      %get3A_426 = arith.constant 64 : index
      %get3A_427 = tpu.vector_load %arg12[%get3A_426] {strides = array<i32>} : memref<128xi32, #tpu.memory_space<vmem>>, vector<16xi32>,
      %add3A_428 = arith.constant 0 : i32
      %add3A_429 = vector.broadcast %add3A_428 : i32 to vector<16xi32>
      %add3A_430 = arith.addi %sub3A_425, %add3A_429 : vector<16xi32>
      %gather3A_431 = tpu.vector_load_idx %arg9[%add3A_430] : memref<20480xf32, #tpu.memory_space<vmem>>[vector<16xi32>], vector<16xf32>,
      %add3A_432 = arith.constant 0 : i32
      %add3A_433 = vector.broadcast %add3A_432 : i32 to vector<16xi32>
      %add3A_434 = arith.addi %get3A_427, %add3A_433 : vector<16xi32>
      %gather3A_435 = tpu.vector_load_idx %arg10[%add3A_434] : memref<20480xf32, #tpu.memory_space<vmem>>[vector<16xi32>], vector<16xf32>,
      %add3A_436 = arith.addf %gather3A_431, %gather3A_435 : vector<16xf32>
      %gt3A_437 = arith.constant 0.000000e+00 : f32
      %gt3A_438 = vector.broadcast %gt3A_437 : f32 to vector<16xf32>
      %gt3A_439 = arith.cmpf ogt, %add3A_436, %gt3A_438 : vector<16xf32>
      %mul3A_440 = arith.constant 2.000000e-01 : f32
      %mul3A_441 = vector.broadcast %mul3A_440 : f32 to vector<16xf32>
      %mul3A_442 = arith.mulf %add3A_436, %mul3A_441 : vector<16xf32>
      %select_n3A_443 = arith.select %gt3A_439, %add3A_436, %mul3A_442 : vector<16xi1>, vector<16xf32>
      %exp3A_444 = math.exp %select_n3A_443 : vector<16xf32>
      %swap3A_445 = arith.constant 64 : index
      %swap3A_446 = tpu.vector_load %arg16[%swap3A_445] {strides = array<i32>} : memref<256xf32, #tpu.memory_space<vmem>>, vector<16xf32>,
      tpu.vector_store %arg16[%swap3A_445], %exp3A_444 {strides = array<i32>} : memref<256xf32, #tpu.memory_space<vmem>>, vector<16xf32>,
      %add3A_447 = arith.constant 64 : i32
      %add3A_448 = vector.broadcast %add3A_447 : i32 to vector<16xi32>
      %add3A_449 = arith.addi %iota3A, %add3A_448 : vector<16xi32>
      %and3A_450 = arith.constant 63 : i32
      %and3A_451 = vector.broadcast %and3A_450 : i32 to vector<16xi32>
      %and3A_452 = arith.andi %get3A_427, %and3A_451 : vector<16xi32>
      %mul3A_453 = arith.constant 2 : i32
      %mul3A_454 = vector.broadcast %mul3A_453 : i32 to vector<16xi32>
      %mul3A_455 = arith.muli %and3A_452, %mul3A_454 : vector<16xi32>
      %add3A_456 = arith.constant 0 : i32
      %add3A_457 = vector.broadcast %add3A_456 : i32 to vector<16xi32>
      %add3A_458 = arith.addi %mul3A_455, %add3A_457 : vector<16xi32>
      tpu.vector_store_idx %arg15[%add3A_449, %add3A_458], %exp3A_444 : memref<128x128xf32, #tpu.memory_space<vmem>>[vector<16xi32>, vector<16xi32>], vector<16xf32>,
      %add3A_459 = arith.constant 10240 : i32
      %add3A_460 = vector.broadcast %add3A_459 : i32 to vector<16xi32>
      %add3A_461 = arith.addi %sub3A_425, %add3A_460 : vector<16xi32>
      %gather3A_462 = tpu.vector_load_idx %arg9[%add3A_461] : memref<20480xf32, #tpu.memory_space<vmem>>[vector<16xi32>], vector<16xf32>,
      %add3A_463 = arith.constant 10240 : i32
      %add3A_464 = vector.broadcast %add3A_463 : i32 to vector<16xi32>
      %add3A_465 = arith.addi %get3A_427, %add3A_464 : vector<16xi32>
      %gather3A_466 = tpu.vector_load_idx %arg10[%add3A_465] : memref<20480xf32, #tpu.memory_space<vmem>>[vector<16xi32>], vector<16xf32>,
      %add3A_467 = arith.addf %gather3A_462, %gather3A_466 : vector<16xf32>
      %gt3A_468 = arith.constant 0.000000e+00 : f32
      %gt3A_469 = vector.broadcast %gt3A_468 : f32 to vector<16xf32>
      %gt3A_470 = arith.cmpf ogt, %add3A_467, %gt3A_469 : vector<16xf32>
      %mul3A_471 = arith.constant 2.000000e-01 : f32
      %mul3A_472 = vector.broadcast %mul3A_471 : f32 to vector<16xf32>
      %mul3A_473 = arith.mulf %add3A_467, %mul3A_472 : vector<16xf32>
      %select_n3A_474 = arith.select %gt3A_470, %add3A_467, %mul3A_473 : vector<16xi1>, vector<16xf32>
      %exp3A_475 = math.exp %select_n3A_474 : vector<16xf32>
      %swap3A_476 = arith.constant 192 : index
      %swap3A_477 = tpu.vector_load %arg16[%swap3A_476] {strides = array<i32>} : memref<256xf32, #tpu.memory_space<vmem>>, vector<16xf32>,
      tpu.vector_store %arg16[%swap3A_476], %exp3A_475 {strides = array<i32>} : memref<256xf32, #tpu.memory_space<vmem>>, vector<16xf32>,
      %add3A_478 = arith.constant 64 : i32
      %add3A_479 = vector.broadcast %add3A_478 : i32 to vector<16xi32>
      %add3A_480 = arith.addi %iota3A, %add3A_479 : vector<16xi32>
      %and3A_481 = arith.constant 63 : i32
      %and3A_482 = vector.broadcast %and3A_481 : i32 to vector<16xi32>
      %and3A_483 = arith.andi %get3A_427, %and3A_482 : vector<16xi32>
      %mul3A_484 = arith.constant 2 : i32
      %mul3A_485 = vector.broadcast %mul3A_484 : i32 to vector<16xi32>
      %mul3A_486 = arith.muli %and3A_483, %mul3A_485 : vector<16xi32>
      %add3A_487 = arith.constant 1 : i32
      %add3A_488 = vector.broadcast %add3A_487 : i32 to vector<16xi32>
      %add3A_489 = arith.addi %mul3A_486, %add3A_488 : vector<16xi32>
      tpu.vector_store_idx %arg15[%add3A_480, %add3A_489], %exp3A_475 : memref<128x128xf32, #tpu.memory_space<vmem>>[vector<16xi32>, vector<16xi32>], vector<16xf32>,
      %shift_right_logical3A_490 = arith.constant 6 : i32
      %shift_right_logical3A_491 = vector.broadcast %shift_right_logical3A_490 : i32 to vector<16xi32>
      %shift_right_logical3A_492 = arith.shrui %get3A_427, %shift_right_logical3A_491 : vector<16xi32>
      %swap3A_493 = arith.constant 64 : index
      %swap3A_494 = tpu.vector_load %arg13[%swap3A_493] {strides = array<i32>} : memref<128xi32, #tpu.memory_space<vmem>>, vector<16xi32>,
      tpu.vector_store %arg13[%swap3A_493], %shift_right_logical3A_492 {strides = array<i32>} : memref<128xi32, #tpu.memory_space<vmem>>, vector<16xi32>,
      %get3A_495 = arith.constant 80 : index
      %get3A_496 = tpu.vector_load %arg11[%get3A_495] {strides = array<i32>} : memref<128xi32, #tpu.memory_space<vmem>>, vector<16xi32>,
      %sub3A_497 = vector.broadcast %mul3A_17 : i32 to vector<16xi32>
      %sub3A_498 = arith.subi %get3A_496, %sub3A_497 : vector<16xi32>
      %get3A_499 = arith.constant 80 : index
      %get3A_500 = tpu.vector_load %arg12[%get3A_499] {strides = array<i32>} : memref<128xi32, #tpu.memory_space<vmem>>, vector<16xi32>,
      %add3A_501 = arith.constant 0 : i32
      %add3A_502 = vector.broadcast %add3A_501 : i32 to vector<16xi32>
      %add3A_503 = arith.addi %sub3A_498, %add3A_502 : vector<16xi32>
      %gather3A_504 = tpu.vector_load_idx %arg9[%add3A_503] : memref<20480xf32, #tpu.memory_space<vmem>>[vector<16xi32>], vector<16xf32>,
      %add3A_505 = arith.constant 0 : i32
      %add3A_506 = vector.broadcast %add3A_505 : i32 to vector<16xi32>
      %add3A_507 = arith.addi %get3A_500, %add3A_506 : vector<16xi32>
      %gather3A_508 = tpu.vector_load_idx %arg10[%add3A_507] : memref<20480xf32, #tpu.memory_space<vmem>>[vector<16xi32>], vector<16xf32>,
      %add3A_509 = arith.addf %gather3A_504, %gather3A_508 : vector<16xf32>
      %gt3A_510 = arith.constant 0.000000e+00 : f32
      %gt3A_511 = vector.broadcast %gt3A_510 : f32 to vector<16xf32>
      %gt3A_512 = arith.cmpf ogt, %add3A_509, %gt3A_511 : vector<16xf32>
      %mul3A_513 = arith.constant 2.000000e-01 : f32
      %mul3A_514 = vector.broadcast %mul3A_513 : f32 to vector<16xf32>
      %mul3A_515 = arith.mulf %add3A_509, %mul3A_514 : vector<16xf32>
      %select_n3A_516 = arith.select %gt3A_512, %add3A_509, %mul3A_515 : vector<16xi1>, vector<16xf32>
      %exp3A_517 = math.exp %select_n3A_516 : vector<16xf32>
      %swap3A_518 = arith.constant 80 : index
      %swap3A_519 = tpu.vector_load %arg16[%swap3A_518] {strides = array<i32>} : memref<256xf32, #tpu.memory_space<vmem>>, vector<16xf32>,
      tpu.vector_store %arg16[%swap3A_518], %exp3A_517 {strides = array<i32>} : memref<256xf32, #tpu.memory_space<vmem>>, vector<16xf32>,
      %add3A_520 = arith.constant 80 : i32
      %add3A_521 = vector.broadcast %add3A_520 : i32 to vector<16xi32>
      %add3A_522 = arith.addi %iota3A, %add3A_521 : vector<16xi32>
      %and3A_523 = arith.constant 63 : i32
      %and3A_524 = vector.broadcast %and3A_523 : i32 to vector<16xi32>
      %and3A_525 = arith.andi %get3A_500, %and3A_524 : vector<16xi32>
      %mul3A_526 = arith.constant 2 : i32
      %mul3A_527 = vector.broadcast %mul3A_526 : i32 to vector<16xi32>
      %mul3A_528 = arith.muli %and3A_525, %mul3A_527 : vector<16xi32>
      %add3A_529 = arith.constant 0 : i32
      %add3A_530 = vector.broadcast %add3A_529 : i32 to vector<16xi32>
      %add3A_531 = arith.addi %mul3A_528, %add3A_530 : vector<16xi32>
      tpu.vector_store_idx %arg15[%add3A_522, %add3A_531], %exp3A_517 : memref<128x128xf32, #tpu.memory_space<vmem>>[vector<16xi32>, vector<16xi32>], vector<16xf32>,
      %add3A_532 = arith.constant 10240 : i32
      %add3A_533 = vector.broadcast %add3A_532 : i32 to vector<16xi32>
      %add3A_534 = arith.addi %sub3A_498, %add3A_533 : vector<16xi32>
      %gather3A_535 = tpu.vector_load_idx %arg9[%add3A_534] : memref<20480xf32, #tpu.memory_space<vmem>>[vector<16xi32>], vector<16xf32>,
      %add3A_536 = arith.constant 10240 : i32
      %add3A_537 = vector.broadcast %add3A_536 : i32 to vector<16xi32>
      %add3A_538 = arith.addi %get3A_500, %add3A_537 : vector<16xi32>
      %gather3A_539 = tpu.vector_load_idx %arg10[%add3A_538] : memref<20480xf32, #tpu.memory_space<vmem>>[vector<16xi32>], vector<16xf32>,
      %add3A_540 = arith.addf %gather3A_535, %gather3A_539 : vector<16xf32>
      %gt3A_541 = arith.constant 0.000000e+00 : f32
      %gt3A_542 = vector.broadcast %gt3A_541 : f32 to vector<16xf32>
      %gt3A_543 = arith.cmpf ogt, %add3A_540, %gt3A_542 : vector<16xf32>
      %mul3A_544 = arith.constant 2.000000e-01 : f32
      %mul3A_545 = vector.broadcast %mul3A_544 : f32 to vector<16xf32>
      %mul3A_546 = arith.mulf %add3A_540, %mul3A_545 : vector<16xf32>
      %select_n3A_547 = arith.select %gt3A_543, %add3A_540, %mul3A_546 : vector<16xi1>, vector<16xf32>
      %exp3A_548 = math.exp %select_n3A_547 : vector<16xf32>
      %swap3A_549 = arith.constant 208 : index
      %swap3A_550 = tpu.vector_load %arg16[%swap3A_549] {strides = array<i32>} : memref<256xf32, #tpu.memory_space<vmem>>, vector<16xf32>,
      tpu.vector_store %arg16[%swap3A_549], %exp3A_548 {strides = array<i32>} : memref<256xf32, #tpu.memory_space<vmem>>, vector<16xf32>,
      %add3A_551 = arith.constant 80 : i32
      %add3A_552 = vector.broadcast %add3A_551 : i32 to vector<16xi32>
      %add3A_553 = arith.addi %iota3A, %add3A_552 : vector<16xi32>
      %and3A_554 = arith.constant 63 : i32
      %and3A_555 = vector.broadcast %and3A_554 : i32 to vector<16xi32>
      %and3A_556 = arith.andi %get3A_500, %and3A_555 : vector<16xi32>
      %mul3A_557 = arith.constant 2 : i32
      %mul3A_558 = vector.broadcast %mul3A_557 : i32 to vector<16xi32>
      %mul3A_559 = arith.muli %and3A_556, %mul3A_558 : vector<16xi32>
      %add3A_560 = arith.constant 1 : i32
      %add3A_561 = vector.broadcast %add3A_560 : i32 to vector<16xi32>
      %add3A_562 = arith.addi %mul3A_559, %add3A_561 : vector<16xi32>
      tpu.vector_store_idx %arg15[%add3A_553, %add3A_562], %exp3A_548 : memref<128x128xf32, #tpu.memory_space<vmem>>[vector<16xi32>, vector<16xi32>], vector<16xf32>,
      %shift_right_logical3A_563 = arith.constant 6 : i32
      %shift_right_logical3A_564 = vector.broadcast %shift_right_logical3A_563 : i32 to vector<16xi32>
      %shift_right_logical3A_565 = arith.shrui %get3A_500, %shift_right_logical3A_564 : vector<16xi32>
      %swap3A_566 = arith.constant 80 : index
      %swap3A_567 = tpu.vector_load %arg13[%swap3A_566] {strides = array<i32>} : memref<128xi32, #tpu.memory_space<vmem>>, vector<16xi32>,
      tpu.vector_store %arg13[%swap3A_566], %shift_right_logical3A_565 {strides = array<i32>} : memref<128xi32, #tpu.memory_space<vmem>>, vector<16xi32>,
      %get3A_568 = arith.constant 96 : index
      %get3A_569 = tpu.vector_load %arg11[%get3A_568] {strides = array<i32>} : memref<128xi32, #tpu.memory_space<vmem>>, vector<16xi32>,
      %sub3A_570 = vector.broadcast %mul3A_17 : i32 to vector<16xi32>
      %sub3A_571 = arith.subi %get3A_569, %sub3A_570 : vector<16xi32>
      %get3A_572 = arith.constant 96 : index
      %get3A_573 = tpu.vector_load %arg12[%get3A_572] {strides = array<i32>} : memref<128xi32, #tpu.memory_space<vmem>>, vector<16xi32>,
      %add3A_574 = arith.constant 0 : i32
      %add3A_575 = vector.broadcast %add3A_574 : i32 to vector<16xi32>
      %add3A_576 = arith.addi %sub3A_571, %add3A_575 : vector<16xi32>
      %gather3A_577 = tpu.vector_load_idx %arg9[%add3A_576] : memref<20480xf32, #tpu.memory_space<vmem>>[vector<16xi32>], vector<16xf32>,
      %add3A_578 = arith.constant 0 : i32
      %add3A_579 = vector.broadcast %add3A_578 : i32 to vector<16xi32>
      %add3A_580 = arith.addi %get3A_573, %add3A_579 : vector<16xi32>
      %gather3A_581 = tpu.vector_load_idx %arg10[%add3A_580] : memref<20480xf32, #tpu.memory_space<vmem>>[vector<16xi32>], vector<16xf32>,
      %add3A_582 = arith.addf %gather3A_577, %gather3A_581 : vector<16xf32>
      %gt3A_583 = arith.constant 0.000000e+00 : f32
      %gt3A_584 = vector.broadcast %gt3A_583 : f32 to vector<16xf32>
      %gt3A_585 = arith.cmpf ogt, %add3A_582, %gt3A_584 : vector<16xf32>
      %mul3A_586 = arith.constant 2.000000e-01 : f32
      %mul3A_587 = vector.broadcast %mul3A_586 : f32 to vector<16xf32>
      %mul3A_588 = arith.mulf %add3A_582, %mul3A_587 : vector<16xf32>
      %select_n3A_589 = arith.select %gt3A_585, %add3A_582, %mul3A_588 : vector<16xi1>, vector<16xf32>
      %exp3A_590 = math.exp %select_n3A_589 : vector<16xf32>
      %swap3A_591 = arith.constant 96 : index
      %swap3A_592 = tpu.vector_load %arg16[%swap3A_591] {strides = array<i32>} : memref<256xf32, #tpu.memory_space<vmem>>, vector<16xf32>,
      tpu.vector_store %arg16[%swap3A_591], %exp3A_590 {strides = array<i32>} : memref<256xf32, #tpu.memory_space<vmem>>, vector<16xf32>,
      %add3A_593 = arith.constant 96 : i32
      %add3A_594 = vector.broadcast %add3A_593 : i32 to vector<16xi32>
      %add3A_595 = arith.addi %iota3A, %add3A_594 : vector<16xi32>
      %and3A_596 = arith.constant 63 : i32
      %and3A_597 = vector.broadcast %and3A_596 : i32 to vector<16xi32>
      %and3A_598 = arith.andi %get3A_573, %and3A_597 : vector<16xi32>
      %mul3A_599 = arith.constant 2 : i32
      %mul3A_600 = vector.broadcast %mul3A_599 : i32 to vector<16xi32>
      %mul3A_601 = arith.muli %and3A_598, %mul3A_600 : vector<16xi32>
      %add3A_602 = arith.constant 0 : i32
      %add3A_603 = vector.broadcast %add3A_602 : i32 to vector<16xi32>
      %add3A_604 = arith.addi %mul3A_601, %add3A_603 : vector<16xi32>
      tpu.vector_store_idx %arg15[%add3A_595, %add3A_604], %exp3A_590 : memref<128x128xf32, #tpu.memory_space<vmem>>[vector<16xi32>, vector<16xi32>], vector<16xf32>,
      %add3A_605 = arith.constant 10240 : i32
      %add3A_606 = vector.broadcast %add3A_605 : i32 to vector<16xi32>
      %add3A_607 = arith.addi %sub3A_571, %add3A_606 : vector<16xi32>
      %gather3A_608 = tpu.vector_load_idx %arg9[%add3A_607] : memref<20480xf32, #tpu.memory_space<vmem>>[vector<16xi32>], vector<16xf32>,
      %add3A_609 = arith.constant 10240 : i32
      %add3A_610 = vector.broadcast %add3A_609 : i32 to vector<16xi32>
      %add3A_611 = arith.addi %get3A_573, %add3A_610 : vector<16xi32>
      %gather3A_612 = tpu.vector_load_idx %arg10[%add3A_611] : memref<20480xf32, #tpu.memory_space<vmem>>[vector<16xi32>], vector<16xf32>,
      %add3A_613 = arith.addf %gather3A_608, %gather3A_612 : vector<16xf32>
      %gt3A_614 = arith.constant 0.000000e+00 : f32
      %gt3A_615 = vector.broadcast %gt3A_614 : f32 to vector<16xf32>
      %gt3A_616 = arith.cmpf ogt, %add3A_613, %gt3A_615 : vector<16xf32>
      %mul3A_617 = arith.constant 2.000000e-01 : f32
      %mul3A_618 = vector.broadcast %mul3A_617 : f32 to vector<16xf32>
      %mul3A_619 = arith.mulf %add3A_613, %mul3A_618 : vector<16xf32>
      %select_n3A_620 = arith.select %gt3A_616, %add3A_613, %mul3A_619 : vector<16xi1>, vector<16xf32>
      %exp3A_621 = math.exp %select_n3A_620 : vector<16xf32>
      %swap3A_622 = arith.constant 224 : index
      %swap3A_623 = tpu.vector_load %arg16[%swap3A_622] {strides = array<i32>} : memref<256xf32, #tpu.memory_space<vmem>>, vector<16xf32>,
      tpu.vector_store %arg16[%swap3A_622], %exp3A_621 {strides = array<i32>} : memref<256xf32, #tpu.memory_space<vmem>>, vector<16xf32>,
      %add3A_624 = arith.constant 96 : i32
      %add3A_625 = vector.broadcast %add3A_624 : i32 to vector<16xi32>
      %add3A_626 = arith.addi %iota3A, %add3A_625 : vector<16xi32>
      %and3A_627 = arith.constant 63 : i32
      %and3A_628 = vector.broadcast %and3A_627 : i32 to vector<16xi32>
      %and3A_629 = arith.andi %get3A_573, %and3A_628 : vector<16xi32>
      %mul3A_630 = arith.constant 2 : i32
      %mul3A_631 = vector.broadcast %mul3A_630 : i32 to vector<16xi32>
      %mul3A_632 = arith.muli %and3A_629, %mul3A_631 : vector<16xi32>
      %add3A_633 = arith.constant 1 : i32
      %add3A_634 = vector.broadcast %add3A_633 : i32 to vector<16xi32>
      %add3A_635 = arith.addi %mul3A_632, %add3A_634 : vector<16xi32>
      tpu.vector_store_idx %arg15[%add3A_626, %add3A_635], %exp3A_621 : memref<128x128xf32, #tpu.memory_space<vmem>>[vector<16xi32>, vector<16xi32>], vector<16xf32>,
      %shift_right_logical3A_636 = arith.constant 6 : i32
      %shift_right_logical3A_637 = vector.broadcast %shift_right_logical3A_636 : i32 to vector<16xi32>
      %shift_right_logical3A_638 = arith.shrui %get3A_573, %shift_right_logical3A_637 : vector<16xi32>
      %swap3A_639 = arith.constant 96 : index
      %swap3A_640 = tpu.vector_load %arg13[%swap3A_639] {strides = array<i32>} : memref<128xi32, #tpu.memory_space<vmem>>, vector<16xi32>,
      tpu.vector_store %arg13[%swap3A_639], %shift_right_logical3A_638 {strides = array<i32>} : memref<128xi32, #tpu.memory_space<vmem>>, vector<16xi32>,
      %get3A_641 = arith.constant 112 : index
      %get3A_642 = tpu.vector_load %arg11[%get3A_641] {strides = array<i32>} : memref<128xi32, #tpu.memory_space<vmem>>, vector<16xi32>,
      %sub3A_643 = vector.broadcast %mul3A_17 : i32 to vector<16xi32>
      %sub3A_644 = arith.subi %get3A_642, %sub3A_643 : vector<16xi32>
      %get3A_645 = arith.constant 112 : index
      %get3A_646 = tpu.vector_load %arg12[%get3A_645] {strides = array<i32>} : memref<128xi32, #tpu.memory_space<vmem>>, vector<16xi32>,
      %add3A_647 = arith.constant 0 : i32
      %add3A_648 = vector.broadcast %add3A_647 : i32 to vector<16xi32>
      %add3A_649 = arith.addi %sub3A_644, %add3A_648 : vector<16xi32>
      %gather3A_650 = tpu.vector_load_idx %arg9[%add3A_649] : memref<20480xf32, #tpu.memory_space<vmem>>[vector<16xi32>], vector<16xf32>,
      %add3A_651 = arith.constant 0 : i32
      %add3A_652 = vector.broadcast %add3A_651 : i32 to vector<16xi32>
      %add3A_653 = arith.addi %get3A_646, %add3A_652 : vector<16xi32>
      %gather3A_654 = tpu.vector_load_idx %arg10[%add3A_653] : memref<20480xf32, #tpu.memory_space<vmem>>[vector<16xi32>], vector<16xf32>,
      %add3A_655 = arith.addf %gather3A_650, %gather3A_654 : vector<16xf32>
      %gt3A_656 = arith.constant 0.000000e+00 : f32
      %gt3A_657 = vector.broadcast %gt3A_656 : f32 to vector<16xf32>
      %gt3A_658 = arith.cmpf ogt, %add3A_655, %gt3A_657 : vector<16xf32>
      %mul3A_659 = arith.constant 2.000000e-01 : f32
      %mul3A_660 = vector.broadcast %mul3A_659 : f32 to vector<16xf32>
      %mul3A_661 = arith.mulf %add3A_655, %mul3A_660 : vector<16xf32>
      %select_n3A_662 = arith.select %gt3A_658, %add3A_655, %mul3A_661 : vector<16xi1>, vector<16xf32>
      %exp3A_663 = math.exp %select_n3A_662 : vector<16xf32>
      %swap3A_664 = arith.constant 112 : index
      %swap3A_665 = tpu.vector_load %arg16[%swap3A_664] {strides = array<i32>} : memref<256xf32, #tpu.memory_space<vmem>>, vector<16xf32>,
      tpu.vector_store %arg16[%swap3A_664], %exp3A_663 {strides = array<i32>} : memref<256xf32, #tpu.memory_space<vmem>>, vector<16xf32>,
      %add3A_666 = arith.constant 112 : i32
      %add3A_667 = vector.broadcast %add3A_666 : i32 to vector<16xi32>
      %add3A_668 = arith.addi %iota3A, %add3A_667 : vector<16xi32>
      %and3A_669 = arith.constant 63 : i32
      %and3A_670 = vector.broadcast %and3A_669 : i32 to vector<16xi32>
      %and3A_671 = arith.andi %get3A_646, %and3A_670 : vector<16xi32>
      %mul3A_672 = arith.constant 2 : i32
      %mul3A_673 = vector.broadcast %mul3A_672 : i32 to vector<16xi32>
      %mul3A_674 = arith.muli %and3A_671, %mul3A_673 : vector<16xi32>
      %add3A_675 = arith.constant 0 : i32
      %add3A_676 = vector.broadcast %add3A_675 : i32 to vector<16xi32>
      %add3A_677 = arith.addi %mul3A_674, %add3A_676 : vector<16xi32>
      tpu.vector_store_idx %arg15[%add3A_668, %add3A_677], %exp3A_663 : memref<128x128xf32, #tpu.memory_space<vmem>>[vector<16xi32>, vector<16xi32>], vector<16xf32>,
      %add3A_678 = arith.constant 10240 : i32
      %add3A_679 = vector.broadcast %add3A_678 : i32 to vector<16xi32>
      %add3A_680 = arith.addi %sub3A_644, %add3A_679 : vector<16xi32>
      %gather3A_681 = tpu.vector_load_idx %arg9[%add3A_680] : memref<20480xf32, #tpu.memory_space<vmem>>[vector<16xi32>], vector<16xf32>,
      %add3A_682 = arith.constant 10240 : i32
      %add3A_683 = vector.broadcast %add3A_682 : i32 to vector<16xi32>
      %add3A_684 = arith.addi %get3A_646, %add3A_683 : vector<16xi32>
      %gather3A_685 = tpu.vector_load_idx %arg10[%add3A_684] : memref<20480xf32, #tpu.memory_space<vmem>>[vector<16xi32>], vector<16xf32>,
      %add3A_686 = arith.addf %gather3A_681, %gather3A_685 : vector<16xf32>
      %gt3A_687 = arith.constant 0.000000e+00 : f32
      %gt3A_688 = vector.broadcast %gt3A_687 : f32 to vector<16xf32>
      %gt3A_689 = arith.cmpf ogt, %add3A_686, %gt3A_688 : vector<16xf32>
      %mul3A_690 = arith.constant 2.000000e-01 : f32
      %mul3A_691 = vector.broadcast %mul3A_690 : f32 to vector<16xf32>
      %mul3A_692 = arith.mulf %add3A_686, %mul3A_691 : vector<16xf32>
      %select_n3A_693 = arith.select %gt3A_689, %add3A_686, %mul3A_692 : vector<16xi1>, vector<16xf32>
      %exp3A_694 = math.exp %select_n3A_693 : vector<16xf32>
      %swap3A_695 = arith.constant 240 : index
      %swap3A_696 = tpu.vector_load %arg16[%swap3A_695] {strides = array<i32>} : memref<256xf32, #tpu.memory_space<vmem>>, vector<16xf32>,
      tpu.vector_store %arg16[%swap3A_695], %exp3A_694 {strides = array<i32>} : memref<256xf32, #tpu.memory_space<vmem>>, vector<16xf32>,
      %add3A_697 = arith.constant 112 : i32
      %add3A_698 = vector.broadcast %add3A_697 : i32 to vector<16xi32>
      %add3A_699 = arith.addi %iota3A, %add3A_698 : vector<16xi32>
      %and3A_700 = arith.constant 63 : i32
      %and3A_701 = vector.broadcast %and3A_700 : i32 to vector<16xi32>
      %and3A_702 = arith.andi %get3A_646, %and3A_701 : vector<16xi32>
      %mul3A_703 = arith.constant 2 : i32
      %mul3A_704 = vector.broadcast %mul3A_703 : i32 to vector<16xi32>
      %mul3A_705 = arith.muli %and3A_702, %mul3A_704 : vector<16xi32>
      %add3A_706 = arith.constant 1 : i32
      %add3A_707 = vector.broadcast %add3A_706 : i32 to vector<16xi32>
      %add3A_708 = arith.addi %mul3A_705, %add3A_707 : vector<16xi32>
      tpu.vector_store_idx %arg15[%add3A_699, %add3A_708], %exp3A_694 : memref<128x128xf32, #tpu.memory_space<vmem>>[vector<16xi32>, vector<16xi32>], vector<16xf32>,
      %shift_right_logical3A_709 = arith.constant 6 : i32
      %shift_right_logical3A_710 = vector.broadcast %shift_right_logical3A_709 : i32 to vector<16xi32>
      %shift_right_logical3A_711 = arith.shrui %get3A_646, %shift_right_logical3A_710 : vector<16xi32>
      %swap3A_712 = arith.constant 112 : index
      %swap3A_713 = tpu.vector_load %arg13[%swap3A_712] {strides = array<i32>} : memref<128xi32, #tpu.memory_space<vmem>>, vector<16xi32>,
      tpu.vector_store %arg13[%swap3A_712], %shift_right_logical3A_711 {strides = array<i32>} : memref<128xi32, #tpu.memory_space<vmem>>, vector<16xi32>,
      "tpu.region"() ({
        %run_scoped3A = tpu.sem_alloc : memref<!tpu.dma_semaphore, #tpu.memory_space<semaphore_mem>>
        %dma_start3A_1097 = arith.constant 0 : i32
        %dma_start3A_1098 = arith.constant 0 : i32
        %dma_start3A_1099 = tpu.memref_slice %arg18[%dma_start3A_1097, %dma_start3A_1098] : memref<160x128xf32, #tpu.memory_space<vmem_shared>> -> memref<160x128xf32, #tpu.memory_space<vmem_shared>>
        tpu.enqueue_indirect_dma source(%arg15 : memref<128x128xf32, #tpu.memory_space<vmem>>) target(%dma_start3A_1099 : memref<160x128xf32, #tpu.memory_space<vmem_shared>>) offsets(%arg13 : memref<128xi32, #tpu.memory_space<vmem>>) semaphore(%run_scoped3A : memref<!tpu.dma_semaphore, #tpu.memory_space<semaphore_mem>>) {add = true}
        %dma_wait3A_1100 = arith.constant 0 : i32
        %dma_wait3A_1101 = arith.constant 0 : i32
        %dma_wait3A_1102 = tpu.memref_slice %arg18[%dma_wait3A_1100, %dma_wait3A_1101] : memref<160x128xf32, #tpu.memory_space<vmem_shared>> -> memref<160x128xf32, #tpu.memory_space<vmem_shared>>
        tpu.wait_indirect_dma semaphore(%run_scoped3A : memref<!tpu.dma_semaphore, #tpu.memory_space<semaphore_mem>>) src(%arg15 : memref<128x128xf32, #tpu.memory_space<vmem>>) dst(%dma_wait3A_1102 : memref<160x128xf32, #tpu.memory_space<vmem_shared>>)
        tpu.yield
      }) : () -> ()
      %get3A_714 = arith.constant 0 : index
      %get3A_715 = tpu.vector_load %arg12[%get3A_714] {strides = array<i32>} : memref<128xi32, #tpu.memory_space<vmem>>, vector<16xi32>,
      %add3A_716 = arith.constant 0 : i32
      %add3A_717 = vector.broadcast %add3A_716 : i32 to vector<16xi32>
      %add3A_718 = arith.addi %iota3A, %add3A_717 : vector<16xi32>
      %and3A_719 = arith.constant 63 : i32
      %and3A_720 = vector.broadcast %and3A_719 : i32 to vector<16xi32>
      %and3A_721 = arith.andi %get3A_715, %and3A_720 : vector<16xi32>
      %mul3A_722 = arith.constant 2 : i32
      %mul3A_723 = vector.broadcast %mul3A_722 : i32 to vector<16xi32>
      %mul3A_724 = arith.muli %and3A_721, %mul3A_723 : vector<16xi32>
      %add3A_725 = arith.constant 0 : i32
      %add3A_726 = vector.broadcast %add3A_725 : i32 to vector<16xi32>
      %add3A_727 = arith.addi %mul3A_724, %add3A_726 : vector<16xi32>
      %broadcast_in_dim3A = arith.constant 0.000000e+00 : f32
      %broadcast_in_dim3A_728 = vector.broadcast %broadcast_in_dim3A : f32 to vector<16xf32>
      tpu.vector_store_idx %arg15[%add3A_718, %add3A_727], %broadcast_in_dim3A_728 : memref<128x128xf32, #tpu.memory_space<vmem>>[vector<16xi32>, vector<16xi32>], vector<16xf32>,
      %add3A_729 = arith.constant 0 : i32
      %add3A_730 = vector.broadcast %add3A_729 : i32 to vector<16xi32>
      %add3A_731 = arith.addi %iota3A, %add3A_730 : vector<16xi32>
      %and3A_732 = arith.constant 63 : i32
      %and3A_733 = vector.broadcast %and3A_732 : i32 to vector<16xi32>
      %and3A_734 = arith.andi %get3A_715, %and3A_733 : vector<16xi32>
      %mul3A_735 = arith.constant 2 : i32
      %mul3A_736 = vector.broadcast %mul3A_735 : i32 to vector<16xi32>
      %mul3A_737 = arith.muli %and3A_734, %mul3A_736 : vector<16xi32>
      %add3A_738 = arith.constant 1 : i32
      %add3A_739 = vector.broadcast %add3A_738 : i32 to vector<16xi32>
      %add3A_740 = arith.addi %mul3A_737, %add3A_739 : vector<16xi32>
      %broadcast_in_dim3A_741 = arith.constant 0.000000e+00 : f32
      %broadcast_in_dim3A_742 = vector.broadcast %broadcast_in_dim3A_741 : f32 to vector<16xf32>
      tpu.vector_store_idx %arg15[%add3A_731, %add3A_740], %broadcast_in_dim3A_742 : memref<128x128xf32, #tpu.memory_space<vmem>>[vector<16xi32>, vector<16xi32>], vector<16xf32>,
      %get3A_743 = arith.constant 16 : index
      %get3A_744 = tpu.vector_load %arg12[%get3A_743] {strides = array<i32>} : memref<128xi32, #tpu.memory_space<vmem>>, vector<16xi32>,
      %add3A_745 = arith.constant 16 : i32
      %add3A_746 = vector.broadcast %add3A_745 : i32 to vector<16xi32>
      %add3A_747 = arith.addi %iota3A, %add3A_746 : vector<16xi32>
      %and3A_748 = arith.constant 63 : i32
      %and3A_749 = vector.broadcast %and3A_748 : i32 to vector<16xi32>
      %and3A_750 = arith.andi %get3A_744, %and3A_749 : vector<16xi32>
      %mul3A_751 = arith.constant 2 : i32
      %mul3A_752 = vector.broadcast %mul3A_751 : i32 to vector<16xi32>
      %mul3A_753 = arith.muli %and3A_750, %mul3A_752 : vector<16xi32>
      %add3A_754 = arith.constant 0 : i32
      %add3A_755 = vector.broadcast %add3A_754 : i32 to vector<16xi32>
      %add3A_756 = arith.addi %mul3A_753, %add3A_755 : vector<16xi32>
      %broadcast_in_dim3A_757 = arith.constant 0.000000e+00 : f32
      %broadcast_in_dim3A_758 = vector.broadcast %broadcast_in_dim3A_757 : f32 to vector<16xf32>
      tpu.vector_store_idx %arg15[%add3A_747, %add3A_756], %broadcast_in_dim3A_758 : memref<128x128xf32, #tpu.memory_space<vmem>>[vector<16xi32>, vector<16xi32>], vector<16xf32>,
      %add3A_759 = arith.constant 16 : i32
      %add3A_760 = vector.broadcast %add3A_759 : i32 to vector<16xi32>
      %add3A_761 = arith.addi %iota3A, %add3A_760 : vector<16xi32>
      %and3A_762 = arith.constant 63 : i32
      %and3A_763 = vector.broadcast %and3A_762 : i32 to vector<16xi32>
      %and3A_764 = arith.andi %get3A_744, %and3A_763 : vector<16xi32>
      %mul3A_765 = arith.constant 2 : i32
      %mul3A_766 = vector.broadcast %mul3A_765 : i32 to vector<16xi32>
      %mul3A_767 = arith.muli %and3A_764, %mul3A_766 : vector<16xi32>
      %add3A_768 = arith.constant 1 : i32
      %add3A_769 = vector.broadcast %add3A_768 : i32 to vector<16xi32>
      %add3A_770 = arith.addi %mul3A_767, %add3A_769 : vector<16xi32>
      %broadcast_in_dim3A_771 = arith.constant 0.000000e+00 : f32
      %broadcast_in_dim3A_772 = vector.broadcast %broadcast_in_dim3A_771 : f32 to vector<16xf32>
      tpu.vector_store_idx %arg15[%add3A_761, %add3A_770], %broadcast_in_dim3A_772 : memref<128x128xf32, #tpu.memory_space<vmem>>[vector<16xi32>, vector<16xi32>], vector<16xf32>,
      %get3A_773 = arith.constant 32 : index
      %get3A_774 = tpu.vector_load %arg12[%get3A_773] {strides = array<i32>} : memref<128xi32, #tpu.memory_space<vmem>>, vector<16xi32>,
      %add3A_775 = arith.constant 32 : i32
      %add3A_776 = vector.broadcast %add3A_775 : i32 to vector<16xi32>
      %add3A_777 = arith.addi %iota3A, %add3A_776 : vector<16xi32>
      %and3A_778 = arith.constant 63 : i32
      %and3A_779 = vector.broadcast %and3A_778 : i32 to vector<16xi32>
      %and3A_780 = arith.andi %get3A_774, %and3A_779 : vector<16xi32>
      %mul3A_781 = arith.constant 2 : i32
      %mul3A_782 = vector.broadcast %mul3A_781 : i32 to vector<16xi32>
      %mul3A_783 = arith.muli %and3A_780, %mul3A_782 : vector<16xi32>
      %add3A_784 = arith.constant 0 : i32
      %add3A_785 = vector.broadcast %add3A_784 : i32 to vector<16xi32>
      %add3A_786 = arith.addi %mul3A_783, %add3A_785 : vector<16xi32>
      %broadcast_in_dim3A_787 = arith.constant 0.000000e+00 : f32
      %broadcast_in_dim3A_788 = vector.broadcast %broadcast_in_dim3A_787 : f32 to vector<16xf32>
      tpu.vector_store_idx %arg15[%add3A_777, %add3A_786], %broadcast_in_dim3A_788 : memref<128x128xf32, #tpu.memory_space<vmem>>[vector<16xi32>, vector<16xi32>], vector<16xf32>,
      %add3A_789 = arith.constant 32 : i32
      %add3A_790 = vector.broadcast %add3A_789 : i32 to vector<16xi32>
      %add3A_791 = arith.addi %iota3A, %add3A_790 : vector<16xi32>
      %and3A_792 = arith.constant 63 : i32
      %and3A_793 = vector.broadcast %and3A_792 : i32 to vector<16xi32>
      %and3A_794 = arith.andi %get3A_774, %and3A_793 : vector<16xi32>
      %mul3A_795 = arith.constant 2 : i32
      %mul3A_796 = vector.broadcast %mul3A_795 : i32 to vector<16xi32>
      %mul3A_797 = arith.muli %and3A_794, %mul3A_796 : vector<16xi32>
      %add3A_798 = arith.constant 1 : i32
      %add3A_799 = vector.broadcast %add3A_798 : i32 to vector<16xi32>
      %add3A_800 = arith.addi %mul3A_797, %add3A_799 : vector<16xi32>
      %broadcast_in_dim3A_801 = arith.constant 0.000000e+00 : f32
      %broadcast_in_dim3A_802 = vector.broadcast %broadcast_in_dim3A_801 : f32 to vector<16xf32>
      tpu.vector_store_idx %arg15[%add3A_791, %add3A_800], %broadcast_in_dim3A_802 : memref<128x128xf32, #tpu.memory_space<vmem>>[vector<16xi32>, vector<16xi32>], vector<16xf32>,
      %get3A_803 = arith.constant 48 : index
      %get3A_804 = tpu.vector_load %arg12[%get3A_803] {strides = array<i32>} : memref<128xi32, #tpu.memory_space<vmem>>, vector<16xi32>,
      %add3A_805 = arith.constant 48 : i32
      %add3A_806 = vector.broadcast %add3A_805 : i32 to vector<16xi32>
      %add3A_807 = arith.addi %iota3A, %add3A_806 : vector<16xi32>
      %and3A_808 = arith.constant 63 : i32
      %and3A_809 = vector.broadcast %and3A_808 : i32 to vector<16xi32>
      %and3A_810 = arith.andi %get3A_804, %and3A_809 : vector<16xi32>
      %mul3A_811 = arith.constant 2 : i32
      %mul3A_812 = vector.broadcast %mul3A_811 : i32 to vector<16xi32>
      %mul3A_813 = arith.muli %and3A_810, %mul3A_812 : vector<16xi32>
      %add3A_814 = arith.constant 0 : i32
      %add3A_815 = vector.broadcast %add3A_814 : i32 to vector<16xi32>
      %add3A_816 = arith.addi %mul3A_813, %add3A_815 : vector<16xi32>
      %broadcast_in_dim3A_817 = arith.constant 0.000000e+00 : f32
      %broadcast_in_dim3A_818 = vector.broadcast %broadcast_in_dim3A_817 : f32 to vector<16xf32>
      tpu.vector_store_idx %arg15[%add3A_807, %add3A_816], %broadcast_in_dim3A_818 : memref<128x128xf32, #tpu.memory_space<vmem>>[vector<16xi32>, vector<16xi32>], vector<16xf32>,
      %add3A_819 = arith.constant 48 : i32
      %add3A_820 = vector.broadcast %add3A_819 : i32 to vector<16xi32>
      %add3A_821 = arith.addi %iota3A, %add3A_820 : vector<16xi32>
      %and3A_822 = arith.constant 63 : i32
      %and3A_823 = vector.broadcast %and3A_822 : i32 to vector<16xi32>
      %and3A_824 = arith.andi %get3A_804, %and3A_823 : vector<16xi32>
      %mul3A_825 = arith.constant 2 : i32
      %mul3A_826 = vector.broadcast %mul3A_825 : i32 to vector<16xi32>
      %mul3A_827 = arith.muli %and3A_824, %mul3A_826 : vector<16xi32>
      %add3A_828 = arith.constant 1 : i32
      %add3A_829 = vector.broadcast %add3A_828 : i32 to vector<16xi32>
      %add3A_830 = arith.addi %mul3A_827, %add3A_829 : vector<16xi32>
      %broadcast_in_dim3A_831 = arith.constant 0.000000e+00 : f32
      %broadcast_in_dim3A_832 = vector.broadcast %broadcast_in_dim3A_831 : f32 to vector<16xf32>
      tpu.vector_store_idx %arg15[%add3A_821, %add3A_830], %broadcast_in_dim3A_832 : memref<128x128xf32, #tpu.memory_space<vmem>>[vector<16xi32>, vector<16xi32>], vector<16xf32>,
      %get3A_833 = arith.constant 64 : index
      %get3A_834 = tpu.vector_load %arg12[%get3A_833] {strides = array<i32>} : memref<128xi32, #tpu.memory_space<vmem>>, vector<16xi32>,
      %add3A_835 = arith.constant 64 : i32
      %add3A_836 = vector.broadcast %add3A_835 : i32 to vector<16xi32>
      %add3A_837 = arith.addi %iota3A, %add3A_836 : vector<16xi32>
      %and3A_838 = arith.constant 63 : i32
      %and3A_839 = vector.broadcast %and3A_838 : i32 to vector<16xi32>
      %and3A_840 = arith.andi %get3A_834, %and3A_839 : vector<16xi32>
      %mul3A_841 = arith.constant 2 : i32
      %mul3A_842 = vector.broadcast %mul3A_841 : i32 to vector<16xi32>
      %mul3A_843 = arith.muli %and3A_840, %mul3A_842 : vector<16xi32>
      %add3A_844 = arith.constant 0 : i32
      %add3A_845 = vector.broadcast %add3A_844 : i32 to vector<16xi32>
      %add3A_846 = arith.addi %mul3A_843, %add3A_845 : vector<16xi32>
      %broadcast_in_dim3A_847 = arith.constant 0.000000e+00 : f32
      %broadcast_in_dim3A_848 = vector.broadcast %broadcast_in_dim3A_847 : f32 to vector<16xf32>
      tpu.vector_store_idx %arg15[%add3A_837, %add3A_846], %broadcast_in_dim3A_848 : memref<128x128xf32, #tpu.memory_space<vmem>>[vector<16xi32>, vector<16xi32>], vector<16xf32>,
      %add3A_849 = arith.constant 64 : i32
      %add3A_850 = vector.broadcast %add3A_849 : i32 to vector<16xi32>
      %add3A_851 = arith.addi %iota3A, %add3A_850 : vector<16xi32>
      %and3A_852 = arith.constant 63 : i32
      %and3A_853 = vector.broadcast %and3A_852 : i32 to vector<16xi32>
      %and3A_854 = arith.andi %get3A_834, %and3A_853 : vector<16xi32>
      %mul3A_855 = arith.constant 2 : i32
      %mul3A_856 = vector.broadcast %mul3A_855 : i32 to vector<16xi32>
      %mul3A_857 = arith.muli %and3A_854, %mul3A_856 : vector<16xi32>
      %add3A_858 = arith.constant 1 : i32
      %add3A_859 = vector.broadcast %add3A_858 : i32 to vector<16xi32>
      %add3A_860 = arith.addi %mul3A_857, %add3A_859 : vector<16xi32>
      %broadcast_in_dim3A_861 = arith.constant 0.000000e+00 : f32
      %broadcast_in_dim3A_862 = vector.broadcast %broadcast_in_dim3A_861 : f32 to vector<16xf32>
      tpu.vector_store_idx %arg15[%add3A_851, %add3A_860], %broadcast_in_dim3A_862 : memref<128x128xf32, #tpu.memory_space<vmem>>[vector<16xi32>, vector<16xi32>], vector<16xf32>,
      %get3A_863 = arith.constant 80 : index
      %get3A_864 = tpu.vector_load %arg12[%get3A_863] {strides = array<i32>} : memref<128xi32, #tpu.memory_space<vmem>>, vector<16xi32>,
      %add3A_865 = arith.constant 80 : i32
      %add3A_866 = vector.broadcast %add3A_865 : i32 to vector<16xi32>
      %add3A_867 = arith.addi %iota3A, %add3A_866 : vector<16xi32>
      %and3A_868 = arith.constant 63 : i32
      %and3A_869 = vector.broadcast %and3A_868 : i32 to vector<16xi32>
      %and3A_870 = arith.andi %get3A_864, %and3A_869 : vector<16xi32>
      %mul3A_871 = arith.constant 2 : i32
      %mul3A_872 = vector.broadcast %mul3A_871 : i32 to vector<16xi32>
      %mul3A_873 = arith.muli %and3A_870, %mul3A_872 : vector<16xi32>
      %add3A_874 = arith.constant 0 : i32
      %add3A_875 = vector.broadcast %add3A_874 : i32 to vector<16xi32>
      %add3A_876 = arith.addi %mul3A_873, %add3A_875 : vector<16xi32>
      %broadcast_in_dim3A_877 = arith.constant 0.000000e+00 : f32
      %broadcast_in_dim3A_878 = vector.broadcast %broadcast_in_dim3A_877 : f32 to vector<16xf32>
      tpu.vector_store_idx %arg15[%add3A_867, %add3A_876], %broadcast_in_dim3A_878 : memref<128x128xf32, #tpu.memory_space<vmem>>[vector<16xi32>, vector<16xi32>], vector<16xf32>,
      %add3A_879 = arith.constant 80 : i32
      %add3A_880 = vector.broadcast %add3A_879 : i32 to vector<16xi32>
      %add3A_881 = arith.addi %iota3A, %add3A_880 : vector<16xi32>
      %and3A_882 = arith.constant 63 : i32
      %and3A_883 = vector.broadcast %and3A_882 : i32 to vector<16xi32>
      %and3A_884 = arith.andi %get3A_864, %and3A_883 : vector<16xi32>
      %mul3A_885 = arith.constant 2 : i32
      %mul3A_886 = vector.broadcast %mul3A_885 : i32 to vector<16xi32>
      %mul3A_887 = arith.muli %and3A_884, %mul3A_886 : vector<16xi32>
      %add3A_888 = arith.constant 1 : i32
      %add3A_889 = vector.broadcast %add3A_888 : i32 to vector<16xi32>
      %add3A_890 = arith.addi %mul3A_887, %add3A_889 : vector<16xi32>
      %broadcast_in_dim3A_891 = arith.constant 0.000000e+00 : f32
      %broadcast_in_dim3A_892 = vector.broadcast %broadcast_in_dim3A_891 : f32 to vector<16xf32>
      tpu.vector_store_idx %arg15[%add3A_881, %add3A_890], %broadcast_in_dim3A_892 : memref<128x128xf32, #tpu.memory_space<vmem>>[vector<16xi32>, vector<16xi32>], vector<16xf32>,
      %get3A_893 = arith.constant 96 : index
      %get3A_894 = tpu.vector_load %arg12[%get3A_893] {strides = array<i32>} : memref<128xi32, #tpu.memory_space<vmem>>, vector<16xi32>,
      %add3A_895 = arith.constant 96 : i32
      %add3A_896 = vector.broadcast %add3A_895 : i32 to vector<16xi32>
      %add3A_897 = arith.addi %iota3A, %add3A_896 : vector<16xi32>
      %and3A_898 = arith.constant 63 : i32
      %and3A_899 = vector.broadcast %and3A_898 : i32 to vector<16xi32>
      %and3A_900 = arith.andi %get3A_894, %and3A_899 : vector<16xi32>
      %mul3A_901 = arith.constant 2 : i32
      %mul3A_902 = vector.broadcast %mul3A_901 : i32 to vector<16xi32>
      %mul3A_903 = arith.muli %and3A_900, %mul3A_902 : vector<16xi32>
      %add3A_904 = arith.constant 0 : i32
      %add3A_905 = vector.broadcast %add3A_904 : i32 to vector<16xi32>
      %add3A_906 = arith.addi %mul3A_903, %add3A_905 : vector<16xi32>
      %broadcast_in_dim3A_907 = arith.constant 0.000000e+00 : f32
      %broadcast_in_dim3A_908 = vector.broadcast %broadcast_in_dim3A_907 : f32 to vector<16xf32>
      tpu.vector_store_idx %arg15[%add3A_897, %add3A_906], %broadcast_in_dim3A_908 : memref<128x128xf32, #tpu.memory_space<vmem>>[vector<16xi32>, vector<16xi32>], vector<16xf32>,
      %add3A_909 = arith.constant 96 : i32
      %add3A_910 = vector.broadcast %add3A_909 : i32 to vector<16xi32>
      %add3A_911 = arith.addi %iota3A, %add3A_910 : vector<16xi32>
      %and3A_912 = arith.constant 63 : i32
      %and3A_913 = vector.broadcast %and3A_912 : i32 to vector<16xi32>
      %and3A_914 = arith.andi %get3A_894, %and3A_913 : vector<16xi32>
      %mul3A_915 = arith.constant 2 : i32
      %mul3A_916 = vector.broadcast %mul3A_915 : i32 to vector<16xi32>
      %mul3A_917 = arith.muli %and3A_914, %mul3A_916 : vector<16xi32>
      %add3A_918 = arith.constant 1 : i32
      %add3A_919 = vector.broadcast %add3A_918 : i32 to vector<16xi32>
      %add3A_920 = arith.addi %mul3A_917, %add3A_919 : vector<16xi32>
      %broadcast_in_dim3A_921 = arith.constant 0.000000e+00 : f32
      %broadcast_in_dim3A_922 = vector.broadcast %broadcast_in_dim3A_921 : f32 to vector<16xf32>
      tpu.vector_store_idx %arg15[%add3A_911, %add3A_920], %broadcast_in_dim3A_922 : memref<128x128xf32, #tpu.memory_space<vmem>>[vector<16xi32>, vector<16xi32>], vector<16xf32>,
      %get3A_923 = arith.constant 112 : index
      %get3A_924 = tpu.vector_load %arg12[%get3A_923] {strides = array<i32>} : memref<128xi32, #tpu.memory_space<vmem>>, vector<16xi32>,
      %add3A_925 = arith.constant 112 : i32
      %add3A_926 = vector.broadcast %add3A_925 : i32 to vector<16xi32>
      %add3A_927 = arith.addi %iota3A, %add3A_926 : vector<16xi32>
      %and3A_928 = arith.constant 63 : i32
      %and3A_929 = vector.broadcast %and3A_928 : i32 to vector<16xi32>
      %and3A_930 = arith.andi %get3A_924, %and3A_929 : vector<16xi32>
      %mul3A_931 = arith.constant 2 : i32
      %mul3A_932 = vector.broadcast %mul3A_931 : i32 to vector<16xi32>
      %mul3A_933 = arith.muli %and3A_930, %mul3A_932 : vector<16xi32>
      %add3A_934 = arith.constant 0 : i32
      %add3A_935 = vector.broadcast %add3A_934 : i32 to vector<16xi32>
      %add3A_936 = arith.addi %mul3A_933, %add3A_935 : vector<16xi32>
      %broadcast_in_dim3A_937 = arith.constant 0.000000e+00 : f32
      %broadcast_in_dim3A_938 = vector.broadcast %broadcast_in_dim3A_937 : f32 to vector<16xf32>
      tpu.vector_store_idx %arg15[%add3A_927, %add3A_936], %broadcast_in_dim3A_938 : memref<128x128xf32, #tpu.memory_space<vmem>>[vector<16xi32>, vector<16xi32>], vector<16xf32>,
      %add3A_939 = arith.constant 112 : i32
      %add3A_940 = vector.broadcast %add3A_939 : i32 to vector<16xi32>
      %add3A_941 = arith.addi %iota3A, %add3A_940 : vector<16xi32>
      %and3A_942 = arith.constant 63 : i32
      %and3A_943 = vector.broadcast %and3A_942 : i32 to vector<16xi32>
      %and3A_944 = arith.andi %get3A_924, %and3A_943 : vector<16xi32>
      %mul3A_945 = arith.constant 2 : i32
      %mul3A_946 = vector.broadcast %mul3A_945 : i32 to vector<16xi32>
      %mul3A_947 = arith.muli %and3A_944, %mul3A_946 : vector<16xi32>
      %add3A_948 = arith.constant 1 : i32
      %add3A_949 = vector.broadcast %add3A_948 : i32 to vector<16xi32>
      %add3A_950 = arith.addi %mul3A_947, %add3A_949 : vector<16xi32>
      %broadcast_in_dim3A_951 = arith.constant 0.000000e+00 : f32
      %broadcast_in_dim3A_952 = vector.broadcast %broadcast_in_dim3A_951 : f32 to vector<16xf32>
      tpu.vector_store_idx %arg15[%add3A_941, %add3A_950], %broadcast_in_dim3A_952 : memref<128x128xf32, #tpu.memory_space<vmem>>[vector<16xi32>, vector<16xi32>], vector<16xf32>,
      %get3A_953 = arith.constant 0 : index
      %get3A_954 = tpu.vector_load %arg12[%get3A_953] {strides = array<i32>} : memref<128xi32, #tpu.memory_space<vmem>>, vector<16xi32>,
      %sub3A_955 = arith.constant 0 : i32
      %sub3A_956 = vector.broadcast %sub3A_955 : i32 to vector<16xi32>
      %sub3A_957 = arith.subi %get3A_954, %sub3A_956 : vector<16xi32>
      %ge3A = arith.constant 0 : i32
      %ge3A_958 = vector.broadcast %ge3A : i32 to vector<16xi32>
      %ge3A_959 = arith.cmpi sge, %sub3A_957, %ge3A_958 : vector<16xi32>
      %lt3A_960 = arith.constant 5120 : i32
      %lt3A_961 = vector.broadcast %lt3A_960 : i32 to vector<16xi32>
      %lt3A_962 = arith.cmpi slt, %sub3A_957, %lt3A_961 : vector<16xi32>
      %and3A_963 = arith.andi %ge3A_959, %lt3A_962 : vector<16xi1>
      %jit3A = arith.constant 5120 : i32
      %broadcast_in_dim3A_964 = vector.broadcast %jit3A : i32 to vector<16xi32>
      %select_n3A_965 = arith.select %and3A_963, %sub3A_957, %broadcast_in_dim3A_964 : vector<16xi1>, vector<16xi32>
      %swap3A_966 = arith.constant 0 : index
      %swap3A_967 = tpu.vector_load %arg12[%swap3A_966] {strides = array<i32>} : memref<128xi32, #tpu.memory_space<vmem>>, vector<16xi32>,
      tpu.vector_store %arg12[%swap3A_966], %select_n3A_965 {strides = array<i32>} : memref<128xi32, #tpu.memory_space<vmem>>, vector<16xi32>,
      %get3A_968 = arith.constant 16 : index
      %get3A_969 = tpu.vector_load %arg12[%get3A_968] {strides = array<i32>} : memref<128xi32, #tpu.memory_space<vmem>>, vector<16xi32>,
      %sub3A_970 = arith.constant 0 : i32
      %sub3A_971 = vector.broadcast %sub3A_970 : i32 to vector<16xi32>
      %sub3A_972 = arith.subi %get3A_969, %sub3A_971 : vector<16xi32>
      %ge3A_973 = arith.constant 0 : i32
      %ge3A_974 = vector.broadcast %ge3A_973 : i32 to vector<16xi32>
      %ge3A_975 = arith.cmpi sge, %sub3A_972, %ge3A_974 : vector<16xi32>
      %lt3A_976 = arith.constant 5120 : i32
      %lt3A_977 = vector.broadcast %lt3A_976 : i32 to vector<16xi32>
      %lt3A_978 = arith.cmpi slt, %sub3A_972, %lt3A_977 : vector<16xi32>
      %and3A_979 = arith.andi %ge3A_975, %lt3A_978 : vector<16xi1>
      %jit3A_980 = arith.constant 5120 : i32
      %broadcast_in_dim3A_981 = vector.broadcast %jit3A_980 : i32 to vector<16xi32>
      %select_n3A_982 = arith.select %and3A_979, %sub3A_972, %broadcast_in_dim3A_981 : vector<16xi1>, vector<16xi32>
      %swap3A_983 = arith.constant 16 : index
      %swap3A_984 = tpu.vector_load %arg12[%swap3A_983] {strides = array<i32>} : memref<128xi32, #tpu.memory_space<vmem>>, vector<16xi32>,
      tpu.vector_store %arg12[%swap3A_983], %select_n3A_982 {strides = array<i32>} : memref<128xi32, #tpu.memory_space<vmem>>, vector<16xi32>,
      %get3A_985 = arith.constant 32 : index
      %get3A_986 = tpu.vector_load %arg12[%get3A_985] {strides = array<i32>} : memref<128xi32, #tpu.memory_space<vmem>>, vector<16xi32>,
      %sub3A_987 = arith.constant 0 : i32
      %sub3A_988 = vector.broadcast %sub3A_987 : i32 to vector<16xi32>
      %sub3A_989 = arith.subi %get3A_986, %sub3A_988 : vector<16xi32>
      %ge3A_990 = arith.constant 0 : i32
      %ge3A_991 = vector.broadcast %ge3A_990 : i32 to vector<16xi32>
      %ge3A_992 = arith.cmpi sge, %sub3A_989, %ge3A_991 : vector<16xi32>
      %lt3A_993 = arith.constant 5120 : i32
      %lt3A_994 = vector.broadcast %lt3A_993 : i32 to vector<16xi32>
      %lt3A_995 = arith.cmpi slt, %sub3A_989, %lt3A_994 : vector<16xi32>
      %and3A_996 = arith.andi %ge3A_992, %lt3A_995 : vector<16xi1>
      %jit3A_997 = arith.constant 5120 : i32
      %broadcast_in_dim3A_998 = vector.broadcast %jit3A_997 : i32 to vector<16xi32>
      %select_n3A_999 = arith.select %and3A_996, %sub3A_989, %broadcast_in_dim3A_998 : vector<16xi1>, vector<16xi32>
      %swap3A_1000 = arith.constant 32 : index
      %swap3A_1001 = tpu.vector_load %arg12[%swap3A_1000] {strides = array<i32>} : memref<128xi32, #tpu.memory_space<vmem>>, vector<16xi32>,
      tpu.vector_store %arg12[%swap3A_1000], %select_n3A_999 {strides = array<i32>} : memref<128xi32, #tpu.memory_space<vmem>>, vector<16xi32>,
      %get3A_1002 = arith.constant 48 : index
      %get3A_1003 = tpu.vector_load %arg12[%get3A_1002] {strides = array<i32>} : memref<128xi32, #tpu.memory_space<vmem>>, vector<16xi32>,
      %sub3A_1004 = arith.constant 0 : i32
      %sub3A_1005 = vector.broadcast %sub3A_1004 : i32 to vector<16xi32>
      %sub3A_1006 = arith.subi %get3A_1003, %sub3A_1005 : vector<16xi32>
      %ge3A_1007 = arith.constant 0 : i32
      %ge3A_1008 = vector.broadcast %ge3A_1007 : i32 to vector<16xi32>
      %ge3A_1009 = arith.cmpi sge, %sub3A_1006, %ge3A_1008 : vector<16xi32>
      %lt3A_1010 = arith.constant 5120 : i32
      %lt3A_1011 = vector.broadcast %lt3A_1010 : i32 to vector<16xi32>
      %lt3A_1012 = arith.cmpi slt, %sub3A_1006, %lt3A_1011 : vector<16xi32>
      %and3A_1013 = arith.andi %ge3A_1009, %lt3A_1012 : vector<16xi1>
      %jit3A_1014 = arith.constant 5120 : i32
      %broadcast_in_dim3A_1015 = vector.broadcast %jit3A_1014 : i32 to vector<16xi32>
      %select_n3A_1016 = arith.select %and3A_1013, %sub3A_1006, %broadcast_in_dim3A_1015 : vector<16xi1>, vector<16xi32>
      %swap3A_1017 = arith.constant 48 : index
      %swap3A_1018 = tpu.vector_load %arg12[%swap3A_1017] {strides = array<i32>} : memref<128xi32, #tpu.memory_space<vmem>>, vector<16xi32>,
      tpu.vector_store %arg12[%swap3A_1017], %select_n3A_1016 {strides = array<i32>} : memref<128xi32, #tpu.memory_space<vmem>>, vector<16xi32>,
      %get3A_1019 = arith.constant 64 : index
      %get3A_1020 = tpu.vector_load %arg12[%get3A_1019] {strides = array<i32>} : memref<128xi32, #tpu.memory_space<vmem>>, vector<16xi32>,
      %sub3A_1021 = arith.constant 0 : i32
      %sub3A_1022 = vector.broadcast %sub3A_1021 : i32 to vector<16xi32>
      %sub3A_1023 = arith.subi %get3A_1020, %sub3A_1022 : vector<16xi32>
      %ge3A_1024 = arith.constant 0 : i32
      %ge3A_1025 = vector.broadcast %ge3A_1024 : i32 to vector<16xi32>
      %ge3A_1026 = arith.cmpi sge, %sub3A_1023, %ge3A_1025 : vector<16xi32>
      %lt3A_1027 = arith.constant 5120 : i32
      %lt3A_1028 = vector.broadcast %lt3A_1027 : i32 to vector<16xi32>
      %lt3A_1029 = arith.cmpi slt, %sub3A_1023, %lt3A_1028 : vector<16xi32>
      %and3A_1030 = arith.andi %ge3A_1026, %lt3A_1029 : vector<16xi1>
      %jit3A_1031 = arith.constant 5120 : i32
      %broadcast_in_dim3A_1032 = vector.broadcast %jit3A_1031 : i32 to vector<16xi32>
      %select_n3A_1033 = arith.select %and3A_1030, %sub3A_1023, %broadcast_in_dim3A_1032 : vector<16xi1>, vector<16xi32>
      %swap3A_1034 = arith.constant 64 : index
      %swap3A_1035 = tpu.vector_load %arg12[%swap3A_1034] {strides = array<i32>} : memref<128xi32, #tpu.memory_space<vmem>>, vector<16xi32>,
      tpu.vector_store %arg12[%swap3A_1034], %select_n3A_1033 {strides = array<i32>} : memref<128xi32, #tpu.memory_space<vmem>>, vector<16xi32>,
      %get3A_1036 = arith.constant 80 : index
      %get3A_1037 = tpu.vector_load %arg12[%get3A_1036] {strides = array<i32>} : memref<128xi32, #tpu.memory_space<vmem>>, vector<16xi32>,
      %sub3A_1038 = arith.constant 0 : i32
      %sub3A_1039 = vector.broadcast %sub3A_1038 : i32 to vector<16xi32>
      %sub3A_1040 = arith.subi %get3A_1037, %sub3A_1039 : vector<16xi32>
      %ge3A_1041 = arith.constant 0 : i32
      %ge3A_1042 = vector.broadcast %ge3A_1041 : i32 to vector<16xi32>
      %ge3A_1043 = arith.cmpi sge, %sub3A_1040, %ge3A_1042 : vector<16xi32>
      %lt3A_1044 = arith.constant 5120 : i32
      %lt3A_1045 = vector.broadcast %lt3A_1044 : i32 to vector<16xi32>
      %lt3A_1046 = arith.cmpi slt, %sub3A_1040, %lt3A_1045 : vector<16xi32>
      %and3A_1047 = arith.andi %ge3A_1043, %lt3A_1046 : vector<16xi1>
      %jit3A_1048 = arith.constant 5120 : i32
      %broadcast_in_dim3A_1049 = vector.broadcast %jit3A_1048 : i32 to vector<16xi32>
      %select_n3A_1050 = arith.select %and3A_1047, %sub3A_1040, %broadcast_in_dim3A_1049 : vector<16xi1>, vector<16xi32>
      %swap3A_1051 = arith.constant 80 : index
      %swap3A_1052 = tpu.vector_load %arg12[%swap3A_1051] {strides = array<i32>} : memref<128xi32, #tpu.memory_space<vmem>>, vector<16xi32>,
      tpu.vector_store %arg12[%swap3A_1051], %select_n3A_1050 {strides = array<i32>} : memref<128xi32, #tpu.memory_space<vmem>>, vector<16xi32>,
      %get3A_1053 = arith.constant 96 : index
      %get3A_1054 = tpu.vector_load %arg12[%get3A_1053] {strides = array<i32>} : memref<128xi32, #tpu.memory_space<vmem>>, vector<16xi32>,
      %sub3A_1055 = arith.constant 0 : i32
      %sub3A_1056 = vector.broadcast %sub3A_1055 : i32 to vector<16xi32>
      %sub3A_1057 = arith.subi %get3A_1054, %sub3A_1056 : vector<16xi32>
      %ge3A_1058 = arith.constant 0 : i32
      %ge3A_1059 = vector.broadcast %ge3A_1058 : i32 to vector<16xi32>
      %ge3A_1060 = arith.cmpi sge, %sub3A_1057, %ge3A_1059 : vector<16xi32>
      %lt3A_1061 = arith.constant 5120 : i32
      %lt3A_1062 = vector.broadcast %lt3A_1061 : i32 to vector<16xi32>
      %lt3A_1063 = arith.cmpi slt, %sub3A_1057, %lt3A_1062 : vector<16xi32>
      %and3A_1064 = arith.andi %ge3A_1060, %lt3A_1063 : vector<16xi1>
      %jit3A_1065 = arith.constant 5120 : i32
      %broadcast_in_dim3A_1066 = vector.broadcast %jit3A_1065 : i32 to vector<16xi32>
      %select_n3A_1067 = arith.select %and3A_1064, %sub3A_1057, %broadcast_in_dim3A_1066 : vector<16xi1>, vector<16xi32>
      %swap3A_1068 = arith.constant 96 : index
      %swap3A_1069 = tpu.vector_load %arg12[%swap3A_1068] {strides = array<i32>} : memref<128xi32, #tpu.memory_space<vmem>>, vector<16xi32>,
      tpu.vector_store %arg12[%swap3A_1068], %select_n3A_1067 {strides = array<i32>} : memref<128xi32, #tpu.memory_space<vmem>>, vector<16xi32>,
      %get3A_1070 = arith.constant 112 : index
      %get3A_1071 = tpu.vector_load %arg12[%get3A_1070] {strides = array<i32>} : memref<128xi32, #tpu.memory_space<vmem>>, vector<16xi32>,
      %sub3A_1072 = arith.constant 0 : i32
      %sub3A_1073 = vector.broadcast %sub3A_1072 : i32 to vector<16xi32>
      %sub3A_1074 = arith.subi %get3A_1071, %sub3A_1073 : vector<16xi32>
      %ge3A_1075 = arith.constant 0 : i32
      %ge3A_1076 = vector.broadcast %ge3A_1075 : i32 to vector<16xi32>
      %ge3A_1077 = arith.cmpi sge, %sub3A_1074, %ge3A_1076 : vector<16xi32>
      %lt3A_1078 = arith.constant 5120 : i32
      %lt3A_1079 = vector.broadcast %lt3A_1078 : i32 to vector<16xi32>
      %lt3A_1080 = arith.cmpi slt, %sub3A_1074, %lt3A_1079 : vector<16xi32>
      %and3A_1081 = arith.andi %ge3A_1077, %lt3A_1080 : vector<16xi1>
      %jit3A_1082 = arith.constant 5120 : i32
      %broadcast_in_dim3A_1083 = vector.broadcast %jit3A_1082 : i32 to vector<16xi32>
      %select_n3A_1084 = arith.select %and3A_1081, %sub3A_1074, %broadcast_in_dim3A_1083 : vector<16xi1>, vector<16xi32>
      %swap3A_1085 = arith.constant 112 : index
      %swap3A_1086 = tpu.vector_load %arg12[%swap3A_1085] {strides = array<i32>} : memref<128xi32, #tpu.memory_space<vmem>>, vector<16xi32>,
      tpu.vector_store %arg12[%swap3A_1085], %select_n3A_1084 {strides = array<i32>} : memref<128xi32, #tpu.memory_space<vmem>>, vector<16xi32>,
      %dma_wait3A = arith.constant 0 : i32
      %dma_wait3A_1087 = arith.constant 0 : i32
      %dma_wait3A_1088 = tpu.memref_slice %arg4[%dma_wait3A, %dma_wait3A_1087] : memref<20480x128xf32, #tpu.memory_space<hbm>> -> memref<20480x128xf32, #tpu.memory_space<hbm>>
      tpu.wait_indirect_dma semaphore(%arg19 : memref<!tpu.dma_semaphore, #tpu.memory_space<semaphore_mem>>) src(%dma_wait3A_1088 : memref<20480x128xf32, #tpu.memory_space<hbm>>) dst(%arg14 : memref<128x128xf32, #tpu.memory_space<vmem>>)
      %scan3A_1089 = arith.constant 0 : i32
      %scan3A_1090 = arith.constant 0 : i32
      %scan3A_1091 = arith.constant 128 : i32
      %scan3A_1092 = arith.addi %scan3A_1090, %scan3A_1091 : i32
      %scan3A_1093 = arith.constant 1 : i32
      %scan3A_1094 = scf.for %scan3A_1097 = %scan3A_1090 to %scan3A_1092 step %scan3A_1093 iter_args(%scan3A_1098 = %scan3A_1089) -> (i32)  : i32 {
        %broadcast_in_dim3A_1099 = arith.constant 0 : i32
        %broadcast_in_dim3A_1100 = vector.broadcast %broadcast_in_dim3A_1099 : i32 to vector<16xi32>
        %add3A_1101 = vector.broadcast %scan3A_1097 : i32 to vector<16xi32>
        %add3A_1102 = arith.addi %broadcast_in_dim3A_1100, %add3A_1101 : vector<16xi32>
        %gather3A_1103 = tpu.vector_load_idx %arg16[%add3A_1102] : memref<256xf32, #tpu.memory_space<vmem>>[vector<16xi32>], vector<16xf32>,
        %add3A_1104 = arith.constant 128 : i32
        %add3A_1105 = vector.broadcast %add3A_1104 : i32 to vector<16xi32>
        %add3A_1106 = arith.addi %add3A_1102, %add3A_1105 : vector<16xi32>
        %gather3A_1107 = tpu.vector_load_idx %arg16[%add3A_1106] : memref<256xf32, #tpu.memory_space<vmem>>[vector<16xi32>], vector<16xf32>,
        %get3A_1108 = arith.index_cast %scan3A_1097 : i32 to index
        %get3A_1109 = arith.constant 0 : index
        %get3A_1110 = tpu.vector_load %arg14[%get3A_1108, %get3A_1109] {strides = array<i32>} : memref<128x128xf32, #tpu.memory_space<vmem>>, vector<16xf32>,
        %mul3A_1111 = arith.mulf %get3A_1110, %gather3A_1103 : vector<16xf32>
        %swap3A_1112 = arith.index_cast %scan3A_1097 : i32 to index
        %swap3A_1113 = arith.constant 0 : index
        %swap3A_1114 = tpu.vector_load %arg14[%swap3A_1112, %swap3A_1113] {strides = array<i32>} : memref<128x128xf32, #tpu.memory_space<vmem>>, vector<16xf32>,
        tpu.vector_store %arg14[%swap3A_1112, %swap3A_1113], %mul3A_1111 {strides = array<i32>} : memref<128x128xf32, #tpu.memory_space<vmem>>, vector<16xf32>,
        %get3A_1115 = arith.index_cast %scan3A_1097 : i32 to index
        %get3A_1116 = arith.constant 16 : index
        %get3A_1117 = tpu.vector_load %arg14[%get3A_1115, %get3A_1116] {strides = array<i32>} : memref<128x128xf32, #tpu.memory_space<vmem>>, vector<16xf32>,
        %mul3A_1118 = arith.mulf %get3A_1117, %gather3A_1103 : vector<16xf32>
        %swap3A_1119 = arith.index_cast %scan3A_1097 : i32 to index
        %swap3A_1120 = arith.constant 16 : index
        %swap3A_1121 = tpu.vector_load %arg14[%swap3A_1119, %swap3A_1120] {strides = array<i32>} : memref<128x128xf32, #tpu.memory_space<vmem>>, vector<16xf32>,
        tpu.vector_store %arg14[%swap3A_1119, %swap3A_1120], %mul3A_1118 {strides = array<i32>} : memref<128x128xf32, #tpu.memory_space<vmem>>, vector<16xf32>,
        %get3A_1122 = arith.index_cast %scan3A_1097 : i32 to index
        %get3A_1123 = arith.constant 32 : index
        %get3A_1124 = tpu.vector_load %arg14[%get3A_1122, %get3A_1123] {strides = array<i32>} : memref<128x128xf32, #tpu.memory_space<vmem>>, vector<16xf32>,
        %mul3A_1125 = arith.mulf %get3A_1124, %gather3A_1103 : vector<16xf32>
        %swap3A_1126 = arith.index_cast %scan3A_1097 : i32 to index
        %swap3A_1127 = arith.constant 32 : index
        %swap3A_1128 = tpu.vector_load %arg14[%swap3A_1126, %swap3A_1127] {strides = array<i32>} : memref<128x128xf32, #tpu.memory_space<vmem>>, vector<16xf32>,
        tpu.vector_store %arg14[%swap3A_1126, %swap3A_1127], %mul3A_1125 {strides = array<i32>} : memref<128x128xf32, #tpu.memory_space<vmem>>, vector<16xf32>,
        %get3A_1129 = arith.index_cast %scan3A_1097 : i32 to index
        %get3A_1130 = arith.constant 48 : index
        %get3A_1131 = tpu.vector_load %arg14[%get3A_1129, %get3A_1130] {strides = array<i32>} : memref<128x128xf32, #tpu.memory_space<vmem>>, vector<16xf32>,
        %mul3A_1132 = arith.mulf %get3A_1131, %gather3A_1103 : vector<16xf32>
        %swap3A_1133 = arith.index_cast %scan3A_1097 : i32 to index
        %swap3A_1134 = arith.constant 48 : index
        %swap3A_1135 = tpu.vector_load %arg14[%swap3A_1133, %swap3A_1134] {strides = array<i32>} : memref<128x128xf32, #tpu.memory_space<vmem>>, vector<16xf32>,
        tpu.vector_store %arg14[%swap3A_1133, %swap3A_1134], %mul3A_1132 {strides = array<i32>} : memref<128x128xf32, #tpu.memory_space<vmem>>, vector<16xf32>,
        %get3A_1136 = arith.index_cast %scan3A_1097 : i32 to index
        %get3A_1137 = arith.constant 64 : index
        %get3A_1138 = tpu.vector_load %arg14[%get3A_1136, %get3A_1137] {strides = array<i32>} : memref<128x128xf32, #tpu.memory_space<vmem>>, vector<16xf32>,
        %mul3A_1139 = arith.mulf %get3A_1138, %gather3A_1107 : vector<16xf32>
        %swap3A_1140 = arith.index_cast %scan3A_1097 : i32 to index
        %swap3A_1141 = arith.constant 64 : index
        %swap3A_1142 = tpu.vector_load %arg14[%swap3A_1140, %swap3A_1141] {strides = array<i32>} : memref<128x128xf32, #tpu.memory_space<vmem>>, vector<16xf32>,
        tpu.vector_store %arg14[%swap3A_1140, %swap3A_1141], %mul3A_1139 {strides = array<i32>} : memref<128x128xf32, #tpu.memory_space<vmem>>, vector<16xf32>,
        %get3A_1143 = arith.index_cast %scan3A_1097 : i32 to index
        %get3A_1144 = arith.constant 80 : index
        %get3A_1145 = tpu.vector_load %arg14[%get3A_1143, %get3A_1144] {strides = array<i32>} : memref<128x128xf32, #tpu.memory_space<vmem>>, vector<16xf32>,
        %mul3A_1146 = arith.mulf %get3A_1145, %gather3A_1107 : vector<16xf32>
        %swap3A_1147 = arith.index_cast %scan3A_1097 : i32 to index
        %swap3A_1148 = arith.constant 80 : index
        %swap3A_1149 = tpu.vector_load %arg14[%swap3A_1147, %swap3A_1148] {strides = array<i32>} : memref<128x128xf32, #tpu.memory_space<vmem>>, vector<16xf32>,
        tpu.vector_store %arg14[%swap3A_1147, %swap3A_1148], %mul3A_1146 {strides = array<i32>} : memref<128x128xf32, #tpu.memory_space<vmem>>, vector<16xf32>,
        %get3A_1150 = arith.index_cast %scan3A_1097 : i32 to index
        %get3A_1151 = arith.constant 96 : index
        %get3A_1152 = tpu.vector_load %arg14[%get3A_1150, %get3A_1151] {strides = array<i32>} : memref<128x128xf32, #tpu.memory_space<vmem>>, vector<16xf32>,
        %mul3A_1153 = arith.mulf %get3A_1152, %gather3A_1107 : vector<16xf32>
        %swap3A_1154 = arith.index_cast %scan3A_1097 : i32 to index
        %swap3A_1155 = arith.constant 96 : index
        %swap3A_1156 = tpu.vector_load %arg14[%swap3A_1154, %swap3A_1155] {strides = array<i32>} : memref<128x128xf32, #tpu.memory_space<vmem>>, vector<16xf32>,
        tpu.vector_store %arg14[%swap3A_1154, %swap3A_1155], %mul3A_1153 {strides = array<i32>} : memref<128x128xf32, #tpu.memory_space<vmem>>, vector<16xf32>,
        %get3A_1157 = arith.index_cast %scan3A_1097 : i32 to index
        %get3A_1158 = arith.constant 112 : index
        %get3A_1159 = tpu.vector_load %arg14[%get3A_1157, %get3A_1158] {strides = array<i32>} : memref<128x128xf32, #tpu.memory_space<vmem>>, vector<16xf32>,
        %mul3A_1160 = arith.mulf %get3A_1159, %gather3A_1107 : vector<16xf32>
        %swap3A_1161 = arith.index_cast %scan3A_1097 : i32 to index
        %swap3A_1162 = arith.constant 112 : index
        %swap3A_1163 = tpu.vector_load %arg14[%swap3A_1161, %swap3A_1162] {strides = array<i32>} : memref<128x128xf32, #tpu.memory_space<vmem>>, vector<16xf32>,
        tpu.vector_store %arg14[%swap3A_1161, %swap3A_1162], %mul3A_1160 {strides = array<i32>} : memref<128x128xf32, #tpu.memory_space<vmem>>, vector<16xf32>,
        %scan3A_1164 = arith.constant 0 : i32
        scf.yield %scan3A_1164 : i32
      }
      %scan3A_1095 = arith.constant 128 : i32
      "tpu.region"() ({
        %run_scoped3A = tpu.sem_alloc : memref<!tpu.dma_semaphore, #tpu.memory_space<semaphore_mem>>
        %dma_start3A_1097 = arith.constant 0 : i32
        %dma_start3A_1098 = arith.constant 0 : i32
        %dma_start3A_1099 = tpu.memref_slice %arg17[%dma_start3A_1097, %dma_start3A_1098] : memref<5128x128xf32, #tpu.memory_space<vmem_shared>> -> memref<5128x128xf32, #tpu.memory_space<vmem_shared>>
        tpu.enqueue_indirect_dma source(%arg14 : memref<128x128xf32, #tpu.memory_space<vmem>>) target(%dma_start3A_1099 : memref<5128x128xf32, #tpu.memory_space<vmem_shared>>) offsets(%arg12 : memref<128xi32, #tpu.memory_space<vmem>>) semaphore(%run_scoped3A : memref<!tpu.dma_semaphore, #tpu.memory_space<semaphore_mem>>) {add = true}
        %dma_wait3A_1100 = arith.constant 0 : i32
        %dma_wait3A_1101 = arith.constant 0 : i32
        %dma_wait3A_1102 = tpu.memref_slice %arg17[%dma_wait3A_1100, %dma_wait3A_1101] : memref<5128x128xf32, #tpu.memory_space<vmem_shared>> -> memref<5128x128xf32, #tpu.memory_space<vmem_shared>>
        tpu.wait_indirect_dma semaphore(%run_scoped3A : memref<!tpu.dma_semaphore, #tpu.memory_space<semaphore_mem>>) src(%arg14 : memref<128x128xf32, #tpu.memory_space<vmem>>) dst(%dma_wait3A_1102 : memref<5128x128xf32, #tpu.memory_space<vmem_shared>>)
        tpu.yield
      }) : () -> ()
      %scan3A_1096 = arith.constant 0 : i32
      scf.yield %scan3A_1096 : i32
    }
    %scan3A_39 = arith.constant 162 : i32
    %barrier3A_40 = arith.constant 0 : index
    tpu.barrier barrier_id(%barrier3A_40)
    %scan3A_41 = arith.constant 0 : i32
    %scan3A_42 = arith.constant 0 : i32
    %scan3A_43 = arith.constant 5 : i32
    %scan3A_44 = arith.addi %scan3A_42, %scan3A_43 : i32
    %scan3A_45 = arith.constant 1 : i32
    %scan3A_46 = scf.for %scan3A_84 = %scan3A_42 to %scan3A_44 step %scan3A_45 iter_args(%scan3A_85 = %scan3A_41) -> (i32)  : i32 {
      %mul3A_86 = arith.constant 320 : i32
      %mul3A_87 = arith.muli %arg1, %mul3A_86 : i32
      %mul3A_88 = arith.constant 64 : i32
      %mul3A_89 = arith.muli %scan3A_84, %mul3A_88 : i32
      %add3A_90 = arith.addi %mul3A_87, %mul3A_89 : i32
      "tpu.region"() ({
        %run_scoped3A = tpu.sem_alloc : memref<!tpu.dma_semaphore, #tpu.memory_space<semaphore_mem>>
        %dma_start3A = arith.constant 0 : i32
        %dma_start3A_94 = arith.constant 0 : i32
        %dma_start3A_95 = tpu.memref_slice %arg14[%dma_start3A, %dma_start3A_94] : memref<128x128xf32, #tpu.memory_space<vmem>> -> memref<64x128xf32, #tpu.memory_space<vmem>>
        %dma_start3A_96 = arith.constant 0 : i32
        %dma_start3A_97 = tpu.memref_slice %arg17[%add3A_90, %dma_start3A_96] : memref<5128x128xf32, #tpu.memory_space<vmem_shared>> -> memref<64x128xf32, #tpu.memory_space<vmem_shared>>
        %dma_start3A_98 = arith.constant 0 : i32
        %dma_start3A_99 = arith.constant 0 : i32
        %dma_start3A_100 = tpu.memref_slice %arg14[%dma_start3A_98, %dma_start3A_99] : memref<128x128xf32, #tpu.memory_space<vmem>> -> memref<64x128xf32, #tpu.memory_space<vmem>>
        %dma_start3A_101 = arith.constant 0 : i32
        %dma_start3A_102 = tpu.memref_slice %arg17[%add3A_90, %dma_start3A_101] : memref<5128x128xf32, #tpu.memory_space<vmem_shared>> -> memref<64x128xf32, #tpu.memory_space<vmem_shared>>
        tpu.enqueue_dma source(%dma_start3A_102 : memref<64x128xf32, #tpu.memory_space<vmem_shared>>) target(%dma_start3A_100 : memref<64x128xf32, #tpu.memory_space<vmem>>) target_semaphore(%run_scoped3A : memref<!tpu.dma_semaphore, #tpu.memory_space<semaphore_mem>>)
        %dma_wait3A = arith.constant 0 : i32
        %dma_wait3A_103 = arith.constant 0 : i32
        %dma_wait3A_104 = tpu.memref_slice %arg14[%dma_wait3A, %dma_wait3A_103] : memref<128x128xf32, #tpu.memory_space<vmem>> -> memref<64x128xf32, #tpu.memory_space<vmem>>
        %dma_wait3A_105 = arith.constant 0 : i32
        %dma_wait3A_106 = tpu.memref_slice %arg17[%add3A_90, %dma_wait3A_105] : memref<5128x128xf32, #tpu.memory_space<vmem_shared>> -> memref<64x128xf32, #tpu.memory_space<vmem_shared>>
        %dma_wait3A_107 = arith.constant 0 : i32
        %dma_wait3A_108 = arith.constant 0 : i32
        %dma_wait3A_109 = tpu.memref_slice %arg14[%dma_wait3A_107, %dma_wait3A_108] : memref<128x128xf32, #tpu.memory_space<vmem>> -> memref<64x128xf32, #tpu.memory_space<vmem>>
        %dma_wait3A_110 = arith.constant 0 : i32
        %dma_wait3A_111 = tpu.memref_slice %arg17[%add3A_90, %dma_wait3A_110] : memref<5128x128xf32, #tpu.memory_space<vmem_shared>> -> memref<64x128xf32, #tpu.memory_space<vmem_shared>>
        tpu.wait_dma2 semaphore(%run_scoped3A : memref<!tpu.dma_semaphore, #tpu.memory_space<semaphore_mem>>) src(%dma_wait3A_111 : memref<64x128xf32, #tpu.memory_space<vmem_shared>>) dst(%dma_wait3A_109 : memref<64x128xf32, #tpu.memory_space<vmem>>)
        tpu.yield
      }) : () -> ()
      %add3A_91 = arith.constant 0 : i32
      %add3A_92 = arith.addi %add3A_91, %add3A_90 : i32
      "tpu.region"() ({
        %run_scoped3A = tpu.sem_alloc : memref<!tpu.dma_semaphore, #tpu.memory_space<semaphore_mem>>
        %dma_start3A = arith.constant 0 : i32
        %dma_start3A_94 = arith.constant 0 : i32
        %dma_start3A_95 = tpu.memref_slice %arg14[%dma_start3A, %dma_start3A_94] : memref<128x128xf32, #tpu.memory_space<vmem>> -> memref<64x128xf32, #tpu.memory_space<vmem>>
        %dma_start3A_96 = arith.constant 0 : i32
        %dma_start3A_97 = tpu.memref_slice %arg7[%arg0, %add3A_92, %dma_start3A_96] : memref<2x10240x128xf32, #tpu.memory_space<hbm>> -> memref<1x64x128xf32, #tpu.memory_space<hbm>>
        %dma_start3A_98 = tpu.memref_squeeze %dma_start3A_97 : memref<1x64x128xf32, #tpu.memory_space<hbm>> -> memref<64x128xf32, #tpu.memory_space<hbm>>
        %dma_start3A_99 = arith.constant 0 : i32
        %dma_start3A_100 = tpu.memref_slice %arg7[%arg0, %add3A_92, %dma_start3A_99] : memref<2x10240x128xf32, #tpu.memory_space<hbm>> -> memref<1x64x128xf32, #tpu.memory_space<hbm>>
        %dma_start3A_101 = tpu.memref_squeeze %dma_start3A_100 : memref<1x64x128xf32, #tpu.memory_space<hbm>> -> memref<64x128xf32, #tpu.memory_space<hbm>>
        %dma_start3A_102 = arith.constant 0 : i32
        %dma_start3A_103 = arith.constant 0 : i32
        %dma_start3A_104 = tpu.memref_slice %arg14[%dma_start3A_102, %dma_start3A_103] : memref<128x128xf32, #tpu.memory_space<vmem>> -> memref<64x128xf32, #tpu.memory_space<vmem>>
        tpu.enqueue_dma source(%dma_start3A_104 : memref<64x128xf32, #tpu.memory_space<vmem>>) target(%dma_start3A_101 : memref<64x128xf32, #tpu.memory_space<hbm>>) target_semaphore(%run_scoped3A : memref<!tpu.dma_semaphore, #tpu.memory_space<semaphore_mem>>)
        %dma_wait3A = arith.constant 0 : i32
        %dma_wait3A_105 = arith.constant 0 : i32
        %dma_wait3A_106 = tpu.memref_slice %arg14[%dma_wait3A, %dma_wait3A_105] : memref<128x128xf32, #tpu.memory_space<vmem>> -> memref<64x128xf32, #tpu.memory_space<vmem>>
        %dma_wait3A_107 = arith.constant 0 : i32
        %dma_wait3A_108 = tpu.memref_slice %arg7[%arg0, %add3A_92, %dma_wait3A_107] : memref<2x10240x128xf32, #tpu.memory_space<hbm>> -> memref<1x64x128xf32, #tpu.memory_space<hbm>>
        %dma_wait3A_109 = tpu.memref_squeeze %dma_wait3A_108 : memref<1x64x128xf32, #tpu.memory_space<hbm>> -> memref<64x128xf32, #tpu.memory_space<hbm>>
        %dma_wait3A_110 = arith.constant 0 : i32
        %dma_wait3A_111 = tpu.memref_slice %arg7[%arg0, %add3A_92, %dma_wait3A_110] : memref<2x10240x128xf32, #tpu.memory_space<hbm>> -> memref<1x64x128xf32, #tpu.memory_space<hbm>>
        %dma_wait3A_112 = tpu.memref_squeeze %dma_wait3A_111 : memref<1x64x128xf32, #tpu.memory_space<hbm>> -> memref<64x128xf32, #tpu.memory_space<hbm>>
        %dma_wait3A_113 = arith.constant 0 : i32
        %dma_wait3A_114 = arith.constant 0 : i32
        %dma_wait3A_115 = tpu.memref_slice %arg14[%dma_wait3A_113, %dma_wait3A_114] : memref<128x128xf32, #tpu.memory_space<vmem>> -> memref<64x128xf32, #tpu.memory_space<vmem>>
        tpu.wait_dma2 semaphore(%run_scoped3A : memref<!tpu.dma_semaphore, #tpu.memory_space<semaphore_mem>>) src(%dma_wait3A_115 : memref<64x128xf32, #tpu.memory_space<vmem>>) dst(%dma_wait3A_112 : memref<64x128xf32, #tpu.memory_space<hbm>>)
        tpu.yield
      }) : () -> ()
      %scan3A_93 = arith.constant 0 : i32
      scf.yield %scan3A_93 : i32
    }
    %scan3A_47 = arith.constant 5 : i32
    %lt3A_48 = arith.constant 10 : i32
    %lt3A_49 = arith.cmpi slt, %arg1, %lt3A_48 : i32
    %convert_element_type3A_50 = arith.extui %lt3A_49 : i1 to i32
    %cond3A_51 = arith.constant 0 : i32
    %cond3A_52 = arith.cmpi ne, %convert_element_type3A_50, %cond3A_51 : i32
    scf.if %cond3A_52 {
      %mul3A_84 = arith.constant 16 : i32
      %mul3A_85 = arith.muli %arg1, %mul3A_84 : i32
      "tpu.region"() ({
        %run_scoped3A = tpu.sem_alloc : memref<!tpu.dma_semaphore, #tpu.memory_space<semaphore_mem>>
        %dma_start3A = arith.constant 0 : i32
        %dma_start3A_88 = arith.constant 0 : i32
        %dma_start3A_89 = tpu.memref_slice %arg15[%dma_start3A, %dma_start3A_88] : memref<128x128xf32, #tpu.memory_space<vmem>> -> memref<16x128xf32, #tpu.memory_space<vmem>>
        %dma_start3A_90 = arith.constant 0 : i32
        %dma_start3A_91 = tpu.memref_slice %arg18[%mul3A_85, %dma_start3A_90] : memref<160x128xf32, #tpu.memory_space<vmem_shared>> -> memref<16x128xf32, #tpu.memory_space<vmem_shared>>
        %dma_start3A_92 = arith.constant 0 : i32
        %dma_start3A_93 = arith.constant 0 : i32
        %dma_start3A_94 = tpu.memref_slice %arg15[%dma_start3A_92, %dma_start3A_93] : memref<128x128xf32, #tpu.memory_space<vmem>> -> memref<16x128xf32, #tpu.memory_space<vmem>>
        %dma_start3A_95 = arith.constant 0 : i32
        %dma_start3A_96 = tpu.memref_slice %arg18[%mul3A_85, %dma_start3A_95] : memref<160x128xf32, #tpu.memory_space<vmem_shared>> -> memref<16x128xf32, #tpu.memory_space<vmem_shared>>
        tpu.enqueue_dma source(%dma_start3A_96 : memref<16x128xf32, #tpu.memory_space<vmem_shared>>) target(%dma_start3A_94 : memref<16x128xf32, #tpu.memory_space<vmem>>) target_semaphore(%run_scoped3A : memref<!tpu.dma_semaphore, #tpu.memory_space<semaphore_mem>>)
        %dma_wait3A = arith.constant 0 : i32
        %dma_wait3A_97 = arith.constant 0 : i32
        %dma_wait3A_98 = tpu.memref_slice %arg15[%dma_wait3A, %dma_wait3A_97] : memref<128x128xf32, #tpu.memory_space<vmem>> -> memref<16x128xf32, #tpu.memory_space<vmem>>
        %dma_wait3A_99 = arith.constant 0 : i32
        %dma_wait3A_100 = tpu.memref_slice %arg18[%mul3A_85, %dma_wait3A_99] : memref<160x128xf32, #tpu.memory_space<vmem_shared>> -> memref<16x128xf32, #tpu.memory_space<vmem_shared>>
        %dma_wait3A_101 = arith.constant 0 : i32
        %dma_wait3A_102 = arith.constant 0 : i32
        %dma_wait3A_103 = tpu.memref_slice %arg15[%dma_wait3A_101, %dma_wait3A_102] : memref<128x128xf32, #tpu.memory_space<vmem>> -> memref<16x128xf32, #tpu.memory_space<vmem>>
        %dma_wait3A_104 = arith.constant 0 : i32
        %dma_wait3A_105 = tpu.memref_slice %arg18[%mul3A_85, %dma_wait3A_104] : memref<160x128xf32, #tpu.memory_space<vmem_shared>> -> memref<16x128xf32, #tpu.memory_space<vmem_shared>>
        tpu.wait_dma2 semaphore(%run_scoped3A : memref<!tpu.dma_semaphore, #tpu.memory_space<semaphore_mem>>) src(%dma_wait3A_105 : memref<16x128xf32, #tpu.memory_space<vmem_shared>>) dst(%dma_wait3A_103 : memref<16x128xf32, #tpu.memory_space<vmem>>)
        tpu.yield
      }) : () -> ()
      %mul3A_86 = arith.constant 16 : i32
      %mul3A_87 = arith.muli %arg1, %mul3A_86 : i32
      "tpu.region"() ({
        %run_scoped3A = tpu.sem_alloc : memref<!tpu.dma_semaphore, #tpu.memory_space<semaphore_mem>>
        %dma_start3A = arith.constant 0 : i32
        %dma_start3A_88 = arith.constant 0 : i32
        %dma_start3A_89 = tpu.memref_slice %arg15[%dma_start3A, %dma_start3A_88] : memref<128x128xf32, #tpu.memory_space<vmem>> -> memref<16x128xf32, #tpu.memory_space<vmem>>
        %dma_start3A_90 = arith.constant 0 : i32
        %dma_start3A_91 = tpu.memref_slice %arg8[%arg0, %mul3A_87, %dma_start3A_90] : memref<2x160x128xf32, #tpu.memory_space<hbm>> -> memref<1x16x128xf32, #tpu.memory_space<hbm>>
        %dma_start3A_92 = tpu.memref_squeeze %dma_start3A_91 : memref<1x16x128xf32, #tpu.memory_space<hbm>> -> memref<16x128xf32, #tpu.memory_space<hbm>>
        %dma_start3A_93 = arith.constant 0 : i32
        %dma_start3A_94 = tpu.memref_slice %arg8[%arg0, %mul3A_87, %dma_start3A_93] : memref<2x160x128xf32, #tpu.memory_space<hbm>> -> memref<1x16x128xf32, #tpu.memory_space<hbm>>
        %dma_start3A_95 = tpu.memref_squeeze %dma_start3A_94 : memref<1x16x128xf32, #tpu.memory_space<hbm>> -> memref<16x128xf32, #tpu.memory_space<hbm>>
        %dma_start3A_96 = arith.constant 0 : i32
        %dma_start3A_97 = arith.constant 0 : i32
        %dma_start3A_98 = tpu.memref_slice %arg15[%dma_start3A_96, %dma_start3A_97] : memref<128x128xf32, #tpu.memory_space<vmem>> -> memref<16x128xf32, #tpu.memory_space<vmem>>
        tpu.enqueue_dma source(%dma_start3A_98 : memref<16x128xf32, #tpu.memory_space<vmem>>) target(%dma_start3A_95 : memref<16x128xf32, #tpu.memory_space<hbm>>) target_semaphore(%run_scoped3A : memref<!tpu.dma_semaphore, #tpu.memory_space<semaphore_mem>>)
        %dma_wait3A = arith.constant 0 : i32
        %dma_wait3A_99 = arith.constant 0 : i32
        %dma_wait3A_100 = tpu.memref_slice %arg15[%dma_wait3A, %dma_wait3A_99] : memref<128x128xf32, #tpu.memory_space<vmem>> -> memref<16x128xf32, #tpu.memory_space<vmem>>
        %dma_wait3A_101 = arith.constant 0 : i32
        %dma_wait3A_102 = tpu.memref_slice %arg8[%arg0, %mul3A_87, %dma_wait3A_101] : memref<2x160x128xf32, #tpu.memory_space<hbm>> -> memref<1x16x128xf32, #tpu.memory_space<hbm>>
        %dma_wait3A_103 = tpu.memref_squeeze %dma_wait3A_102 : memref<1x16x128xf32, #tpu.memory_space<hbm>> -> memref<16x128xf32, #tpu.memory_space<hbm>>
        %dma_wait3A_104 = arith.constant 0 : i32
        %dma_wait3A_105 = tpu.memref_slice %arg8[%arg0, %mul3A_87, %dma_wait3A_104] : memref<2x160x128xf32, #tpu.memory_space<hbm>> -> memref<1x16x128xf32, #tpu.memory_space<hbm>>
        %dma_wait3A_106 = tpu.memref_squeeze %dma_wait3A_105 : memref<1x16x128xf32, #tpu.memory_space<hbm>> -> memref<16x128xf32, #tpu.memory_space<hbm>>
        %dma_wait3A_107 = arith.constant 0 : i32
        %dma_wait3A_108 = arith.constant 0 : i32
        %dma_wait3A_109 = tpu.memref_slice %arg15[%dma_wait3A_107, %dma_wait3A_108] : memref<128x128xf32, #tpu.memory_space<vmem>> -> memref<16x128xf32, #tpu.memory_space<vmem>>
        tpu.wait_dma2 semaphore(%run_scoped3A : memref<!tpu.dma_semaphore, #tpu.memory_space<semaphore_mem>>) src(%dma_wait3A_109 : memref<16x128xf32, #tpu.memory_space<vmem>>) dst(%dma_wait3A_106 : memref<16x128xf32, #tpu.memory_space<hbm>>)
        tpu.yield
      }) : () -> ()
    } else {
    }
    %barrier3A_53 = arith.constant 0 : index
    tpu.barrier barrier_id(%barrier3A_53)
    %scan3A_54 = arith.constant 0 : i32
    %scan3A_55 = arith.constant 0 : i32
    %scan3A_56 = arith.constant 128 : i32
    %scan3A_57 = arith.addi %scan3A_55, %scan3A_56 : i32
    %scan3A_58 = arith.constant 1 : i32
    %scan3A_59 = scf.for %scan3A_84 = %scan3A_55 to %scan3A_57 step %scan3A_58 iter_args(%scan3A_85 = %scan3A_54) -> (i32)  : i32 {
      %scan3A_86 = arith.constant 0 : i32
      %scan3A_87 = arith.constant 0 : i32
      %scan3A_88 = arith.constant 8 : i32
      %scan3A_89 = arith.addi %scan3A_87, %scan3A_88 : i32
      %scan3A_90 = arith.constant 1 : i32
      %scan3A_91 = scf.for %scan3A_93 = %scan3A_87 to %scan3A_89 step %scan3A_90 iter_args(%scan3A_94 = %scan3A_86) -> (i32)  : i32 {
        %broadcast_in_dim3A = arith.constant 0.000000e+00 : f32
        %broadcast_in_dim3A_95 = vector.broadcast %broadcast_in_dim3A : f32 to vector<16xf32>
        %mul3A_96 = arith.constant 16 : i32
        %mul3A_97 = arith.muli %scan3A_93, %mul3A_96 : i32
        %swap3A = arith.index_cast %scan3A_84 : i32 to index
        %swap3A_98 = arith.index_cast %mul3A_97 : i32 to index
        %swap3A_99 = tpu.vector_load %arg14[%swap3A, %swap3A_98] {strides = array<i32>} : memref<128x128xf32, #tpu.memory_space<vmem>>, vector<16xf32>,
        tpu.vector_store %arg14[%swap3A, %swap3A_98], %broadcast_in_dim3A_95 {strides = array<i32>} : memref<128x128xf32, #tpu.memory_space<vmem>>, vector<16xf32>,
        %scan3A_100 = arith.constant 0 : i32
        scf.yield %scan3A_100 : i32
      }
      %scan3A_92 = arith.constant 8 : i32
      scf.yield %scan3A_91 : i32
    }
    %scan3A_60 = arith.constant 128 : i32
    %scan3A_61 = arith.constant 0 : i32
    %scan3A_62 = arith.constant 0 : i32
    %scan3A_63 = arith.constant 5 : i32
    %scan3A_64 = arith.addi %scan3A_62, %scan3A_63 : i32
    %scan3A_65 = arith.constant 1 : i32
    %scan3A_66 = scf.for %scan3A_84 = %scan3A_62 to %scan3A_64 step %scan3A_65 iter_args(%scan3A_85 = %scan3A_61) -> (i32)  : i32 {
      %mul3A_86 = arith.constant 320 : i32
      %mul3A_87 = arith.muli %arg1, %mul3A_86 : i32
      %mul3A_88 = arith.constant 64 : i32
      %mul3A_89 = arith.muli %scan3A_84, %mul3A_88 : i32
      %add3A_90 = arith.addi %mul3A_87, %mul3A_89 : i32
      "tpu.region"() ({
        %run_scoped3A = tpu.sem_alloc : memref<!tpu.dma_semaphore, #tpu.memory_space<semaphore_mem>>
        %dma_start3A = arith.constant 0 : i32
        %dma_start3A_92 = arith.constant 0 : i32
        %dma_start3A_93 = tpu.memref_slice %arg14[%dma_start3A, %dma_start3A_92] : memref<128x128xf32, #tpu.memory_space<vmem>> -> memref<64x128xf32, #tpu.memory_space<vmem>>
        %dma_start3A_94 = arith.constant 0 : i32
        %dma_start3A_95 = tpu.memref_slice %arg17[%add3A_90, %dma_start3A_94] : memref<5128x128xf32, #tpu.memory_space<vmem_shared>> -> memref<64x128xf32, #tpu.memory_space<vmem_shared>>
        %dma_start3A_96 = arith.constant 0 : i32
        %dma_start3A_97 = tpu.memref_slice %arg17[%add3A_90, %dma_start3A_96] : memref<5128x128xf32, #tpu.memory_space<vmem_shared>> -> memref<64x128xf32, #tpu.memory_space<vmem_shared>>
        %dma_start3A_98 = arith.constant 0 : i32
        %dma_start3A_99 = arith.constant 0 : i32
        %dma_start3A_100 = tpu.memref_slice %arg14[%dma_start3A_98, %dma_start3A_99] : memref<128x128xf32, #tpu.memory_space<vmem>> -> memref<64x128xf32, #tpu.memory_space<vmem>>
        tpu.enqueue_dma source(%dma_start3A_100 : memref<64x128xf32, #tpu.memory_space<vmem>>) target(%dma_start3A_97 : memref<64x128xf32, #tpu.memory_space<vmem_shared>>) target_semaphore(%run_scoped3A : memref<!tpu.dma_semaphore, #tpu.memory_space<semaphore_mem>>)
        %dma_wait3A = arith.constant 0 : i32
        %dma_wait3A_101 = arith.constant 0 : i32
        %dma_wait3A_102 = tpu.memref_slice %arg14[%dma_wait3A, %dma_wait3A_101] : memref<128x128xf32, #tpu.memory_space<vmem>> -> memref<64x128xf32, #tpu.memory_space<vmem>>
        %dma_wait3A_103 = arith.constant 0 : i32
        %dma_wait3A_104 = tpu.memref_slice %arg17[%add3A_90, %dma_wait3A_103] : memref<5128x128xf32, #tpu.memory_space<vmem_shared>> -> memref<64x128xf32, #tpu.memory_space<vmem_shared>>
        %dma_wait3A_105 = arith.constant 0 : i32
        %dma_wait3A_106 = tpu.memref_slice %arg17[%add3A_90, %dma_wait3A_105] : memref<5128x128xf32, #tpu.memory_space<vmem_shared>> -> memref<64x128xf32, #tpu.memory_space<vmem_shared>>
        %dma_wait3A_107 = arith.constant 0 : i32
        %dma_wait3A_108 = arith.constant 0 : i32
        %dma_wait3A_109 = tpu.memref_slice %arg14[%dma_wait3A_107, %dma_wait3A_108] : memref<128x128xf32, #tpu.memory_space<vmem>> -> memref<64x128xf32, #tpu.memory_space<vmem>>
        tpu.wait_dma2 semaphore(%run_scoped3A : memref<!tpu.dma_semaphore, #tpu.memory_space<semaphore_mem>>) src(%dma_wait3A_109 : memref<64x128xf32, #tpu.memory_space<vmem>>) dst(%dma_wait3A_106 : memref<64x128xf32, #tpu.memory_space<vmem_shared>>)
        tpu.yield
      }) : () -> ()
      %scan3A_91 = arith.constant 0 : i32
      scf.yield %scan3A_91 : i32
    }
    %scan3A_67 = arith.constant 5 : i32
    %barrier3A_68 = arith.constant 0 : index
    tpu.barrier barrier_id(%barrier3A_68)
    %scan3A_69 = arith.constant 0 : i32
    %scan3A_70 = arith.constant 0 : i32
    %scan3A_71 = arith.constant 162 : i32
    %scan3A_72 = arith.addi %scan3A_70, %scan3A_71 : i32
    %scan3A_73 = arith.constant 1 : i32
    %scan3A_74 = scf.for %scan3A_84 = %scan3A_70 to %scan3A_72 step %scan3A_73 iter_args(%scan3A_85 = %scan3A_69) -> (i32)  : i32 {
      %mul3A_86 = arith.constant 128 : i32
      %mul3A_87 = arith.muli %scan3A_84, %mul3A_86 : i32
      %add3A_88 = arith.addi %mul3A_15, %mul3A_87 : i32
      "tpu.region"() ({
        %run_scoped3A = tpu.sem_alloc : memref<!tpu.dma_semaphore, #tpu.memory_space<semaphore_mem>>
        %dma_start3A_626 = tpu.memref_slice %arg2[%add3A_88] : memref<331776xi32, #tpu.memory_space<hbm>> -> memref<128xi32, #tpu.memory_space<hbm>>
        %dma_start3A_627 = tpu.memref_slice %arg2[%add3A_88] : memref<331776xi32, #tpu.memory_space<hbm>> -> memref<128xi32, #tpu.memory_space<hbm>>
        tpu.enqueue_dma source(%dma_start3A_627 : memref<128xi32, #tpu.memory_space<hbm>>) target(%arg11 : memref<128xi32, #tpu.memory_space<vmem>>) target_semaphore(%run_scoped3A : memref<!tpu.dma_semaphore, #tpu.memory_space<semaphore_mem>>)
        %dma_wait3A_628 = tpu.memref_slice %arg2[%add3A_88] : memref<331776xi32, #tpu.memory_space<hbm>> -> memref<128xi32, #tpu.memory_space<hbm>>
        %dma_wait3A_629 = tpu.memref_slice %arg2[%add3A_88] : memref<331776xi32, #tpu.memory_space<hbm>> -> memref<128xi32, #tpu.memory_space<hbm>>
        tpu.wait_dma2 semaphore(%run_scoped3A : memref<!tpu.dma_semaphore, #tpu.memory_space<semaphore_mem>>) src(%dma_wait3A_629 : memref<128xi32, #tpu.memory_space<hbm>>) dst(%arg11 : memref<128xi32, #tpu.memory_space<vmem>>)
        tpu.yield
      }) : () -> ()
      "tpu.region"() ({
        %run_scoped3A = tpu.sem_alloc : memref<!tpu.dma_semaphore, #tpu.memory_space<semaphore_mem>>
        %dma_start3A_626 = tpu.memref_slice %arg3[%add3A_88] : memref<331776xi32, #tpu.memory_space<hbm>> -> memref<128xi32, #tpu.memory_space<hbm>>
        %dma_start3A_627 = tpu.memref_slice %arg3[%add3A_88] : memref<331776xi32, #tpu.memory_space<hbm>> -> memref<128xi32, #tpu.memory_space<hbm>>
        tpu.enqueue_dma source(%dma_start3A_627 : memref<128xi32, #tpu.memory_space<hbm>>) target(%arg12 : memref<128xi32, #tpu.memory_space<vmem>>) target_semaphore(%run_scoped3A : memref<!tpu.dma_semaphore, #tpu.memory_space<semaphore_mem>>)
        %dma_wait3A_628 = tpu.memref_slice %arg3[%add3A_88] : memref<331776xi32, #tpu.memory_space<hbm>> -> memref<128xi32, #tpu.memory_space<hbm>>
        %dma_wait3A_629 = tpu.memref_slice %arg3[%add3A_88] : memref<331776xi32, #tpu.memory_space<hbm>> -> memref<128xi32, #tpu.memory_space<hbm>>
        tpu.wait_dma2 semaphore(%run_scoped3A : memref<!tpu.dma_semaphore, #tpu.memory_space<semaphore_mem>>) src(%dma_wait3A_629 : memref<128xi32, #tpu.memory_space<hbm>>) dst(%arg12 : memref<128xi32, #tpu.memory_space<vmem>>)
        tpu.yield
      }) : () -> ()
      %get3A = arith.constant 0 : index
      %get3A_89 = tpu.vector_load %arg11[%get3A] {strides = array<i32>} : memref<128xi32, #tpu.memory_space<vmem>>, vector<16xi32>,
      %add3A_90 = vector.broadcast %mul3A_17 : i32 to vector<16xi32>
      %add3A_91 = arith.addi %get3A_89, %add3A_90 : vector<16xi32>
      %swap3A = arith.constant 0 : index
      %swap3A_92 = tpu.vector_load %arg11[%swap3A] {strides = array<i32>} : memref<128xi32, #tpu.memory_space<vmem>>, vector<16xi32>,
      tpu.vector_store %arg11[%swap3A], %add3A_91 {strides = array<i32>} : memref<128xi32, #tpu.memory_space<vmem>>, vector<16xi32>,
      %get3A_93 = arith.constant 16 : index
      %get3A_94 = tpu.vector_load %arg11[%get3A_93] {strides = array<i32>} : memref<128xi32, #tpu.memory_space<vmem>>, vector<16xi32>,
      %add3A_95 = vector.broadcast %mul3A_17 : i32 to vector<16xi32>
      %add3A_96 = arith.addi %get3A_94, %add3A_95 : vector<16xi32>
      %swap3A_97 = arith.constant 16 : index
      %swap3A_98 = tpu.vector_load %arg11[%swap3A_97] {strides = array<i32>} : memref<128xi32, #tpu.memory_space<vmem>>, vector<16xi32>,
      tpu.vector_store %arg11[%swap3A_97], %add3A_96 {strides = array<i32>} : memref<128xi32, #tpu.memory_space<vmem>>, vector<16xi32>,
      %get3A_99 = arith.constant 32 : index
      %get3A_100 = tpu.vector_load %arg11[%get3A_99] {strides = array<i32>} : memref<128xi32, #tpu.memory_space<vmem>>, vector<16xi32>,
      %add3A_101 = vector.broadcast %mul3A_17 : i32 to vector<16xi32>
      %add3A_102 = arith.addi %get3A_100, %add3A_101 : vector<16xi32>
      %swap3A_103 = arith.constant 32 : index
      %swap3A_104 = tpu.vector_load %arg11[%swap3A_103] {strides = array<i32>} : memref<128xi32, #tpu.memory_space<vmem>>, vector<16xi32>,
      tpu.vector_store %arg11[%swap3A_103], %add3A_102 {strides = array<i32>} : memref<128xi32, #tpu.memory_space<vmem>>, vector<16xi32>,
      %get3A_105 = arith.constant 48 : index
      %get3A_106 = tpu.vector_load %arg11[%get3A_105] {strides = array<i32>} : memref<128xi32, #tpu.memory_space<vmem>>, vector<16xi32>,
      %add3A_107 = vector.broadcast %mul3A_17 : i32 to vector<16xi32>
      %add3A_108 = arith.addi %get3A_106, %add3A_107 : vector<16xi32>
      %swap3A_109 = arith.constant 48 : index
      %swap3A_110 = tpu.vector_load %arg11[%swap3A_109] {strides = array<i32>} : memref<128xi32, #tpu.memory_space<vmem>>, vector<16xi32>,
      tpu.vector_store %arg11[%swap3A_109], %add3A_108 {strides = array<i32>} : memref<128xi32, #tpu.memory_space<vmem>>, vector<16xi32>,
      %get3A_111 = arith.constant 64 : index
      %get3A_112 = tpu.vector_load %arg11[%get3A_111] {strides = array<i32>} : memref<128xi32, #tpu.memory_space<vmem>>, vector<16xi32>,
      %add3A_113 = vector.broadcast %mul3A_17 : i32 to vector<16xi32>
      %add3A_114 = arith.addi %get3A_112, %add3A_113 : vector<16xi32>
      %swap3A_115 = arith.constant 64 : index
      %swap3A_116 = tpu.vector_load %arg11[%swap3A_115] {strides = array<i32>} : memref<128xi32, #tpu.memory_space<vmem>>, vector<16xi32>,
      tpu.vector_store %arg11[%swap3A_115], %add3A_114 {strides = array<i32>} : memref<128xi32, #tpu.memory_space<vmem>>, vector<16xi32>,
      %get3A_117 = arith.constant 80 : index
      %get3A_118 = tpu.vector_load %arg11[%get3A_117] {strides = array<i32>} : memref<128xi32, #tpu.memory_space<vmem>>, vector<16xi32>,
      %add3A_119 = vector.broadcast %mul3A_17 : i32 to vector<16xi32>
      %add3A_120 = arith.addi %get3A_118, %add3A_119 : vector<16xi32>
      %swap3A_121 = arith.constant 80 : index
      %swap3A_122 = tpu.vector_load %arg11[%swap3A_121] {strides = array<i32>} : memref<128xi32, #tpu.memory_space<vmem>>, vector<16xi32>,
      tpu.vector_store %arg11[%swap3A_121], %add3A_120 {strides = array<i32>} : memref<128xi32, #tpu.memory_space<vmem>>, vector<16xi32>,
      %get3A_123 = arith.constant 96 : index
      %get3A_124 = tpu.vector_load %arg11[%get3A_123] {strides = array<i32>} : memref<128xi32, #tpu.memory_space<vmem>>, vector<16xi32>,
      %add3A_125 = vector.broadcast %mul3A_17 : i32 to vector<16xi32>
      %add3A_126 = arith.addi %get3A_124, %add3A_125 : vector<16xi32>
      %swap3A_127 = arith.constant 96 : index
      %swap3A_128 = tpu.vector_load %arg11[%swap3A_127] {strides = array<i32>} : memref<128xi32, #tpu.memory_space<vmem>>, vector<16xi32>,
      tpu.vector_store %arg11[%swap3A_127], %add3A_126 {strides = array<i32>} : memref<128xi32, #tpu.memory_space<vmem>>, vector<16xi32>,
      %get3A_129 = arith.constant 112 : index
      %get3A_130 = tpu.vector_load %arg11[%get3A_129] {strides = array<i32>} : memref<128xi32, #tpu.memory_space<vmem>>, vector<16xi32>,
      %add3A_131 = vector.broadcast %mul3A_17 : i32 to vector<16xi32>
      %add3A_132 = arith.addi %get3A_130, %add3A_131 : vector<16xi32>
      %swap3A_133 = arith.constant 112 : index
      %swap3A_134 = tpu.vector_load %arg11[%swap3A_133] {strides = array<i32>} : memref<128xi32, #tpu.memory_space<vmem>>, vector<16xi32>,
      tpu.vector_store %arg11[%swap3A_133], %add3A_132 {strides = array<i32>} : memref<128xi32, #tpu.memory_space<vmem>>, vector<16xi32>,
      %dma_start3A = arith.constant 0 : i32
      %dma_start3A_135 = arith.constant 0 : i32
      %dma_start3A_136 = tpu.memref_slice %arg4[%dma_start3A, %dma_start3A_135] : memref<20480x128xf32, #tpu.memory_space<hbm>> -> memref<20480x128xf32, #tpu.memory_space<hbm>>
      tpu.enqueue_indirect_dma source(%dma_start3A_136 : memref<20480x128xf32, #tpu.memory_space<hbm>>) target(%arg14 : memref<128x128xf32, #tpu.memory_space<vmem>>) offsets(%arg11 : memref<128xi32, #tpu.memory_space<vmem>>) semaphore(%arg19 : memref<!tpu.dma_semaphore, #tpu.memory_space<semaphore_mem>>)
      %get3A_137 = arith.constant 0 : index
      %get3A_138 = tpu.vector_load %arg11[%get3A_137] {strides = array<i32>} : memref<128xi32, #tpu.memory_space<vmem>>, vector<16xi32>,
      %sub3A = vector.broadcast %mul3A_17 : i32 to vector<16xi32>
      %sub3A_139 = arith.subi %get3A_138, %sub3A : vector<16xi32>
      %get3A_140 = arith.constant 0 : index
      %get3A_141 = tpu.vector_load %arg12[%get3A_140] {strides = array<i32>} : memref<128xi32, #tpu.memory_space<vmem>>, vector<16xi32>,
      %add3A_142 = arith.constant 0 : i32
      %add3A_143 = vector.broadcast %add3A_142 : i32 to vector<16xi32>
      %add3A_144 = arith.addi %sub3A_139, %add3A_143 : vector<16xi32>
      %gather3A = tpu.vector_load_idx %arg9[%add3A_144] : memref<20480xf32, #tpu.memory_space<vmem>>[vector<16xi32>], vector<16xf32>,
      %add3A_145 = arith.constant 0 : i32
      %add3A_146 = vector.broadcast %add3A_145 : i32 to vector<16xi32>
      %add3A_147 = arith.addi %get3A_141, %add3A_146 : vector<16xi32>
      %gather3A_148 = tpu.vector_load_idx %arg10[%add3A_147] : memref<20480xf32, #tpu.memory_space<vmem>>[vector<16xi32>], vector<16xf32>,
      %add3A_149 = arith.addf %gather3A, %gather3A_148 : vector<16xf32>
      %gt3A = arith.constant 0.000000e+00 : f32
      %gt3A_150 = vector.broadcast %gt3A : f32 to vector<16xf32>
      %gt3A_151 = arith.cmpf ogt, %add3A_149, %gt3A_150 : vector<16xf32>
      %mul3A_152 = arith.constant 2.000000e-01 : f32
      %mul3A_153 = vector.broadcast %mul3A_152 : f32 to vector<16xf32>
      %mul3A_154 = arith.mulf %add3A_149, %mul3A_153 : vector<16xf32>
      %select_n3A = arith.select %gt3A_151, %add3A_149, %mul3A_154 : vector<16xi1>, vector<16xf32>
      %exp3A = math.exp %select_n3A : vector<16xf32>
      %swap3A_155 = arith.constant 0 : index
      %swap3A_156 = tpu.vector_load %arg16[%swap3A_155] {strides = array<i32>} : memref<256xf32, #tpu.memory_space<vmem>>, vector<16xf32>,
      tpu.vector_store %arg16[%swap3A_155], %exp3A {strides = array<i32>} : memref<256xf32, #tpu.memory_space<vmem>>, vector<16xf32>,
      %add3A_157 = arith.constant 10240 : i32
      %add3A_158 = vector.broadcast %add3A_157 : i32 to vector<16xi32>
      %add3A_159 = arith.addi %sub3A_139, %add3A_158 : vector<16xi32>
      %gather3A_160 = tpu.vector_load_idx %arg9[%add3A_159] : memref<20480xf32, #tpu.memory_space<vmem>>[vector<16xi32>], vector<16xf32>,
      %add3A_161 = arith.constant 10240 : i32
      %add3A_162 = vector.broadcast %add3A_161 : i32 to vector<16xi32>
      %add3A_163 = arith.addi %get3A_141, %add3A_162 : vector<16xi32>
      %gather3A_164 = tpu.vector_load_idx %arg10[%add3A_163] : memref<20480xf32, #tpu.memory_space<vmem>>[vector<16xi32>], vector<16xf32>,
      %add3A_165 = arith.addf %gather3A_160, %gather3A_164 : vector<16xf32>
      %gt3A_166 = arith.constant 0.000000e+00 : f32
      %gt3A_167 = vector.broadcast %gt3A_166 : f32 to vector<16xf32>
      %gt3A_168 = arith.cmpf ogt, %add3A_165, %gt3A_167 : vector<16xf32>
      %mul3A_169 = arith.constant 2.000000e-01 : f32
      %mul3A_170 = vector.broadcast %mul3A_169 : f32 to vector<16xf32>
      %mul3A_171 = arith.mulf %add3A_165, %mul3A_170 : vector<16xf32>
      %select_n3A_172 = arith.select %gt3A_168, %add3A_165, %mul3A_171 : vector<16xi1>, vector<16xf32>
      %exp3A_173 = math.exp %select_n3A_172 : vector<16xf32>
      %swap3A_174 = arith.constant 128 : index
      %swap3A_175 = tpu.vector_load %arg16[%swap3A_174] {strides = array<i32>} : memref<256xf32, #tpu.memory_space<vmem>>, vector<16xf32>,
      tpu.vector_store %arg16[%swap3A_174], %exp3A_173 {strides = array<i32>} : memref<256xf32, #tpu.memory_space<vmem>>, vector<16xf32>,
      %get3A_176 = arith.constant 16 : index
      %get3A_177 = tpu.vector_load %arg11[%get3A_176] {strides = array<i32>} : memref<128xi32, #tpu.memory_space<vmem>>, vector<16xi32>,
      %sub3A_178 = vector.broadcast %mul3A_17 : i32 to vector<16xi32>
      %sub3A_179 = arith.subi %get3A_177, %sub3A_178 : vector<16xi32>
      %get3A_180 = arith.constant 16 : index
      %get3A_181 = tpu.vector_load %arg12[%get3A_180] {strides = array<i32>} : memref<128xi32, #tpu.memory_space<vmem>>, vector<16xi32>,
      %add3A_182 = arith.constant 0 : i32
      %add3A_183 = vector.broadcast %add3A_182 : i32 to vector<16xi32>
      %add3A_184 = arith.addi %sub3A_179, %add3A_183 : vector<16xi32>
      %gather3A_185 = tpu.vector_load_idx %arg9[%add3A_184] : memref<20480xf32, #tpu.memory_space<vmem>>[vector<16xi32>], vector<16xf32>,
      %add3A_186 = arith.constant 0 : i32
      %add3A_187 = vector.broadcast %add3A_186 : i32 to vector<16xi32>
      %add3A_188 = arith.addi %get3A_181, %add3A_187 : vector<16xi32>
      %gather3A_189 = tpu.vector_load_idx %arg10[%add3A_188] : memref<20480xf32, #tpu.memory_space<vmem>>[vector<16xi32>], vector<16xf32>,
      %add3A_190 = arith.addf %gather3A_185, %gather3A_189 : vector<16xf32>
      %gt3A_191 = arith.constant 0.000000e+00 : f32
      %gt3A_192 = vector.broadcast %gt3A_191 : f32 to vector<16xf32>
      %gt3A_193 = arith.cmpf ogt, %add3A_190, %gt3A_192 : vector<16xf32>
      %mul3A_194 = arith.constant 2.000000e-01 : f32
      %mul3A_195 = vector.broadcast %mul3A_194 : f32 to vector<16xf32>
      %mul3A_196 = arith.mulf %add3A_190, %mul3A_195 : vector<16xf32>
      %select_n3A_197 = arith.select %gt3A_193, %add3A_190, %mul3A_196 : vector<16xi1>, vector<16xf32>
      %exp3A_198 = math.exp %select_n3A_197 : vector<16xf32>
      %swap3A_199 = arith.constant 16 : index
      %swap3A_200 = tpu.vector_load %arg16[%swap3A_199] {strides = array<i32>} : memref<256xf32, #tpu.memory_space<vmem>>, vector<16xf32>,
      tpu.vector_store %arg16[%swap3A_199], %exp3A_198 {strides = array<i32>} : memref<256xf32, #tpu.memory_space<vmem>>, vector<16xf32>,
      %add3A_201 = arith.constant 10240 : i32
      %add3A_202 = vector.broadcast %add3A_201 : i32 to vector<16xi32>
      %add3A_203 = arith.addi %sub3A_179, %add3A_202 : vector<16xi32>
      %gather3A_204 = tpu.vector_load_idx %arg9[%add3A_203] : memref<20480xf32, #tpu.memory_space<vmem>>[vector<16xi32>], vector<16xf32>,
      %add3A_205 = arith.constant 10240 : i32
      %add3A_206 = vector.broadcast %add3A_205 : i32 to vector<16xi32>
      %add3A_207 = arith.addi %get3A_181, %add3A_206 : vector<16xi32>
      %gather3A_208 = tpu.vector_load_idx %arg10[%add3A_207] : memref<20480xf32, #tpu.memory_space<vmem>>[vector<16xi32>], vector<16xf32>,
      %add3A_209 = arith.addf %gather3A_204, %gather3A_208 : vector<16xf32>
      %gt3A_210 = arith.constant 0.000000e+00 : f32
      %gt3A_211 = vector.broadcast %gt3A_210 : f32 to vector<16xf32>
      %gt3A_212 = arith.cmpf ogt, %add3A_209, %gt3A_211 : vector<16xf32>
      %mul3A_213 = arith.constant 2.000000e-01 : f32
      %mul3A_214 = vector.broadcast %mul3A_213 : f32 to vector<16xf32>
      %mul3A_215 = arith.mulf %add3A_209, %mul3A_214 : vector<16xf32>
      %select_n3A_216 = arith.select %gt3A_212, %add3A_209, %mul3A_215 : vector<16xi1>, vector<16xf32>
      %exp3A_217 = math.exp %select_n3A_216 : vector<16xf32>
      %swap3A_218 = arith.constant 144 : index
      %swap3A_219 = tpu.vector_load %arg16[%swap3A_218] {strides = array<i32>} : memref<256xf32, #tpu.memory_space<vmem>>, vector<16xf32>,
      tpu.vector_store %arg16[%swap3A_218], %exp3A_217 {strides = array<i32>} : memref<256xf32, #tpu.memory_space<vmem>>, vector<16xf32>,
      %get3A_220 = arith.constant 32 : index
      %get3A_221 = tpu.vector_load %arg11[%get3A_220] {strides = array<i32>} : memref<128xi32, #tpu.memory_space<vmem>>, vector<16xi32>,
      %sub3A_222 = vector.broadcast %mul3A_17 : i32 to vector<16xi32>
      %sub3A_223 = arith.subi %get3A_221, %sub3A_222 : vector<16xi32>
      %get3A_224 = arith.constant 32 : index
      %get3A_225 = tpu.vector_load %arg12[%get3A_224] {strides = array<i32>} : memref<128xi32, #tpu.memory_space<vmem>>, vector<16xi32>,
      %add3A_226 = arith.constant 0 : i32
      %add3A_227 = vector.broadcast %add3A_226 : i32 to vector<16xi32>
      %add3A_228 = arith.addi %sub3A_223, %add3A_227 : vector<16xi32>
      %gather3A_229 = tpu.vector_load_idx %arg9[%add3A_228] : memref<20480xf32, #tpu.memory_space<vmem>>[vector<16xi32>], vector<16xf32>,
      %add3A_230 = arith.constant 0 : i32
      %add3A_231 = vector.broadcast %add3A_230 : i32 to vector<16xi32>
      %add3A_232 = arith.addi %get3A_225, %add3A_231 : vector<16xi32>
      %gather3A_233 = tpu.vector_load_idx %arg10[%add3A_232] : memref<20480xf32, #tpu.memory_space<vmem>>[vector<16xi32>], vector<16xf32>,
      %add3A_234 = arith.addf %gather3A_229, %gather3A_233 : vector<16xf32>
      %gt3A_235 = arith.constant 0.000000e+00 : f32
      %gt3A_236 = vector.broadcast %gt3A_235 : f32 to vector<16xf32>
      %gt3A_237 = arith.cmpf ogt, %add3A_234, %gt3A_236 : vector<16xf32>
      %mul3A_238 = arith.constant 2.000000e-01 : f32
      %mul3A_239 = vector.broadcast %mul3A_238 : f32 to vector<16xf32>
      %mul3A_240 = arith.mulf %add3A_234, %mul3A_239 : vector<16xf32>
      %select_n3A_241 = arith.select %gt3A_237, %add3A_234, %mul3A_240 : vector<16xi1>, vector<16xf32>
      %exp3A_242 = math.exp %select_n3A_241 : vector<16xf32>
      %swap3A_243 = arith.constant 32 : index
      %swap3A_244 = tpu.vector_load %arg16[%swap3A_243] {strides = array<i32>} : memref<256xf32, #tpu.memory_space<vmem>>, vector<16xf32>,
      tpu.vector_store %arg16[%swap3A_243], %exp3A_242 {strides = array<i32>} : memref<256xf32, #tpu.memory_space<vmem>>, vector<16xf32>,
      %add3A_245 = arith.constant 10240 : i32
      %add3A_246 = vector.broadcast %add3A_245 : i32 to vector<16xi32>
      %add3A_247 = arith.addi %sub3A_223, %add3A_246 : vector<16xi32>
      %gather3A_248 = tpu.vector_load_idx %arg9[%add3A_247] : memref<20480xf32, #tpu.memory_space<vmem>>[vector<16xi32>], vector<16xf32>,
      %add3A_249 = arith.constant 10240 : i32
      %add3A_250 = vector.broadcast %add3A_249 : i32 to vector<16xi32>
      %add3A_251 = arith.addi %get3A_225, %add3A_250 : vector<16xi32>
      %gather3A_252 = tpu.vector_load_idx %arg10[%add3A_251] : memref<20480xf32, #tpu.memory_space<vmem>>[vector<16xi32>], vector<16xf32>,
      %add3A_253 = arith.addf %gather3A_248, %gather3A_252 : vector<16xf32>
      %gt3A_254 = arith.constant 0.000000e+00 : f32
      %gt3A_255 = vector.broadcast %gt3A_254 : f32 to vector<16xf32>
      %gt3A_256 = arith.cmpf ogt, %add3A_253, %gt3A_255 : vector<16xf32>
      %mul3A_257 = arith.constant 2.000000e-01 : f32
      %mul3A_258 = vector.broadcast %mul3A_257 : f32 to vector<16xf32>
      %mul3A_259 = arith.mulf %add3A_253, %mul3A_258 : vector<16xf32>
      %select_n3A_260 = arith.select %gt3A_256, %add3A_253, %mul3A_259 : vector<16xi1>, vector<16xf32>
      %exp3A_261 = math.exp %select_n3A_260 : vector<16xf32>
      %swap3A_262 = arith.constant 160 : index
      %swap3A_263 = tpu.vector_load %arg16[%swap3A_262] {strides = array<i32>} : memref<256xf32, #tpu.memory_space<vmem>>, vector<16xf32>,
      tpu.vector_store %arg16[%swap3A_262], %exp3A_261 {strides = array<i32>} : memref<256xf32, #tpu.memory_space<vmem>>, vector<16xf32>,
      %get3A_264 = arith.constant 48 : index
      %get3A_265 = tpu.vector_load %arg11[%get3A_264] {strides = array<i32>} : memref<128xi32, #tpu.memory_space<vmem>>, vector<16xi32>,
      %sub3A_266 = vector.broadcast %mul3A_17 : i32 to vector<16xi32>
      %sub3A_267 = arith.subi %get3A_265, %sub3A_266 : vector<16xi32>
      %get3A_268 = arith.constant 48 : index
      %get3A_269 = tpu.vector_load %arg12[%get3A_268] {strides = array<i32>} : memref<128xi32, #tpu.memory_space<vmem>>, vector<16xi32>,
      %add3A_270 = arith.constant 0 : i32
      %add3A_271 = vector.broadcast %add3A_270 : i32 to vector<16xi32>
      %add3A_272 = arith.addi %sub3A_267, %add3A_271 : vector<16xi32>
      %gather3A_273 = tpu.vector_load_idx %arg9[%add3A_272] : memref<20480xf32, #tpu.memory_space<vmem>>[vector<16xi32>], vector<16xf32>,
      %add3A_274 = arith.constant 0 : i32
      %add3A_275 = vector.broadcast %add3A_274 : i32 to vector<16xi32>
      %add3A_276 = arith.addi %get3A_269, %add3A_275 : vector<16xi32>
      %gather3A_277 = tpu.vector_load_idx %arg10[%add3A_276] : memref<20480xf32, #tpu.memory_space<vmem>>[vector<16xi32>], vector<16xf32>,
      %add3A_278 = arith.addf %gather3A_273, %gather3A_277 : vector<16xf32>
      %gt3A_279 = arith.constant 0.000000e+00 : f32
      %gt3A_280 = vector.broadcast %gt3A_279 : f32 to vector<16xf32>
      %gt3A_281 = arith.cmpf ogt, %add3A_278, %gt3A_280 : vector<16xf32>
      %mul3A_282 = arith.constant 2.000000e-01 : f32
      %mul3A_283 = vector.broadcast %mul3A_282 : f32 to vector<16xf32>
      %mul3A_284 = arith.mulf %add3A_278, %mul3A_283 : vector<16xf32>
      %select_n3A_285 = arith.select %gt3A_281, %add3A_278, %mul3A_284 : vector<16xi1>, vector<16xf32>
      %exp3A_286 = math.exp %select_n3A_285 : vector<16xf32>
      %swap3A_287 = arith.constant 48 : index
      %swap3A_288 = tpu.vector_load %arg16[%swap3A_287] {strides = array<i32>} : memref<256xf32, #tpu.memory_space<vmem>>, vector<16xf32>,
      tpu.vector_store %arg16[%swap3A_287], %exp3A_286 {strides = array<i32>} : memref<256xf32, #tpu.memory_space<vmem>>, vector<16xf32>,
      %add3A_289 = arith.constant 10240 : i32
      %add3A_290 = vector.broadcast %add3A_289 : i32 to vector<16xi32>
      %add3A_291 = arith.addi %sub3A_267, %add3A_290 : vector<16xi32>
      %gather3A_292 = tpu.vector_load_idx %arg9[%add3A_291] : memref<20480xf32, #tpu.memory_space<vmem>>[vector<16xi32>], vector<16xf32>,
      %add3A_293 = arith.constant 10240 : i32
      %add3A_294 = vector.broadcast %add3A_293 : i32 to vector<16xi32>
      %add3A_295 = arith.addi %get3A_269, %add3A_294 : vector<16xi32>
      %gather3A_296 = tpu.vector_load_idx %arg10[%add3A_295] : memref<20480xf32, #tpu.memory_space<vmem>>[vector<16xi32>], vector<16xf32>,
      %add3A_297 = arith.addf %gather3A_292, %gather3A_296 : vector<16xf32>
      %gt3A_298 = arith.constant 0.000000e+00 : f32
      %gt3A_299 = vector.broadcast %gt3A_298 : f32 to vector<16xf32>
      %gt3A_300 = arith.cmpf ogt, %add3A_297, %gt3A_299 : vector<16xf32>
      %mul3A_301 = arith.constant 2.000000e-01 : f32
      %mul3A_302 = vector.broadcast %mul3A_301 : f32 to vector<16xf32>
      %mul3A_303 = arith.mulf %add3A_297, %mul3A_302 : vector<16xf32>
      %select_n3A_304 = arith.select %gt3A_300, %add3A_297, %mul3A_303 : vector<16xi1>, vector<16xf32>
      %exp3A_305 = math.exp %select_n3A_304 : vector<16xf32>
      %swap3A_306 = arith.constant 176 : index
      %swap3A_307 = tpu.vector_load %arg16[%swap3A_306] {strides = array<i32>} : memref<256xf32, #tpu.memory_space<vmem>>, vector<16xf32>,
      tpu.vector_store %arg16[%swap3A_306], %exp3A_305 {strides = array<i32>} : memref<256xf32, #tpu.memory_space<vmem>>, vector<16xf32>,
      %get3A_308 = arith.constant 64 : index
      %get3A_309 = tpu.vector_load %arg11[%get3A_308] {strides = array<i32>} : memref<128xi32, #tpu.memory_space<vmem>>, vector<16xi32>,
      %sub3A_310 = vector.broadcast %mul3A_17 : i32 to vector<16xi32>
      %sub3A_311 = arith.subi %get3A_309, %sub3A_310 : vector<16xi32>
      %get3A_312 = arith.constant 64 : index
      %get3A_313 = tpu.vector_load %arg12[%get3A_312] {strides = array<i32>} : memref<128xi32, #tpu.memory_space<vmem>>, vector<16xi32>,
      %add3A_314 = arith.constant 0 : i32
      %add3A_315 = vector.broadcast %add3A_314 : i32 to vector<16xi32>
      %add3A_316 = arith.addi %sub3A_311, %add3A_315 : vector<16xi32>
      %gather3A_317 = tpu.vector_load_idx %arg9[%add3A_316] : memref<20480xf32, #tpu.memory_space<vmem>>[vector<16xi32>], vector<16xf32>,
      %add3A_318 = arith.constant 0 : i32
      %add3A_319 = vector.broadcast %add3A_318 : i32 to vector<16xi32>
      %add3A_320 = arith.addi %get3A_313, %add3A_319 : vector<16xi32>
      %gather3A_321 = tpu.vector_load_idx %arg10[%add3A_320] : memref<20480xf32, #tpu.memory_space<vmem>>[vector<16xi32>], vector<16xf32>,
      %add3A_322 = arith.addf %gather3A_317, %gather3A_321 : vector<16xf32>
      %gt3A_323 = arith.constant 0.000000e+00 : f32
      %gt3A_324 = vector.broadcast %gt3A_323 : f32 to vector<16xf32>
      %gt3A_325 = arith.cmpf ogt, %add3A_322, %gt3A_324 : vector<16xf32>
      %mul3A_326 = arith.constant 2.000000e-01 : f32
      %mul3A_327 = vector.broadcast %mul3A_326 : f32 to vector<16xf32>
      %mul3A_328 = arith.mulf %add3A_322, %mul3A_327 : vector<16xf32>
      %select_n3A_329 = arith.select %gt3A_325, %add3A_322, %mul3A_328 : vector<16xi1>, vector<16xf32>
      %exp3A_330 = math.exp %select_n3A_329 : vector<16xf32>
      %swap3A_331 = arith.constant 64 : index
      %swap3A_332 = tpu.vector_load %arg16[%swap3A_331] {strides = array<i32>} : memref<256xf32, #tpu.memory_space<vmem>>, vector<16xf32>,
      tpu.vector_store %arg16[%swap3A_331], %exp3A_330 {strides = array<i32>} : memref<256xf32, #tpu.memory_space<vmem>>, vector<16xf32>,
      %add3A_333 = arith.constant 10240 : i32
      %add3A_334 = vector.broadcast %add3A_333 : i32 to vector<16xi32>
      %add3A_335 = arith.addi %sub3A_311, %add3A_334 : vector<16xi32>
      %gather3A_336 = tpu.vector_load_idx %arg9[%add3A_335] : memref<20480xf32, #tpu.memory_space<vmem>>[vector<16xi32>], vector<16xf32>,
      %add3A_337 = arith.constant 10240 : i32
      %add3A_338 = vector.broadcast %add3A_337 : i32 to vector<16xi32>
      %add3A_339 = arith.addi %get3A_313, %add3A_338 : vector<16xi32>
      %gather3A_340 = tpu.vector_load_idx %arg10[%add3A_339] : memref<20480xf32, #tpu.memory_space<vmem>>[vector<16xi32>], vector<16xf32>,
      %add3A_341 = arith.addf %gather3A_336, %gather3A_340 : vector<16xf32>
      %gt3A_342 = arith.constant 0.000000e+00 : f32
      %gt3A_343 = vector.broadcast %gt3A_342 : f32 to vector<16xf32>
      %gt3A_344 = arith.cmpf ogt, %add3A_341, %gt3A_343 : vector<16xf32>
      %mul3A_345 = arith.constant 2.000000e-01 : f32
      %mul3A_346 = vector.broadcast %mul3A_345 : f32 to vector<16xf32>
      %mul3A_347 = arith.mulf %add3A_341, %mul3A_346 : vector<16xf32>
      %select_n3A_348 = arith.select %gt3A_344, %add3A_341, %mul3A_347 : vector<16xi1>, vector<16xf32>
      %exp3A_349 = math.exp %select_n3A_348 : vector<16xf32>
      %swap3A_350 = arith.constant 192 : index
      %swap3A_351 = tpu.vector_load %arg16[%swap3A_350] {strides = array<i32>} : memref<256xf32, #tpu.memory_space<vmem>>, vector<16xf32>,
      tpu.vector_store %arg16[%swap3A_350], %exp3A_349 {strides = array<i32>} : memref<256xf32, #tpu.memory_space<vmem>>, vector<16xf32>,
      %get3A_352 = arith.constant 80 : index
      %get3A_353 = tpu.vector_load %arg11[%get3A_352] {strides = array<i32>} : memref<128xi32, #tpu.memory_space<vmem>>, vector<16xi32>,
      %sub3A_354 = vector.broadcast %mul3A_17 : i32 to vector<16xi32>
      %sub3A_355 = arith.subi %get3A_353, %sub3A_354 : vector<16xi32>
      %get3A_356 = arith.constant 80 : index
      %get3A_357 = tpu.vector_load %arg12[%get3A_356] {strides = array<i32>} : memref<128xi32, #tpu.memory_space<vmem>>, vector<16xi32>,
      %add3A_358 = arith.constant 0 : i32
      %add3A_359 = vector.broadcast %add3A_358 : i32 to vector<16xi32>
      %add3A_360 = arith.addi %sub3A_355, %add3A_359 : vector<16xi32>
      %gather3A_361 = tpu.vector_load_idx %arg9[%add3A_360] : memref<20480xf32, #tpu.memory_space<vmem>>[vector<16xi32>], vector<16xf32>,
      %add3A_362 = arith.constant 0 : i32
      %add3A_363 = vector.broadcast %add3A_362 : i32 to vector<16xi32>
      %add3A_364 = arith.addi %get3A_357, %add3A_363 : vector<16xi32>
      %gather3A_365 = tpu.vector_load_idx %arg10[%add3A_364] : memref<20480xf32, #tpu.memory_space<vmem>>[vector<16xi32>], vector<16xf32>,
      %add3A_366 = arith.addf %gather3A_361, %gather3A_365 : vector<16xf32>
      %gt3A_367 = arith.constant 0.000000e+00 : f32
      %gt3A_368 = vector.broadcast %gt3A_367 : f32 to vector<16xf32>
      %gt3A_369 = arith.cmpf ogt, %add3A_366, %gt3A_368 : vector<16xf32>
      %mul3A_370 = arith.constant 2.000000e-01 : f32
      %mul3A_371 = vector.broadcast %mul3A_370 : f32 to vector<16xf32>
      %mul3A_372 = arith.mulf %add3A_366, %mul3A_371 : vector<16xf32>
      %select_n3A_373 = arith.select %gt3A_369, %add3A_366, %mul3A_372 : vector<16xi1>, vector<16xf32>
      %exp3A_374 = math.exp %select_n3A_373 : vector<16xf32>
      %swap3A_375 = arith.constant 80 : index
      %swap3A_376 = tpu.vector_load %arg16[%swap3A_375] {strides = array<i32>} : memref<256xf32, #tpu.memory_space<vmem>>, vector<16xf32>,
      tpu.vector_store %arg16[%swap3A_375], %exp3A_374 {strides = array<i32>} : memref<256xf32, #tpu.memory_space<vmem>>, vector<16xf32>,
      %add3A_377 = arith.constant 10240 : i32
      %add3A_378 = vector.broadcast %add3A_377 : i32 to vector<16xi32>
      %add3A_379 = arith.addi %sub3A_355, %add3A_378 : vector<16xi32>
      %gather3A_380 = tpu.vector_load_idx %arg9[%add3A_379] : memref<20480xf32, #tpu.memory_space<vmem>>[vector<16xi32>], vector<16xf32>,
      %add3A_381 = arith.constant 10240 : i32
      %add3A_382 = vector.broadcast %add3A_381 : i32 to vector<16xi32>
      %add3A_383 = arith.addi %get3A_357, %add3A_382 : vector<16xi32>
      %gather3A_384 = tpu.vector_load_idx %arg10[%add3A_383] : memref<20480xf32, #tpu.memory_space<vmem>>[vector<16xi32>], vector<16xf32>,
      %add3A_385 = arith.addf %gather3A_380, %gather3A_384 : vector<16xf32>
      %gt3A_386 = arith.constant 0.000000e+00 : f32
      %gt3A_387 = vector.broadcast %gt3A_386 : f32 to vector<16xf32>
      %gt3A_388 = arith.cmpf ogt, %add3A_385, %gt3A_387 : vector<16xf32>
      %mul3A_389 = arith.constant 2.000000e-01 : f32
      %mul3A_390 = vector.broadcast %mul3A_389 : f32 to vector<16xf32>
      %mul3A_391 = arith.mulf %add3A_385, %mul3A_390 : vector<16xf32>
      %select_n3A_392 = arith.select %gt3A_388, %add3A_385, %mul3A_391 : vector<16xi1>, vector<16xf32>
      %exp3A_393 = math.exp %select_n3A_392 : vector<16xf32>
      %swap3A_394 = arith.constant 208 : index
      %swap3A_395 = tpu.vector_load %arg16[%swap3A_394] {strides = array<i32>} : memref<256xf32, #tpu.memory_space<vmem>>, vector<16xf32>,
      tpu.vector_store %arg16[%swap3A_394], %exp3A_393 {strides = array<i32>} : memref<256xf32, #tpu.memory_space<vmem>>, vector<16xf32>,
      %get3A_396 = arith.constant 96 : index
      %get3A_397 = tpu.vector_load %arg11[%get3A_396] {strides = array<i32>} : memref<128xi32, #tpu.memory_space<vmem>>, vector<16xi32>,
      %sub3A_398 = vector.broadcast %mul3A_17 : i32 to vector<16xi32>
      %sub3A_399 = arith.subi %get3A_397, %sub3A_398 : vector<16xi32>
      %get3A_400 = arith.constant 96 : index
      %get3A_401 = tpu.vector_load %arg12[%get3A_400] {strides = array<i32>} : memref<128xi32, #tpu.memory_space<vmem>>, vector<16xi32>,
      %add3A_402 = arith.constant 0 : i32
      %add3A_403 = vector.broadcast %add3A_402 : i32 to vector<16xi32>
      %add3A_404 = arith.addi %sub3A_399, %add3A_403 : vector<16xi32>
      %gather3A_405 = tpu.vector_load_idx %arg9[%add3A_404] : memref<20480xf32, #tpu.memory_space<vmem>>[vector<16xi32>], vector<16xf32>,
      %add3A_406 = arith.constant 0 : i32
      %add3A_407 = vector.broadcast %add3A_406 : i32 to vector<16xi32>
      %add3A_408 = arith.addi %get3A_401, %add3A_407 : vector<16xi32>
      %gather3A_409 = tpu.vector_load_idx %arg10[%add3A_408] : memref<20480xf32, #tpu.memory_space<vmem>>[vector<16xi32>], vector<16xf32>,
      %add3A_410 = arith.addf %gather3A_405, %gather3A_409 : vector<16xf32>
      %gt3A_411 = arith.constant 0.000000e+00 : f32
      %gt3A_412 = vector.broadcast %gt3A_411 : f32 to vector<16xf32>
      %gt3A_413 = arith.cmpf ogt, %add3A_410, %gt3A_412 : vector<16xf32>
      %mul3A_414 = arith.constant 2.000000e-01 : f32
      %mul3A_415 = vector.broadcast %mul3A_414 : f32 to vector<16xf32>
      %mul3A_416 = arith.mulf %add3A_410, %mul3A_415 : vector<16xf32>
      %select_n3A_417 = arith.select %gt3A_413, %add3A_410, %mul3A_416 : vector<16xi1>, vector<16xf32>
      %exp3A_418 = math.exp %select_n3A_417 : vector<16xf32>
      %swap3A_419 = arith.constant 96 : index
      %swap3A_420 = tpu.vector_load %arg16[%swap3A_419] {strides = array<i32>} : memref<256xf32, #tpu.memory_space<vmem>>, vector<16xf32>,
      tpu.vector_store %arg16[%swap3A_419], %exp3A_418 {strides = array<i32>} : memref<256xf32, #tpu.memory_space<vmem>>, vector<16xf32>,
      %add3A_421 = arith.constant 10240 : i32
      %add3A_422 = vector.broadcast %add3A_421 : i32 to vector<16xi32>
      %add3A_423 = arith.addi %sub3A_399, %add3A_422 : vector<16xi32>
      %gather3A_424 = tpu.vector_load_idx %arg9[%add3A_423] : memref<20480xf32, #tpu.memory_space<vmem>>[vector<16xi32>], vector<16xf32>,
      %add3A_425 = arith.constant 10240 : i32
      %add3A_426 = vector.broadcast %add3A_425 : i32 to vector<16xi32>
      %add3A_427 = arith.addi %get3A_401, %add3A_426 : vector<16xi32>
      %gather3A_428 = tpu.vector_load_idx %arg10[%add3A_427] : memref<20480xf32, #tpu.memory_space<vmem>>[vector<16xi32>], vector<16xf32>,
      %add3A_429 = arith.addf %gather3A_424, %gather3A_428 : vector<16xf32>
      %gt3A_430 = arith.constant 0.000000e+00 : f32
      %gt3A_431 = vector.broadcast %gt3A_430 : f32 to vector<16xf32>
      %gt3A_432 = arith.cmpf ogt, %add3A_429, %gt3A_431 : vector<16xf32>
      %mul3A_433 = arith.constant 2.000000e-01 : f32
      %mul3A_434 = vector.broadcast %mul3A_433 : f32 to vector<16xf32>
      %mul3A_435 = arith.mulf %add3A_429, %mul3A_434 : vector<16xf32>
      %select_n3A_436 = arith.select %gt3A_432, %add3A_429, %mul3A_435 : vector<16xi1>, vector<16xf32>
      %exp3A_437 = math.exp %select_n3A_436 : vector<16xf32>
      %swap3A_438 = arith.constant 224 : index
      %swap3A_439 = tpu.vector_load %arg16[%swap3A_438] {strides = array<i32>} : memref<256xf32, #tpu.memory_space<vmem>>, vector<16xf32>,
      tpu.vector_store %arg16[%swap3A_438], %exp3A_437 {strides = array<i32>} : memref<256xf32, #tpu.memory_space<vmem>>, vector<16xf32>,
      %get3A_440 = arith.constant 112 : index
      %get3A_441 = tpu.vector_load %arg11[%get3A_440] {strides = array<i32>} : memref<128xi32, #tpu.memory_space<vmem>>, vector<16xi32>,
      %sub3A_442 = vector.broadcast %mul3A_17 : i32 to vector<16xi32>
      %sub3A_443 = arith.subi %get3A_441, %sub3A_442 : vector<16xi32>
      %get3A_444 = arith.constant 112 : index
      %get3A_445 = tpu.vector_load %arg12[%get3A_444] {strides = array<i32>} : memref<128xi32, #tpu.memory_space<vmem>>, vector<16xi32>,
      %add3A_446 = arith.constant 0 : i32
      %add3A_447 = vector.broadcast %add3A_446 : i32 to vector<16xi32>
      %add3A_448 = arith.addi %sub3A_443, %add3A_447 : vector<16xi32>
      %gather3A_449 = tpu.vector_load_idx %arg9[%add3A_448] : memref<20480xf32, #tpu.memory_space<vmem>>[vector<16xi32>], vector<16xf32>,
      %add3A_450 = arith.constant 0 : i32
      %add3A_451 = vector.broadcast %add3A_450 : i32 to vector<16xi32>
      %add3A_452 = arith.addi %get3A_445, %add3A_451 : vector<16xi32>
      %gather3A_453 = tpu.vector_load_idx %arg10[%add3A_452] : memref<20480xf32, #tpu.memory_space<vmem>>[vector<16xi32>], vector<16xf32>,
      %add3A_454 = arith.addf %gather3A_449, %gather3A_453 : vector<16xf32>
      %gt3A_455 = arith.constant 0.000000e+00 : f32
      %gt3A_456 = vector.broadcast %gt3A_455 : f32 to vector<16xf32>
      %gt3A_457 = arith.cmpf ogt, %add3A_454, %gt3A_456 : vector<16xf32>
      %mul3A_458 = arith.constant 2.000000e-01 : f32
      %mul3A_459 = vector.broadcast %mul3A_458 : f32 to vector<16xf32>
      %mul3A_460 = arith.mulf %add3A_454, %mul3A_459 : vector<16xf32>
      %select_n3A_461 = arith.select %gt3A_457, %add3A_454, %mul3A_460 : vector<16xi1>, vector<16xf32>
      %exp3A_462 = math.exp %select_n3A_461 : vector<16xf32>
      %swap3A_463 = arith.constant 112 : index
      %swap3A_464 = tpu.vector_load %arg16[%swap3A_463] {strides = array<i32>} : memref<256xf32, #tpu.memory_space<vmem>>, vector<16xf32>,
      tpu.vector_store %arg16[%swap3A_463], %exp3A_462 {strides = array<i32>} : memref<256xf32, #tpu.memory_space<vmem>>, vector<16xf32>,
      %add3A_465 = arith.constant 10240 : i32
      %add3A_466 = vector.broadcast %add3A_465 : i32 to vector<16xi32>
      %add3A_467 = arith.addi %sub3A_443, %add3A_466 : vector<16xi32>
      %gather3A_468 = tpu.vector_load_idx %arg9[%add3A_467] : memref<20480xf32, #tpu.memory_space<vmem>>[vector<16xi32>], vector<16xf32>,
      %add3A_469 = arith.constant 10240 : i32
      %add3A_470 = vector.broadcast %add3A_469 : i32 to vector<16xi32>
      %add3A_471 = arith.addi %get3A_445, %add3A_470 : vector<16xi32>
      %gather3A_472 = tpu.vector_load_idx %arg10[%add3A_471] : memref<20480xf32, #tpu.memory_space<vmem>>[vector<16xi32>], vector<16xf32>,
      %add3A_473 = arith.addf %gather3A_468, %gather3A_472 : vector<16xf32>
      %gt3A_474 = arith.constant 0.000000e+00 : f32
      %gt3A_475 = vector.broadcast %gt3A_474 : f32 to vector<16xf32>
      %gt3A_476 = arith.cmpf ogt, %add3A_473, %gt3A_475 : vector<16xf32>
      %mul3A_477 = arith.constant 2.000000e-01 : f32
      %mul3A_478 = vector.broadcast %mul3A_477 : f32 to vector<16xf32>
      %mul3A_479 = arith.mulf %add3A_473, %mul3A_478 : vector<16xf32>
      %select_n3A_480 = arith.select %gt3A_476, %add3A_473, %mul3A_479 : vector<16xi1>, vector<16xf32>
      %exp3A_481 = math.exp %select_n3A_480 : vector<16xf32>
      %swap3A_482 = arith.constant 240 : index
      %swap3A_483 = tpu.vector_load %arg16[%swap3A_482] {strides = array<i32>} : memref<256xf32, #tpu.memory_space<vmem>>, vector<16xf32>,
      tpu.vector_store %arg16[%swap3A_482], %exp3A_481 {strides = array<i32>} : memref<256xf32, #tpu.memory_space<vmem>>, vector<16xf32>,
      %get3A_484 = arith.constant 0 : index
      %get3A_485 = tpu.vector_load %arg12[%get3A_484] {strides = array<i32>} : memref<128xi32, #tpu.memory_space<vmem>>, vector<16xi32>,
      %sub3A_486 = arith.constant 5120 : i32
      %sub3A_487 = vector.broadcast %sub3A_486 : i32 to vector<16xi32>
      %sub3A_488 = arith.subi %get3A_485, %sub3A_487 : vector<16xi32>
      %ge3A = arith.constant 0 : i32
      %ge3A_489 = vector.broadcast %ge3A : i32 to vector<16xi32>
      %ge3A_490 = arith.cmpi sge, %sub3A_488, %ge3A_489 : vector<16xi32>
      %lt3A_491 = arith.constant 5120 : i32
      %lt3A_492 = vector.broadcast %lt3A_491 : i32 to vector<16xi32>
      %lt3A_493 = arith.cmpi slt, %sub3A_488, %lt3A_492 : vector<16xi32>
      %and3A = arith.andi %ge3A_490, %lt3A_493 : vector<16xi1>
      %jit3A = arith.constant 5120 : i32
      %broadcast_in_dim3A = vector.broadcast %jit3A : i32 to vector<16xi32>
      %select_n3A_494 = arith.select %and3A, %sub3A_488, %broadcast_in_dim3A : vector<16xi1>, vector<16xi32>
      %swap3A_495 = arith.constant 0 : index
      %swap3A_496 = tpu.vector_load %arg12[%swap3A_495] {strides = array<i32>} : memref<128xi32, #tpu.memory_space<vmem>>, vector<16xi32>,
      tpu.vector_store %arg12[%swap3A_495], %select_n3A_494 {strides = array<i32>} : memref<128xi32, #tpu.memory_space<vmem>>, vector<16xi32>,
      %get3A_497 = arith.constant 16 : index
      %get3A_498 = tpu.vector_load %arg12[%get3A_497] {strides = array<i32>} : memref<128xi32, #tpu.memory_space<vmem>>, vector<16xi32>,
      %sub3A_499 = arith.constant 5120 : i32
      %sub3A_500 = vector.broadcast %sub3A_499 : i32 to vector<16xi32>
      %sub3A_501 = arith.subi %get3A_498, %sub3A_500 : vector<16xi32>
      %ge3A_502 = arith.constant 0 : i32
      %ge3A_503 = vector.broadcast %ge3A_502 : i32 to vector<16xi32>
      %ge3A_504 = arith.cmpi sge, %sub3A_501, %ge3A_503 : vector<16xi32>
      %lt3A_505 = arith.constant 5120 : i32
      %lt3A_506 = vector.broadcast %lt3A_505 : i32 to vector<16xi32>
      %lt3A_507 = arith.cmpi slt, %sub3A_501, %lt3A_506 : vector<16xi32>
      %and3A_508 = arith.andi %ge3A_504, %lt3A_507 : vector<16xi1>
      %jit3A_509 = arith.constant 5120 : i32
      %broadcast_in_dim3A_510 = vector.broadcast %jit3A_509 : i32 to vector<16xi32>
      %select_n3A_511 = arith.select %and3A_508, %sub3A_501, %broadcast_in_dim3A_510 : vector<16xi1>, vector<16xi32>
      %swap3A_512 = arith.constant 16 : index
      %swap3A_513 = tpu.vector_load %arg12[%swap3A_512] {strides = array<i32>} : memref<128xi32, #tpu.memory_space<vmem>>, vector<16xi32>,
      tpu.vector_store %arg12[%swap3A_512], %select_n3A_511 {strides = array<i32>} : memref<128xi32, #tpu.memory_space<vmem>>, vector<16xi32>,
      %get3A_514 = arith.constant 32 : index
      %get3A_515 = tpu.vector_load %arg12[%get3A_514] {strides = array<i32>} : memref<128xi32, #tpu.memory_space<vmem>>, vector<16xi32>,
      %sub3A_516 = arith.constant 5120 : i32
      %sub3A_517 = vector.broadcast %sub3A_516 : i32 to vector<16xi32>
      %sub3A_518 = arith.subi %get3A_515, %sub3A_517 : vector<16xi32>
      %ge3A_519 = arith.constant 0 : i32
      %ge3A_520 = vector.broadcast %ge3A_519 : i32 to vector<16xi32>
      %ge3A_521 = arith.cmpi sge, %sub3A_518, %ge3A_520 : vector<16xi32>
      %lt3A_522 = arith.constant 5120 : i32
      %lt3A_523 = vector.broadcast %lt3A_522 : i32 to vector<16xi32>
      %lt3A_524 = arith.cmpi slt, %sub3A_518, %lt3A_523 : vector<16xi32>
      %and3A_525 = arith.andi %ge3A_521, %lt3A_524 : vector<16xi1>
      %jit3A_526 = arith.constant 5120 : i32
      %broadcast_in_dim3A_527 = vector.broadcast %jit3A_526 : i32 to vector<16xi32>
      %select_n3A_528 = arith.select %and3A_525, %sub3A_518, %broadcast_in_dim3A_527 : vector<16xi1>, vector<16xi32>
      %swap3A_529 = arith.constant 32 : index
      %swap3A_530 = tpu.vector_load %arg12[%swap3A_529] {strides = array<i32>} : memref<128xi32, #tpu.memory_space<vmem>>, vector<16xi32>,
      tpu.vector_store %arg12[%swap3A_529], %select_n3A_528 {strides = array<i32>} : memref<128xi32, #tpu.memory_space<vmem>>, vector<16xi32>,
      %get3A_531 = arith.constant 48 : index
      %get3A_532 = tpu.vector_load %arg12[%get3A_531] {strides = array<i32>} : memref<128xi32, #tpu.memory_space<vmem>>, vector<16xi32>,
      %sub3A_533 = arith.constant 5120 : i32
      %sub3A_534 = vector.broadcast %sub3A_533 : i32 to vector<16xi32>
      %sub3A_535 = arith.subi %get3A_532, %sub3A_534 : vector<16xi32>
      %ge3A_536 = arith.constant 0 : i32
      %ge3A_537 = vector.broadcast %ge3A_536 : i32 to vector<16xi32>
      %ge3A_538 = arith.cmpi sge, %sub3A_535, %ge3A_537 : vector<16xi32>
      %lt3A_539 = arith.constant 5120 : i32
      %lt3A_540 = vector.broadcast %lt3A_539 : i32 to vector<16xi32>
      %lt3A_541 = arith.cmpi slt, %sub3A_535, %lt3A_540 : vector<16xi32>
      %and3A_542 = arith.andi %ge3A_538, %lt3A_541 : vector<16xi1>
      %jit3A_543 = arith.constant 5120 : i32
      %broadcast_in_dim3A_544 = vector.broadcast %jit3A_543 : i32 to vector<16xi32>
      %select_n3A_545 = arith.select %and3A_542, %sub3A_535, %broadcast_in_dim3A_544 : vector<16xi1>, vector<16xi32>
      %swap3A_546 = arith.constant 48 : index
      %swap3A_547 = tpu.vector_load %arg12[%swap3A_546] {strides = array<i32>} : memref<128xi32, #tpu.memory_space<vmem>>, vector<16xi32>,
      tpu.vector_store %arg12[%swap3A_546], %select_n3A_545 {strides = array<i32>} : memref<128xi32, #tpu.memory_space<vmem>>, vector<16xi32>,
      %get3A_548 = arith.constant 64 : index
      %get3A_549 = tpu.vector_load %arg12[%get3A_548] {strides = array<i32>} : memref<128xi32, #tpu.memory_space<vmem>>, vector<16xi32>,
      %sub3A_550 = arith.constant 5120 : i32
      %sub3A_551 = vector.broadcast %sub3A_550 : i32 to vector<16xi32>
      %sub3A_552 = arith.subi %get3A_549, %sub3A_551 : vector<16xi32>
      %ge3A_553 = arith.constant 0 : i32
      %ge3A_554 = vector.broadcast %ge3A_553 : i32 to vector<16xi32>
      %ge3A_555 = arith.cmpi sge, %sub3A_552, %ge3A_554 : vector<16xi32>
      %lt3A_556 = arith.constant 5120 : i32
      %lt3A_557 = vector.broadcast %lt3A_556 : i32 to vector<16xi32>
      %lt3A_558 = arith.cmpi slt, %sub3A_552, %lt3A_557 : vector<16xi32>
      %and3A_559 = arith.andi %ge3A_555, %lt3A_558 : vector<16xi1>
      %jit3A_560 = arith.constant 5120 : i32
      %broadcast_in_dim3A_561 = vector.broadcast %jit3A_560 : i32 to vector<16xi32>
      %select_n3A_562 = arith.select %and3A_559, %sub3A_552, %broadcast_in_dim3A_561 : vector<16xi1>, vector<16xi32>
      %swap3A_563 = arith.constant 64 : index
      %swap3A_564 = tpu.vector_load %arg12[%swap3A_563] {strides = array<i32>} : memref<128xi32, #tpu.memory_space<vmem>>, vector<16xi32>,
      tpu.vector_store %arg12[%swap3A_563], %select_n3A_562 {strides = array<i32>} : memref<128xi32, #tpu.memory_space<vmem>>, vector<16xi32>,
      %get3A_565 = arith.constant 80 : index
      %get3A_566 = tpu.vector_load %arg12[%get3A_565] {strides = array<i32>} : memref<128xi32, #tpu.memory_space<vmem>>, vector<16xi32>,
      %sub3A_567 = arith.constant 5120 : i32
      %sub3A_568 = vector.broadcast %sub3A_567 : i32 to vector<16xi32>
      %sub3A_569 = arith.subi %get3A_566, %sub3A_568 : vector<16xi32>
      %ge3A_570 = arith.constant 0 : i32
      %ge3A_571 = vector.broadcast %ge3A_570 : i32 to vector<16xi32>
      %ge3A_572 = arith.cmpi sge, %sub3A_569, %ge3A_571 : vector<16xi32>
      %lt3A_573 = arith.constant 5120 : i32
      %lt3A_574 = vector.broadcast %lt3A_573 : i32 to vector<16xi32>
      %lt3A_575 = arith.cmpi slt, %sub3A_569, %lt3A_574 : vector<16xi32>
      %and3A_576 = arith.andi %ge3A_572, %lt3A_575 : vector<16xi1>
      %jit3A_577 = arith.constant 5120 : i32
      %broadcast_in_dim3A_578 = vector.broadcast %jit3A_577 : i32 to vector<16xi32>
      %select_n3A_579 = arith.select %and3A_576, %sub3A_569, %broadcast_in_dim3A_578 : vector<16xi1>, vector<16xi32>
      %swap3A_580 = arith.constant 80 : index
      %swap3A_581 = tpu.vector_load %arg12[%swap3A_580] {strides = array<i32>} : memref<128xi32, #tpu.memory_space<vmem>>, vector<16xi32>,
      tpu.vector_store %arg12[%swap3A_580], %select_n3A_579 {strides = array<i32>} : memref<128xi32, #tpu.memory_space<vmem>>, vector<16xi32>,
      %get3A_582 = arith.constant 96 : index
      %get3A_583 = tpu.vector_load %arg12[%get3A_582] {strides = array<i32>} : memref<128xi32, #tpu.memory_space<vmem>>, vector<16xi32>,
      %sub3A_584 = arith.constant 5120 : i32
      %sub3A_585 = vector.broadcast %sub3A_584 : i32 to vector<16xi32>
      %sub3A_586 = arith.subi %get3A_583, %sub3A_585 : vector<16xi32>
      %ge3A_587 = arith.constant 0 : i32
      %ge3A_588 = vector.broadcast %ge3A_587 : i32 to vector<16xi32>
      %ge3A_589 = arith.cmpi sge, %sub3A_586, %ge3A_588 : vector<16xi32>
      %lt3A_590 = arith.constant 5120 : i32
      %lt3A_591 = vector.broadcast %lt3A_590 : i32 to vector<16xi32>
      %lt3A_592 = arith.cmpi slt, %sub3A_586, %lt3A_591 : vector<16xi32>
      %and3A_593 = arith.andi %ge3A_589, %lt3A_592 : vector<16xi1>
      %jit3A_594 = arith.constant 5120 : i32
      %broadcast_in_dim3A_595 = vector.broadcast %jit3A_594 : i32 to vector<16xi32>
      %select_n3A_596 = arith.select %and3A_593, %sub3A_586, %broadcast_in_dim3A_595 : vector<16xi1>, vector<16xi32>
      %swap3A_597 = arith.constant 96 : index
      %swap3A_598 = tpu.vector_load %arg12[%swap3A_597] {strides = array<i32>} : memref<128xi32, #tpu.memory_space<vmem>>, vector<16xi32>,
      tpu.vector_store %arg12[%swap3A_597], %select_n3A_596 {strides = array<i32>} : memref<128xi32, #tpu.memory_space<vmem>>, vector<16xi32>,
      %get3A_599 = arith.constant 112 : index
      %get3A_600 = tpu.vector_load %arg12[%get3A_599] {strides = array<i32>} : memref<128xi32, #tpu.memory_space<vmem>>, vector<16xi32>,
      %sub3A_601 = arith.constant 5120 : i32
      %sub3A_602 = vector.broadcast %sub3A_601 : i32 to vector<16xi32>
      %sub3A_603 = arith.subi %get3A_600, %sub3A_602 : vector<16xi32>
      %ge3A_604 = arith.constant 0 : i32
      %ge3A_605 = vector.broadcast %ge3A_604 : i32 to vector<16xi32>
      %ge3A_606 = arith.cmpi sge, %sub3A_603, %ge3A_605 : vector<16xi32>
      %lt3A_607 = arith.constant 5120 : i32
      %lt3A_608 = vector.broadcast %lt3A_607 : i32 to vector<16xi32>
      %lt3A_609 = arith.cmpi slt, %sub3A_603, %lt3A_608 : vector<16xi32>
      %and3A_610 = arith.andi %ge3A_606, %lt3A_609 : vector<16xi1>
      %jit3A_611 = arith.constant 5120 : i32
      %broadcast_in_dim3A_612 = vector.broadcast %jit3A_611 : i32 to vector<16xi32>
      %select_n3A_613 = arith.select %and3A_610, %sub3A_603, %broadcast_in_dim3A_612 : vector<16xi1>, vector<16xi32>
      %swap3A_614 = arith.constant 112 : index
      %swap3A_615 = tpu.vector_load %arg12[%swap3A_614] {strides = array<i32>} : memref<128xi32, #tpu.memory_space<vmem>>, vector<16xi32>,
      tpu.vector_store %arg12[%swap3A_614], %select_n3A_613 {strides = array<i32>} : memref<128xi32, #tpu.memory_space<vmem>>, vector<16xi32>,
      %dma_wait3A = arith.constant 0 : i32
      %dma_wait3A_616 = arith.constant 0 : i32
      %dma_wait3A_617 = tpu.memref_slice %arg4[%dma_wait3A, %dma_wait3A_616] : memref<20480x128xf32, #tpu.memory_space<hbm>> -> memref<20480x128xf32, #tpu.memory_space<hbm>>
      tpu.wait_indirect_dma semaphore(%arg19 : memref<!tpu.dma_semaphore, #tpu.memory_space<semaphore_mem>>) src(%dma_wait3A_617 : memref<20480x128xf32, #tpu.memory_space<hbm>>) dst(%arg14 : memref<128x128xf32, #tpu.memory_space<vmem>>)
      %scan3A_618 = arith.constant 0 : i32
      %scan3A_619 = arith.constant 0 : i32
      %scan3A_620 = arith.constant 128 : i32
      %scan3A_621 = arith.addi %scan3A_619, %scan3A_620 : i32
      %scan3A_622 = arith.constant 1 : i32
      %scan3A_623 = scf.for %scan3A_626 = %scan3A_619 to %scan3A_621 step %scan3A_622 iter_args(%scan3A_627 = %scan3A_618) -> (i32)  : i32 {
        %broadcast_in_dim3A_628 = arith.constant 0 : i32
        %broadcast_in_dim3A_629 = vector.broadcast %broadcast_in_dim3A_628 : i32 to vector<16xi32>
        %add3A_630 = vector.broadcast %scan3A_626 : i32 to vector<16xi32>
        %add3A_631 = arith.addi %broadcast_in_dim3A_629, %add3A_630 : vector<16xi32>
        %gather3A_632 = tpu.vector_load_idx %arg16[%add3A_631] : memref<256xf32, #tpu.memory_space<vmem>>[vector<16xi32>], vector<16xf32>,
        %add3A_633 = arith.constant 128 : i32
        %add3A_634 = vector.broadcast %add3A_633 : i32 to vector<16xi32>
        %add3A_635 = arith.addi %add3A_631, %add3A_634 : vector<16xi32>
        %gather3A_636 = tpu.vector_load_idx %arg16[%add3A_635] : memref<256xf32, #tpu.memory_space<vmem>>[vector<16xi32>], vector<16xf32>,
        %get3A_637 = arith.index_cast %scan3A_626 : i32 to index
        %get3A_638 = arith.constant 0 : index
        %get3A_639 = tpu.vector_load %arg14[%get3A_637, %get3A_638] {strides = array<i32>} : memref<128x128xf32, #tpu.memory_space<vmem>>, vector<16xf32>,
        %mul3A_640 = arith.mulf %get3A_639, %gather3A_632 : vector<16xf32>
        %swap3A_641 = arith.index_cast %scan3A_626 : i32 to index
        %swap3A_642 = arith.constant 0 : index
        %swap3A_643 = tpu.vector_load %arg14[%swap3A_641, %swap3A_642] {strides = array<i32>} : memref<128x128xf32, #tpu.memory_space<vmem>>, vector<16xf32>,
        tpu.vector_store %arg14[%swap3A_641, %swap3A_642], %mul3A_640 {strides = array<i32>} : memref<128x128xf32, #tpu.memory_space<vmem>>, vector<16xf32>,
        %get3A_644 = arith.index_cast %scan3A_626 : i32 to index
        %get3A_645 = arith.constant 16 : index
        %get3A_646 = tpu.vector_load %arg14[%get3A_644, %get3A_645] {strides = array<i32>} : memref<128x128xf32, #tpu.memory_space<vmem>>, vector<16xf32>,
        %mul3A_647 = arith.mulf %get3A_646, %gather3A_632 : vector<16xf32>
        %swap3A_648 = arith.index_cast %scan3A_626 : i32 to index
        %swap3A_649 = arith.constant 16 : index
        %swap3A_650 = tpu.vector_load %arg14[%swap3A_648, %swap3A_649] {strides = array<i32>} : memref<128x128xf32, #tpu.memory_space<vmem>>, vector<16xf32>,
        tpu.vector_store %arg14[%swap3A_648, %swap3A_649], %mul3A_647 {strides = array<i32>} : memref<128x128xf32, #tpu.memory_space<vmem>>, vector<16xf32>,
        %get3A_651 = arith.index_cast %scan3A_626 : i32 to index
        %get3A_652 = arith.constant 32 : index
        %get3A_653 = tpu.vector_load %arg14[%get3A_651, %get3A_652] {strides = array<i32>} : memref<128x128xf32, #tpu.memory_space<vmem>>, vector<16xf32>,
        %mul3A_654 = arith.mulf %get3A_653, %gather3A_632 : vector<16xf32>
        %swap3A_655 = arith.index_cast %scan3A_626 : i32 to index
        %swap3A_656 = arith.constant 32 : index
        %swap3A_657 = tpu.vector_load %arg14[%swap3A_655, %swap3A_656] {strides = array<i32>} : memref<128x128xf32, #tpu.memory_space<vmem>>, vector<16xf32>,
        tpu.vector_store %arg14[%swap3A_655, %swap3A_656], %mul3A_654 {strides = array<i32>} : memref<128x128xf32, #tpu.memory_space<vmem>>, vector<16xf32>,
        %get3A_658 = arith.index_cast %scan3A_626 : i32 to index
        %get3A_659 = arith.constant 48 : index
        %get3A_660 = tpu.vector_load %arg14[%get3A_658, %get3A_659] {strides = array<i32>} : memref<128x128xf32, #tpu.memory_space<vmem>>, vector<16xf32>,
        %mul3A_661 = arith.mulf %get3A_660, %gather3A_632 : vector<16xf32>
        %swap3A_662 = arith.index_cast %scan3A_626 : i32 to index
        %swap3A_663 = arith.constant 48 : index
        %swap3A_664 = tpu.vector_load %arg14[%swap3A_662, %swap3A_663] {strides = array<i32>} : memref<128x128xf32, #tpu.memory_space<vmem>>, vector<16xf32>,
        tpu.vector_store %arg14[%swap3A_662, %swap3A_663], %mul3A_661 {strides = array<i32>} : memref<128x128xf32, #tpu.memory_space<vmem>>, vector<16xf32>,
        %get3A_665 = arith.index_cast %scan3A_626 : i32 to index
        %get3A_666 = arith.constant 64 : index
        %get3A_667 = tpu.vector_load %arg14[%get3A_665, %get3A_666] {strides = array<i32>} : memref<128x128xf32, #tpu.memory_space<vmem>>, vector<16xf32>,
        %mul3A_668 = arith.mulf %get3A_667, %gather3A_636 : vector<16xf32>
        %swap3A_669 = arith.index_cast %scan3A_626 : i32 to index
        %swap3A_670 = arith.constant 64 : index
        %swap3A_671 = tpu.vector_load %arg14[%swap3A_669, %swap3A_670] {strides = array<i32>} : memref<128x128xf32, #tpu.memory_space<vmem>>, vector<16xf32>,
        tpu.vector_store %arg14[%swap3A_669, %swap3A_670], %mul3A_668 {strides = array<i32>} : memref<128x128xf32, #tpu.memory_space<vmem>>, vector<16xf32>,
        %get3A_672 = arith.index_cast %scan3A_626 : i32 to index
        %get3A_673 = arith.constant 80 : index
        %get3A_674 = tpu.vector_load %arg14[%get3A_672, %get3A_673] {strides = array<i32>} : memref<128x128xf32, #tpu.memory_space<vmem>>, vector<16xf32>,
        %mul3A_675 = arith.mulf %get3A_674, %gather3A_636 : vector<16xf32>
        %swap3A_676 = arith.index_cast %scan3A_626 : i32 to index
        %swap3A_677 = arith.constant 80 : index
        %swap3A_678 = tpu.vector_load %arg14[%swap3A_676, %swap3A_677] {strides = array<i32>} : memref<128x128xf32, #tpu.memory_space<vmem>>, vector<16xf32>,
        tpu.vector_store %arg14[%swap3A_676, %swap3A_677], %mul3A_675 {strides = array<i32>} : memref<128x128xf32, #tpu.memory_space<vmem>>, vector<16xf32>,
        %get3A_679 = arith.index_cast %scan3A_626 : i32 to index
        %get3A_680 = arith.constant 96 : index
        %get3A_681 = tpu.vector_load %arg14[%get3A_679, %get3A_680] {strides = array<i32>} : memref<128x128xf32, #tpu.memory_space<vmem>>, vector<16xf32>,
        %mul3A_682 = arith.mulf %get3A_681, %gather3A_636 : vector<16xf32>
        %swap3A_683 = arith.index_cast %scan3A_626 : i32 to index
        %swap3A_684 = arith.constant 96 : index
        %swap3A_685 = tpu.vector_load %arg14[%swap3A_683, %swap3A_684] {strides = array<i32>} : memref<128x128xf32, #tpu.memory_space<vmem>>, vector<16xf32>,
        tpu.vector_store %arg14[%swap3A_683, %swap3A_684], %mul3A_682 {strides = array<i32>} : memref<128x128xf32, #tpu.memory_space<vmem>>, vector<16xf32>,
        %get3A_686 = arith.index_cast %scan3A_626 : i32 to index
        %get3A_687 = arith.constant 112 : index
        %get3A_688 = tpu.vector_load %arg14[%get3A_686, %get3A_687] {strides = array<i32>} : memref<128x128xf32, #tpu.memory_space<vmem>>, vector<16xf32>,
        %mul3A_689 = arith.mulf %get3A_688, %gather3A_636 : vector<16xf32>
        %swap3A_690 = arith.index_cast %scan3A_626 : i32 to index
        %swap3A_691 = arith.constant 112 : index
        %swap3A_692 = tpu.vector_load %arg14[%swap3A_690, %swap3A_691] {strides = array<i32>} : memref<128x128xf32, #tpu.memory_space<vmem>>, vector<16xf32>,
        tpu.vector_store %arg14[%swap3A_690, %swap3A_691], %mul3A_689 {strides = array<i32>} : memref<128x128xf32, #tpu.memory_space<vmem>>, vector<16xf32>,
        %scan3A_693 = arith.constant 0 : i32
        scf.yield %scan3A_693 : i32
      }
      %scan3A_624 = arith.constant 128 : i32
      "tpu.region"() ({
        %run_scoped3A = tpu.sem_alloc : memref<!tpu.dma_semaphore, #tpu.memory_space<semaphore_mem>>
        %dma_start3A_626 = arith.constant 0 : i32
        %dma_start3A_627 = arith.constant 0 : i32
        %dma_start3A_628 = tpu.memref_slice %arg17[%dma_start3A_626, %dma_start3A_627] : memref<5128x128xf32, #tpu.memory_space<vmem_shared>> -> memref<5128x128xf32, #tpu.memory_space<vmem_shared>>
        tpu.enqueue_indirect_dma source(%arg14 : memref<128x128xf32, #tpu.memory_space<vmem>>) target(%dma_start3A_628 : memref<5128x128xf32, #tpu.memory_space<vmem_shared>>) offsets(%arg12 : memref<128xi32, #tpu.memory_space<vmem>>) semaphore(%run_scoped3A : memref<!tpu.dma_semaphore, #tpu.memory_space<semaphore_mem>>) {add = true}
        %dma_wait3A_629 = arith.constant 0 : i32
        %dma_wait3A_630 = arith.constant 0 : i32
        %dma_wait3A_631 = tpu.memref_slice %arg17[%dma_wait3A_629, %dma_wait3A_630] : memref<5128x128xf32, #tpu.memory_space<vmem_shared>> -> memref<5128x128xf32, #tpu.memory_space<vmem_shared>>
        tpu.wait_indirect_dma semaphore(%run_scoped3A : memref<!tpu.dma_semaphore, #tpu.memory_space<semaphore_mem>>) src(%arg14 : memref<128x128xf32, #tpu.memory_space<vmem>>) dst(%dma_wait3A_631 : memref<5128x128xf32, #tpu.memory_space<vmem_shared>>)
        tpu.yield
      }) : () -> ()
      %scan3A_625 = arith.constant 0 : i32
      scf.yield %scan3A_625 : i32
    }
    %scan3A_75 = arith.constant 162 : i32
    %barrier3A_76 = arith.constant 0 : index
    tpu.barrier barrier_id(%barrier3A_76)
    %scan3A_77 = arith.constant 0 : i32
    %scan3A_78 = arith.constant 0 : i32
    %scan3A_79 = arith.constant 5 : i32
    %scan3A_80 = arith.addi %scan3A_78, %scan3A_79 : i32
    %scan3A_81 = arith.constant 1 : i32
    %scan3A_82 = scf.for %scan3A_84 = %scan3A_78 to %scan3A_80 step %scan3A_81 iter_args(%scan3A_85 = %scan3A_77) -> (i32)  : i32 {
      %mul3A_86 = arith.constant 320 : i32
      %mul3A_87 = arith.muli %arg1, %mul3A_86 : i32
      %mul3A_88 = arith.constant 64 : i32
      %mul3A_89 = arith.muli %scan3A_84, %mul3A_88 : i32
      %add3A_90 = arith.addi %mul3A_87, %mul3A_89 : i32
      "tpu.region"() ({
        %run_scoped3A = tpu.sem_alloc : memref<!tpu.dma_semaphore, #tpu.memory_space<semaphore_mem>>
        %dma_start3A = arith.constant 0 : i32
        %dma_start3A_94 = arith.constant 0 : i32
        %dma_start3A_95 = tpu.memref_slice %arg14[%dma_start3A, %dma_start3A_94] : memref<128x128xf32, #tpu.memory_space<vmem>> -> memref<64x128xf32, #tpu.memory_space<vmem>>
        %dma_start3A_96 = arith.constant 0 : i32
        %dma_start3A_97 = tpu.memref_slice %arg17[%add3A_90, %dma_start3A_96] : memref<5128x128xf32, #tpu.memory_space<vmem_shared>> -> memref<64x128xf32, #tpu.memory_space<vmem_shared>>
        %dma_start3A_98 = arith.constant 0 : i32
        %dma_start3A_99 = arith.constant 0 : i32
        %dma_start3A_100 = tpu.memref_slice %arg14[%dma_start3A_98, %dma_start3A_99] : memref<128x128xf32, #tpu.memory_space<vmem>> -> memref<64x128xf32, #tpu.memory_space<vmem>>
        %dma_start3A_101 = arith.constant 0 : i32
        %dma_start3A_102 = tpu.memref_slice %arg17[%add3A_90, %dma_start3A_101] : memref<5128x128xf32, #tpu.memory_space<vmem_shared>> -> memref<64x128xf32, #tpu.memory_space<vmem_shared>>
        tpu.enqueue_dma source(%dma_start3A_102 : memref<64x128xf32, #tpu.memory_space<vmem_shared>>) target(%dma_start3A_100 : memref<64x128xf32, #tpu.memory_space<vmem>>) target_semaphore(%run_scoped3A : memref<!tpu.dma_semaphore, #tpu.memory_space<semaphore_mem>>)
        %dma_wait3A = arith.constant 0 : i32
        %dma_wait3A_103 = arith.constant 0 : i32
        %dma_wait3A_104 = tpu.memref_slice %arg14[%dma_wait3A, %dma_wait3A_103] : memref<128x128xf32, #tpu.memory_space<vmem>> -> memref<64x128xf32, #tpu.memory_space<vmem>>
        %dma_wait3A_105 = arith.constant 0 : i32
        %dma_wait3A_106 = tpu.memref_slice %arg17[%add3A_90, %dma_wait3A_105] : memref<5128x128xf32, #tpu.memory_space<vmem_shared>> -> memref<64x128xf32, #tpu.memory_space<vmem_shared>>
        %dma_wait3A_107 = arith.constant 0 : i32
        %dma_wait3A_108 = arith.constant 0 : i32
        %dma_wait3A_109 = tpu.memref_slice %arg14[%dma_wait3A_107, %dma_wait3A_108] : memref<128x128xf32, #tpu.memory_space<vmem>> -> memref<64x128xf32, #tpu.memory_space<vmem>>
        %dma_wait3A_110 = arith.constant 0 : i32
        %dma_wait3A_111 = tpu.memref_slice %arg17[%add3A_90, %dma_wait3A_110] : memref<5128x128xf32, #tpu.memory_space<vmem_shared>> -> memref<64x128xf32, #tpu.memory_space<vmem_shared>>
        tpu.wait_dma2 semaphore(%run_scoped3A : memref<!tpu.dma_semaphore, #tpu.memory_space<semaphore_mem>>) src(%dma_wait3A_111 : memref<64x128xf32, #tpu.memory_space<vmem_shared>>) dst(%dma_wait3A_109 : memref<64x128xf32, #tpu.memory_space<vmem>>)
        tpu.yield
      }) : () -> ()
      %add3A_91 = arith.constant 5120 : i32
      %add3A_92 = arith.addi %add3A_91, %add3A_90 : i32
      "tpu.region"() ({
        %run_scoped3A = tpu.sem_alloc : memref<!tpu.dma_semaphore, #tpu.memory_space<semaphore_mem>>
        %dma_start3A = arith.constant 0 : i32
        %dma_start3A_94 = arith.constant 0 : i32
        %dma_start3A_95 = tpu.memref_slice %arg14[%dma_start3A, %dma_start3A_94] : memref<128x128xf32, #tpu.memory_space<vmem>> -> memref<64x128xf32, #tpu.memory_space<vmem>>
        %dma_start3A_96 = arith.constant 0 : i32
        %dma_start3A_97 = tpu.memref_slice %arg7[%arg0, %add3A_92, %dma_start3A_96] : memref<2x10240x128xf32, #tpu.memory_space<hbm>> -> memref<1x64x128xf32, #tpu.memory_space<hbm>>
        %dma_start3A_98 = tpu.memref_squeeze %dma_start3A_97 : memref<1x64x128xf32, #tpu.memory_space<hbm>> -> memref<64x128xf32, #tpu.memory_space<hbm>>
        %dma_start3A_99 = arith.constant 0 : i32
        %dma_start3A_100 = tpu.memref_slice %arg7[%arg0, %add3A_92, %dma_start3A_99] : memref<2x10240x128xf32, #tpu.memory_space<hbm>> -> memref<1x64x128xf32, #tpu.memory_space<hbm>>
        %dma_start3A_101 = tpu.memref_squeeze %dma_start3A_100 : memref<1x64x128xf32, #tpu.memory_space<hbm>> -> memref<64x128xf32, #tpu.memory_space<hbm>>
        %dma_start3A_102 = arith.constant 0 : i32
        %dma_start3A_103 = arith.constant 0 : i32
        %dma_start3A_104 = tpu.memref_slice %arg14[%dma_start3A_102, %dma_start3A_103] : memref<128x128xf32, #tpu.memory_space<vmem>> -> memref<64x128xf32, #tpu.memory_space<vmem>>
        tpu.enqueue_dma source(%dma_start3A_104 : memref<64x128xf32, #tpu.memory_space<vmem>>) target(%dma_start3A_101 : memref<64x128xf32, #tpu.memory_space<hbm>>) target_semaphore(%run_scoped3A : memref<!tpu.dma_semaphore, #tpu.memory_space<semaphore_mem>>)
        %dma_wait3A = arith.constant 0 : i32
        %dma_wait3A_105 = arith.constant 0 : i32
        %dma_wait3A_106 = tpu.memref_slice %arg14[%dma_wait3A, %dma_wait3A_105] : memref<128x128xf32, #tpu.memory_space<vmem>> -> memref<64x128xf32, #tpu.memory_space<vmem>>
        %dma_wait3A_107 = arith.constant 0 : i32
        %dma_wait3A_108 = tpu.memref_slice %arg7[%arg0, %add3A_92, %dma_wait3A_107] : memref<2x10240x128xf32, #tpu.memory_space<hbm>> -> memref<1x64x128xf32, #tpu.memory_space<hbm>>
        %dma_wait3A_109 = tpu.memref_squeeze %dma_wait3A_108 : memref<1x64x128xf32, #tpu.memory_space<hbm>> -> memref<64x128xf32, #tpu.memory_space<hbm>>
        %dma_wait3A_110 = arith.constant 0 : i32
        %dma_wait3A_111 = tpu.memref_slice %arg7[%arg0, %add3A_92, %dma_wait3A_110] : memref<2x10240x128xf32, #tpu.memory_space<hbm>> -> memref<1x64x128xf32, #tpu.memory_space<hbm>>
        %dma_wait3A_112 = tpu.memref_squeeze %dma_wait3A_111 : memref<1x64x128xf32, #tpu.memory_space<hbm>> -> memref<64x128xf32, #tpu.memory_space<hbm>>
        %dma_wait3A_113 = arith.constant 0 : i32
        %dma_wait3A_114 = arith.constant 0 : i32
        %dma_wait3A_115 = tpu.memref_slice %arg14[%dma_wait3A_113, %dma_wait3A_114] : memref<128x128xf32, #tpu.memory_space<vmem>> -> memref<64x128xf32, #tpu.memory_space<vmem>>
        tpu.wait_dma2 semaphore(%run_scoped3A : memref<!tpu.dma_semaphore, #tpu.memory_space<semaphore_mem>>) src(%dma_wait3A_115 : memref<64x128xf32, #tpu.memory_space<vmem>>) dst(%dma_wait3A_112 : memref<64x128xf32, #tpu.memory_space<hbm>>)
        tpu.yield
      }) : () -> ()
      %scan3A_93 = arith.constant 0 : i32
      scf.yield %scan3A_93 : i32
    }
    %scan3A_83 = arith.constant 5 : i32
    return
  }
}

module attributes {stable_mosaic.version = 14 : i64} {
  func.func @_tc1(%arg0: i32, %arg1: memref<1024x128xf32, #tpu.memory_space<vmem>>, %arg2: memref<128x256xf32, #tpu.memory_space<vmem>>, %arg3: memref<256x8xf32, #tpu.memory_space<vmem>>, %arg4: memref<1024x256xf32, #tpu.memory_space<vmem>>, %arg5: memref<1024x8xf32, #tpu.memory_space<vmem>>) attributes {dimension_semantics = [#tpu.dimension_semantics<arbitrary>], iteration_bounds = array<i64: 10>, scalar_prefetch = 0 : i64, scratch_operands = 0 : i64, tpu.core_type = #tpu.core_type<tc>, window_params = [{transform_indices = @transform_0, window_bounds = array<i64: 1024, 128>}, {pipeline_mode = #tpu.pipeline_mode<synchronous>, transform_indices = @transform_1, window_bounds = array<i64: 128, 256>}, {pipeline_mode = #tpu.pipeline_mode<synchronous>, transform_indices = @transform_2, window_bounds = array<i64: 256, 8>}, {transform_indices = @transform_3, window_bounds = array<i64: 1024, 256>}, {transform_indices = @transform_4, window_bounds = array<i64: 1024, 8>}]} {
    %get3A = arith.constant 0 : index
    %get3A_0 = arith.constant 0 : index
    %get3A_1 = vector.load %arg1[%get3A, %get3A_0] : memref<1024x128xf32, #tpu.memory_space<vmem>>, vector<1024x128xf32>
    %get3A_2 = arith.constant 0 : index
    %get3A_3 = arith.constant 0 : index
    %get3A_4 = vector.load %arg2[%get3A_2, %get3A_3] : memref<128x256xf32, #tpu.memory_space<vmem>>, vector<128x256xf32>
    %dot_general3A = arith.constant dense<0.000000e+00> : vector<1024x256xf32>
    %dot_general3A_5 = tpu.matmul %get3A_1, %get3A_4, %dot_general3A {dimension_numbers = #tpu.dot_dimension_numbers<[1], [0], [0], [1], [0, 0, 1, 1], [], []>, transpose_lhs_hint = false} : vector<1024x128xf32>, vector<128x256xf32>, vector<1024x256xf32> -> vector<1024x256xf32>
    %swap3A = arith.constant 0 : index
    %swap3A_6 = arith.constant 0 : index
    %swap3A_7 = vector.load %arg4[%swap3A, %swap3A_6] : memref<1024x256xf32, #tpu.memory_space<vmem>>, vector<1024x256xf32>
    tpu.vector_store %arg4[%swap3A, %swap3A_6], %dot_general3A_5 {strides = array<i32>} : memref<1024x256xf32, #tpu.memory_space<vmem>>, vector<1024x256xf32>,
    %get3A_8 = arith.constant 0 : index
    %get3A_9 = arith.constant 0 : index
    %get3A_10 = vector.load %arg3[%get3A_8, %get3A_9] : memref<256x8xf32, #tpu.memory_space<vmem>>, vector<256x8xf32>
    %dot_general3A_11 = arith.constant dense<0.000000e+00> : vector<1024x8xf32>
    %dot_general3A_12 = tpu.matmul %dot_general3A_5, %get3A_10, %dot_general3A_11 {dimension_numbers = #tpu.dot_dimension_numbers<[1], [0], [0], [1], [0, 0, 1, 1], [], []>, transpose_lhs_hint = false} : vector<1024x256xf32>, vector<256x8xf32>, vector<1024x8xf32> -> vector<1024x8xf32>
    %swap3A_13 = arith.constant 0 : index
    %swap3A_14 = arith.constant 0 : index
    %swap3A_15 = vector.load %arg5[%swap3A_13, %swap3A_14] : memref<1024x8xf32, #tpu.memory_space<vmem>>, vector<1024x8xf32>
    tpu.vector_store %arg5[%swap3A_13, %swap3A_14], %dot_general3A_12 {strides = array<i32>} : memref<1024x8xf32, #tpu.memory_space<vmem>>, vector<1024x8xf32>,
    return
  }
  func.func @transform_0(%arg0: i32) -> (i32, i32) {
    %c0_i32 = arith.constant 0 : i32
    %c0_i32_0 = arith.constant 0 : i32
    return %arg0, %c0_i32 : i32, i32
  }
  func.func @transform_1(%arg0: i32) -> (i32, i32) {
    %c0_i32 = arith.constant 0 : i32
    %c0_i32_0 = arith.constant 0 : i32
    %c0_i32_1 = arith.constant 0 : i32
    return %c0_i32, %c0_i32_0 : i32, i32
  }
  func.func @transform_2(%arg0: i32) -> (i32, i32) {
    %c0_i32 = arith.constant 0 : i32
    %c0_i32_0 = arith.constant 0 : i32
    %c0_i32_1 = arith.constant 0 : i32
    return %c0_i32, %c0_i32_0 : i32, i32
  }
  func.func @transform_3(%arg0: i32) -> (i32, i32) {
    %c0_i32 = arith.constant 0 : i32
    %c0_i32_0 = arith.constant 0 : i32
    return %arg0, %c0_i32 : i32, i32
  }
  func.func @transform_4(%arg0: i32) -> (i32, i32) {
    %c0_i32 = arith.constant 0 : i32
    %c0_i32_0 = arith.constant 0 : i32
    return %arg0, %c0_i32 : i32, i32
  }
}

module attributes {stable_mosaic.version = 14 : i64} {
  func.func @_tc2(%arg0: i32, %arg1: memref<1024x256xf32, #tpu.memory_space<vmem>>, %arg2: memref<1024x4xf32, #tpu.memory_space<vmem>>, %arg3: memref<1x256xf32, #tpu.memory_space<vmem>>, %arg4: memref<256x64xf32, #tpu.memory_space<vmem>>, %arg5: memref<64x2xf32, #tpu.memory_space<vmem>>, %arg6: memref<1024x64xf32, #tpu.memory_space<vmem>>, %arg7: memref<1024x2xf32, #tpu.memory_space<vmem>>) attributes {dimension_semantics = [#tpu.dimension_semantics<arbitrary>], iteration_bounds = array<i64: 10>, scalar_prefetch = 0 : i64, scratch_operands = 0 : i64, tpu.core_type = #tpu.core_type<tc>, window_params = [{transform_indices = @transform_0, window_bounds = array<i64: 1024, 256>}, {transform_indices = @transform_1, window_bounds = array<i64: 1024, 4>}, {pipeline_mode = #tpu.pipeline_mode<synchronous>, transform_indices = @transform_2, window_bounds = array<i64: 1, 256>}, {pipeline_mode = #tpu.pipeline_mode<synchronous>, transform_indices = @transform_3, window_bounds = array<i64: 256, 64>}, {pipeline_mode = #tpu.pipeline_mode<synchronous>, transform_indices = @transform_4, window_bounds = array<i64: 64, 2>}, {transform_indices = @transform_5, window_bounds = array<i64: 1024, 64>}, {transform_indices = @transform_6, window_bounds = array<i64: 1024, 2>}]} {
    %get3A = arith.constant 0 : index
    %get3A_0 = arith.constant 0 : index
    %get3A_1 = vector.load %arg1[%get3A, %get3A_0] : memref<1024x256xf32, #tpu.memory_space<vmem>>, vector<1024x256xf32>
    %get3A_2 = arith.constant 0 : index
    %get3A_3 = arith.constant 0 : index
    %get3A_4 = vector.load %arg2[%get3A_2, %get3A_3] : memref<1024x4xf32, #tpu.memory_space<vmem>>, vector<1024x4xf32>
    %slice3A = vector.extract_strided_slice %get3A_1 {offsets = [0, 0], sizes = [1024, 64], strides = [1, 1]} : vector<1024x256xf32> to vector<1024x64xf32>
    %slice3A_5 = vector.extract_strided_slice %get3A_4 {offsets = [0, 0], sizes = [1024, 1], strides = [1, 1]} : vector<1024x4xf32> to vector<1024x1xf32>
    %div3A = vector.broadcast %slice3A_5 : vector<1024x1xf32> to vector<1024x64xf32>
    %div3A_6 = arith.divf %slice3A, %div3A : vector<1024x64xf32>
    %get3A_7 = arith.constant 0 : index
    %get3A_8 = arith.constant 0 : index
    %get3A_9 = vector.load %arg3[%get3A_7, %get3A_8] : memref<1x256xf32, #tpu.memory_space<vmem>>, vector<1x64xf32>
    %get3A_10 = vector.shape_cast %get3A_9 : vector<1x64xf32> to vector<64xf32>
    %broadcast_in_dim3A = vector.shape_cast %get3A_10 : vector<64xf32> to vector<1x64xf32>
    %add3A = vector.broadcast %broadcast_in_dim3A : vector<1x64xf32> to vector<1024x64xf32>
    %add3A_11 = arith.addf %div3A_6, %add3A : vector<1024x64xf32>
    %max3A = arith.constant 0.000000e+00 : f32
    %max3A_12 = vector.broadcast %max3A : f32 to vector<1024x64xf32>
    %max3A_13 = arith.maximumf %add3A_11, %max3A_12 : vector<1024x64xf32>
    %slice3A_14 = vector.extract_strided_slice %get3A_1 {offsets = [0, 64], sizes = [1024, 64], strides = [1, 1]} : vector<1024x256xf32> to vector<1024x64xf32>
    %slice3A_15 = vector.extract_strided_slice %get3A_4 {offsets = [0, 1], sizes = [1024, 1], strides = [1, 1]} : vector<1024x4xf32> to vector<1024x1xf32>
    %div3A_16 = vector.broadcast %slice3A_15 : vector<1024x1xf32> to vector<1024x64xf32>
    %div3A_17 = arith.divf %slice3A_14, %div3A_16 : vector<1024x64xf32>
    %get3A_18 = arith.constant 0 : index
    %get3A_19 = arith.constant 64 : index
    %get3A_20 = vector.load %arg3[%get3A_18, %get3A_19] : memref<1x256xf32, #tpu.memory_space<vmem>>, vector<1x64xf32>
    %get3A_21 = vector.shape_cast %get3A_20 : vector<1x64xf32> to vector<64xf32>
    %broadcast_in_dim3A_22 = vector.shape_cast %get3A_21 : vector<64xf32> to vector<1x64xf32>
    %add3A_23 = vector.broadcast %broadcast_in_dim3A_22 : vector<1x64xf32> to vector<1024x64xf32>
    %add3A_24 = arith.addf %div3A_17, %add3A_23 : vector<1024x64xf32>
    %max3A_25 = arith.constant 0.000000e+00 : f32
    %max3A_26 = vector.broadcast %max3A_25 : f32 to vector<1024x64xf32>
    %max3A_27 = arith.maximumf %add3A_24, %max3A_26 : vector<1024x64xf32>
    %slice3A_28 = vector.extract_strided_slice %get3A_1 {offsets = [0, 128], sizes = [1024, 64], strides = [1, 1]} : vector<1024x256xf32> to vector<1024x64xf32>
    %slice3A_29 = vector.extract_strided_slice %get3A_4 {offsets = [0, 2], sizes = [1024, 1], strides = [1, 1]} : vector<1024x4xf32> to vector<1024x1xf32>
    %div3A_30 = vector.broadcast %slice3A_29 : vector<1024x1xf32> to vector<1024x64xf32>
    %div3A_31 = arith.divf %slice3A_28, %div3A_30 : vector<1024x64xf32>
    %get3A_32 = arith.constant 0 : index
    %get3A_33 = arith.constant 128 : index
    %get3A_34 = vector.load %arg3[%get3A_32, %get3A_33] : memref<1x256xf32, #tpu.memory_space<vmem>>, vector<1x64xf32>
    %get3A_35 = vector.shape_cast %get3A_34 : vector<1x64xf32> to vector<64xf32>
    %broadcast_in_dim3A_36 = vector.shape_cast %get3A_35 : vector<64xf32> to vector<1x64xf32>
    %add3A_37 = vector.broadcast %broadcast_in_dim3A_36 : vector<1x64xf32> to vector<1024x64xf32>
    %add3A_38 = arith.addf %div3A_31, %add3A_37 : vector<1024x64xf32>
    %max3A_39 = arith.constant 0.000000e+00 : f32
    %max3A_40 = vector.broadcast %max3A_39 : f32 to vector<1024x64xf32>
    %max3A_41 = arith.maximumf %add3A_38, %max3A_40 : vector<1024x64xf32>
    %slice3A_42 = vector.extract_strided_slice %get3A_1 {offsets = [0, 192], sizes = [1024, 64], strides = [1, 1]} : vector<1024x256xf32> to vector<1024x64xf32>
    %slice3A_43 = vector.extract_strided_slice %get3A_4 {offsets = [0, 3], sizes = [1024, 1], strides = [1, 1]} : vector<1024x4xf32> to vector<1024x1xf32>
    %div3A_44 = vector.broadcast %slice3A_43 : vector<1024x1xf32> to vector<1024x64xf32>
    %div3A_45 = arith.divf %slice3A_42, %div3A_44 : vector<1024x64xf32>
    %get3A_46 = arith.constant 0 : index
    %get3A_47 = arith.constant 192 : index
    %get3A_48 = vector.load %arg3[%get3A_46, %get3A_47] : memref<1x256xf32, #tpu.memory_space<vmem>>, vector<1x64xf32>
    %get3A_49 = vector.shape_cast %get3A_48 : vector<1x64xf32> to vector<64xf32>
    %broadcast_in_dim3A_50 = vector.shape_cast %get3A_49 : vector<64xf32> to vector<1x64xf32>
    %add3A_51 = vector.broadcast %broadcast_in_dim3A_50 : vector<1x64xf32> to vector<1024x64xf32>
    %add3A_52 = arith.addf %div3A_45, %add3A_51 : vector<1024x64xf32>
    %max3A_53 = arith.constant 0.000000e+00 : f32
    %max3A_54 = vector.broadcast %max3A_53 : f32 to vector<1024x64xf32>
    %max3A_55 = arith.maximumf %add3A_52, %max3A_54 : vector<1024x64xf32>
    %concatenate3A = tpu.concatenate %max3A_13, %max3A_27, %max3A_41, %max3A_55 in 1 : vector<1024x64xf32>, vector<1024x64xf32>, vector<1024x64xf32>, vector<1024x64xf32> -> vector<1024x256xf32>
    %get3A_56 = arith.constant 0 : index
    %get3A_57 = arith.constant 0 : index
    %get3A_58 = vector.load %arg4[%get3A_56, %get3A_57] : memref<256x64xf32, #tpu.memory_space<vmem>>, vector<256x64xf32>
    %dot_general3A = arith.constant dense<0.000000e+00> : vector<1024x64xf32>
    %dot_general3A_59 = tpu.matmul %concatenate3A, %get3A_58, %dot_general3A {dimension_numbers = #tpu.dot_dimension_numbers<[1], [0], [0], [1], [0, 0, 1, 1], [], []>, transpose_lhs_hint = false} : vector<1024x256xf32>, vector<256x64xf32>, vector<1024x64xf32> -> vector<1024x64xf32>
    %swap3A = arith.constant 0 : index
    %swap3A_60 = arith.constant 0 : index
    %swap3A_61 = vector.load %arg6[%swap3A, %swap3A_60] : memref<1024x64xf32, #tpu.memory_space<vmem>>, vector<1024x64xf32>
    tpu.vector_store %arg6[%swap3A, %swap3A_60], %dot_general3A_59 {strides = array<i32>} : memref<1024x64xf32, #tpu.memory_space<vmem>>, vector<1024x64xf32>,
    %get3A_62 = arith.constant 0 : index
    %get3A_63 = arith.constant 0 : index
    %get3A_64 = vector.load %arg5[%get3A_62, %get3A_63] : memref<64x2xf32, #tpu.memory_space<vmem>>, vector<64x2xf32>
    %dot_general3A_65 = arith.constant dense<0.000000e+00> : vector<1024x2xf32>
    %dot_general3A_66 = tpu.matmul %dot_general3A_59, %get3A_64, %dot_general3A_65 {dimension_numbers = #tpu.dot_dimension_numbers<[1], [0], [0], [1], [0, 0, 1, 1], [], []>, transpose_lhs_hint = false} : vector<1024x64xf32>, vector<64x2xf32>, vector<1024x2xf32> -> vector<1024x2xf32>
    %swap3A_67 = arith.constant 0 : index
    %swap3A_68 = arith.constant 0 : index
    %swap3A_69 = vector.load %arg7[%swap3A_67, %swap3A_68] : memref<1024x2xf32, #tpu.memory_space<vmem>>, vector<1024x2xf32>
    tpu.vector_store %arg7[%swap3A_67, %swap3A_68], %dot_general3A_66 {strides = array<i32>} : memref<1024x2xf32, #tpu.memory_space<vmem>>, vector<1024x2xf32>,
    return
  }
  func.func @transform_0(%arg0: i32) -> (i32, i32) {
    %c0_i32 = arith.constant 0 : i32
    %c0_i32_0 = arith.constant 0 : i32
    return %arg0, %c0_i32 : i32, i32
  }
  func.func @transform_1(%arg0: i32) -> (i32, i32) {
    %c0_i32 = arith.constant 0 : i32
    %c0_i32_0 = arith.constant 0 : i32
    return %arg0, %c0_i32 : i32, i32
  }
  func.func @transform_2(%arg0: i32) -> (i32, i32) {
    %c0_i32 = arith.constant 0 : i32
    %c0_i32_0 = arith.constant 0 : i32
    %c0_i32_1 = arith.constant 0 : i32
    return %c0_i32, %c0_i32_0 : i32, i32
  }
  func.func @transform_3(%arg0: i32) -> (i32, i32) {
    %c0_i32 = arith.constant 0 : i32
    %c0_i32_0 = arith.constant 0 : i32
    %c0_i32_1 = arith.constant 0 : i32
    return %c0_i32, %c0_i32_0 : i32, i32
  }
  func.func @transform_4(%arg0: i32) -> (i32, i32) {
    %c0_i32 = arith.constant 0 : i32
    %c0_i32_0 = arith.constant 0 : i32
    %c0_i32_1 = arith.constant 0 : i32
    return %c0_i32, %c0_i32_0 : i32, i32
  }
  func.func @transform_5(%arg0: i32) -> (i32, i32) {
    %c0_i32 = arith.constant 0 : i32
    %c0_i32_0 = arith.constant 0 : i32
    return %arg0, %c0_i32 : i32, i32
  }
  func.func @transform_6(%arg0: i32) -> (i32, i32) {
    %c0_i32 = arith.constant 0 : i32
    %c0_i32_0 = arith.constant 0 : i32
    return %arg0, %c0_i32 : i32, i32
  }
}

module attributes {stable_mosaic.version = 14 : i64} {
  func.func @_tc3(%arg0: i32, %arg1: memref<1024x128xf32, #tpu.memory_space<vmem>>, %arg2: memref<1024x128xf32, #tpu.memory_space<vmem>>, %arg3: memref<1024x2xf32, #tpu.memory_space<vmem>>, %arg4: memref<1024x2xf32, #tpu.memory_space<vmem>>, %arg5: memref<1x64xf32, #tpu.memory_space<vmem>>, %arg6: memref<1x64xf32, #tpu.memory_space<vmem>>, %arg7: memref<1x64xf32, #tpu.memory_space<vmem>>, %arg8: memref<1024x64xf32, #tpu.memory_space<vmem>>) attributes {dimension_semantics = [#tpu.dimension_semantics<arbitrary>], iteration_bounds = array<i64: 10>, scalar_prefetch = 0 : i64, scratch_operands = 0 : i64, tpu.core_type = #tpu.core_type<tc>, window_params = [{transform_indices = @transform_0, window_bounds = array<i64: 1024, 128>}, {transform_indices = @transform_1, window_bounds = array<i64: 1024, 128>}, {transform_indices = @transform_2, window_bounds = array<i64: 1024, 2>}, {transform_indices = @transform_3, window_bounds = array<i64: 1024, 2>}, {pipeline_mode = #tpu.pipeline_mode<synchronous>, transform_indices = @transform_4, window_bounds = array<i64: 1, 64>}, {pipeline_mode = #tpu.pipeline_mode<synchronous>, transform_indices = @transform_5, window_bounds = array<i64: 1, 64>}, {pipeline_mode = #tpu.pipeline_mode<synchronous>, transform_indices = @transform_6, window_bounds = array<i64: 1, 64>}, {transform_indices = @transform_7, window_bounds = array<i64: 1024, 64>}]} {
    %get3A = arith.constant 0 : index
    %get3A_0 = arith.constant 0 : index
    %get3A_1 = vector.load %arg1[%get3A, %get3A_0] : memref<1024x128xf32, #tpu.memory_space<vmem>>, vector<1024x128xf32>
    %get3A_2 = arith.constant 0 : index
    %get3A_3 = arith.constant 0 : index
    %get3A_4 = vector.load %arg2[%get3A_2, %get3A_3] : memref<1024x128xf32, #tpu.memory_space<vmem>>, vector<1024x128xf32>
    %add3A = arith.addf %get3A_1, %get3A_4 : vector<1024x128xf32>
    %get3A_5 = arith.constant 0 : index
    %get3A_6 = arith.constant 0 : index
    %get3A_7 = vector.load %arg3[%get3A_5, %get3A_6] : memref<1024x2xf32, #tpu.memory_space<vmem>>, vector<1024x1xf32>
    %get3A_8 = arith.constant 0 : index
    %get3A_9 = arith.constant 0 : index
    %get3A_10 = vector.load %arg4[%get3A_8, %get3A_9] : memref<1024x2xf32, #tpu.memory_space<vmem>>, vector<1024x1xf32>
    %add3A_11 = arith.addf %get3A_7, %get3A_10 : vector<1024x1xf32>
    %slice3A = vector.extract_strided_slice %add3A {offsets = [0, 0], sizes = [1024, 64], strides = [1, 1]} : vector<1024x128xf32> to vector<1024x64xf32>
    %div3A = vector.broadcast %add3A_11 : vector<1024x1xf32> to vector<1024x64xf32>
    %div3A_12 = arith.divf %slice3A, %div3A : vector<1024x64xf32>
    %get3A_13 = arith.constant 0 : index
    %get3A_14 = arith.constant 0 : index
    %get3A_15 = vector.load %arg5[%get3A_13, %get3A_14] : memref<1x64xf32, #tpu.memory_space<vmem>>, vector<1x64xf32>
    %get3A_16 = vector.shape_cast %get3A_15 : vector<1x64xf32> to vector<64xf32>
    %broadcast_in_dim3A = vector.shape_cast %get3A_16 : vector<64xf32> to vector<1x64xf32>
    %add3A_17 = vector.broadcast %broadcast_in_dim3A : vector<1x64xf32> to vector<1024x64xf32>
    %add3A_18 = arith.addf %div3A_12, %add3A_17 : vector<1024x64xf32>
    %max3A = arith.constant 0.000000e+00 : f32
    %max3A_19 = vector.broadcast %max3A : f32 to vector<1024x64xf32>
    %max3A_20 = arith.maximumf %add3A_18, %max3A_19 : vector<1024x64xf32>
    %reduce_sum3A = arith.constant dense<0.000000e+00> : vector<1024xf32>
    %reduce_sum3A_21 = vector.multi_reduction <add>, %max3A_20, %reduce_sum3A [1] : vector<1024x64xf32> to vector<1024xf32>
    %broadcast_in_dim3A_22 = vector.shape_cast %reduce_sum3A_21 : vector<1024xf32> to vector<1024x1xf32>
    %div3A_23 = arith.constant 6.400000e+01 : f32
    %div3A_24 = vector.broadcast %div3A_23 : f32 to vector<1024x1xf32>
    %div3A_25 = arith.divf %broadcast_in_dim3A_22, %div3A_24 : vector<1024x1xf32>
    %sub3A = vector.broadcast %div3A_25 : vector<1024x1xf32> to vector<1024x64xf32>
    %sub3A_26 = arith.subf %max3A_20, %sub3A : vector<1024x64xf32>
    %sub3A_27 = vector.broadcast %div3A_25 : vector<1024x1xf32> to vector<1024x64xf32>
    %sub3A_28 = arith.subf %max3A_20, %sub3A_27 : vector<1024x64xf32>
    %mul3A = arith.mulf %sub3A_26, %sub3A_28 : vector<1024x64xf32>
    %reduce_sum3A_29 = arith.constant dense<0.000000e+00> : vector<1024xf32>
    %reduce_sum3A_30 = vector.multi_reduction <add>, %mul3A, %reduce_sum3A_29 [1] : vector<1024x64xf32> to vector<1024xf32>
    %broadcast_in_dim3A_31 = vector.shape_cast %reduce_sum3A_30 : vector<1024xf32> to vector<1024x1xf32>
    %div3A_32 = arith.constant 6.400000e+01 : f32
    %div3A_33 = vector.broadcast %div3A_32 : f32 to vector<1024x1xf32>
    %div3A_34 = arith.divf %broadcast_in_dim3A_31, %div3A_33 : vector<1024x1xf32>
    %sub3A_35 = vector.broadcast %div3A_25 : vector<1024x1xf32> to vector<1024x64xf32>
    %sub3A_36 = arith.subf %max3A_20, %sub3A_35 : vector<1024x64xf32>
    %add3A_37 = arith.constant 9.99999974E-6 : f32
    %add3A_38 = vector.broadcast %add3A_37 : f32 to vector<1024x1xf32>
    %add3A_39 = arith.addf %div3A_34, %add3A_38 : vector<1024x1xf32>
    %rsqrt3A = math.rsqrt %add3A_39 : vector<1024x1xf32>
    %mul3A_40 = vector.broadcast %rsqrt3A : vector<1024x1xf32> to vector<1024x64xf32>
    %mul3A_41 = arith.mulf %sub3A_36, %mul3A_40 : vector<1024x64xf32>
    %get3A_42 = arith.constant 0 : index
    %get3A_43 = arith.constant 0 : index
    %get3A_44 = vector.load %arg6[%get3A_42, %get3A_43] : memref<1x64xf32, #tpu.memory_space<vmem>>, vector<1x64xf32>
    %get3A_45 = vector.shape_cast %get3A_44 : vector<1x64xf32> to vector<64xf32>
    %broadcast_in_dim3A_46 = vector.shape_cast %get3A_45 : vector<64xf32> to vector<1x64xf32>
    %mul3A_47 = vector.broadcast %broadcast_in_dim3A_46 : vector<1x64xf32> to vector<1024x64xf32>
    %mul3A_48 = arith.mulf %mul3A_41, %mul3A_47 : vector<1024x64xf32>
    %get3A_49 = arith.constant 0 : index
    %get3A_50 = arith.constant 0 : index
    %get3A_51 = vector.load %arg7[%get3A_49, %get3A_50] : memref<1x64xf32, #tpu.memory_space<vmem>>, vector<1x64xf32>
    %get3A_52 = vector.shape_cast %get3A_51 : vector<1x64xf32> to vector<64xf32>
    %broadcast_in_dim3A_53 = vector.shape_cast %get3A_52 : vector<64xf32> to vector<1x64xf32>
    %add3A_54 = vector.broadcast %broadcast_in_dim3A_53 : vector<1x64xf32> to vector<1024x64xf32>
    %add3A_55 = arith.addf %mul3A_48, %add3A_54 : vector<1024x64xf32>
    %swap3A = arith.constant 0 : index
    %swap3A_56 = arith.constant 0 : index
    %swap3A_57 = vector.load %arg8[%swap3A, %swap3A_56] : memref<1024x64xf32, #tpu.memory_space<vmem>>, vector<1024x64xf32>
    tpu.vector_store %arg8[%swap3A, %swap3A_56], %add3A_55 {strides = array<i32>} : memref<1024x64xf32, #tpu.memory_space<vmem>>, vector<1024x64xf32>,
    return
  }
  func.func @transform_0(%arg0: i32) -> (i32, i32) {
    %c0_i32 = arith.constant 0 : i32
    %c0_i32_0 = arith.constant 0 : i32
    return %arg0, %c0_i32 : i32, i32
  }
  func.func @transform_1(%arg0: i32) -> (i32, i32) {
    %c0_i32 = arith.constant 0 : i32
    %c0_i32_0 = arith.constant 0 : i32
    return %arg0, %c0_i32 : i32, i32
  }
  func.func @transform_2(%arg0: i32) -> (i32, i32) {
    %c0_i32 = arith.constant 0 : i32
    %c0_i32_0 = arith.constant 0 : i32
    return %arg0, %c0_i32 : i32, i32
  }
  func.func @transform_3(%arg0: i32) -> (i32, i32) {
    %c0_i32 = arith.constant 0 : i32
    %c0_i32_0 = arith.constant 0 : i32
    return %arg0, %c0_i32 : i32, i32
  }
  func.func @transform_4(%arg0: i32) -> (i32, i32) {
    %c0_i32 = arith.constant 0 : i32
    %c0_i32_0 = arith.constant 0 : i32
    %c0_i32_1 = arith.constant 0 : i32
    return %c0_i32, %c0_i32_0 : i32, i32
  }
  func.func @transform_5(%arg0: i32) -> (i32, i32) {
    %c0_i32 = arith.constant 0 : i32
    %c0_i32_0 = arith.constant 0 : i32
    %c0_i32_1 = arith.constant 0 : i32
    return %c0_i32, %c0_i32_0 : i32, i32
  }
  func.func @transform_6(%arg0: i32) -> (i32, i32) {
    %c0_i32 = arith.constant 0 : i32
    %c0_i32_0 = arith.constant 0 : i32
    %c0_i32_1 = arith.constant 0 : i32
    return %c0_i32, %c0_i32_0 : i32, i32
  }
  func.func @transform_7(%arg0: i32) -> (i32, i32) {
    %c0_i32 = arith.constant 0 : i32
    %c0_i32_0 = arith.constant 0 : i32
    return %arg0, %c0_i32 : i32, i32
  }
}

module attributes {stable_mosaic.version = 14 : i64} {
  func.func @_tc4(%arg0: i32, %arg1: memref<1024x768xf32, #tpu.memory_space<vmem>>, %arg2: memref<64x1xf32, #tpu.memory_space<vmem>>, %arg3: memref<1x1xf32, #tpu.memory_space<vmem>>, %arg4: memref<1024x1xf32, #tpu.memory_space<vmem>>) attributes {dimension_semantics = [#tpu.dimension_semantics<arbitrary>], iteration_bounds = array<i64: 10>, scalar_prefetch = 0 : i64, scratch_operands = 0 : i64, tpu.core_type = #tpu.core_type<tc>, window_params = [{transform_indices = @transform_0, window_bounds = array<i64: 1024, 768>}, {pipeline_mode = #tpu.pipeline_mode<synchronous>, transform_indices = @transform_1, window_bounds = array<i64: 64, 1>}, {pipeline_mode = #tpu.pipeline_mode<synchronous>, transform_indices = @transform_2, window_bounds = array<i64: 1, 1>}, {transform_indices = @transform_3, window_bounds = array<i64: 1024, 1>}]} {
    %get3A = arith.constant 0 : index
    %get3A_0 = arith.constant 0 : index
    %get3A_1 = vector.load %arg1[%get3A, %get3A_0] : memref<1024x768xf32, #tpu.memory_space<vmem>>, vector<1024x768xf32>
    %broadcast_in_dim3A = arith.constant 0.000000e+00 : f32
    %broadcast_in_dim3A_2 = vector.broadcast %broadcast_in_dim3A : f32 to vector<1024x64xf32>
    %slice3A = vector.extract_strided_slice %get3A_1 {offsets = [0, 0], sizes = [1024, 64], strides = [1, 1]} : vector<1024x768xf32> to vector<1024x64xf32>
    %add3A = arith.addf %broadcast_in_dim3A_2, %slice3A : vector<1024x64xf32>
    %slice3A_3 = vector.extract_strided_slice %get3A_1 {offsets = [0, 64], sizes = [1024, 64], strides = [1, 1]} : vector<1024x768xf32> to vector<1024x64xf32>
    %add3A_4 = arith.addf %add3A, %slice3A_3 : vector<1024x64xf32>
    %slice3A_5 = vector.extract_strided_slice %get3A_1 {offsets = [0, 128], sizes = [1024, 64], strides = [1, 1]} : vector<1024x768xf32> to vector<1024x64xf32>
    %add3A_6 = arith.addf %add3A_4, %slice3A_5 : vector<1024x64xf32>
    %slice3A_7 = vector.extract_strided_slice %get3A_1 {offsets = [0, 192], sizes = [1024, 64], strides = [1, 1]} : vector<1024x768xf32> to vector<1024x64xf32>
    %add3A_8 = arith.addf %add3A_6, %slice3A_7 : vector<1024x64xf32>
    %slice3A_9 = vector.extract_strided_slice %get3A_1 {offsets = [0, 256], sizes = [1024, 64], strides = [1, 1]} : vector<1024x768xf32> to vector<1024x64xf32>
    %add3A_10 = arith.addf %add3A_8, %slice3A_9 : vector<1024x64xf32>
    %slice3A_11 = vector.extract_strided_slice %get3A_1 {offsets = [0, 320], sizes = [1024, 64], strides = [1, 1]} : vector<1024x768xf32> to vector<1024x64xf32>
    %add3A_12 = arith.addf %add3A_10, %slice3A_11 : vector<1024x64xf32>
    %slice3A_13 = vector.extract_strided_slice %get3A_1 {offsets = [0, 384], sizes = [1024, 64], strides = [1, 1]} : vector<1024x768xf32> to vector<1024x64xf32>
    %add3A_14 = arith.addf %add3A_12, %slice3A_13 : vector<1024x64xf32>
    %slice3A_15 = vector.extract_strided_slice %get3A_1 {offsets = [0, 448], sizes = [1024, 64], strides = [1, 1]} : vector<1024x768xf32> to vector<1024x64xf32>
    %add3A_16 = arith.addf %add3A_14, %slice3A_15 : vector<1024x64xf32>
    %slice3A_17 = vector.extract_strided_slice %get3A_1 {offsets = [0, 512], sizes = [1024, 64], strides = [1, 1]} : vector<1024x768xf32> to vector<1024x64xf32>
    %add3A_18 = arith.addf %add3A_16, %slice3A_17 : vector<1024x64xf32>
    %slice3A_19 = vector.extract_strided_slice %get3A_1 {offsets = [0, 576], sizes = [1024, 64], strides = [1, 1]} : vector<1024x768xf32> to vector<1024x64xf32>
    %add3A_20 = arith.addf %add3A_18, %slice3A_19 : vector<1024x64xf32>
    %slice3A_21 = vector.extract_strided_slice %get3A_1 {offsets = [0, 640], sizes = [1024, 64], strides = [1, 1]} : vector<1024x768xf32> to vector<1024x64xf32>
    %add3A_22 = arith.addf %add3A_20, %slice3A_21 : vector<1024x64xf32>
    %slice3A_23 = vector.extract_strided_slice %get3A_1 {offsets = [0, 704], sizes = [1024, 64], strides = [1, 1]} : vector<1024x768xf32> to vector<1024x64xf32>
    %add3A_24 = arith.addf %add3A_22, %slice3A_23 : vector<1024x64xf32>
    %slice3A_25 = vector.extract_strided_slice %get3A_1 {offsets = [0, 704], sizes = [1024, 64], strides = [1, 1]} : vector<1024x768xf32> to vector<1024x64xf32>
    %mul3A = arith.constant 2.500000e-02 : f32
    %mul3A_26 = vector.broadcast %mul3A : f32 to vector<1024x64xf32>
    %mul3A_27 = arith.mulf %mul3A_26, %add3A_24 : vector<1024x64xf32>
    %add3A_28 = arith.addf %slice3A_25, %mul3A_27 : vector<1024x64xf32>
    %get3A_29 = arith.constant 0 : index
    %get3A_30 = arith.constant 0 : index
    %get3A_31 = vector.load %arg2[%get3A_29, %get3A_30] : memref<64x1xf32, #tpu.memory_space<vmem>>, vector<64x1xf32>
    %dot_general3A = arith.constant dense<0.000000e+00> : vector<1024x1xf32>
    %dot_general3A_32 = tpu.matmul %add3A_28, %get3A_31, %dot_general3A {dimension_numbers = #tpu.dot_dimension_numbers<[1], [0], [0], [1], [0, 0, 1, 1], [], []>, transpose_lhs_hint = false} : vector<1024x64xf32>, vector<64x1xf32>, vector<1024x1xf32> -> vector<1024x1xf32>
    %get3A_33 = arith.constant 0 : index
    %get3A_34 = arith.constant 0 : index
    %get3A_35 = vector.load %arg3[%get3A_33, %get3A_34] : memref<1x1xf32, #tpu.memory_space<vmem>>, vector<1x1xf32>
    %get3A_36 = vector.shape_cast %get3A_35 : vector<1x1xf32> to vector<1xf32>
    %broadcast_in_dim3A_37 = vector.shape_cast %get3A_36 : vector<1xf32> to vector<1x1xf32>
    %add3A_38 = vector.broadcast %broadcast_in_dim3A_37 : vector<1x1xf32> to vector<1024x1xf32>
    %add3A_39 = arith.addf %dot_general3A_32, %add3A_38 : vector<1024x1xf32>
    %swap3A = arith.constant 0 : index
    %swap3A_40 = arith.constant 0 : index
    %swap3A_41 = vector.load %arg4[%swap3A, %swap3A_40] : memref<1024x1xf32, #tpu.memory_space<vmem>>, vector<1024x1xf32>
    tpu.vector_store %arg4[%swap3A, %swap3A_40], %add3A_39 {strides = array<i32>} : memref<1024x1xf32, #tpu.memory_space<vmem>>, vector<1024x1xf32>,
    return
  }
  func.func @transform_0(%arg0: i32) -> (i32, i32) {
    %c0_i32 = arith.constant 0 : i32
    %c0_i32_0 = arith.constant 0 : i32
    return %arg0, %c0_i32 : i32, i32
  }
  func.func @transform_1(%arg0: i32) -> (i32, i32) {
    %c0_i32 = arith.constant 0 : i32
    %c0_i32_0 = arith.constant 0 : i32
    %c0_i32_1 = arith.constant 0 : i32
    return %c0_i32, %c0_i32_0 : i32, i32
  }
  func.func @transform_2(%arg0: i32) -> (i32, i32) {
    %c0_i32 = arith.constant 0 : i32
    %c0_i32_0 = arith.constant 0 : i32
    %c0_i32_1 = arith.constant 0 : i32
    return %c0_i32, %c0_i32_0 : i32, i32
  }
  func.func @transform_3(%arg0: i32) -> (i32, i32) {
    %c0_i32 = arith.constant 0 : i32
    %c0_i32_0 = arith.constant 0 : i32
    return %arg0, %c0_i32 : i32, i32
  }
}

</mosaic_0001>

<sc_bundles>
// kernel: closed_call.18.cloned.1.call-start
scs
__scs_entry_jumppad:
0x0: {  	(pc) =	sbr.rel $0x88, $3  }
0x1: {  	(tag) =	ssettag $0x0;
	lr =	simm.s32 $0x1  }
0x2: {  	[smem:$0x3F93] =	sst lr;
	_ =	strace $0xD0000000  }
0x3: {  	_ = 	snop  }
0x4: {  	_ = 	snop  }
0x5: {  	_ = 	snop  }
0x6: {  	_ = 	snop  }
0x7: {  	_ = 	snop  }
__scs_overlays_trampoline_lowered:
0x8: {  	[smem:$0x3FA2] =	sst s0  }
0x9: {  	[smem:$0x3FA3] =	sst s1  }
0xa: {  	[smem:$0x3FA4] =	sst s2  }
0xb: {  	[smem:$0x3FA5] =	sst s3  }
0xc: {  	[smem:$0x3FA6] =	sst s4  }
0xd: {  	[smem:$0x3FA7] =	sst s5  }
0xe: {  	[smem:$0x3FA8] =	sst s6  }
0xf: {  	[smem:$0x3FA9] =	sst s7  }
0x10: {  	[smem:$0x3FAA] =	sst s8  }
0x11: {  	[smem:$0x3FAB] =	sst s9;
	s0 =	simm.s32 @!p0 $0x0  }
0x12: {  	s1 =	sld [smem:$0x3F91];
	s0 =	simm.s32 @p0 $0x1  }
0x13: {  	[smem:$0x3FAC] =	sst s0;
	s0 =	simm.s32 @!p1 $0x0  }
0x14: {  	s2 =	sld [smem:$0x3F90];
	s0 =	simm.s32 @p1 $0x1  }
0x15: {  	[smem:$0x3FAD] =	sst s0;
	s0 =	simm.s32 @!p2 $0x0  }
0x16: {  	s3 =	sld [smem:$0x3FDB];
	s0 =	simm.s32 @p2 $0x1  }
0x17: {  	s4 =	simm.s32 $0x1BF5;
	[smem:$0x3FAF] =	sst s0  }
0x18: {  	s0 =	sld [smem:$0x3F92];
	_ =	swait.ge [sflag:s4], $0x0  }
0x19: {  	s7 =	sld [smem:$0x3F93]  }
0x1a: {  	s8 =	sadd.s32 $0xFFFFE003, lr  }
0x1b: {  	s9 =	sadd.s32 $0xFFFFFEF7, lr;
	s5 =	simm.s32 $0xFFFFFFFF;
	p2 =	slt.u32 s8, $0xFFFFF086  }
0x1c: {  	p1 =	slt.u32 s9, $0xF7A;
	s5 =	simm.s32 @!p2 $0x0  }
0x1d: {  	s5 =	simm.s32 @p1 $0x1;
	p0 =	seq.s32 s7, s2  }
0x1e: {  	s7 =	smul.u32 @!p0 $0xF7A, s2;
	p2 =	seq.s32 @!p0 s5, $0x0  }
0x1f: {  	s9 =	smul.u32 $0xF7A, s1;
	s8 =	simm.s32 @!p0 $0x1BF5;
	p2 =	por !p2, p0  }
0x20: {  	[sflag:s8] =	ssyncset.s32 @!p0 $0xFFFFF086;
	s6 =	sadd.s32 @!p0 s3, s7;
	s7 =	simm.s32 @!p0 $0x108  }
0x21: {  	s3 =	sadd.s32 s3, s9;
	s6 =	sadd.s32 @!p0 $0x88, s6;
	s7 =	simm.s32 @p2 $0x1082  }
0x22: {  	[simem:s7], [sflag:s8] =	dma.local @!p0 [hbm:s6], $0xF7A  }
0x23: {  	s9 =	sor.u32 $0xD0000000, s2;
	s6 =	simm.s32 $0x108;
	_ =	swait.ge @!p0 [sflag:s8], $0x0  }
0x24: {  	s3 =	sadd.s32 $0x88, s3;
	s6 =	simm.s32 @!p1 $0x1082;
	[sflag:s4] =	ssyncset.s32 $0xFFFFF086  }
0x25: {  	[simem:s6], [sflag:s4] =	dma.local [hbm:s3], $0xF7A  }
0x26: {  	[smem:$0x3F93] =	sst s1;
	(tag) =	ssettag s2;
	_ =	strace s9  }
0x27: {  	s1 =	sld [smem:$0x3FA3]  }
0x28: {  	s2 =	sld [smem:$0x3FA4]  }
0x29: {  	s4 =	sld [smem:$0x3FA6]  }
0x2a: {  	p0 =	seq.s32 s5, $0x0;
	s5 =	sld [smem:$0x3FA7]  }
0x2b: {  	s6 =	sld [smem:$0x3FA8]  }
0x2c: {  	s7 =	sld [smem:$0x3FA9]  }
0x2d: {  	s3 =	simm.s32 $0x108;
	s8 =	sld [smem:$0x3FAA]  }
0x2e: {  	s3 =	simm.s32 @!p0 $0x1082;
	s9 =	sld [smem:$0x3FAB]  }
0x2f: {  	lr =	sadd.s32 s0, s3;
	s0 =	sld [smem:$0x3FA2]  }
0x30: {  	s3 =	sld [smem:$0x3FA5]  }
0x31: {  	[smem:$0x3FAE] =	sst s10  }
0x32: {  	s10 =	sld [smem:$0x3FAC];
	_ =	sdelay $0x3  }
0x33: {  	p0 =	seq.s32 s10, $0x1;
	s10 =	sld [smem:$0x3FAE];
	_ =	sdelay $0x3  }
0x34: {  	[smem:$0x3FAE] =	sst s10  }
0x35: {  	s10 =	sld [smem:$0x3FAD];
	_ =	sdelay $0x3  }
0x36: {  	p1 =	seq.s32 s10, $0x1;
	s10 =	sld [smem:$0x3FAE];
	_ =	sdelay $0x3  }
0x37: {  	[smem:$0x3FAE] =	sst s10  }
0x38: {  	s10 =	sld [smem:$0x3FAF]  }
0x39: {  	_ = 	snop;
	(pc) =	sbr.ind lr, $3  }
0x3a: {  	_ = 	snop  }
0x3b: {  	_ = 	snop  }
0x3c: {  	p2 =	seq.s32 s10, $0x1;
	s10 =	sld [smem:$0x3FAE]  }
0x3d: {  	_ =	shalt  }
0x3e: {  	_ =	shalt  }
0x3f: {  	_ =	shalt  }
0x40: {  	_ =	shalt  }
0x41: {  	_ =	shalt  }
0x42: {  	_ =	shalt  }
0x43: {  	_ =	shalt  }
0x44: {  	_ =	shalt  }
0x45: {  	_ =	shalt  }
0x46: {  	_ =	shalt  }
0x47: {  	_ =	shalt  }
0x48: {  	_ =	shalt  }
0x49: {  	_ =	shalt  }
0x4a: {  	_ =	shalt  }
0x4b: {  	_ =	shalt  }
0x4c: {  	_ =	shalt  }
0x4d: {  	_ =	shalt  }
0x4e: {  	_ =	shalt  }
0x4f: {  	_ =	shalt  }
0x50: {  	_ =	shalt  }
0x51: {  	_ =	shalt  }
0x52: {  	_ =	shalt  }
0x53: {  	_ =	shalt  }
0x54: {  	_ =	shalt  }
0x55: {  	_ =	shalt  }
0x56: {  	_ =	shalt  }
0x57: {  	_ =	shalt  }
0x58: {  	_ =	shalt  }
0x59: {  	_ =	shalt  }
0x5a: {  	_ =	shalt  }
0x5b: {  	_ =	shalt  }
0x5c: {  	_ =	shalt  }
0x5d: {  	_ =	shalt  }
0x5e: {  	_ =	shalt  }
0x5f: {  	_ =	shalt  }
0x60: {  	_ =	shalt  }
0x61: {  	_ =	shalt  }
0x62: {  	_ =	shalt  }
0x63: {  	_ =	shalt  }
0x64: {  	_ =	shalt  }
0x65: {  	_ =	shalt  }
0x66: {  	_ =	shalt  }
0x67: {  	_ =	shalt  }
0x68: {  	_ =	shalt  }
0x69: {  	_ =	shalt  }
0x6a: {  	_ =	shalt  }
0x6b: {  	_ =	shalt  }
0x6c: {  	_ =	shalt  }
0x6d: {  	_ =	shalt  }
0x6e: {  	_ =	shalt  }
0x6f: {  	_ =	shalt  }
0x70: {  	_ =	shalt  }
0x71: {  	_ =	shalt  }
0x72: {  	_ =	shalt  }
0x73: {  	_ =	shalt  }
0x74: {  	_ =	shalt  }
0x75: {  	_ =	shalt  }
0x76: {  	_ =	shalt  }
0x77: {  	_ =	shalt  }
0x78: {  	_ =	shalt  }
0x79: {  	_ =	shalt  }
0x7a: {  	_ =	shalt  }
0x7b: {  	_ =	shalt  }
0x7c: {  	_ =	shalt  }
0x7d: {  	_ =	shalt  }
0x7e: {  	_ =	shalt  }
0x7f: {  	_ =	shalt  }
0x80: {  	_ =	shalt  }
0x81: {  	_ =	shalt  }
0x82: {  	_ =	shalt  }
0x83: {  	_ =	shalt  }
0x84: {  	_ =	shalt  }
0x85: {  	_ =	shalt  }
0x86: {  	_ =	shalt  }
0x87: {  	_ =	shalt  }
.Lfunc_end0:
.L_simem_size_0:
called_computation_lowered:
.L_overlay_start_0:
0x88: {  	s2 =	sld [smem:$0x3FD9]  }
0x89: {  	s3 =	sld [smem:$0x3FFE];
	_ =	sdelay $0x1  }
0x8a: {  	s1 =	srdreg.scid  }
0x8b: {  	s0 =	sand.u32 $0x1, s1  }
0x8c: {  	s16 =	sshll.u32 s0, $0xA;
	s2 =	sadd.s32 s3, s2  }
0x8d: {  	s2 =	sadd.s32 s2, s16  }
0x8e: {  	[smem:$0x3FBA] =	sst s2  }
0x8f: {  	_ = 	snop  }
0x90: {  	(tm) =	ssettm $0x1  }
0x91: {  	s17 =	sld [smem:$0x3FFB];
	_ =	sdelay $0x3  }
0x92: {  	_ =	strace s17  }
0x93: {  	s2 =	sld [smem:$0x3FFC];
	_ =	sdelay $0x3  }
0x94: {  	_ =	strace s2  }
0x95: {  	s2 =	sld [smem:$0x3FFD];
	_ =	sdelay $0x3  }
0x96: {  	_ =	strace s2  }
0x97: {  	_ =	strace $0x8FFFFFFF  }
0x98: {  	s18 =	sld [smem:$0x3FDB];
	_ =	sdelay $0x1  }
0x99: {  	s19 =	simm.s32 $_scs_section_size  }
0x9a: {  	s4 =	simm.s32 $_size__tile_overlayer_lowered;
	s5 =	simm.s32 $_tile_overlayer_lowered  }
0x9b: {  	s22 =	simm.s32 $0x1BFF;
	s21 =	sshll.u32 s5, $0x1;
	s2 =	sadd.s32 s19, s18  }
0x9c: {  	s6 =	simm.s32 $0x0;
	s20 =	sshll.u32 s4, $0x1;
	s4 =	sadd.s32 s21, s2  }
0x9d: {  	[timem:s6], [sflag:s22] =	dma.local [hbm:s4], s20  }
0x9e: {  	_ =	swait.ge [sflag:s22], s20  }
0x9f: {  	s3 =	ssub.s32 $0x0, s20;
	[sflag:s22] =	ssyncset.done $0x0  }
0xa0: {  	[sflag:s22] =	ssyncadd.s32 s3;
	_ =	sdelay $0x1  }
0xa1: {  	s23 =	simm.s32 $0x1B8B  }
0xa2: {  	_ =	swait.ge [sflag:s23], $0x1  }
0xa3: {  	[sflag:s23] =	ssyncset.done $0x0  }
0xa4: {  	s25 =	simm.s32 $0x1B8E;
	s24 =	sld [smem:$0x3FFE];
	[sflag:s23] =	ssyncadd.s32 $0xFFFFFFFF  }
0xa5: {  	s26 =	simm.s32 $execute0_lowered;
	[smem:$0x3FD2] =	sst s25  }
0xa6: {  	s4 =	sshll.u32 s26, $0x1;
	_ =	strace $0x80000046;
	[dreg:$0x1] =	wrdreg $0xFFFFFFFF  }
0xa7: {  	s28 =	simm.s32 $_size_execute0_lowered;
	s2 =	sadd.s32 s2, s4;
	[dreg:$0x0] =	wrdreg $0x0  }
0xa8: {  	s4 =	sshll.u32 s28, $0x1;
	[dreg:$0x2] =	wrdreg s2  }
0xa9: {  	[dreg:$0x3] =	wrdreg s4  }
0xaa: {  	[dreg:$0x4] =	wrdreg $0xC0  }
0xab: {  	_ =	task [dreg:s6], $0x5FFFF  }
0xac: {  	[dreg:$0x1] =	wrdreg $0xFFFFFFFF  }
0xad: {  	[dreg:$0x0] =	wrdreg $0x60  }
0xae: {  	[dreg:$0x2] =	wrdreg s24  }
0xaf: {  	[dreg:$0x3] =	wrdreg $0x122800  }
0xb0: {  	[dreg:$0x4] =	wrdreg $0x1C2C00  }
0xb1: {  	[dreg:$0x5] =	wrdreg $0x9  }
0xb2: {  	_ =	task.clear_ibuf [dreg:s6], $0x6FFFF;
	_ =	strace $0x90000046  }
0xb3: {  	s29 =	simm.s32 $0x9;
	_ =	strace $0x80000048  }
0xb4: {  	_ =	swait.ge [sflag:s29], $0x1  }
0xb5: {  	[sflag:s29] =	ssyncadd.s32 $0xFFFFFFFF  }
0xb6: {  	_ =	strace $0x90000048  }
0xb7: {  	_ =	sfence  }
0xb8: {  	s30 =	sld [smem:$0x0];
	_ =	sdelay $0x2  }
0xb9: {  	s31 =	sshll.u32 s1, $0xD;
	s1 =	sshrl.u32 s1, $0x2  }
0xba: {  	s3 =	sand.u32 $0x4000, s31;
	s1 =	sadd.s32 s1, s30  }
0xbb: {  	s0 =	sor.u32 s3, s0;
	s1 =	sshll.u32 s1, $0x11  }
0xbc: {  	s0 =	sor.u32 s1, s0  }
0xbd: {  	s0 =	sadd.s32 $0x8F2B, s0  }
0xbe: {  	[sflag:s0] =	ssyncadd.remote.s32 $0x1  }
0xbf: {  	_ =	sfence.sel $0xFFFF  }
0xc0: {  	[dreg:$0x0] =	wrdreg $0xFFFFFFFF;
	(pc) =	sbr.abs _section_cstart, $3  }
0xc1: {  	[dreg:$0x1] =	wrdreg $0xFFFFFFFF  }
0xc2: {  	_ =	task.clear_ibuf [dreg:s6], $0x2FFFF;
	_ =	strace $0x9FFFFFFF  }
0xc3: {  	(tm) =	ssettm $0x7FFFFFFF  }
tec
execute0_lowered:
.L_overlay_start_1:
0x0: {  	(tag) =	ssettag $0x1  }
0x1: {  	s1 =	srdreg.scid  }
0x2: {  	s0 =	rddreg [dreg:$0x0];
	s18 =	stileid.u32;
	s2 =	sand.u32 $0x1, s1  }
0x3: {  	s1 =	simm.s32 $0x0;
	s3 =	sshll.u32 s18, $0xB;
	s12 =	smul.u32 $0xA000, s18  }
0x4: {  	s5 =	sadd.s32 $0x2E8400, s0;
	s6 =	sadd.s32 $0x2E7000, s0;
	s31 =	smul.u32 $0x5100, s18  }
0x5: {  	s7 =	sadd.s32 $0x33AC00, s0;
	p0 =	sgt.u32 s18, $0x9;
	s4 =	smul.u32 $0x5000, s2  }
0x6: {  	[smem:$0x7FF] =	sst s1;
	s8 =	ssub.s32 $0x2, s2;
	s10 =	sshll.u32 s2, $0x5  }
0x7: {  	s11 =	smul.u32 $0x140000, s2;
	s9 =	sshrl.u32 s8, $0x1;
	s13 =	sadd.s32 s5, s10  }
0x8: {  	s29 =	sor.u32 $0x10, s10;
	s10 =	sadd.s32 s6, s10;
	[dreg:$0x4] =	wrdreg s13  }
0x9: {  	s4 =	sadd.s32 s3, s4;
	s8 =	ssub.s32 s8, s9;
	[dreg:$0x5] =	wrdreg s10  }
0xa: {  	s5 =	sadd.s32 s5, s29;
	s13 =	sadd.s32 s6, s29;
	s14 =	sadd.s32 s11, s12  }
0xb: {  	s6 =	sadd.s32 $0x2000, s12;
	s9 =	sadd.s32 $0xA0000, s11;
	[dreg:$0x6] =	wrdreg s5  }
0xc: {  	s10 =	sadd.s32 $0x4000, s12;
	s4 =	sshrl.u32 s4, $0x3;
	[dreg:$0x7] =	wrdreg s13  }
0xd: {  	s5 =	sshrl.u32 s14, $0x3;
	s15 =	sadd.s32 s11, s6;
	s17 =	sadd.s32 s11, s10  }
0xe: {  	s13 =	sadd.s32 $0x6000, s12;
	s21 =	sadd.s32 s12, s9;
	s23 =	sadd.s32 s6, s9  }
0xf: {  	s25 =	sadd.s32 s10, s9;
	s5 =	sadd.s32 s7, s5;
	s16 =	sshrl.u32 s15, $0x3  }
0x10: {  	s14 =	sadd.s32 s11, s13;
	s22 =	sshrl.u32 s21, $0x3;
	s24 =	sshrl.u32 s23, $0x3  }
0x11: {  	s26 =	sshrl.u32 s25, $0x3;
	s28 =	sadd.s32 s13, s9;
	s15 =	rddreg [dreg:$0x1]  }
0x12: {  	s4 =	sadd.s32 s4, s0;
	s21 =	sadd.s32 $0x2E9800, s0;
	s25 =	smax.u32 s8, $0x1  }
0x13: {  	s8 =	simm.s32 $0xA180;
	[dreg:$0x8] =	wrdreg s5;
	s5 =	sadd.s32 s7, s16  }
0x14: {  	s16 =	sadd.s32 $0x8000, s12;
	s19 =	sshrl.u32 s14, $0x3;
	s29 =	sshrl.u32 s28, $0x3  }
0x15: {  	s14 =	smul.u32 $0x2800, s2;
	s28 =	sadd.s32 s10, s15;
	s10 =	simm.s32 $0xA080  }
0x16: {  	[dreg:$0x9] =	wrdreg s5;
	s5 =	sshrl.u32 s17, $0x3;
	s11 =	sadd.s32 s11, s16  }
0x17: {  	s9 =	sadd.s32 s16, s9;
	s17 =	rddreg [dreg:$0x2];
	s30 =	sadd.s32 s16, s15  }
0x18: {  	s16 =	simm.s32 $0x12180;
	s5 =	sadd.s32 s7, s5;
	s20 =	sshrl.u32 s11, $0x3  }
0x19: {  	s11 =	smul.u32 $0x28000, s18;
	[dreg:$0xa] =	wrdreg s5;
	s5 =	sadd.s32 s7, s19  }
0x1a: {  	s23 =	sadd.s32 s3, s17;
	[dreg:$0xb] =	wrdreg s5;
	s5 =	sadd.s32 s7, s20  }
0x1b: {  	s18 =	simm.s32 $0x0;
	[dreg:$0xc] =	wrdreg s5;
	s5 =	sadd.s32 s7, s22  }
0x1c: {  	s19 =	sadd.s32 $0x2D2C00, s0;
	[dreg:$0xd] =	wrdreg s5;
	s5 =	sadd.s32 s7, s24  }
0x1d: {  	s12 =	sshrl.u32 s11, $0x2;
	[dreg:$0xe] =	wrdreg s5;
	s5 =	sadd.s32 s7, s26  }
0x1e: {  	s20 =	sadd.s32 $0x2DCE00, s0;
	[dreg:$0xf] =	wrdreg s5;
	s5 =	sadd.s32 s7, s29  }
0x1f: {  	s11 =	simm.s32 $0xE180;
	[dreg:$0x10] =	wrdreg s5;
	s5 =	sshrl.u32 s9, $0x3  }
0x20: {  	v0 =	vlaneseq.u32;
	s22 =	sadd.s32 s12, s15;
	s12 =	simm.s32 $0xA100;
	s5 =	sadd.s32 s7, s5  }
0x21: {  	v0 =	vmul.u32 $0x80, v0;
	v1 =	vmov s14;
	s24 =	sadd.s32 $0x339800, s4;
	s14 =	sadd.s32 $0x2000, s22;
	[dreg:$0x11] =	wrdreg s5  }
0x22: {  	v2 =	vimm.f32 $0.0e+00;
	s0 =	sadd.s32 $0x4000, s22;
	_ =	strace $0x80000047;
	[dreg:$0x12] =	wrdreg s23  }
0x23: {  	v3 =	vor.u32 $0x1, v0;
	v4 =	vor.u32 $0x800, v0;
	v5 =	vor.u32 $0x801, v0;
	s2 =	sadd.s32 $0x6000, s22;
	s3 =	sadd.s32 $0x8000, s22;
	[dreg:$0x13] =	wrdreg s24  }
0x24: {  	v6 =	vor.u32 $0x1000, v0;
	v7 =	vor.u32 $0x1001, v0;
	v8 =	vor.u32 $0x1800, v0;
	s4 =	simm.s32 $0x80;
	s26 =	sadd.s32 s6, s15;
	[dreg:$0x14] =	wrdreg s25  }
0x25: {  	v9 =	vor.u32 $0x1801, v0;
	v10 =	vor.u32 $0x2000, v0;
	v11 =	vor.u32 $0x2001, v0;
	s6 =	simm.s32 $0x2;
	s29 =	sadd.s32 s13, s15;
	[dreg:$0x15] =	wrdreg s26  }
0x26: {  	v12 =	vor.u32 $0x2800, v0;
	v13 =	vor.u32 $0x2801, v0;
	v14 =	vor.u32 $0x3000, v0;
	s13 =	simm.s32 $0x1;
	s9 =	simm.s32 $0xA000;
	[dreg:$0x16] =	wrdreg s28  }
0x27: {  	v15 =	vor.u32 $0x3001, v0;
	v16 =	vor.u32 $0x3800, v0;
	v17 =	vor.u32 $0x3801, v0;
	s7 =	simm.s32 $0x5000;
	s5 =	simm.s32 $0x200;
	[dreg:$0x17] =	wrdreg s29  }
.LBB2_1:
0x28: {  	s23 =	rddreg [dreg:$0x4]  }
0x29: {  	[tilespmem:s1], [sflag:$0x2] =	stream.strided.gather [hbm4b:s23+s4], $0x2800, s5, s4, $0x38;
	[tilespmem:$0x1C7C0] =	vst v63  }
0x2a: {  	_ =	swait.ge [sflag:s6], $0x2800  }
0x2b: {  	[sflag:s6] =	ssyncset.done $0x0  }
0x2c: {  	s25 =	rddreg [dreg:$0x5];
	[sflag:s6] =	ssyncadd.s32 $0xFFFFD800  }
0x2d: {  	[tilespmem:s7], [sflag:$0x2] =	stream.strided.gather [hbm4b:s25+s4], $0x2800, s5, s4, $0x38;
	[tilespmem:$0x1C7C0] =	vst v63  }
0x2e: {  	_ =	swait.ge [sflag:s6], $0x2800  }
0x2f: {  	[sflag:s6] =	ssyncset.done $0x0  }
0x30: {  	s24 =	simm.s32 $0x2800;
	s26 =	rddreg [dreg:$0x6];
	[sflag:s6] =	ssyncadd.s32 $0xFFFFD800  }
0x31: {  	[tilespmem:s24], [sflag:$0x2] =	stream.strided.gather [hbm4b:s26+s4], $0x2800, s5, s4, $0x38;
	[tilespmem:$0x1C7C0] =	vst v63  }
0x32: {  	_ =	swait.ge [sflag:s6], $0x2800  }
0x33: {  	[sflag:s6] =	ssyncset.done $0x0  }
0x34: {  	s29 =	simm.s32 $0x7800;
	s28 =	rddreg [dreg:$0x7];
	[sflag:s6] =	ssyncadd.s32 $0xFFFFD800  }
0x35: {  	[tilespmem:s29], [sflag:$0x2] =	stream.strided.gather [hbm4b:s28+s4], $0x2800, s5, s4, $0x38;
	[tilespmem:$0x1C7C0] =	vst v63  }
0x36: {  	_ =	swait.ge [sflag:s6], $0x2800  }
0x37: {  	[sflag:s6] =	ssyncset.done $0x0  }
0x38: {  	s23 =	simm.s32 $0x0;
	s24 =	simm.s32 $0x200;
	[sflag:s6] =	ssyncadd.s32 $0xFFFFD800  }
.LBB2_2:
0x39: {  	p1 =	sne.s32 s24, $0xFE00;
	[tilespmem:s23+$0xE1F0] =	vst v2  }
0x3a: {  	[tilespmem:s23+$0xA180] =	vst v2  }
0x3b: {  	[tilespmem:s23+$0xE180] =	vst v2  }
0x3c: {  	[tilespmem:s23+$0xA190] =	vst v2  }
0x3d: {  	[tilespmem:s23+$0xE190] =	vst v2  }
0x3e: {  	[tilespmem:s23+$0xA1A0] =	vst v2  }
0x3f: {  	[tilespmem:s23+$0xE1A0] =	vst v2  }
0x40: {  	[tilespmem:s23+$0xA1B0] =	vst v2  }
0x41: {  	[tilespmem:s23+$0xE1B0] =	vst v2  }
0x42: {  	[tilespmem:s23+$0xA1C0] =	vst v2  }
0x43: {  	[tilespmem:s23+$0xE1C0] =	vst v2  }
.Ltmp0:
0x44: {  	[tilespmem:s23+$0xA1D0] =	vst v2;
	(pc) =	sbr.rel @p1 .LBB2_2-.Ltmp0, $4  }
0x45: {  	[tilespmem:s23+$0xE1D0] =	vst v2  }
0x46: {  	[tilespmem:s23+$0xA1E0] =	vst v2  }
0x47: {  	[tilespmem:s23+$0xE1E0] =	vst v2  }
0x48: {  	[tilespmem:s23+$0xA1F0] =	vst v2;
	s23 =	sshra.s32 s24, $0x2;
	s24 =	sadd.s32 $0x200, s24  }
0x49: {  	[tilespmem:s23+$0xE1F0] =	vst v2  }
0x4a: {  	[tilespmem:s23+$0xA180] =	vst v2  }
0x4b: {  	[tilespmem:s23+$0xE180] =	vst v2  }
0x4c: {  	[tilespmem:s23+$0xA190] =	vst v2  }
0x4d: {  	[tilespmem:s23+$0xE190] =	vst v2  }
0x4e: {  	[tilespmem:s23+$0xA1A0] =	vst v2  }
0x4f: {  	[tilespmem:s23+$0xE1A0] =	vst v2  }
0x50: {  	[tilespmem:s23+$0xA1B0] =	vst v2  }
0x51: {  	[tilespmem:s23+$0xE1B0] =	vst v2  }
0x52: {  	[tilespmem:s23+$0xA1C0] =	vst v2  }
0x53: {  	[tilespmem:s23+$0xE1C0] =	vst v2  }
0x54: {  	[tilespmem:s23+$0xA1D0] =	vst v2  }
0x55: {  	[tilespmem:s23+$0xE1D0] =	vst v2  }
0x56: {  	[tilespmem:s23+$0xA1E0] =	vst v2  }
0x57: {  	[tilespmem:s23+$0xE1E0] =	vst v2  }
0x58: {  	[tilespmem:s23+$0xA1F0] =	vst v2  }
0x59: {  	[spmem:s22] =	stream.linear.scatter [tilespmem:s8], [sflag:$0x2], $0x2000, $0x38;
	[tilespmem:$0x1C7C0] =	vst v63  }
0x5a: {  	_ =	swait.ge [sflag:s6], $0x2000  }
0x5b: {  	[sflag:s6] =	ssyncset.done $0x0  }
0x5c: {  	[sflag:s6] =	ssyncadd.s32 $0xFFFFE000  }
0x5d: {  	[spmem:s14] =	stream.linear.scatter [tilespmem:s8], [sflag:$0x2], $0x2000, $0x38;
	[tilespmem:$0x1C7C0] =	vst v63  }
0x5e: {  	_ =	swait.ge [sflag:s6], $0x2000  }
0x5f: {  	[sflag:s6] =	ssyncset.done $0x0  }
0x60: {  	[sflag:s6] =	ssyncadd.s32 $0xFFFFE000  }
0x61: {  	[spmem:s0] =	stream.linear.scatter [tilespmem:s8], [sflag:$0x2], $0x2000, $0x38;
	[tilespmem:$0x1C7C0] =	vst v63  }
0x62: {  	_ =	swait.ge [sflag:s6], $0x2000  }
0x63: {  	[sflag:s6] =	ssyncset.done $0x0  }
0x64: {  	[sflag:s6] =	ssyncadd.s32 $0xFFFFE000  }
0x65: {  	[spmem:s2] =	stream.linear.scatter [tilespmem:s8], [sflag:$0x2], $0x2000, $0x38;
	[tilespmem:$0x1C7C0] =	vst v63  }
0x66: {  	_ =	swait.ge [sflag:s6], $0x2000  }
0x67: {  	[sflag:s6] =	ssyncset.done $0x0  }
0x68: {  	[sflag:s6] =	ssyncadd.s32 $0xFFFFE000  }
0x69: {  	[spmem:s3] =	stream.linear.scatter [tilespmem:s8], [sflag:$0x2], $0x2000, $0x38;
	[tilespmem:$0x1C7C0] =	vst v63  }
0x6a: {  	_ =	swait.ge [sflag:s6], $0x2000  }
0x6b: {  	[sflag:s6] =	ssyncset.done $0x0  }
0x6c: {  	s23 =	simm.s32 @!p0 $0xE180;
	s24 =	rddreg [dreg:$0x12];
	[sflag:s6] =	ssyncadd.s32 $0xFFFFE000  }
0x6d: {  	[spmem:s24] =	stream.linear.scatter @!p0 [tilespmem:s23], [sflag:$0x2], $0x800, $0x38;
	[tilespmem:$0x1C7C0] =	vst v63  }
0x6e: {  	s23 =	simm.s32 @!p0 $0x2  }
0x6f: {  	_ =	swait.ge @!p0 [sflag:s23], $0x800  }
0x70: {  	[sflag:s23] =	ssyncset.done @!p0 $0x0  }
0x71: {  	[sflag:s23] =	ssyncadd.s32 @!p0 $0xFFFFF800  }
0x72: {  	s25 =	simm.s32 $0x0;
	s24 =	simm.s32 $0x0;
	[bflag:$0x0] =	sbarrier.arrive $0xFFFF  }
.LBB2_4:
0x73: {  	s23 =	sshll.u32 s25, $0x7  }
0x74: {  	s23 =	sadd.s32 s31, s23  }
0x75: {  	s23 =	sshrl.u32 s23, $0x3  }
0x76: {  	s26 =	sadd.s32 s19, s23  }
0x77: {  	[tilespmem:s9], [sflag:$0x2] =	stream.linear.gather [hbm4b:s26+s24], $0x80, $0x38;
	[tilespmem:$0x1C7C0] =	vst v63  }
0x78: {  	_ =	swait.ge [sflag:s6], $0x80  }
0x79: {  	[sflag:s6] =	ssyncset.done $0x0  }
0x7a: {  	s23 =	sadd.s32 s20, s23;
	[sflag:s6] =	ssyncadd.s32 $0xFFFFFF80  }
0x7b: {  	[tilespmem:s10], [sflag:$0x2] =	stream.linear.gather [hbm4b:s23+s24], $0x80, $0x38;
	[tilespmem:$0x1C7C0] =	vst v63  }
0x7c: {  	_ =	swait.ge [sflag:s6], $0x80  }
0x7d: {  	[sflag:s6] =	ssyncset.done $0x0  }
0x7e: {  	[sflag:s6] =	ssyncadd.s32 $0xFFFFFF80  }
0x7f: {  	v18 =	vld [tilespmem:$0xA000]  }
0x80: {  	v19 =	vld [tilespmem:$0xA010]  }
0x81: {  	v20 =	vld [tilespmem:$0xA020]  }
0x82: {  	v21 =	vld [tilespmem:$0xA030]  }
0x83: {  	v22 =	vld [tilespmem:$0xA040]  }
0x84: {  	v23 =	vld [tilespmem:$0xA050];
	v18 =	vadd.s32 v1, v18  }
0x85: {  	[tilespmem:$0xA000] =	vst v18;
	v18 =	vadd.s32 v1, v19;
	v19 =	vld [tilespmem:$0xA060]  }
0x86: {  	[tilespmem:$0xA010] =	vst v18;
	v18 =	vadd.s32 v1, v20;
	v20 =	vld [tilespmem:$0xA070]  }
0x87: {  	[tilespmem:$0xA020] =	vst v18;
	v18 =	vadd.s32 v1, v21  }
0x88: {  	[tilespmem:$0xA030] =	vst v18;
	v18 =	vadd.s32 v1, v22  }
0x89: {  	[tilespmem:$0xA040] =	vst v18;
	v18 =	vadd.s32 v1, v23  }
0x8a: {  	[tilespmem:$0xA050] =	vst v18;
	v18 =	vadd.s32 v1, v19  }
0x8b: {  	[tilespmem:$0xA060] =	vst v18;
	v18 =	vadd.s32 v1, v20  }
0x8c: {  	[tilespmem:$0xA070] =	vst v18  }
0x8d: {  	[tilespmem:s8], [sflag:$0x1] =	stream.indirect.gather [hbm4b:s21+s4], $0x80, s9, s4, $0xb8;
	[tilespmem:$0x1C7C0] =	vst v63  }
0x8e: {  	v18 =	vld [tilespmem:$0xA000];
	_ =	sdelay $0x2  }
0x8f: {  	v20 =	vld [tilespmem:$0xA080];
	_ =	sdelay $0x1  }
0x90: {  	v19 =	vsub.s32 v18, v1  }
0x91: {  	v18 =	vand.u32 $0x7F, v18;
	v19 =	vand.u32 $0xFFFFFF80, v19  }
0x92: {  	v18 =	vor.u32 v18, v19;
	_ =	sdelay $0x3  }
0x93: {  	v21 =	vld.idx.msk [tilespmem:v20+s7+$0x0], $0xffff  }
0x94: {  	v19 =	vld.idx.msk [tilespmem:v18+s24+$0x0], $0xffff;
	_ =	sdelay $0x4  }
0x95: {  	v19 =	vadd.f32 v21, v19;
	_ =	sdelay $0x1  }
0x96: {  	v21 =	vmul.f32 $2.000000030e-01, v19  }
0x97: {  	vm0 =	vgt.f32 v19, $0.0e+00  }
0x98: {  	v19 =	vsel vm0, v19, v21  }
0x99: {  	v19 =	vmul.f32 $1.442695020e+00, v19;
	_ =	sdelay $0x1  }
0x9a: {  	(erf) = vpow2.f32 v19;
	_ =	sdelay $0x3  }
0x9b: {  	v19 =	vshll.u32 v20, $0x1  }
0x9c: {  	v19 =	vand.u32 $0x7E, v19  }
0x9d: {  	v21 =	vor.u32 v0, v19  }
0x9e: {  	v18 =	vadd.s32 $0x2800, v18  }
0x9f: {  	v22 =	vadd.s32 $0x2800, v20  }
0xa0: {  	v23 =	vpop (erf)  }
0xa1: {  	[tilespmem:$0x12180] =	vst v23  }
0xa2: {  	[tilespmem:v21+s11+$0x0] =	vst.idx.msk $0xffff, v23  }
0xa3: {  	v18 =	vld.idx.msk [tilespmem:v18+s24+$0x0], $0xffff  }
0xa4: {  	v21 =	vld.idx.msk [tilespmem:v22+s7+$0x0], $0xffff;
	_ =	sdelay $0x4  }
0xa5: {  	v18 =	vadd.f32 v21, v18;
	_ =	sdelay $0x1  }
0xa6: {  	v21 =	vmul.f32 $2.000000030e-01, v18  }
0xa7: {  	vm13 =	vgt.f32 v18, $0.0e+00  }
0xa8: {  	v18 =	vsel vm13, v18, v21  }
0xa9: {  	v18 =	vmul.f32 $1.442695020e+00, v18;
	_ =	sdelay $0x1  }
0xaa: {  	(erf) = vpow2.f32 v18;
	_ =	sdelay $0x5  }
0xab: {  	v18 =	vor.u32 v3, v19;
	_ =	sdelay $0x2  }
0xac: {  	v19 =	vpop (erf)  }
0xad: {  	[tilespmem:$0x12200] =	vst v19  }
0xae: {  	[tilespmem:v18+s11+$0x0] =	vst.idx.msk $0xffff, v19  }
0xaf: {  	v18 =	vld [tilespmem:$0xA010];
	_ =	sdelay $0x2  }
0xb0: {  	v21 =	vld [tilespmem:$0xA090];
	_ =	sdelay $0x1  }
0xb1: {  	v19 =	vsub.s32 v18, v1  }
0xb2: {  	v18 =	vand.u32 $0x7F, v18;
	v19 =	vand.u32 $0xFFFFFF80, v19  }
0xb3: {  	v18 =	vor.u32 v18, v19;
	_ =	sdelay $0x1  }
0xb4: {  	v19 =	vshrl.u32 v20, $0x6  }
0xb5: {  	[tilespmem:$0xA100] =	vst v19  }
0xb6: {  	v20 =	vld.idx.msk [tilespmem:v21+s7+$0x0], $0xffff  }
0xb7: {  	v19 =	vld.idx.msk [tilespmem:v18+s24+$0x0], $0xffff;
	_ =	sdelay $0x4  }
0xb8: {  	v19 =	vadd.f32 v20, v19;
	_ =	sdelay $0x1  }
0xb9: {  	v20 =	vmul.f32 $2.000000030e-01, v19  }
0xba: {  	vm14 =	vgt.f32 v19, $0.0e+00  }
0xbb: {  	v19 =	vsel vm14, v19, v20  }
0xbc: {  	v19 =	vmul.f32 $1.442695020e+00, v19;
	_ =	sdelay $0x1  }
0xbd: {  	(erf) = vpow2.f32 v19;
	_ =	sdelay $0x3  }
0xbe: {  	v19 =	vshll.u32 v21, $0x1  }
0xbf: {  	v19 =	vand.u32 $0x7E, v19  }
0xc0: {  	v20 =	vor.u32 v4, v19  }
0xc1: {  	v18 =	vadd.s32 $0x2800, v18  }
0xc2: {  	v22 =	vadd.s32 $0x2800, v21  }
0xc3: {  	v23 =	vpop (erf)  }
0xc4: {  	[tilespmem:$0x12190] =	vst v23  }
0xc5: {  	[tilespmem:v20+s11+$0x0] =	vst.idx.msk $0xffff, v23  }
0xc6: {  	v18 =	vld.idx.msk [tilespmem:v18+s24+$0x0], $0xffff  }
0xc7: {  	v20 =	vld.idx.msk [tilespmem:v22+s7+$0x0], $0xffff;
	_ =	sdelay $0x4  }
0xc8: {  	v18 =	vadd.f32 v20, v18;
	_ =	sdelay $0x1  }
0xc9: {  	v20 =	vmul.f32 $2.000000030e-01, v18  }
0xca: {  	vm15 =	vgt.f32 v18, $0.0e+00  }
0xcb: {  	v18 =	vsel vm15, v18, v20  }
0xcc: {  	v18 =	vmul.f32 $1.442695020e+00, v18;
	_ =	sdelay $0x1  }
0xcd: {  	(erf) = vpow2.f32 v18;
	_ =	sdelay $0x5  }
0xce: {  	v18 =	vor.u32 v5, v19;
	_ =	sdelay $0x2  }
0xcf: {  	v19 =	vpop (erf)  }
0xd0: {  	[tilespmem:$0x12210] =	vst v19  }
0xd1: {  	[tilespmem:v18+s11+$0x0] =	vst.idx.msk $0xffff, v19  }
0xd2: {  	v18 =	vld [tilespmem:$0xA020];
	_ =	sdelay $0x2  }
0xd3: {  	v20 =	vld [tilespmem:$0xA0A0];
	_ =	sdelay $0x1  }
0xd4: {  	v19 =	vsub.s32 v18, v1  }
0xd5: {  	v18 =	vand.u32 $0x7F, v18;
	v19 =	vand.u32 $0xFFFFFF80, v19  }
0xd6: {  	v18 =	vor.u32 v18, v19;
	_ =	sdelay $0x1  }
0xd7: {  	v19 =	vshrl.u32 v21, $0x6  }
0xd8: {  	[tilespmem:$0xA110] =	vst v19  }
0xd9: {  	v21 =	vld.idx.msk [tilespmem:v20+s7+$0x0], $0xffff  }
0xda: {  	v19 =	vld.idx.msk [tilespmem:v18+s24+$0x0], $0xffff;
	_ =	sdelay $0x4  }
0xdb: {  	v19 =	vadd.f32 v21, v19;
	_ =	sdelay $0x1  }
0xdc: {  	v21 =	vmul.f32 $2.000000030e-01, v19  }
0xdd: {  	vm4 =	vgt.f32 v19, $0.0e+00  }
0xde: {  	v19 =	vsel vm4, v19, v21  }
0xdf: {  	v19 =	vmul.f32 $1.442695020e+00, v19;
	_ =	sdelay $0x1  }
0xe0: {  	(erf) = vpow2.f32 v19;
	_ =	sdelay $0x3  }
0xe1: {  	v19 =	vshll.u32 v20, $0x1  }
0xe2: {  	v19 =	vand.u32 $0x7E, v19  }
0xe3: {  	v21 =	vor.u32 v6, v19  }
0xe4: {  	v18 =	vadd.s32 $0x2800, v18  }
0xe5: {  	v22 =	vadd.s32 $0x2800, v20  }
0xe6: {  	v23 =	vpop (erf)  }
0xe7: {  	[tilespmem:$0x121A0] =	vst v23  }
0xe8: {  	[tilespmem:v21+s11+$0x0] =	vst.idx.msk $0xffff, v23  }
0xe9: {  	v18 =	vld.idx.msk [tilespmem:v18+s24+$0x0], $0xffff  }
0xea: {  	v21 =	vld.idx.msk [tilespmem:v22+s7+$0x0], $0xffff;
	_ =	sdelay $0x4  }
0xeb: {  	v18 =	vadd.f32 v21, v18;
	_ =	sdelay $0x1  }
0xec: {  	v21 =	vmul.f32 $2.000000030e-01, v18  }
0xed: {  	vm5 =	vgt.f32 v18, $0.0e+00  }
0xee: {  	v18 =	vsel vm5, v18, v21  }
0xef: {  	v18 =	vmul.f32 $1.442695020e+00, v18;
	_ =	sdelay $0x1  }
0xf0: {  	(erf) = vpow2.f32 v18;
	_ =	sdelay $0x5  }
0xf1: {  	v18 =	vor.u32 v7, v19;
	_ =	sdelay $0x2  }
0xf2: {  	v19 =	vpop (erf)  }
0xf3: {  	[tilespmem:$0x12220] =	vst v19  }
0xf4: {  	[tilespmem:v18+s11+$0x0] =	vst.idx.msk $0xffff, v19  }
0xf5: {  	v18 =	vld [tilespmem:$0xA030];
	_ =	sdelay $0x2  }
0xf6: {  	v21 =	vld [tilespmem:$0xA0B0];
	_ =	sdelay $0x1  }
0xf7: {  	v19 =	vsub.s32 v18, v1  }
0xf8: {  	v18 =	vand.u32 $0x7F, v18;
	v19 =	vand.u32 $0xFFFFFF80, v19  }
0xf9: {  	v18 =	vor.u32 v18, v19;
	_ =	sdelay $0x1  }
0xfa: {  	v19 =	vshrl.u32 v20, $0x6  }
0xfb: {  	[tilespmem:$0xA120] =	vst v19  }
0xfc: {  	v20 =	vld.idx.msk [tilespmem:v21+s7+$0x0], $0xffff  }
0xfd: {  	v19 =	vld.idx.msk [tilespmem:v18+s24+$0x0], $0xffff;
	_ =	sdelay $0x4  }
0xfe: {  	v19 =	vadd.f32 v20, v19;
	_ =	sdelay $0x1  }
0xff: {  	v20 =	vmul.f32 $2.000000030e-01, v19  }
0x100: {  	vm6 =	vgt.f32 v19, $0.0e+00  }
0x101: {  	v19 =	vsel vm6, v19, v20  }
0x102: {  	v19 =	vmul.f32 $1.442695020e+00, v19;
	_ =	sdelay $0x1  }
0x103: {  	(erf) = vpow2.f32 v19;
	_ =	sdelay $0x3  }
0x104: {  	v19 =	vshll.u32 v21, $0x1  }
0x105: {  	v19 =	vand.u32 $0x7E, v19  }
0x106: {  	v20 =	vor.u32 v8, v19  }
0x107: {  	v18 =	vadd.s32 $0x2800, v18  }
0x108: {  	v22 =	vadd.s32 $0x2800, v21  }
0x109: {  	v23 =	vpop (erf)  }
0x10a: {  	[tilespmem:$0x121B0] =	vst v23  }
0x10b: {  	[tilespmem:v20+s11+$0x0] =	vst.idx.msk $0xffff, v23  }
0x10c: {  	v18 =	vld.idx.msk [tilespmem:v18+s24+$0x0], $0xffff  }
0x10d: {  	v20 =	vld.idx.msk [tilespmem:v22+s7+$0x0], $0xffff;
	_ =	sdelay $0x4  }
0x10e: {  	v18 =	vadd.f32 v20, v18;
	_ =	sdelay $0x1  }
0x10f: {  	v20 =	vmul.f32 $2.000000030e-01, v18  }
0x110: {  	vm7 =	vgt.f32 v18, $0.0e+00  }
0x111: {  	v18 =	vsel vm7, v18, v20  }
0x112: {  	v18 =	vmul.f32 $1.442695020e+00, v18;
	_ =	sdelay $0x1  }
0x113: {  	(erf) = vpow2.f32 v18;
	_ =	sdelay $0x5  }
0x114: {  	v18 =	vor.u32 v9, v19;
	_ =	sdelay $0x2  }
0x115: {  	v19 =	vpop (erf)  }
0x116: {  	[tilespmem:$0x12230] =	vst v19  }
0x117: {  	[tilespmem:v18+s11+$0x0] =	vst.idx.msk $0xffff, v19  }
0x118: {  	v18 =	vld [tilespmem:$0xA040];
	_ =	sdelay $0x2  }
0x119: {  	v20 =	vld [tilespmem:$0xA0C0];
	_ =	sdelay $0x1  }
0x11a: {  	v19 =	vsub.s32 v18, v1  }
0x11b: {  	v18 =	vand.u32 $0x7F, v18;
	v19 =	vand.u32 $0xFFFFFF80, v19  }
0x11c: {  	v18 =	vor.u32 v18, v19;
	_ =	sdelay $0x1  }
0x11d: {  	v19 =	vshrl.u32 v21, $0x6  }
0x11e: {  	[tilespmem:$0xA130] =	vst v19  }
0x11f: {  	v21 =	vld.idx.msk [tilespmem:v20+s7+$0x0], $0xffff  }
0x120: {  	v19 =	vld.idx.msk [tilespmem:v18+s24+$0x0], $0xffff;
	_ =	sdelay $0x4  }
0x121: {  	v19 =	vadd.f32 v21, v19;
	_ =	sdelay $0x1  }
0x122: {  	v21 =	vmul.f32 $2.000000030e-01, v19  }
0x123: {  	vm8 =	vgt.f32 v19, $0.0e+00  }
0x124: {  	v19 =	vsel vm8, v19, v21  }
0x125: {  	v19 =	vmul.f32 $1.442695020e+00, v19;
	_ =	sdelay $0x1  }
0x126: {  	(erf) = vpow2.f32 v19;
	_ =	sdelay $0x3  }
0x127: {  	v19 =	vshll.u32 v20, $0x1  }
0x128: {  	v19 =	vand.u32 $0x7E, v19  }
0x129: {  	v21 =	vor.u32 v10, v19  }
0x12a: {  	v18 =	vadd.s32 $0x2800, v18  }
0x12b: {  	v22 =	vadd.s32 $0x2800, v20  }
0x12c: {  	v23 =	vpop (erf)  }
0x12d: {  	[tilespmem:$0x121C0] =	vst v23  }
0x12e: {  	[tilespmem:v21+s11+$0x0] =	vst.idx.msk $0xffff, v23  }
0x12f: {  	v18 =	vld.idx.msk [tilespmem:v18+s24+$0x0], $0xffff  }
0x130: {  	v21 =	vld.idx.msk [tilespmem:v22+s7+$0x0], $0xffff;
	_ =	sdelay $0x4  }
0x131: {  	v18 =	vadd.f32 v21, v18;
	_ =	sdelay $0x1  }
0x132: {  	v21 =	vmul.f32 $2.000000030e-01, v18  }
0x133: {  	vm9 =	vgt.f32 v18, $0.0e+00  }
0x134: {  	v18 =	vsel vm9, v18, v21  }
0x135: {  	v18 =	vmul.f32 $1.442695020e+00, v18;
	_ =	sdelay $0x1  }
0x136: {  	(erf) = vpow2.f32 v18;
	_ =	sdelay $0x5  }
0x137: {  	v18 =	vor.u32 v11, v19;
	_ =	sdelay $0x2  }
0x138: {  	v19 =	vpop (erf)  }
0x139: {  	[tilespmem:$0x12240] =	vst v19  }
0x13a: {  	[tilespmem:v18+s11+$0x0] =	vst.idx.msk $0xffff, v19  }
0x13b: {  	v18 =	vld [tilespmem:$0xA050];
	_ =	sdelay $0x2  }
0x13c: {  	v21 =	vld [tilespmem:$0xA0D0];
	_ =	sdelay $0x1  }
0x13d: {  	v19 =	vsub.s32 v18, v1  }
0x13e: {  	v18 =	vand.u32 $0x7F, v18;
	v19 =	vand.u32 $0xFFFFFF80, v19  }
0x13f: {  	v18 =	vor.u32 v18, v19;
	_ =	sdelay $0x1  }
0x140: {  	v19 =	vshrl.u32 v20, $0x6  }
0x141: {  	[tilespmem:$0xA140] =	vst v19  }
0x142: {  	v20 =	vld.idx.msk [tilespmem:v21+s7+$0x0], $0xffff  }
0x143: {  	v19 =	vld.idx.msk [tilespmem:v18+s24+$0x0], $0xffff;
	_ =	sdelay $0x4  }
0x144: {  	v19 =	vadd.f32 v20, v19;
	_ =	sdelay $0x1  }
0x145: {  	v20 =	vmul.f32 $2.000000030e-01, v19  }
0x146: {  	vm10 =	vgt.f32 v19, $0.0e+00  }
0x147: {  	v19 =	vsel vm10, v19, v20  }
0x148: {  	v19 =	vmul.f32 $1.442695020e+00, v19;
	_ =	sdelay $0x1  }
0x149: {  	(erf) = vpow2.f32 v19;
	_ =	sdelay $0x3  }
0x14a: {  	v19 =	vshll.u32 v21, $0x1  }
0x14b: {  	v19 =	vand.u32 $0x7E, v19  }
0x14c: {  	v20 =	vor.u32 v12, v19  }
0x14d: {  	v18 =	vadd.s32 $0x2800, v18  }
0x14e: {  	v22 =	vadd.s32 $0x2800, v21  }
0x14f: {  	v23 =	vpop (erf)  }
0x150: {  	[tilespmem:$0x121D0] =	vst v23  }
0x151: {  	[tilespmem:v20+s11+$0x0] =	vst.idx.msk $0xffff, v23  }
0x152: {  	v18 =	vld.idx.msk [tilespmem:v18+s24+$0x0], $0xffff  }
0x153: {  	v20 =	vld.idx.msk [tilespmem:v22+s7+$0x0], $0xffff;
	_ =	sdelay $0x4  }
0x154: {  	v18 =	vadd.f32 v20, v18;
	_ =	sdelay $0x1  }
0x155: {  	v20 =	vmul.f32 $2.000000030e-01, v18  }
0x156: {  	vm11 =	vgt.f32 v18, $0.0e+00  }
0x157: {  	v18 =	vsel vm11, v18, v20  }
0x158: {  	v18 =	vmul.f32 $1.442695020e+00, v18;
	_ =	sdelay $0x1  }
0x159: {  	(erf) = vpow2.f32 v18;
	_ =	sdelay $0x5  }
0x15a: {  	v18 =	vor.u32 v13, v19;
	_ =	sdelay $0x2  }
0x15b: {  	v19 =	vpop (erf)  }
0x15c: {  	[tilespmem:$0x12250] =	vst v19  }
0x15d: {  	[tilespmem:v18+s11+$0x0] =	vst.idx.msk $0xffff, v19  }
0x15e: {  	v18 =	vld [tilespmem:$0xA060];
	_ =	sdelay $0x2  }
0x15f: {  	v20 =	vld [tilespmem:$0xA0E0];
	_ =	sdelay $0x1  }
0x160: {  	v19 =	vsub.s32 v18, v1  }
0x161: {  	v18 =	vand.u32 $0x7F, v18;
	v19 =	vand.u32 $0xFFFFFF80, v19  }
0x162: {  	v18 =	vor.u32 v18, v19;
	_ =	sdelay $0x1  }
0x163: {  	v19 =	vshrl.u32 v21, $0x6  }
0x164: {  	[tilespmem:$0xA150] =	vst v19  }
0x165: {  	v21 =	vld.idx.msk [tilespmem:v20+s7+$0x0], $0xffff  }
0x166: {  	v19 =	vld.idx.msk [tilespmem:v18+s24+$0x0], $0xffff;
	_ =	sdelay $0x4  }
0x167: {  	v19 =	vadd.f32 v21, v19;
	_ =	sdelay $0x1  }
0x168: {  	v21 =	vmul.f32 $2.000000030e-01, v19  }
0x169: {  	vm12 =	vgt.f32 v19, $0.0e+00  }
0x16a: {  	v19 =	vsel vm12, v19, v21  }
0x16b: {  	v19 =	vmul.f32 $1.442695020e+00, v19;
	_ =	sdelay $0x1  }
0x16c: {  	(erf) = vpow2.f32 v19;
	_ =	sdelay $0x3  }
0x16d: {  	v19 =	vshll.u32 v20, $0x1  }
0x16e: {  	v19 =	vand.u32 $0x7E, v19  }
0x16f: {  	v21 =	vor.u32 v14, v19  }
0x170: {  	v18 =	vadd.s32 $0x2800, v18  }
0x171: {  	v22 =	vadd.s32 $0x2800, v20  }
0x172: {  	v23 =	vpop (erf)  }
0x173: {  	[tilespmem:$0x121E0] =	vst v23  }
0x174: {  	[tilespmem:v21+s11+$0x0] =	vst.idx.msk $0xffff, v23  }
0x175: {  	v18 =	vld.idx.msk [tilespmem:v18+s24+$0x0], $0xffff  }
0x176: {  	v21 =	vld.idx.msk [tilespmem:v22+s7+$0x0], $0xffff;
	_ =	sdelay $0x4  }
0x177: {  	v18 =	vadd.f32 v21, v18;
	_ =	sdelay $0x1  }
0x178: {  	v21 =	vmul.f32 $2.000000030e-01, v18  }
0x179: {  	vm13 =	vgt.f32 v18, $0.0e+00  }
0x17a: {  	v18 =	vsel vm13, v18, v21  }
0x17b: {  	v18 =	vmul.f32 $1.442695020e+00, v18;
	_ =	sdelay $0x1  }
0x17c: {  	(erf) = vpow2.f32 v18;
	_ =	sdelay $0x5  }
0x17d: {  	v18 =	vor.u32 v15, v19;
	_ =	sdelay $0x2  }
0x17e: {  	v19 =	vpop (erf)  }
0x17f: {  	[tilespmem:$0x12260] =	vst v19  }
0x180: {  	[tilespmem:v18+s11+$0x0] =	vst.idx.msk $0xffff, v19  }
0x181: {  	v18 =	vld [tilespmem:$0xA070];
	_ =	sdelay $0x2  }
0x182: {  	v21 =	vld [tilespmem:$0xA0F0];
	_ =	sdelay $0x1  }
0x183: {  	v19 =	vsub.s32 v18, v1  }
0x184: {  	v18 =	vand.u32 $0x7F, v18;
	v19 =	vand.u32 $0xFFFFFF80, v19  }
0x185: {  	v18 =	vor.u32 v18, v19;
	_ =	sdelay $0x1  }
0x186: {  	v19 =	vshrl.u32 v20, $0x6  }
0x187: {  	[tilespmem:$0xA160] =	vst v19  }
0x188: {  	v20 =	vld.idx.msk [tilespmem:v21+s7+$0x0], $0xffff  }
0x189: {  	v19 =	vld.idx.msk [tilespmem:v18+s24+$0x0], $0xffff;
	_ =	sdelay $0x4  }
0x18a: {  	v19 =	vadd.f32 v20, v19;
	_ =	sdelay $0x1  }
0x18b: {  	v20 =	vmul.f32 $2.000000030e-01, v19  }
0x18c: {  	vm14 =	vgt.f32 v19, $0.0e+00  }
0x18d: {  	v19 =	vsel vm14, v19, v20  }
0x18e: {  	v19 =	vmul.f32 $1.442695020e+00, v19;
	_ =	sdelay $0x1  }
0x18f: {  	(erf) = vpow2.f32 v19;
	_ =	sdelay $0x3  }
0x190: {  	v19 =	vshll.u32 v21, $0x1  }
0x191: {  	v19 =	vand.u32 $0x7E, v19  }
0x192: {  	v20 =	vor.u32 v16, v19  }
0x193: {  	v18 =	vadd.s32 $0x2800, v18  }
0x194: {  	v22 =	vadd.s32 $0x2800, v21  }
0x195: {  	v23 =	vpop (erf)  }
0x196: {  	[tilespmem:$0x121F0] =	vst v23  }
0x197: {  	[tilespmem:v20+s11+$0x0] =	vst.idx.msk $0xffff, v23  }
0x198: {  	v18 =	vld.idx.msk [tilespmem:v18+s24+$0x0], $0xffff  }
0x199: {  	v20 =	vld.idx.msk [tilespmem:v22+s7+$0x0], $0xffff;
	_ =	sdelay $0x4  }
0x19a: {  	v18 =	vadd.f32 v20, v18;
	_ =	sdelay $0x1  }
0x19b: {  	v20 =	vmul.f32 $2.000000030e-01, v18  }
0x19c: {  	vm15 =	vgt.f32 v18, $0.0e+00  }
0x19d: {  	v18 =	vsel vm15, v18, v20  }
0x19e: {  	v18 =	vmul.f32 $1.442695020e+00, v18;
	_ =	sdelay $0x1  }
0x19f: {  	(erf) = vpow2.f32 v18;
	_ =	sdelay $0x5  }
0x1a0: {  	v18 =	vor.u32 v17, v19;
	_ =	sdelay $0x2  }
0x1a1: {  	v19 =	vpop (erf)  }
0x1a2: {  	[tilespmem:$0x12270] =	vst v19  }
0x1a3: {  	[tilespmem:v18+s11+$0x0] =	vst.idx.msk $0xffff, v19;
	v18 =	vshrl.u32 v21, $0x6  }
0x1a4: {  	[tilespmem:$0xA170] =	vst v18  }
0x1a5: {  	[spmem:s17] =	stream.indirect.scatter.add.f32 [tilespmem:s11], [sflag:$0x2], $0x80, s12, s4, $0xb8;
	[tilespmem:$0x1C7C0] =	vst v63  }
0x1a6: {  	_ =	swait.ge [sflag:s6], $0x4000  }
0x1a7: {  	[sflag:s6] =	ssyncset.done $0x0  }
0x1a8: {  	[sflag:s6] =	ssyncadd.s32 $0xFFFFC000  }
0x1a9: {  	v18 =	vld [tilespmem:$0xA080];
	_ =	sdelay $0x4  }
0x1aa: {  	v18 =	vshll.u32 v18, $0x1  }
0x1ab: {  	v18 =	vand.u32 $0x7E, v18  }
0x1ac: {  	v19 =	vor.u32 v0, v18  }
0x1ad: {  	v18 =	vor.u32 v3, v18;
	_ =	sdelay $0x3  }
0x1ae: {  	[tilespmem:v19+s11+$0x0] =	vst.idx.msk $0xffff, v2  }
0x1af: {  	[tilespmem:v18+s11+$0x0] =	vst.idx.msk $0xffff, v2  }
0x1b0: {  	v18 =	vld [tilespmem:$0xA090];
	_ =	sdelay $0x4  }
0x1b1: {  	v18 =	vshll.u32 v18, $0x1  }
0x1b2: {  	v18 =	vand.u32 $0x7E, v18  }
0x1b3: {  	v19 =	vor.u32 v4, v18  }
0x1b4: {  	v18 =	vor.u32 v5, v18;
	_ =	sdelay $0x3  }
0x1b5: {  	[tilespmem:v19+s11+$0x0] =	vst.idx.msk $0xffff, v2  }
0x1b6: {  	[tilespmem:v18+s11+$0x0] =	vst.idx.msk $0xffff, v2  }
0x1b7: {  	v18 =	vld [tilespmem:$0xA0A0];
	_ =	sdelay $0x4  }
0x1b8: {  	v18 =	vshll.u32 v18, $0x1  }
0x1b9: {  	v18 =	vand.u32 $0x7E, v18  }
0x1ba: {  	v19 =	vor.u32 v6, v18  }
0x1bb: {  	v18 =	vor.u32 v7, v18;
	_ =	sdelay $0x3  }
0x1bc: {  	[tilespmem:v19+s11+$0x0] =	vst.idx.msk $0xffff, v2  }
0x1bd: {  	[tilespmem:v18+s11+$0x0] =	vst.idx.msk $0xffff, v2  }
0x1be: {  	v18 =	vld [tilespmem:$0xA0B0];
	_ =	sdelay $0x4  }
0x1bf: {  	v18 =	vshll.u32 v18, $0x1  }
0x1c0: {  	v18 =	vand.u32 $0x7E, v18  }
0x1c1: {  	v19 =	vor.u32 v8, v18  }
0x1c2: {  	v18 =	vor.u32 v9, v18;
	_ =	sdelay $0x3  }
0x1c3: {  	[tilespmem:v19+s11+$0x0] =	vst.idx.msk $0xffff, v2  }
0x1c4: {  	[tilespmem:v18+s11+$0x0] =	vst.idx.msk $0xffff, v2  }
0x1c5: {  	v18 =	vld [tilespmem:$0xA0C0];
	_ =	sdelay $0x4  }
0x1c6: {  	v18 =	vshll.u32 v18, $0x1  }
0x1c7: {  	v18 =	vand.u32 $0x7E, v18  }
0x1c8: {  	v19 =	vor.u32 v10, v18  }
0x1c9: {  	v18 =	vor.u32 v11, v18;
	_ =	sdelay $0x3  }
0x1ca: {  	[tilespmem:v19+s11+$0x0] =	vst.idx.msk $0xffff, v2  }
0x1cb: {  	[tilespmem:v18+s11+$0x0] =	vst.idx.msk $0xffff, v2  }
0x1cc: {  	v18 =	vld [tilespmem:$0xA0D0];
	_ =	sdelay $0x4  }
0x1cd: {  	v18 =	vshll.u32 v18, $0x1  }
0x1ce: {  	v18 =	vand.u32 $0x7E, v18  }
0x1cf: {  	v19 =	vor.u32 v12, v18  }
0x1d0: {  	v18 =	vor.u32 v13, v18;
	_ =	sdelay $0x3  }
0x1d1: {  	[tilespmem:v19+s11+$0x0] =	vst.idx.msk $0xffff, v2  }
0x1d2: {  	[tilespmem:v18+s11+$0x0] =	vst.idx.msk $0xffff, v2  }
0x1d3: {  	v18 =	vld [tilespmem:$0xA0E0];
	_ =	sdelay $0x4  }
0x1d4: {  	v18 =	vshll.u32 v18, $0x1  }
0x1d5: {  	v18 =	vand.u32 $0x7E, v18  }
0x1d6: {  	v19 =	vor.u32 v14, v18  }
0x1d7: {  	v18 =	vor.u32 v15, v18;
	_ =	sdelay $0x3  }
0x1d8: {  	[tilespmem:v19+s11+$0x0] =	vst.idx.msk $0xffff, v2  }
0x1d9: {  	[tilespmem:v18+s11+$0x0] =	vst.idx.msk $0xffff, v2  }
0x1da: {  	v18 =	vld [tilespmem:$0xA0F0];
	_ =	sdelay $0x4  }
0x1db: {  	v18 =	vshll.u32 v18, $0x1  }
0x1dc: {  	v18 =	vand.u32 $0x7E, v18  }
0x1dd: {  	v19 =	vor.u32 v16, v18  }
0x1de: {  	v18 =	vor.u32 v17, v18;
	_ =	sdelay $0x3  }
0x1df: {  	[tilespmem:v19+s11+$0x0] =	vst.idx.msk $0xffff, v2  }
0x1e0: {  	[tilespmem:v18+s11+$0x0] =	vst.idx.msk $0xffff, v2  }
0x1e1: {  	v18 =	vld [tilespmem:$0xA080]  }
0x1e2: {  	v19 =	vld [tilespmem:$0xA090]  }
0x1e3: {  	v20 =	vld [tilespmem:$0xA0A0]  }
0x1e4: {  	v21 =	vld [tilespmem:$0xA0B0]  }
0x1e5: {  	v22 =	vld [tilespmem:$0xA0C0]  }
0x1e6: {  	v23 =	vld [tilespmem:$0xA0D0];
	v18 =	vmin.u32 v18, $0x1400  }
0x1e7: {  	[tilespmem:$0xA080] =	vst v18;
	v18 =	vmin.u32 v19, $0x1400;
	v19 =	vld [tilespmem:$0xA0E0]  }
0x1e8: {  	[tilespmem:$0xA090] =	vst v18;
	v18 =	vmin.u32 v20, $0x1400;
	v20 =	vld [tilespmem:$0xA0F0]  }
0x1e9: {  	[tilespmem:$0xA0A0] =	vst v18;
	v18 =	vmin.u32 v21, $0x1400  }
0x1ea: {  	[tilespmem:$0xA0B0] =	vst v18;
	v18 =	vmin.u32 v22, $0x1400  }
0x1eb: {  	[tilespmem:$0xA0C0] =	vst v18;
	v18 =	vmin.u32 v23, $0x1400  }
0x1ec: {  	[tilespmem:$0xA0D0] =	vst v18;
	v18 =	vmin.u32 v19, $0x1400  }
0x1ed: {  	[tilespmem:$0xA0E0] =	vst v18;
	v18 =	vmin.u32 v20, $0x1400  }
0x1ee: {  	[tilespmem:$0xA0F0] =	vst v18  }
0x1ef: {  	_ =	swait.ge [sflag:s13], $0x4000  }
0x1f0: {  	v18 =	vmov s24;
	[sflag:s13] =	ssyncset.done $0x0  }
0x1f1: {  	s23 =	simm.s32 $0xA1C0;
	v19 =	vor.u32 $0x80, v18;
	[sflag:s13] =	ssyncadd.s32 $0xFFFFC000  }
0x1f2: {  	v20 =	vld [tilespmem:s23+$0xFFFFFFF0]  }
0x1f3: {  	v21 =	vld [tilespmem:s23+$0xFFFFFFC0]  }
0x1f4: {  	v23 =	vld [tilespmem:s23+$0x0]  }
0x1f5: {  	v26 =	vld.idx.msk [tilespmem:v18+s16+$0x0], $0xffff  }
0x1f6: {  	v19 =	vld.idx.msk [tilespmem:v19+s16+$0x0], $0xffff  }
0x1f7: {  	v24 =	vld [tilespmem:s23+$0xFFFFFFE0]  }
0x1f8: {  	v22 =	vld [tilespmem:s23+$0xFFFFFFD0]  }
0x1f9: {  	v27 =	vld [tilespmem:s23+$0x20]  }
0x1fa: {  	v18 =	vld [tilespmem:s23+$0x30]  }
0x1fb: {  	v28 =	vmul.f32 v21, v26;
	v21 =	vmul.f32 v23, v19;
	v23 =	vld [tilespmem:s23+$0x10];
	_ =	sdelay $0x1  }
0x1fc: {  	v22 =	vmul.f32 v22, v26;
	v25 =	vmul.f32 v20, v26  }
0x1fd: {  	s28 =	simm.s32 $0xA1C0;
	s26 =	simm.s32 $0x1;
	v24 =	vmul.f32 v24, v26;
	v20 =	vmul.f32 v27, v19;
	[tilespmem:s23+$0xFFFFFFC0] =	vst v28  }
.LBB2_5:
0x1fe: {  	p1 =	sne.s32 s26, $0x7F  }
0x1ff: {  	[tilespmem:s23+$0xFFFFFFF0] =	vst v25;
	v23 =	vmul.f32 v23, v19;
	v18 =	vmul.f32 v18, v19;
	s28 =	sadd.s32 $0x80, s28;
	s29 =	smov.u32 s26;
	s26 =	sadd.s32 $0x1, s26  }
0x200: {  	[tilespmem:s23+$0xFFFFFFD0] =	vst v22  }
0x201: {  	v19 =	vmov s29;
	v25 =	vld [tilespmem:s28+$0xFFFFFFF0];
	[tilespmem:s23+$0xFFFFFFE0] =	vst v24  }
0x202: {  	v22 =	vor.u32 $0x80, v19;
	v24 =	vld [tilespmem:s28+$0xFFFFFFC0];
	[tilespmem:s23+$0x0] =	vst v21  }
0x203: {  	v26 =	vld [tilespmem:s28+$0xFFFFFFE0];
	[tilespmem:s23+$0x30] =	vst v18  }
0x204: {  	v18 =	vld [tilespmem:s28+$0x30];
	[tilespmem:s23+$0x10] =	vst v23  }
0x205: {  	v21 =	vld [tilespmem:s28+$0xFFFFFFD0];
	[tilespmem:s23+$0x20] =	vst v20;
	s23 =	smov.u32 s28  }
0x206: {  	v20 =	vld.idx.msk [tilespmem:v19+s16+$0x0], $0xffff  }
0x207: {  	v19 =	vld.idx.msk [tilespmem:v22+s16+$0x0], $0xffff  }
0x208: {  	v27 =	vld [tilespmem:s28+$0x0]  }
0x209: {  	v28 =	vld [tilespmem:s28+$0x20]  }
.Ltmp1:
0x20a: {  	v23 =	vld [tilespmem:s28+$0x10];
	(pc) =	sbr.rel @p1 .LBB2_5-.Ltmp1, $4  }
0x20b: {  	_ = 	snop  }
0x20c: {  	v24 =	vmul.f32 v24, v20;
	v22 =	vmul.f32 v21, v20  }
0x20d: {  	v25 =	vmul.f32 v25, v20;
	v21 =	vmul.f32 v27, v19  }
0x20e: {  	[tilespmem:s28+$0xFFFFFFC0] =	vst v24;
	v24 =	vmul.f32 v26, v20;
	v20 =	vmul.f32 v28, v19  }
0x20f: {  	[tilespmem:s23+$0xFFFFFFF0] =	vst v25  }
0x210: {  	[tilespmem:s23+$0xFFFFFFD0] =	vst v22  }
0x211: {  	[tilespmem:s23+$0x0] =	vst v21  }
0x212: {  	v18 =	vmul.f32 v18, v19;
	[tilespmem:s23+$0xFFFFFFE0] =	vst v24  }
0x213: {  	v19 =	vmul.f32 v23, v19;
	s25 =	sadd.s32 $0x1, s25;
	[tilespmem:s23+$0x20] =	vst v20  }
0x214: {  	p1 =	sne.s32 s25, $0xA2;
	[tilespmem:s23+$0x30] =	vst v18  }
.Ltmp2:
0x215: {  	[tilespmem:s23+$0x10] =	vst v19;
	(pc) =	sbr.rel @p1 .LBB2_4-.Ltmp2, $4  }
0x216: {  	[spmem:s15] =	stream.indirect.scatter.add.f32 [tilespmem:s8], [sflag:$0x2], $0x80, s10, s4, $0xb8;
	[tilespmem:$0x1C7C0] =	vst v63  }
0x217: {  	_ =	swait.ge [sflag:s6], $0x4000  }
0x218: {  	[sflag:s6] =	ssyncset.done $0x0  }
0x219: {  	[sflag:s6] =	ssyncadd.s32 $0xFFFFC000  }
0x21a: {  	[bflag:$0x0] =	sbarrier.arrive $0xFFFF  }
0x21b: {  	[tilespmem:s8], [sflag:$0x2] =	stream.linear.gather [spmem:s22], $0x2000, $0x38;
	[tilespmem:$0x1C7C0] =	vst v63  }
0x21c: {  	_ =	swait.ge [sflag:s6], $0x2000  }
0x21d: {  	[sflag:s6] =	ssyncset.done $0x0  }
0x21e: {  	s23 =	rddreg [dreg:$0x8];
	[sflag:s6] =	ssyncadd.s32 $0xFFFFE000  }
0x21f: {  	[hbm4b:s23+s1] =	stream.linear.scatter [tilespmem:s8], [sflag:$0x2], $0x2000, $0x38;
	[tilespmem:$0x1C7C0] =	vst v63  }
0x220: {  	_ =	swait.ge [sflag:s6], $0x2000  }
0x221: {  	[sflag:s6] =	ssyncset.done $0x0  }
0x222: {  	s28 =	rddreg [dreg:$0x15];
	[sflag:s6] =	ssyncadd.s32 $0xFFFFE000  }
0x223: {  	[tilespmem:s8], [sflag:$0x2] =	stream.linear.gather [spmem:s28], $0x2000, $0x38;
	[tilespmem:$0x1C7C0] =	vst v63  }
0x224: {  	_ =	swait.ge [sflag:s6], $0x2000  }
0x225: {  	[sflag:s6] =	ssyncset.done $0x0  }
0x226: {  	s29 =	rddreg [dreg:$0x9];
	[sflag:s6] =	ssyncadd.s32 $0xFFFFE000  }
0x227: {  	[hbm4b:s29+s1] =	stream.linear.scatter [tilespmem:s8], [sflag:$0x2], $0x2000, $0x38;
	[tilespmem:$0x1C7C0] =	vst v63  }
0x228: {  	_ =	swait.ge [sflag:s6], $0x2000  }
0x229: {  	[sflag:s6] =	ssyncset.done $0x0  }
0x22a: {  	s24 =	rddreg [dreg:$0x16];
	[sflag:s6] =	ssyncadd.s32 $0xFFFFE000  }
0x22b: {  	[tilespmem:s8], [sflag:$0x2] =	stream.linear.gather [spmem:s24], $0x2000, $0x38;
	[tilespmem:$0x1C7C0] =	vst v63  }
0x22c: {  	_ =	swait.ge [sflag:s6], $0x2000  }
0x22d: {  	[sflag:s6] =	ssyncset.done $0x0  }
0x22e: {  	s25 =	rddreg [dreg:$0xa];
	[sflag:s6] =	ssyncadd.s32 $0xFFFFE000  }
0x22f: {  	[hbm4b:s25+s1] =	stream.linear.scatter [tilespmem:s8], [sflag:$0x2], $0x2000, $0x38;
	[tilespmem:$0x1C7C0] =	vst v63  }
0x230: {  	_ =	swait.ge [sflag:s6], $0x2000  }
0x231: {  	[sflag:s6] =	ssyncset.done $0x0  }
0x232: {  	s26 =	rddreg [dreg:$0x17];
	[sflag:s6] =	ssyncadd.s32 $0xFFFFE000  }
0x233: {  	[tilespmem:s8], [sflag:$0x2] =	stream.linear.gather [spmem:s26], $0x2000, $0x38;
	[tilespmem:$0x1C7C0] =	vst v63  }
0x234: {  	_ =	swait.ge [sflag:s6], $0x2000  }
0x235: {  	[sflag:s6] =	ssyncset.done $0x0  }
0x236: {  	s28 =	rddreg [dreg:$0xb];
	[sflag:s6] =	ssyncadd.s32 $0xFFFFE000  }
0x237: {  	[hbm4b:s28+s1] =	stream.linear.scatter [tilespmem:s8], [sflag:$0x2], $0x2000, $0x38;
	[tilespmem:$0x1C7C0] =	vst v63  }
0x238: {  	_ =	swait.ge [sflag:s6], $0x2000  }
0x239: {  	[sflag:s6] =	ssyncset.done $0x0  }
0x23a: {  	[sflag:s6] =	ssyncadd.s32 $0xFFFFE000  }
0x23b: {  	[tilespmem:s8], [sflag:$0x2] =	stream.linear.gather [spmem:s30], $0x2000, $0x38;
	[tilespmem:$0x1C7C0] =	vst v63  }
0x23c: {  	_ =	swait.ge [sflag:s6], $0x2000  }
0x23d: {  	[sflag:s6] =	ssyncset.done $0x0  }
0x23e: {  	s29 =	rddreg [dreg:$0xc];
	[sflag:s6] =	ssyncadd.s32 $0xFFFFE000  }
0x23f: {  	[hbm4b:s29+s1] =	stream.linear.scatter [tilespmem:s8], [sflag:$0x2], $0x2000, $0x38;
	[tilespmem:$0x1C7C0] =	vst v63  }
0x240: {  	_ =	swait.ge [sflag:s6], $0x2000  }
0x241: {  	[sflag:s6] =	ssyncset.done $0x0  }
0x242: {  	s23 =	simm.s32 @!p0 $0xE180;
	s24 =	rddreg [dreg:$0x12];
	[sflag:s6] =	ssyncadd.s32 $0xFFFFE000  }
0x243: {  	[tilespmem:s23], [sflag:$0x2] =	stream.linear.gather @!p0 [spmem:s24], $0x800, $0x38;
	[tilespmem:$0x1C7C0] =	vst v63  }
0x244: {  	s24 =	simm.s32 @!p0 $0x2  }
0x245: {  	_ =	swait.ge @!p0 [sflag:s24], $0x800  }
0x246: {  	[sflag:s24] =	ssyncset.done @!p0 $0x0  }
0x247: {  	s25 =	simm.s32 @!p0 $0x0;
	s26 =	rddreg [dreg:$0x13];
	[sflag:s24] =	ssyncadd.s32 @!p0 $0xFFFFF800  }
0x248: {  	[hbm4b:s26+s25] =	stream.linear.scatter @!p0 [tilespmem:s23], [sflag:$0x2], $0x800, $0x38;
	[tilespmem:$0x1C7C0] =	vst v63  }
0x249: {  	_ =	swait.ge @!p0 [sflag:s24], $0x800  }
0x24a: {  	[sflag:s24] =	ssyncset.done @!p0 $0x0  }
0x24b: {  	[sflag:s24] =	ssyncadd.s32 @!p0 $0xFFFFF800  }
0x24c: {  	s23 =	simm.s32 $0x0;
	s24 =	simm.s32 $0x200;
	[bflag:$0x0] =	sbarrier.arrive $0xFFFF  }
.LBB2_8:
0x24d: {  	p1 =	sne.s32 s24, $0xFE00;
	[tilespmem:s23+$0xA1F0] =	vst v2  }
0x24e: {  	[tilespmem:s23+$0xA180] =	vst v2  }
0x24f: {  	[tilespmem:s23+$0xA190] =	vst v2  }
.Ltmp3:
0x250: {  	[tilespmem:s23+$0xA1A0] =	vst v2;
	(pc) =	sbr.rel @p1 .LBB2_8-.Ltmp3, $4  }
0x251: {  	[tilespmem:s23+$0xA1B0] =	vst v2  }
0x252: {  	[tilespmem:s23+$0xA1C0] =	vst v2  }
0x253: {  	[tilespmem:s23+$0xA1D0] =	vst v2  }
0x254: {  	[tilespmem:s23+$0xA1E0] =	vst v2;
	s23 =	sshra.s32 s24, $0x2;
	s24 =	sadd.s32 $0x200, s24  }
0x255: {  	[tilespmem:s23+$0xA1F0] =	vst v2  }
0x256: {  	[tilespmem:s23+$0xA180] =	vst v2  }
0x257: {  	[tilespmem:s23+$0xA190] =	vst v2  }
0x258: {  	[tilespmem:s23+$0xA1A0] =	vst v2  }
0x259: {  	[tilespmem:s23+$0xA1B0] =	vst v2  }
0x25a: {  	[tilespmem:s23+$0xA1C0] =	vst v2  }
0x25b: {  	[tilespmem:s23+$0xA1D0] =	vst v2  }
0x25c: {  	[tilespmem:s23+$0xA1E0] =	vst v2  }
0x25d: {  	[spmem:s22] =	stream.linear.scatter [tilespmem:s8], [sflag:$0x2], $0x2000, $0x38;
	[tilespmem:$0x1C7C0] =	vst v63  }
0x25e: {  	_ =	swait.ge [sflag:s6], $0x2000  }
0x25f: {  	[sflag:s6] =	ssyncset.done $0x0  }
0x260: {  	[sflag:s6] =	ssyncadd.s32 $0xFFFFE000  }
0x261: {  	[spmem:s14] =	stream.linear.scatter [tilespmem:s8], [sflag:$0x2], $0x2000, $0x38;
	[tilespmem:$0x1C7C0] =	vst v63  }
0x262: {  	_ =	swait.ge [sflag:s6], $0x2000  }
0x263: {  	[sflag:s6] =	ssyncset.done $0x0  }
0x264: {  	[sflag:s6] =	ssyncadd.s32 $0xFFFFE000  }
0x265: {  	[spmem:s0] =	stream.linear.scatter [tilespmem:s8], [sflag:$0x2], $0x2000, $0x38;
	[tilespmem:$0x1C7C0] =	vst v63  }
0x266: {  	_ =	swait.ge [sflag:s6], $0x2000  }
0x267: {  	[sflag:s6] =	ssyncset.done $0x0  }
0x268: {  	[sflag:s6] =	ssyncadd.s32 $0xFFFFE000  }
0x269: {  	[spmem:s2] =	stream.linear.scatter [tilespmem:s8], [sflag:$0x2], $0x2000, $0x38;
	[tilespmem:$0x1C7C0] =	vst v63  }
0x26a: {  	_ =	swait.ge [sflag:s6], $0x2000  }
0x26b: {  	[sflag:s6] =	ssyncset.done $0x0  }
0x26c: {  	[sflag:s6] =	ssyncadd.s32 $0xFFFFE000  }
0x26d: {  	[spmem:s3] =	stream.linear.scatter [tilespmem:s8], [sflag:$0x2], $0x2000, $0x38;
	[tilespmem:$0x1C7C0] =	vst v63  }
0x26e: {  	_ =	swait.ge [sflag:s6], $0x2000  }
0x26f: {  	[sflag:s6] =	ssyncset.done $0x0  }
0x270: {  	[sflag:s6] =	ssyncadd.s32 $0xFFFFE000  }
0x271: {  	s24 =	simm.s32 $0x0;
	s25 =	simm.s32 $0x0;
	[bflag:$0x0] =	sbarrier.arrive $0xFFFF  }
.LBB2_10:
0x272: {  	s23 =	sshll.u32 s25, $0x7  }
0x273: {  	s23 =	sadd.s32 s31, s23  }
0x274: {  	s23 =	sshrl.u32 s23, $0x3  }
0x275: {  	s26 =	sadd.s32 s19, s23  }
0x276: {  	[tilespmem:s9], [sflag:$0x2] =	stream.linear.gather [hbm4b:s26+s24], $0x80, $0x38;
	[tilespmem:$0x1C7C0] =	vst v63  }
0x277: {  	_ =	swait.ge [sflag:s6], $0x80  }
0x278: {  	[sflag:s6] =	ssyncset.done $0x0  }
0x279: {  	s23 =	sadd.s32 s20, s23;
	[sflag:s6] =	ssyncadd.s32 $0xFFFFFF80  }
0x27a: {  	[tilespmem:s10], [sflag:$0x2] =	stream.linear.gather [hbm4b:s23+s24], $0x80, $0x38;
	[tilespmem:$0x1C7C0] =	vst v63  }
0x27b: {  	_ =	swait.ge [sflag:s6], $0x80  }
0x27c: {  	[sflag:s6] =	ssyncset.done $0x0  }
0x27d: {  	[sflag:s6] =	ssyncadd.s32 $0xFFFFFF80  }
0x27e: {  	v18 =	vld [tilespmem:$0xA000]  }
0x27f: {  	v19 =	vld [tilespmem:$0xA010]  }
0x280: {  	v20 =	vld [tilespmem:$0xA020]  }
0x281: {  	v21 =	vld [tilespmem:$0xA030]  }
0x282: {  	v22 =	vld [tilespmem:$0xA040]  }
0x283: {  	v23 =	vld [tilespmem:$0xA050];
	v18 =	vadd.s32 v1, v18  }
0x284: {  	[tilespmem:$0xA000] =	vst v18;
	v18 =	vadd.s32 v1, v19;
	v19 =	vld [tilespmem:$0xA060]  }
0x285: {  	[tilespmem:$0xA010] =	vst v18;
	v18 =	vadd.s32 v1, v20;
	v20 =	vld [tilespmem:$0xA070]  }
0x286: {  	[tilespmem:$0xA020] =	vst v18;
	v18 =	vadd.s32 v1, v21  }
0x287: {  	[tilespmem:$0xA030] =	vst v18;
	v18 =	vadd.s32 v1, v22  }
0x288: {  	[tilespmem:$0xA040] =	vst v18;
	v18 =	vadd.s32 v1, v23  }
0x289: {  	[tilespmem:$0xA050] =	vst v18;
	v18 =	vadd.s32 v1, v19  }
0x28a: {  	[tilespmem:$0xA060] =	vst v18;
	v18 =	vadd.s32 v1, v20  }
0x28b: {  	[tilespmem:$0xA070] =	vst v18  }
0x28c: {  	[tilespmem:s8], [sflag:$0x1] =	stream.indirect.gather [hbm4b:s21+s4], $0x80, s9, s4, $0xb8;
	[tilespmem:$0x1C7C0] =	vst v63  }
0x28d: {  	v18 =	vld [tilespmem:$0xA000];
	_ =	sdelay $0x2  }
0x28e: {  	v20 =	vld [tilespmem:$0xA080];
	_ =	sdelay $0x1  }
0x28f: {  	v19 =	vsub.s32 v18, v1  }
0x290: {  	v18 =	vand.u32 $0x7F, v18;
	v19 =	vand.u32 $0xFFFFFF80, v19  }
0x291: {  	v18 =	vor.u32 v18, v19;
	_ =	sdelay $0x3  }
0x292: {  	v21 =	vld.idx.msk [tilespmem:v20+s7+$0x0], $0xffff  }
0x293: {  	v19 =	vld.idx.msk [tilespmem:v18+s24+$0x0], $0xffff;
	_ =	sdelay $0x4  }
0x294: {  	v19 =	vadd.f32 v21, v19;
	_ =	sdelay $0x1  }
0x295: {  	v21 =	vmul.f32 $2.000000030e-01, v19  }
0x296: {  	vm0 =	vgt.f32 v19, $0.0e+00  }
0x297: {  	v19 =	vsel vm0, v19, v21  }
0x298: {  	v19 =	vmul.f32 $1.442695020e+00, v19;
	_ =	sdelay $0x1  }
0x299: {  	(erf) = vpow2.f32 v19;
	_ =	sdelay $0x5  }
0x29a: {  	v18 =	vadd.s32 $0x2800, v18  }
0x29b: {  	v19 =	vadd.s32 $0x2800, v20;
	_ =	sdelay $0x1  }
0x29c: {  	v20 =	vpop (erf)  }
0x29d: {  	[tilespmem:$0x12180] =	vst v20  }
0x29e: {  	v18 =	vld.idx.msk [tilespmem:v18+s24+$0x0], $0xffff  }
0x29f: {  	v19 =	vld.idx.msk [tilespmem:v19+s7+$0x0], $0xffff;
	_ =	sdelay $0x4  }
0x2a0: {  	v18 =	vadd.f32 v19, v18;
	_ =	sdelay $0x1  }
0x2a1: {  	v19 =	vmul.f32 $2.000000030e-01, v18  }
0x2a2: {  	vm13 =	vgt.f32 v18, $0.0e+00  }
0x2a3: {  	v18 =	vsel vm13, v18, v19  }
0x2a4: {  	v18 =	vmul.f32 $1.442695020e+00, v18  }
0x2a5: {  	v19 =	vld [tilespmem:$0xA010]  }
0x2a6: {  	(erf) = vpow2.f32 v18;
	_ =	sdelay $0x3  }
0x2a7: {  	v20 =	vld [tilespmem:$0xA090];
	v18 =	vsub.s32 v19, v1  }
0x2a8: {  	v19 =	vand.u32 $0x7F, v19;
	v18 =	vand.u32 $0xFFFFFF80, v18  }
0x2a9: {  	v18 =	vor.u32 v19, v18;
	_ =	sdelay $0x2  }
0x2aa: {  	v19 =	vpop (erf)  }
0x2ab: {  	[tilespmem:$0x12200] =	vst v19  }
0x2ac: {  	v19 =	vld.idx.msk [tilespmem:v18+s24+$0x0], $0xffff  }
0x2ad: {  	v21 =	vld.idx.msk [tilespmem:v20+s7+$0x0], $0xffff;
	_ =	sdelay $0x4  }
0x2ae: {  	v19 =	vadd.f32 v21, v19;
	_ =	sdelay $0x1  }
0x2af: {  	v21 =	vmul.f32 $2.000000030e-01, v19  }
0x2b0: {  	vm14 =	vgt.f32 v19, $0.0e+00  }
0x2b1: {  	v19 =	vsel vm14, v19, v21  }
0x2b2: {  	v19 =	vmul.f32 $1.442695020e+00, v19;
	_ =	sdelay $0x1  }
0x2b3: {  	(erf) = vpow2.f32 v19;
	_ =	sdelay $0x5  }
0x2b4: {  	v18 =	vadd.s32 $0x2800, v18  }
0x2b5: {  	v19 =	vadd.s32 $0x2800, v20;
	_ =	sdelay $0x1  }
0x2b6: {  	v20 =	vpop (erf)  }
0x2b7: {  	[tilespmem:$0x12190] =	vst v20  }
0x2b8: {  	v18 =	vld.idx.msk [tilespmem:v18+s24+$0x0], $0xffff  }
0x2b9: {  	v19 =	vld.idx.msk [tilespmem:v19+s7+$0x0], $0xffff;
	_ =	sdelay $0x4  }
0x2ba: {  	v18 =	vadd.f32 v19, v18;
	_ =	sdelay $0x1  }
0x2bb: {  	v19 =	vmul.f32 $2.000000030e-01, v18  }
0x2bc: {  	vm15 =	vgt.f32 v18, $0.0e+00  }
0x2bd: {  	v18 =	vsel vm15, v18, v19  }
0x2be: {  	v18 =	vmul.f32 $1.442695020e+00, v18  }
0x2bf: {  	v19 =	vld [tilespmem:$0xA020]  }
0x2c0: {  	(erf) = vpow2.f32 v18;
	_ =	sdelay $0x3  }
0x2c1: {  	v20 =	vld [tilespmem:$0xA0A0];
	v18 =	vsub.s32 v19, v1  }
0x2c2: {  	v19 =	vand.u32 $0x7F, v19;
	v18 =	vand.u32 $0xFFFFFF80, v18  }
0x2c3: {  	v18 =	vor.u32 v19, v18;
	_ =	sdelay $0x2  }
0x2c4: {  	v19 =	vpop (erf)  }
0x2c5: {  	[tilespmem:$0x12210] =	vst v19  }
0x2c6: {  	v19 =	vld.idx.msk [tilespmem:v18+s24+$0x0], $0xffff  }
0x2c7: {  	v21 =	vld.idx.msk [tilespmem:v20+s7+$0x0], $0xffff;
	_ =	sdelay $0x4  }
0x2c8: {  	v19 =	vadd.f32 v21, v19;
	_ =	sdelay $0x1  }
0x2c9: {  	v21 =	vmul.f32 $2.000000030e-01, v19  }
0x2ca: {  	vm4 =	vgt.f32 v19, $0.0e+00  }
0x2cb: {  	v19 =	vsel vm4, v19, v21  }
0x2cc: {  	v19 =	vmul.f32 $1.442695020e+00, v19;
	_ =	sdelay $0x1  }
0x2cd: {  	(erf) = vpow2.f32 v19;
	_ =	sdelay $0x5  }
0x2ce: {  	v18 =	vadd.s32 $0x2800, v18  }
0x2cf: {  	v19 =	vadd.s32 $0x2800, v20;
	_ =	sdelay $0x1  }
0x2d0: {  	v20 =	vpop (erf)  }
0x2d1: {  	[tilespmem:$0x121A0] =	vst v20  }
0x2d2: {  	v18 =	vld.idx.msk [tilespmem:v18+s24+$0x0], $0xffff  }
0x2d3: {  	v19 =	vld.idx.msk [tilespmem:v19+s7+$0x0], $0xffff;
	_ =	sdelay $0x4  }
0x2d4: {  	v18 =	vadd.f32 v19, v18;
	_ =	sdelay $0x1  }
0x2d5: {  	v19 =	vmul.f32 $2.000000030e-01, v18  }
0x2d6: {  	vm5 =	vgt.f32 v18, $0.0e+00  }
0x2d7: {  	v18 =	vsel vm5, v18, v19  }
0x2d8: {  	v18 =	vmul.f32 $1.442695020e+00, v18  }
0x2d9: {  	v19 =	vld [tilespmem:$0xA030]  }
0x2da: {  	(erf) = vpow2.f32 v18;
	_ =	sdelay $0x3  }
0x2db: {  	v20 =	vld [tilespmem:$0xA0B0];
	v18 =	vsub.s32 v19, v1  }
0x2dc: {  	v19 =	vand.u32 $0x7F, v19;
	v18 =	vand.u32 $0xFFFFFF80, v18  }
0x2dd: {  	v18 =	vor.u32 v19, v18;
	_ =	sdelay $0x2  }
0x2de: {  	v19 =	vpop (erf)  }
0x2df: {  	[tilespmem:$0x12220] =	vst v19  }
0x2e0: {  	v19 =	vld.idx.msk [tilespmem:v18+s24+$0x0], $0xffff  }
0x2e1: {  	v21 =	vld.idx.msk [tilespmem:v20+s7+$0x0], $0xffff;
	_ =	sdelay $0x4  }
0x2e2: {  	v19 =	vadd.f32 v21, v19;
	_ =	sdelay $0x1  }
0x2e3: {  	v21 =	vmul.f32 $2.000000030e-01, v19  }
0x2e4: {  	vm6 =	vgt.f32 v19, $0.0e+00  }
0x2e5: {  	v19 =	vsel vm6, v19, v21  }
0x2e6: {  	v19 =	vmul.f32 $1.442695020e+00, v19;
	_ =	sdelay $0x1  }
0x2e7: {  	(erf) = vpow2.f32 v19;
	_ =	sdelay $0x5  }
0x2e8: {  	v18 =	vadd.s32 $0x2800, v18  }
0x2e9: {  	v19 =	vadd.s32 $0x2800, v20;
	_ =	sdelay $0x1  }
0x2ea: {  	v20 =	vpop (erf)  }
0x2eb: {  	[tilespmem:$0x121B0] =	vst v20  }
0x2ec: {  	v18 =	vld.idx.msk [tilespmem:v18+s24+$0x0], $0xffff  }
0x2ed: {  	v19 =	vld.idx.msk [tilespmem:v19+s7+$0x0], $0xffff;
	_ =	sdelay $0x4  }
0x2ee: {  	v18 =	vadd.f32 v19, v18;
	_ =	sdelay $0x1  }
0x2ef: {  	v19 =	vmul.f32 $2.000000030e-01, v18  }
0x2f0: {  	vm7 =	vgt.f32 v18, $0.0e+00  }
0x2f1: {  	v18 =	vsel vm7, v18, v19  }
0x2f2: {  	v18 =	vmul.f32 $1.442695020e+00, v18  }
0x2f3: {  	v19 =	vld [tilespmem:$0xA040]  }
0x2f4: {  	(erf) = vpow2.f32 v18;
	_ =	sdelay $0x3  }
0x2f5: {  	v20 =	vld [tilespmem:$0xA0C0];
	v18 =	vsub.s32 v19, v1  }
0x2f6: {  	v19 =	vand.u32 $0x7F, v19;
	v18 =	vand.u32 $0xFFFFFF80, v18  }
0x2f7: {  	v18 =	vor.u32 v19, v18;
	_ =	sdelay $0x2  }
0x2f8: {  	v19 =	vpop (erf)  }
0x2f9: {  	[tilespmem:$0x12230] =	vst v19  }
0x2fa: {  	v19 =	vld.idx.msk [tilespmem:v18+s24+$0x0], $0xffff  }
0x2fb: {  	v21 =	vld.idx.msk [tilespmem:v20+s7+$0x0], $0xffff;
	_ =	sdelay $0x4  }
0x2fc: {  	v19 =	vadd.f32 v21, v19;
	_ =	sdelay $0x1  }
0x2fd: {  	v21 =	vmul.f32 $2.000000030e-01, v19  }
0x2fe: {  	vm8 =	vgt.f32 v19, $0.0e+00  }
0x2ff: {  	v19 =	vsel vm8, v19, v21  }
0x300: {  	v19 =	vmul.f32 $1.442695020e+00, v19;
	_ =	sdelay $0x1  }
0x301: {  	(erf) = vpow2.f32 v19;
	_ =	sdelay $0x5  }
0x302: {  	v18 =	vadd.s32 $0x2800, v18  }
0x303: {  	v19 =	vadd.s32 $0x2800, v20;
	_ =	sdelay $0x1  }
0x304: {  	v20 =	vpop (erf)  }
0x305: {  	[tilespmem:$0x121C0] =	vst v20  }
0x306: {  	v18 =	vld.idx.msk [tilespmem:v18+s24+$0x0], $0xffff  }
0x307: {  	v19 =	vld.idx.msk [tilespmem:v19+s7+$0x0], $0xffff;
	_ =	sdelay $0x4  }
0x308: {  	v18 =	vadd.f32 v19, v18;
	_ =	sdelay $0x1  }
0x309: {  	v19 =	vmul.f32 $2.000000030e-01, v18  }
0x30a: {  	vm9 =	vgt.f32 v18, $0.0e+00  }
0x30b: {  	v18 =	vsel vm9, v18, v19  }
0x30c: {  	v18 =	vmul.f32 $1.442695020e+00, v18  }
0x30d: {  	v19 =	vld [tilespmem:$0xA050]  }
0x30e: {  	(erf) = vpow2.f32 v18;
	_ =	sdelay $0x3  }
0x30f: {  	v20 =	vld [tilespmem:$0xA0D0];
	v18 =	vsub.s32 v19, v1  }
0x310: {  	v19 =	vand.u32 $0x7F, v19;
	v18 =	vand.u32 $0xFFFFFF80, v18  }
0x311: {  	v18 =	vor.u32 v19, v18;
	_ =	sdelay $0x2  }
0x312: {  	v19 =	vpop (erf)  }
0x313: {  	[tilespmem:$0x12240] =	vst v19  }
0x314: {  	v19 =	vld.idx.msk [tilespmem:v18+s24+$0x0], $0xffff  }
0x315: {  	v21 =	vld.idx.msk [tilespmem:v20+s7+$0x0], $0xffff;
	_ =	sdelay $0x4  }
0x316: {  	v19 =	vadd.f32 v21, v19;
	_ =	sdelay $0x1  }
0x317: {  	v21 =	vmul.f32 $2.000000030e-01, v19  }
0x318: {  	vm10 =	vgt.f32 v19, $0.0e+00  }
0x319: {  	v19 =	vsel vm10, v19, v21  }
0x31a: {  	v19 =	vmul.f32 $1.442695020e+00, v19;
	_ =	sdelay $0x1  }
0x31b: {  	(erf) = vpow2.f32 v19;
	_ =	sdelay $0x5  }
0x31c: {  	v18 =	vadd.s32 $0x2800, v18  }
0x31d: {  	v19 =	vadd.s32 $0x2800, v20;
	_ =	sdelay $0x1  }
0x31e: {  	v20 =	vpop (erf)  }
0x31f: {  	[tilespmem:$0x121D0] =	vst v20  }
0x320: {  	v18 =	vld.idx.msk [tilespmem:v18+s24+$0x0], $0xffff  }
0x321: {  	v19 =	vld.idx.msk [tilespmem:v19+s7+$0x0], $0xffff;
	_ =	sdelay $0x4  }
0x322: {  	v18 =	vadd.f32 v19, v18;
	_ =	sdelay $0x1  }
0x323: {  	v19 =	vmul.f32 $2.000000030e-01, v18  }
0x324: {  	vm11 =	vgt.f32 v18, $0.0e+00  }
0x325: {  	v18 =	vsel vm11, v18, v19  }
0x326: {  	v18 =	vmul.f32 $1.442695020e+00, v18  }
0x327: {  	v19 =	vld [tilespmem:$0xA060]  }
0x328: {  	(erf) = vpow2.f32 v18;
	_ =	sdelay $0x3  }
0x329: {  	v20 =	vld [tilespmem:$0xA0E0];
	v18 =	vsub.s32 v19, v1  }
0x32a: {  	v19 =	vand.u32 $0x7F, v19;
	v18 =	vand.u32 $0xFFFFFF80, v18  }
0x32b: {  	v18 =	vor.u32 v19, v18;
	_ =	sdelay $0x2  }
0x32c: {  	v19 =	vpop (erf)  }
0x32d: {  	[tilespmem:$0x12250] =	vst v19  }
0x32e: {  	v19 =	vld.idx.msk [tilespmem:v18+s24+$0x0], $0xffff  }
0x32f: {  	v21 =	vld.idx.msk [tilespmem:v20+s7+$0x0], $0xffff;
	_ =	sdelay $0x4  }
0x330: {  	v19 =	vadd.f32 v21, v19;
	_ =	sdelay $0x1  }
0x331: {  	v21 =	vmul.f32 $2.000000030e-01, v19  }
0x332: {  	vm12 =	vgt.f32 v19, $0.0e+00  }
0x333: {  	v19 =	vsel vm12, v19, v21  }
0x334: {  	v19 =	vmul.f32 $1.442695020e+00, v19;
	_ =	sdelay $0x1  }
0x335: {  	(erf) = vpow2.f32 v19;
	_ =	sdelay $0x5  }
0x336: {  	v18 =	vadd.s32 $0x2800, v18  }
0x337: {  	v19 =	vadd.s32 $0x2800, v20;
	_ =	sdelay $0x1  }
0x338: {  	v20 =	vpop (erf)  }
0x339: {  	[tilespmem:$0x121E0] =	vst v20  }
0x33a: {  	v18 =	vld.idx.msk [tilespmem:v18+s24+$0x0], $0xffff  }
0x33b: {  	v19 =	vld.idx.msk [tilespmem:v19+s7+$0x0], $0xffff;
	_ =	sdelay $0x4  }
0x33c: {  	v18 =	vadd.f32 v19, v18;
	_ =	sdelay $0x1  }
0x33d: {  	v19 =	vmul.f32 $2.000000030e-01, v18  }
0x33e: {  	vm13 =	vgt.f32 v18, $0.0e+00  }
0x33f: {  	v18 =	vsel vm13, v18, v19  }
0x340: {  	v18 =	vmul.f32 $1.442695020e+00, v18  }
0x341: {  	v19 =	vld [tilespmem:$0xA070]  }
0x342: {  	(erf) = vpow2.f32 v18;
	_ =	sdelay $0x3  }
0x343: {  	v20 =	vld [tilespmem:$0xA0F0];
	v18 =	vsub.s32 v19, v1  }
0x344: {  	v19 =	vand.u32 $0x7F, v19;
	v18 =	vand.u32 $0xFFFFFF80, v18  }
0x345: {  	v18 =	vor.u32 v19, v18;
	_ =	sdelay $0x2  }
0x346: {  	v19 =	vpop (erf)  }
0x347: {  	[tilespmem:$0x12260] =	vst v19  }
0x348: {  	v19 =	vld.idx.msk [tilespmem:v18+s24+$0x0], $0xffff  }
0x349: {  	v21 =	vld.idx.msk [tilespmem:v20+s7+$0x0], $0xffff;
	_ =	sdelay $0x4  }
0x34a: {  	v19 =	vadd.f32 v21, v19;
	_ =	sdelay $0x1  }
0x34b: {  	v21 =	vmul.f32 $2.000000030e-01, v19  }
0x34c: {  	vm14 =	vgt.f32 v19, $0.0e+00  }
0x34d: {  	v19 =	vsel vm14, v19, v21  }
0x34e: {  	v19 =	vmul.f32 $1.442695020e+00, v19;
	_ =	sdelay $0x1  }
0x34f: {  	(erf) = vpow2.f32 v19;
	_ =	sdelay $0x5  }
0x350: {  	v18 =	vadd.s32 $0x2800, v18  }
0x351: {  	v19 =	vadd.s32 $0x2800, v20;
	_ =	sdelay $0x1  }
0x352: {  	v20 =	vpop (erf)  }
0x353: {  	[tilespmem:$0x121F0] =	vst v20  }
0x354: {  	v18 =	vld.idx.msk [tilespmem:v18+s24+$0x0], $0xffff  }
0x355: {  	v19 =	vld.idx.msk [tilespmem:v19+s7+$0x0], $0xffff;
	_ =	sdelay $0x4  }
0x356: {  	v18 =	vadd.f32 v19, v18;
	_ =	sdelay $0x1  }
0x357: {  	v19 =	vmul.f32 $2.000000030e-01, v18  }
0x358: {  	vm15 =	vgt.f32 v18, $0.0e+00  }
0x359: {  	v18 =	vsel vm15, v18, v19  }
0x35a: {  	v18 =	vmul.f32 $1.442695020e+00, v18;
	_ =	sdelay $0x1  }
0x35b: {  	(erf) = vpow2.f32 v18;
	_ =	sdelay $0x3  }
0x35c: {  	v18 =	vld [tilespmem:$0xA080]  }
0x35d: {  	v19 =	vld [tilespmem:$0xA090]  }
0x35e: {  	v20 =	vld [tilespmem:$0xA0A0]  }
0x35f: {  	v21 =	vld [tilespmem:$0xA0B0]  }
0x360: {  	v22 =	vld [tilespmem:$0xA0C0]  }
0x361: {  	v24 =	vld [tilespmem:$0xA0D0];
	v18 =	vadd.s32 $0xFFFFEC00, v18;
	v23 =	vpop (erf)  }
0x362: {  	v19 =	vadd.s32 $0xFFFFEC00, v19;
	v18 =	vmin.u32 v18, $0x1400;
	[tilespmem:$0x12270] =	vst v23;
	v23 =	vld [tilespmem:$0xA0E0]  }
0x363: {  	[tilespmem:$0xA080] =	vst v18;
	v18 =	vmin.u32 v19, $0x1400;
	v19 =	vadd.s32 $0xFFFFEC00, v20;
	v20 =	vld [tilespmem:$0xA0F0]  }
0x364: {  	[tilespmem:$0xA090] =	vst v18;
	v18 =	vmin.u32 v19, $0x1400;
	v19 =	vadd.s32 $0xFFFFEC00, v21  }
0x365: {  	[tilespmem:$0xA0A0] =	vst v18;
	v18 =	vmin.u32 v19, $0x1400;
	v19 =	vadd.s32 $0xFFFFEC00, v22  }
0x366: {  	[tilespmem:$0xA0B0] =	vst v18;
	v18 =	vmin.u32 v19, $0x1400;
	v19 =	vadd.s32 $0xFFFFEC00, v24  }
0x367: {  	[tilespmem:$0xA0C0] =	vst v18;
	v18 =	vmin.u32 v19, $0x1400;
	v19 =	vadd.s32 $0xFFFFEC00, v23  }
0x368: {  	[tilespmem:$0xA0D0] =	vst v18;
	v18 =	vmin.u32 v19, $0x1400;
	v19 =	vadd.s32 $0xFFFFEC00, v20  }
0x369: {  	[tilespmem:$0xA0E0] =	vst v18;
	v18 =	vmin.u32 v19, $0x1400  }
0x36a: {  	[tilespmem:$0xA0F0] =	vst v18  }
0x36b: {  	_ =	swait.ge [sflag:s13], $0x4000  }
0x36c: {  	v18 =	vmov s24;
	[sflag:s13] =	ssyncset.done $0x0  }
0x36d: {  	s23 =	simm.s32 $0xA1C0;
	v19 =	vor.u32 $0x80, v18;
	[sflag:s13] =	ssyncadd.s32 $0xFFFFC000  }
0x36e: {  	v20 =	vld [tilespmem:s23+$0xFFFFFFF0]  }
0x36f: {  	v21 =	vld [tilespmem:s23+$0xFFFFFFC0]  }
0x370: {  	v23 =	vld [tilespmem:s23+$0x0]  }
0x371: {  	v26 =	vld.idx.msk [tilespmem:v18+s16+$0x0], $0xffff  }
0x372: {  	v19 =	vld.idx.msk [tilespmem:v19+s16+$0x0], $0xffff  }
0x373: {  	v24 =	vld [tilespmem:s23+$0xFFFFFFE0]  }
0x374: {  	v22 =	vld [tilespmem:s23+$0xFFFFFFD0]  }
0x375: {  	v27 =	vld [tilespmem:s23+$0x20]  }
0x376: {  	v18 =	vld [tilespmem:s23+$0x30]  }
0x377: {  	v28 =	vmul.f32 v21, v26;
	v21 =	vmul.f32 v23, v19;
	v23 =	vld [tilespmem:s23+$0x10];
	_ =	sdelay $0x1  }
0x378: {  	v22 =	vmul.f32 v22, v26;
	v25 =	vmul.f32 v20, v26  }
0x379: {  	s28 =	simm.s32 $0xA1C0;
	s26 =	simm.s32 $0x1;
	v24 =	vmul.f32 v24, v26;
	v20 =	vmul.f32 v27, v19;
	[tilespmem:s23+$0xFFFFFFC0] =	vst v28  }
.LBB2_11:
0x37a: {  	p1 =	sne.s32 s26, $0x7F  }
0x37b: {  	[tilespmem:s23+$0xFFFFFFF0] =	vst v25;
	v23 =	vmul.f32 v23, v19;
	v18 =	vmul.f32 v18, v19;
	s28 =	sadd.s32 $0x80, s28;
	s29 =	smov.u32 s26;
	s26 =	sadd.s32 $0x1, s26  }
0x37c: {  	[tilespmem:s23+$0xFFFFFFD0] =	vst v22  }
0x37d: {  	v19 =	vmov s29;
	v25 =	vld [tilespmem:s28+$0xFFFFFFF0];
	[tilespmem:s23+$0xFFFFFFE0] =	vst v24  }
0x37e: {  	v22 =	vor.u32 $0x80, v19;
	v24 =	vld [tilespmem:s28+$0xFFFFFFC0];
	[tilespmem:s23+$0x0] =	vst v21  }
0x37f: {  	v26 =	vld [tilespmem:s28+$0xFFFFFFE0];
	[tilespmem:s23+$0x30] =	vst v18  }
0x380: {  	v18 =	vld [tilespmem:s28+$0x30];
	[tilespmem:s23+$0x10] =	vst v23  }
0x381: {  	v21 =	vld [tilespmem:s28+$0xFFFFFFD0];
	[tilespmem:s23+$0x20] =	vst v20;
	s23 =	smov.u32 s28  }
0x382: {  	v20 =	vld.idx.msk [tilespmem:v19+s16+$0x0], $0xffff  }
0x383: {  	v19 =	vld.idx.msk [tilespmem:v22+s16+$0x0], $0xffff  }
0x384: {  	v27 =	vld [tilespmem:s28+$0x0]  }
0x385: {  	v28 =	vld [tilespmem:s28+$0x20]  }
.Ltmp4:
0x386: {  	v23 =	vld [tilespmem:s28+$0x10];
	(pc) =	sbr.rel @p1 .LBB2_11-.Ltmp4, $4  }
0x387: {  	_ = 	snop  }
0x388: {  	v24 =	vmul.f32 v24, v20;
	v22 =	vmul.f32 v21, v20  }
0x389: {  	v25 =	vmul.f32 v25, v20;
	v21 =	vmul.f32 v27, v19  }
0x38a: {  	[tilespmem:s28+$0xFFFFFFC0] =	vst v24;
	v24 =	vmul.f32 v26, v20;
	v20 =	vmul.f32 v28, v19  }
0x38b: {  	[tilespmem:s23+$0xFFFFFFF0] =	vst v25  }
0x38c: {  	[tilespmem:s23+$0xFFFFFFD0] =	vst v22  }
0x38d: {  	[tilespmem:s23+$0x0] =	vst v21  }
0x38e: {  	v18 =	vmul.f32 v18, v19;
	[tilespmem:s23+$0xFFFFFFE0] =	vst v24  }
0x38f: {  	v19 =	vmul.f32 v23, v19;
	s25 =	sadd.s32 $0x1, s25;
	[tilespmem:s23+$0x20] =	vst v20  }
0x390: {  	p1 =	sne.s32 s25, $0xA2;
	[tilespmem:s23+$0x30] =	vst v18  }
.Ltmp5:
0x391: {  	[tilespmem:s23+$0x10] =	vst v19;
	(pc) =	sbr.rel @p1 .LBB2_10-.Ltmp5, $4  }
0x392: {  	[spmem:s15] =	stream.indirect.scatter.add.f32 [tilespmem:s8], [sflag:$0x2], $0x80, s10, s4, $0xb8;
	[tilespmem:$0x1C7C0] =	vst v63  }
0x393: {  	_ =	swait.ge [sflag:s6], $0x4000  }
0x394: {  	[sflag:s6] =	ssyncset.done $0x0  }
0x395: {  	[sflag:s6] =	ssyncadd.s32 $0xFFFFC000  }
0x396: {  	[bflag:$0x0] =	sbarrier.arrive $0xFFFF  }
0x397: {  	[tilespmem:s8], [sflag:$0x2] =	stream.linear.gather [spmem:s22], $0x2000, $0x38;
	[tilespmem:$0x1C7C0] =	vst v63  }
0x398: {  	_ =	swait.ge [sflag:s6], $0x2000  }
0x399: {  	[sflag:s6] =	ssyncset.done $0x0  }
0x39a: {  	s23 =	rddreg [dreg:$0xd];
	[sflag:s6] =	ssyncadd.s32 $0xFFFFE000  }
0x39b: {  	[hbm4b:s23+s1] =	stream.linear.scatter [tilespmem:s8], [sflag:$0x2], $0x2000, $0x38;
	[tilespmem:$0x1C7C0] =	vst v63  }
0x39c: {  	_ =	swait.ge [sflag:s6], $0x2000  }
0x39d: {  	[sflag:s6] =	ssyncset.done $0x0  }
0x39e: {  	s26 =	rddreg [dreg:$0x15];
	[sflag:s6] =	ssyncadd.s32 $0xFFFFE000  }
0x39f: {  	[tilespmem:s8], [sflag:$0x2] =	stream.linear.gather [spmem:s26], $0x2000, $0x38;
	[tilespmem:$0x1C7C0] =	vst v63  }
0x3a0: {  	_ =	swait.ge [sflag:s6], $0x2000  }
0x3a1: {  	[sflag:s6] =	ssyncset.done $0x0  }
0x3a2: {  	s28 =	rddreg [dreg:$0xe];
	[sflag:s6] =	ssyncadd.s32 $0xFFFFE000  }
0x3a3: {  	[hbm4b:s28+s1] =	stream.linear.scatter [tilespmem:s8], [sflag:$0x2], $0x2000, $0x38;
	[tilespmem:$0x1C7C0] =	vst v63  }
0x3a4: {  	_ =	swait.ge [sflag:s6], $0x2000  }
0x3a5: {  	[sflag:s6] =	ssyncset.done $0x0  }
0x3a6: {  	s29 =	rddreg [dreg:$0x16];
	[sflag:s6] =	ssyncadd.s32 $0xFFFFE000  }
0x3a7: {  	[tilespmem:s8], [sflag:$0x2] =	stream.linear.gather [spmem:s29], $0x2000, $0x38;
	[tilespmem:$0x1C7C0] =	vst v63  }
0x3a8: {  	_ =	swait.ge [sflag:s6], $0x2000  }
0x3a9: {  	[sflag:s6] =	ssyncset.done $0x0  }
0x3aa: {  	s24 =	rddreg [dreg:$0xf];
	[sflag:s6] =	ssyncadd.s32 $0xFFFFE000  }
0x3ab: {  	[hbm4b:s24+s1] =	stream.linear.scatter [tilespmem:s8], [sflag:$0x2], $0x2000, $0x38;
	[tilespmem:$0x1C7C0] =	vst v63  }
0x3ac: {  	_ =	swait.ge [sflag:s6], $0x2000  }
0x3ad: {  	[sflag:s6] =	ssyncset.done $0x0  }
0x3ae: {  	s25 =	rddreg [dreg:$0x17];
	[sflag:s6] =	ssyncadd.s32 $0xFFFFE000  }
0x3af: {  	[tilespmem:s8], [sflag:$0x2] =	stream.linear.gather [spmem:s25], $0x2000, $0x38;
	[tilespmem:$0x1C7C0] =	vst v63  }
0x3b0: {  	_ =	swait.ge [sflag:s6], $0x2000  }
0x3b1: {  	[sflag:s6] =	ssyncset.done $0x0  }
0x3b2: {  	s26 =	rddreg [dreg:$0x10];
	[sflag:s6] =	ssyncadd.s32 $0xFFFFE000  }
0x3b3: {  	[hbm4b:s26+s1] =	stream.linear.scatter [tilespmem:s8], [sflag:$0x2], $0x2000, $0x38;
	[tilespmem:$0x1C7C0] =	vst v63  }
0x3b4: {  	_ =	swait.ge [sflag:s6], $0x2000  }
0x3b5: {  	[sflag:s6] =	ssyncset.done $0x0  }
0x3b6: {  	[sflag:s6] =	ssyncadd.s32 $0xFFFFE000  }
0x3b7: {  	[tilespmem:s8], [sflag:$0x2] =	stream.linear.gather [spmem:s30], $0x2000, $0x38;
	[tilespmem:$0x1C7C0] =	vst v63  }
0x3b8: {  	_ =	swait.ge [sflag:s6], $0x2000  }
0x3b9: {  	[sflag:s6] =	ssyncset.done $0x0  }
0x3ba: {  	s28 =	rddreg [dreg:$0x11];
	[sflag:s6] =	ssyncadd.s32 $0xFFFFE000  }
0x3bb: {  	[hbm4b:s28+s1] =	stream.linear.scatter [tilespmem:s8], [sflag:$0x2], $0x2000, $0x38;
	[tilespmem:$0x1C7C0] =	vst v63  }
0x3bc: {  	_ =	swait.ge [sflag:s6], $0x2000  }
0x3bd: {  	s18 =	sadd.s32 $0x1, s18;
	s29 =	rddreg [dreg:$0x14]  }
0x3be: {  	p1 =	sne.s32 s18, s29  }
.Ltmp6:
0x3bf: {  	_ = 	snop;
	(pc) =	sbr.rel @p1 .LBB2_1-.Ltmp6, $3  }
0x3c0: {  	_ =	sdelay $0x1  }
0x3c1: {  	[sflag:s6] =	ssyncset.done $0x0  }
0x3c2: {  	[sflag:s6] =	ssyncadd.s32 $0xFFFFE000  }
0x3c3: {  	_ =	sfence.sel $0x180000  }
0x3c4: {  	[bflag:$0x0] =	sbarrier.arrive $0xFFFF  }
0x3c5: {  	_ =	strace $0x90000047  }
0x3c6: {  	s0 =	stileid.u32;
	[bflag:$0x2] =	sbarrier.arrive $0xFFFF  }
0x3c7: {  	p0 =	sne.s32 s0, $0x0;
	s0 =	rddreg [dreg:$0x3]  }
0x3c8: {  	s0 =	sadd.s32 @!p0 $0x100000, s0  }
0x3c9: {  	[sflag:s0] =	ssyncadd.tile.s32 @!p0 $0x1;
	_ =	shalt  }
.Lfunc_end2:
_tile_overlayer_lowered:
.L_overlay_start_2:
0x3ca: {  	(tag) =	ssettag $0x2  }
0x3cb: {  	s0 =	rddreg [dreg:$0x0];
	s2 =	stileid.u32  }
0x3cc: {  	s1 =	rddreg [dreg:$0x1];
	p0 =	sne.s32 s2, $0x0  }
0x3cd: {  	s3 =	rddreg [dreg:$0x2];
	[bflag:$0x3] =	sbarrier.arrive $0xFFFF;
	s2 =	simm.s32 @!p0 $0x1C02  }
0x3ce: {  	[timem:s3], [sflag:s2] =	dma.local @!p0 [hbm:s0], s1  }
0x3cf: {  	s0 =	simm.s32 @!p0 $0x2  }
0x3d0: {  	_ =	swait.ge @!p0 [sflag:s0], s1  }
0x3d1: {  	s1 =	ssub.s32 @!p0 $0x0, s1;
	[sflag:s0] =	ssyncset.done @!p0 $0x0  }
0x3d2: {  	[sflag:s0] =	ssyncadd.s32 @!p0 s1  }
0x3d3: {  	[bflag:$0x3] =	sbarrier.arrive $0xFFFF  }
0x3d4: {  	_ =	shalt  }

// kernel: closed_call.21.cloned.1.call-start
scs
__scs_entry_jumppad:
0x0: {  	(pc) =	sbr.rel $0x88, $3  }
0x1: {  	(tag) =	ssettag $0x0;
	lr =	simm.s32 $0x1  }
0x2: {  	[smem:$0x3F93] =	sst lr;
	_ =	strace $0xD0000000  }
0x3: {  	_ = 	snop  }
0x4: {  	_ = 	snop  }
0x5: {  	_ = 	snop  }
0x6: {  	_ = 	snop  }
0x7: {  	_ = 	snop  }
__scs_overlays_trampoline_lowered:
0x8: {  	[smem:$0x3FA2] =	sst s0  }
0x9: {  	[smem:$0x3FA3] =	sst s1  }
0xa: {  	[smem:$0x3FA4] =	sst s2  }
0xb: {  	[smem:$0x3FA5] =	sst s3  }
0xc: {  	[smem:$0x3FA6] =	sst s4  }
0xd: {  	[smem:$0x3FA7] =	sst s5  }
0xe: {  	[smem:$0x3FA8] =	sst s6  }
0xf: {  	[smem:$0x3FA9] =	sst s7  }
0x10: {  	[smem:$0x3FAA] =	sst s8  }
0x11: {  	[smem:$0x3FAB] =	sst s9;
	s0 =	simm.s32 @!p0 $0x0  }
0x12: {  	s1 =	sld [smem:$0x3F91];
	s0 =	simm.s32 @p0 $0x1  }
0x13: {  	[smem:$0x3FAC] =	sst s0;
	s0 =	simm.s32 @!p1 $0x0  }
0x14: {  	s2 =	sld [smem:$0x3F90];
	s0 =	simm.s32 @p1 $0x1  }
0x15: {  	[smem:$0x3FAD] =	sst s0;
	s0 =	simm.s32 @!p2 $0x0  }
0x16: {  	s3 =	sld [smem:$0x3FDB];
	s0 =	simm.s32 @p2 $0x1  }
0x17: {  	s4 =	simm.s32 $0x1BF5;
	[smem:$0x3FAF] =	sst s0  }
0x18: {  	s0 =	sld [smem:$0x3F92];
	_ =	swait.ge [sflag:s4], $0x0  }
0x19: {  	s7 =	sld [smem:$0x3F93]  }
0x1a: {  	s8 =	sadd.s32 $0xFFFFE003, lr  }
0x1b: {  	s9 =	sadd.s32 $0xFFFFFEF7, lr;
	s5 =	simm.s32 $0xFFFFFFFF;
	p2 =	slt.u32 s8, $0xFFFFF086  }
0x1c: {  	p1 =	slt.u32 s9, $0xF7A;
	s5 =	simm.s32 @!p2 $0x0  }
0x1d: {  	s5 =	simm.s32 @p1 $0x1;
	p0 =	seq.s32 s7, s2  }
0x1e: {  	s7 =	smul.u32 @!p0 $0xF7A, s2;
	p2 =	seq.s32 @!p0 s5, $0x0  }
0x1f: {  	s9 =	smul.u32 $0xF7A, s1;
	s8 =	simm.s32 @!p0 $0x1BF5;
	p2 =	por !p2, p0  }
0x20: {  	[sflag:s8] =	ssyncset.s32 @!p0 $0xFFFFF086;
	s6 =	sadd.s32 @!p0 s3, s7;
	s7 =	simm.s32 @!p0 $0x108  }
0x21: {  	s3 =	sadd.s32 s3, s9;
	s6 =	sadd.s32 @!p0 $0x88, s6;
	s7 =	simm.s32 @p2 $0x1082  }
0x22: {  	[simem:s7], [sflag:s8] =	dma.local @!p0 [hbm:s6], $0xF7A  }
0x23: {  	s9 =	sor.u32 $0xD0000000, s2;
	s6 =	simm.s32 $0x108;
	_ =	swait.ge @!p0 [sflag:s8], $0x0  }
0x24: {  	s3 =	sadd.s32 $0x88, s3;
	s6 =	simm.s32 @!p1 $0x1082;
	[sflag:s4] =	ssyncset.s32 $0xFFFFF086  }
0x25: {  	[simem:s6], [sflag:s4] =	dma.local [hbm:s3], $0xF7A  }
0x26: {  	[smem:$0x3F93] =	sst s1;
	(tag) =	ssettag s2;
	_ =	strace s9  }
0x27: {  	s1 =	sld [smem:$0x3FA3]  }
0x28: {  	s2 =	sld [smem:$0x3FA4]  }
0x29: {  	s4 =	sld [smem:$0x3FA6]  }
0x2a: {  	p0 =	seq.s32 s5, $0x0;
	s5 =	sld [smem:$0x3FA7]  }
0x2b: {  	s6 =	sld [smem:$0x3FA8]  }
0x2c: {  	s7 =	sld [smem:$0x3FA9]  }
0x2d: {  	s3 =	simm.s32 $0x108;
	s8 =	sld [smem:$0x3FAA]  }
0x2e: {  	s3 =	simm.s32 @!p0 $0x1082;
	s9 =	sld [smem:$0x3FAB]  }
0x2f: {  	lr =	sadd.s32 s0, s3;
	s0 =	sld [smem:$0x3FA2]  }
0x30: {  	s3 =	sld [smem:$0x3FA5]  }
0x31: {  	[smem:$0x3FAE] =	sst s10  }
0x32: {  	s10 =	sld [smem:$0x3FAC];
	_ =	sdelay $0x3  }
0x33: {  	p0 =	seq.s32 s10, $0x1;
	s10 =	sld [smem:$0x3FAE];
	_ =	sdelay $0x3  }
0x34: {  	[smem:$0x3FAE] =	sst s10  }
0x35: {  	s10 =	sld [smem:$0x3FAD];
	_ =	sdelay $0x3  }
0x36: {  	p1 =	seq.s32 s10, $0x1;
	s10 =	sld [smem:$0x3FAE];
	_ =	sdelay $0x3  }
0x37: {  	[smem:$0x3FAE] =	sst s10  }
0x38: {  	s10 =	sld [smem:$0x3FAF]  }
0x39: {  	_ = 	snop;
	(pc) =	sbr.ind lr, $3  }
0x3a: {  	_ = 	snop  }
0x3b: {  	_ = 	snop  }
0x3c: {  	p2 =	seq.s32 s10, $0x1;
	s10 =	sld [smem:$0x3FAE]  }
0x3d: {  	_ =	shalt  }
0x3e: {  	_ =	shalt  }
0x3f: {  	_ =	shalt  }
0x40: {  	_ =	shalt  }
0x41: {  	_ =	shalt  }
0x42: {  	_ =	shalt  }
0x43: {  	_ =	shalt  }
0x44: {  	_ =	shalt  }
0x45: {  	_ =	shalt  }
0x46: {  	_ =	shalt  }
0x47: {  	_ =	shalt  }
0x48: {  	_ =	shalt  }
0x49: {  	_ =	shalt  }
0x4a: {  	_ =	shalt  }
0x4b: {  	_ =	shalt  }
0x4c: {  	_ =	shalt  }
0x4d: {  	_ =	shalt  }
0x4e: {  	_ =	shalt  }
0x4f: {  	_ =	shalt  }
0x50: {  	_ =	shalt  }
0x51: {  	_ =	shalt  }
0x52: {  	_ =	shalt  }
0x53: {  	_ =	shalt  }
0x54: {  	_ =	shalt  }
0x55: {  	_ =	shalt  }
0x56: {  	_ =	shalt  }
0x57: {  	_ =	shalt  }
0x58: {  	_ =	shalt  }
0x59: {  	_ =	shalt  }
0x5a: {  	_ =	shalt  }
0x5b: {  	_ =	shalt  }
0x5c: {  	_ =	shalt  }
0x5d: {  	_ =	shalt  }
0x5e: {  	_ =	shalt  }
0x5f: {  	_ =	shalt  }
0x60: {  	_ =	shalt  }
0x61: {  	_ =	shalt  }
0x62: {  	_ =	shalt  }
0x63: {  	_ =	shalt  }
0x64: {  	_ =	shalt  }
0x65: {  	_ =	shalt  }
0x66: {  	_ =	shalt  }
0x67: {  	_ =	shalt  }
0x68: {  	_ =	shalt  }
0x69: {  	_ =	shalt  }
0x6a: {  	_ =	shalt  }
0x6b: {  	_ =	shalt  }
0x6c: {  	_ =	shalt  }
0x6d: {  	_ =	shalt  }
0x6e: {  	_ =	shalt  }
0x6f: {  	_ =	shalt  }
0x70: {  	_ =	shalt  }
0x71: {  	_ =	shalt  }
0x72: {  	_ =	shalt  }
0x73: {  	_ =	shalt  }
0x74: {  	_ =	shalt  }
0x75: {  	_ =	shalt  }
0x76: {  	_ =	shalt  }
0x77: {  	_ =	shalt  }
0x78: {  	_ =	shalt  }
0x79: {  	_ =	shalt  }
0x7a: {  	_ =	shalt  }
0x7b: {  	_ =	shalt  }
0x7c: {  	_ =	shalt  }
0x7d: {  	_ =	shalt  }
0x7e: {  	_ =	shalt  }
0x7f: {  	_ =	shalt  }
0x80: {  	_ =	shalt  }
0x81: {  	_ =	shalt  }
0x82: {  	_ =	shalt  }
0x83: {  	_ =	shalt  }
0x84: {  	_ =	shalt  }
0x85: {  	_ =	shalt  }
0x86: {  	_ =	shalt  }
0x87: {  	_ =	shalt  }
.Lfunc_end0:
.L_simem_size_0:
called_computation.1_lowered:
.L_overlay_start_0:
0x88: {  	s2 =	sld [smem:$0x3FD9]  }
0x89: {  	s3 =	sld [smem:$0x3FFE];
	_ =	sdelay $0x1  }
0x8a: {  	s1 =	srdreg.scid  }
0x8b: {  	s0 =	sand.u32 $0x1, s1  }
0x8c: {  	s16 =	sshll.u32 s0, $0xA;
	s2 =	sadd.s32 s3, s2  }
0x8d: {  	s2 =	sadd.s32 s2, s16  }
0x8e: {  	[smem:$0x3FBA] =	sst s2  }
0x8f: {  	_ = 	snop  }
0x90: {  	(tm) =	ssettm $0x1  }
0x91: {  	s17 =	sld [smem:$0x3FFB];
	_ =	sdelay $0x3  }
0x92: {  	_ =	strace s17  }
0x93: {  	s2 =	sld [smem:$0x3FFC];
	_ =	sdelay $0x3  }
0x94: {  	_ =	strace s2  }
0x95: {  	s2 =	sld [smem:$0x3FFD];
	_ =	sdelay $0x3  }
0x96: {  	_ =	strace s2  }
0x97: {  	_ =	strace $0x8FFFFFFF  }
0x98: {  	s18 =	sld [smem:$0x3FDB];
	_ =	sdelay $0x1  }
0x99: {  	s19 =	simm.s32 $_scs_section_size  }
0x9a: {  	s4 =	simm.s32 $_size__tile_overlayer_lowered;
	s5 =	simm.s32 $_tile_overlayer_lowered  }
0x9b: {  	s22 =	simm.s32 $0x1BFF;
	s21 =	sshll.u32 s5, $0x1;
	s2 =	sadd.s32 s19, s18  }
0x9c: {  	s6 =	simm.s32 $0x0;
	s20 =	sshll.u32 s4, $0x1;
	s4 =	sadd.s32 s21, s2  }
0x9d: {  	[timem:s6], [sflag:s22] =	dma.local [hbm:s4], s20  }
0x9e: {  	_ =	swait.ge [sflag:s22], s20  }
0x9f: {  	s3 =	ssub.s32 $0x0, s20;
	[sflag:s22] =	ssyncset.done $0x0  }
0xa0: {  	[sflag:s22] =	ssyncadd.s32 s3;
	_ =	sdelay $0x1  }
0xa1: {  	s23 =	simm.s32 $0x1B8B  }
0xa2: {  	_ =	swait.ge [sflag:s23], $0x1  }
0xa3: {  	[sflag:s23] =	ssyncset.done $0x0  }
0xa4: {  	s25 =	simm.s32 $0x1B8E;
	s24 =	sld [smem:$0x3FFE];
	[sflag:s23] =	ssyncadd.s32 $0xFFFFFFFF  }
0xa5: {  	s26 =	simm.s32 $execute0_lowered;
	[smem:$0x3FD2] =	sst s25  }
0xa6: {  	s4 =	sshll.u32 s26, $0x1;
	_ =	strace $0x80000049;
	[dreg:$0x1] =	wrdreg $0xFFFFFFFF  }
0xa7: {  	s28 =	simm.s32 $_size_execute0_lowered;
	s2 =	sadd.s32 s2, s4;
	[dreg:$0x0] =	wrdreg $0x0  }
0xa8: {  	s4 =	sshll.u32 s28, $0x1;
	[dreg:$0x2] =	wrdreg s2  }
0xa9: {  	[dreg:$0x3] =	wrdreg s4  }
0xaa: {  	[dreg:$0x4] =	wrdreg $0xC0  }
0xab: {  	_ =	task [dreg:s6], $0x5FFFF  }
0xac: {  	[dreg:$0x1] =	wrdreg $0xFFFFFFFF  }
0xad: {  	[dreg:$0x0] =	wrdreg $0x60  }
0xae: {  	[dreg:$0x2] =	wrdreg s24  }
0xaf: {  	[dreg:$0x3] =	wrdreg $0xD2000  }
0xb0: {  	[dreg:$0x4] =	wrdreg $0x172400  }
0xb1: {  	[dreg:$0x5] =	wrdreg $0x9  }
0xb2: {  	_ =	task.clear_ibuf [dreg:s6], $0x6FFFF;
	_ =	strace $0x90000049  }
0xb3: {  	s29 =	simm.s32 $0x9;
	_ =	strace $0x8000004B  }
0xb4: {  	_ =	swait.ge [sflag:s29], $0x1  }
0xb5: {  	[sflag:s29] =	ssyncadd.s32 $0xFFFFFFFF  }
0xb6: {  	_ =	strace $0x9000004B  }
0xb7: {  	_ =	sfence  }
0xb8: {  	s30 =	sld [smem:$0x0];
	_ =	sdelay $0x2  }
0xb9: {  	s31 =	sshll.u32 s1, $0xD;
	s1 =	sshrl.u32 s1, $0x2  }
0xba: {  	s3 =	sand.u32 $0x4000, s31;
	s1 =	sadd.s32 s1, s30  }
0xbb: {  	s0 =	sor.u32 s3, s0;
	s1 =	sshll.u32 s1, $0x11  }
0xbc: {  	s0 =	sor.u32 s1, s0  }
0xbd: {  	s0 =	sadd.s32 $0x8F2B, s0  }
0xbe: {  	[sflag:s0] =	ssyncadd.remote.s32 $0x1  }
0xbf: {  	_ =	sfence.sel $0xFFFF  }
0xc0: {  	[dreg:$0x0] =	wrdreg $0xFFFFFFFF;
	(pc) =	sbr.abs _section_cstart, $3  }
0xc1: {  	[dreg:$0x1] =	wrdreg $0xFFFFFFFF  }
0xc2: {  	_ =	task.clear_ibuf [dreg:s6], $0x2FFFF;
	_ =	strace $0x9FFFFFFF  }
0xc3: {  	(tm) =	ssettm $0x7FFFFFFF  }
tec
execute0_lowered:
.L_overlay_start_1:
0x0: {  	(tag) =	ssettag $0x1  }
0x1: {  	s0 =	rddreg [dreg:$0x0]  }
0x2: {  	s1 =	rddreg [dreg:$0x1]  }
0x3: {  	s2 =	rddreg [dreg:$0x2];
	s22 =	stileid.u32  }
0x4: {  	s4 =	srdreg.scid;
	s11 =	smul.u32 $0xA000, s22  }
0x5: {  	s3 =	simm.s32 $0x0;
	s4 =	sand.u32 $0x1, s4;
	s13 =	smul.u32 $0x2880, s22  }
0x6: {  	[smem:$0x7FF] =	sst s3;
	s8 =	sadd.s32 $0x310400, s0;
	s5 =	smul.u32 $0x5000, s4  }
0x7: {  	s10 =	sshll.u32 s22, $0xB;
	p0 =	sgt.u32 s22, $0x9;
	s7 =	smul.u32 $0x28800, s4  }
0x8: {  	s6 =	sshll.u32 s4, $0x4;
	s9 =	smul.u32 $0x140000, s4;
	s4 =	ssub.s32 $0x2, s4  }
0x9: {  	_ =	strace $0x8000004A;
	s12 =	sshrl.u32 s4, $0x1;
	s15 =	sadd.s32 $0x4000, s11  }
0xa: {  	s6 =	sadd.s32 s6, s0;
	s5 =	sadd.s32 s10, s5;
	s4 =	ssub.s32 s4, s12  }
0xb: {  	s18 =	sadd.s32 s9, s11;
	s12 =	sadd.s32 $0x2000, s11;
	s21 =	sadd.s32 s9, s15  }
0xc: {  	s14 =	sshrl.u32 s5, $0x3;
	s5 =	sadd.s32 s13, s7;
	s19 =	sshrl.u32 s18, $0x3  }
0xd: {  	s13 =	sadd.s32 $0xA0000, s9;
	s20 =	sadd.s32 s9, s12;
	s7 =	sadd.s32 s8, s19  }
0xe: {  	s19 =	sadd.s32 $0x6000, s11;
	s25 =	sadd.s32 s11, s13;
	s26 =	sadd.s32 s12, s13  }
0xf: {  	s18 =	sadd.s32 s15, s13;
	[dreg:$0x4] =	wrdreg s7;
	s7 =	sshrl.u32 s20, $0x3  }
0x10: {  	s16 =	sadd.s32 s9, s19;
	s20 =	sadd.s32 $0x8000, s11;
	s28 =	sadd.s32 s19, s1  }
0x11: {  	s7 =	sadd.s32 s8, s7;
	s16 =	sshrl.u32 s16, $0x3;
	s24 =	sadd.s32 s9, s20  }
0x12: {  	s9 =	sshrl.u32 s25, $0x3;
	s29 =	sadd.s32 s20, s1;
	[dreg:$0x5] =	wrdreg s7  }
0x13: {  	s7 =	sshrl.u32 s21, $0x3;
	s23 =	sadd.s32 s8, s16;
	s16 =	sshrl.u32 s26, $0x3  }
0x14: {  	s21 =	sadd.s32 s19, s13;
	s19 =	simm.s32 $0xD180;
	s7 =	sadd.s32 s8, s7  }
0x15: {  	[dreg:$0x7] =	wrdreg s23;
	s17 =	sadd.s32 s8, s16;
	s23 =	sadd.s32 s20, s13  }
0x16: {  	s16 =	sadd.s32 $0x2D2C00, s0;
	s13 =	sadd.s32 $0x30F000, s6;
	[dreg:$0x6] =	wrdreg s7  }
0x17: {  	s6 =	sadd.s32 $0x30FA00, s6;
	s20 =	simm.s32 $0x0;
	[dreg:$0xa] =	wrdreg s17  }
0x18: {  	s7 =	sshrl.u32 s24, $0x3;
	s24 =	sshrl.u32 s21, $0x3;
	[dreg:$0xe] =	wrdreg s13  }
0x19: {  	s25 =	sshrl.u32 s23, $0x3;
	s17 =	sadd.s32 $0x2DCE00, s0;
	[dreg:$0xf] =	wrdreg s6  }
0x1a: {  	s6 =	simm.s32 $0x80;
	s13 =	simm.s32 $0x9180;
	s7 =	sadd.s32 s8, s7  }
0x1b: {  	s26 =	sadd.s32 s8, s25;
	s25 =	sadd.s32 s12, s1;
	[dreg:$0x8] =	wrdreg s7  }
0x1c: {  	s12 =	simm.s32 $0x5080;
	s7 =	sadd.s32 s8, s9;
	[dreg:$0xd] =	wrdreg s26  }
0x1d: {  	s9 =	sadd.s32 s14, s0;
	s14 =	sadd.s32 s10, s2;
	[dreg:$0x13] =	wrdreg s25  }
0x1e: {  	s26 =	sadd.s32 s15, s1;
	s10 =	simm.s32 $0x5180;
	[dreg:$0x9] =	wrdreg s7  }
0x1f: {  	s15 =	simm.s32 $0x1;
	s7 =	sshrl.u32 s18, $0x3;
	[dreg:$0x10] =	wrdreg s14  }
0x20: {  	s23 =	sadd.s32 $0x360400, s9;
	[dreg:$0x14] =	wrdreg s26;
	s7 =	sadd.s32 s8, s7  }
0x21: {  	v0 =	vlaneseq.u32;
	[dreg:$0xb] =	wrdreg s7;
	s7 =	sadd.s32 s8, s24;
	s8 =	smul.u32 $0x28000, s22  }
0x22: {  	v0 =	vmul.u32 $0x80, v0;
	s18 =	sadd.s32 $0x2E7000, s0;
	s9 =	simm.s32 $0x2800;
	[dreg:$0x11] =	wrdreg s23  }
0x23: {  	s24 =	smax.u32 s4, $0x1;
	[dreg:$0xc] =	wrdreg s7;
	s11 =	sshrl.u32 s8, $0x2  }
0x24: {  	v1 =	vimm.f32 $0.0e+00;
	v2 =	vor.u32 $0x800, v0;
	s14 =	simm.s32 $0x5100;
	[dreg:$0x12] =	wrdreg s24;
	s21 =	sadd.s32 s11, s1  }
0x25: {  	v3 =	vor.u32 $0x1000, v0;
	v4 =	vor.u32 $0x1800, v0;
	v5 =	vor.u32 $0x2000, v0;
	s8 =	simm.s32 $0x2;
	s11 =	simm.s32 $0x5000;
	s30 =	sadd.s32 $0x2000, s21  }
0x26: {  	v6 =	vor.u32 $0x2800, v0;
	v7 =	vor.u32 $0x3000, v0;
	v8 =	vor.u32 $0x3800, v0;
	s31 =	sadd.s32 $0x4000, s21;
	s0 =	sadd.s32 $0x6000, s21;
	s4 =	sadd.s32 $0x8000, s21  }
.LBB2_1:
0x27: {  	s7 =	rddreg [dreg:$0xe];
	s22 =	simm.s32 $0x100  }
0x28: {  	[tilespmem:s3], [sflag:$0x2] =	stream.strided.gather [hbm4b:s7+s6], $0x2800, s22, s6, $0x38;
	[tilespmem:$0x17740] =	vst v63  }
0x29: {  	_ =	swait.ge [sflag:s8], $0x2800  }
0x2a: {  	[sflag:s8] =	ssyncset.done $0x0  }
0x2b: {  	s26 =	rddreg [dreg:$0xf];
	[sflag:s8] =	ssyncadd.s32 $0xFFFFD800  }
0x2c: {  	[tilespmem:s9], [sflag:$0x2] =	stream.strided.gather [hbm4b:s26+s6], $0x2800, s22, s6, $0x38;
	[tilespmem:$0x17740] =	vst v63  }
0x2d: {  	_ =	swait.ge [sflag:s8], $0x2800  }
0x2e: {  	[sflag:s8] =	ssyncset.done $0x0  }
0x2f: {  	s23 =	simm.s32 $0x0;
	s7 =	simm.s32 $0x200;
	[sflag:s8] =	ssyncadd.s32 $0xFFFFD800  }
.LBB2_2:
0x30: {  	p1 =	sne.s32 s7, $0xFE00;
	[tilespmem:s23+$0x91F0] =	vst v1  }
0x31: {  	[tilespmem:s23+$0x5180] =	vst v1  }
0x32: {  	[tilespmem:s23+$0x9180] =	vst v1  }
0x33: {  	[tilespmem:s23+$0x5190] =	vst v1  }
0x34: {  	[tilespmem:s23+$0x9190] =	vst v1  }
0x35: {  	[tilespmem:s23+$0x51A0] =	vst v1  }
0x36: {  	[tilespmem:s23+$0x91A0] =	vst v1  }
0x37: {  	[tilespmem:s23+$0x51B0] =	vst v1  }
0x38: {  	[tilespmem:s23+$0x91B0] =	vst v1  }
0x39: {  	[tilespmem:s23+$0x51C0] =	vst v1  }
0x3a: {  	[tilespmem:s23+$0x91C0] =	vst v1  }
.Ltmp0:
0x3b: {  	[tilespmem:s23+$0x51D0] =	vst v1;
	(pc) =	sbr.rel @p1 .LBB2_2-.Ltmp0, $4  }
0x3c: {  	[tilespmem:s23+$0x91D0] =	vst v1  }
0x3d: {  	[tilespmem:s23+$0x51E0] =	vst v1  }
0x3e: {  	[tilespmem:s23+$0x91E0] =	vst v1  }
0x3f: {  	[tilespmem:s23+$0x51F0] =	vst v1;
	s23 =	sshra.s32 s7, $0x2;
	s7 =	sadd.s32 $0x200, s7  }
0x40: {  	[tilespmem:s23+$0x91F0] =	vst v1  }
0x41: {  	[tilespmem:s23+$0x5180] =	vst v1  }
0x42: {  	[tilespmem:s23+$0x9180] =	vst v1  }
0x43: {  	[tilespmem:s23+$0x5190] =	vst v1  }
0x44: {  	[tilespmem:s23+$0x9190] =	vst v1  }
0x45: {  	[tilespmem:s23+$0x51A0] =	vst v1  }
0x46: {  	[tilespmem:s23+$0x91A0] =	vst v1  }
0x47: {  	[tilespmem:s23+$0x51B0] =	vst v1  }
0x48: {  	[tilespmem:s23+$0x91B0] =	vst v1  }
0x49: {  	[tilespmem:s23+$0x51C0] =	vst v1  }
0x4a: {  	[tilespmem:s23+$0x91C0] =	vst v1  }
0x4b: {  	[tilespmem:s23+$0x51D0] =	vst v1  }
0x4c: {  	[tilespmem:s23+$0x91D0] =	vst v1  }
0x4d: {  	[tilespmem:s23+$0x51E0] =	vst v1  }
0x4e: {  	[tilespmem:s23+$0x91E0] =	vst v1  }
0x4f: {  	[tilespmem:s23+$0x51F0] =	vst v1  }
0x50: {  	[spmem:s21] =	stream.linear.scatter [tilespmem:s10], [sflag:$0x2], $0x2000, $0x38;
	[tilespmem:$0x17740] =	vst v63  }
0x51: {  	_ =	swait.ge [sflag:s8], $0x2000  }
0x52: {  	[sflag:s8] =	ssyncset.done $0x0  }
0x53: {  	[sflag:s8] =	ssyncadd.s32 $0xFFFFE000  }
0x54: {  	[spmem:s30] =	stream.linear.scatter [tilespmem:s10], [sflag:$0x2], $0x2000, $0x38;
	[tilespmem:$0x17740] =	vst v63  }
0x55: {  	_ =	swait.ge [sflag:s8], $0x2000  }
0x56: {  	[sflag:s8] =	ssyncset.done $0x0  }
0x57: {  	[sflag:s8] =	ssyncadd.s32 $0xFFFFE000  }
0x58: {  	[spmem:s31] =	stream.linear.scatter [tilespmem:s10], [sflag:$0x2], $0x2000, $0x38;
	[tilespmem:$0x17740] =	vst v63  }
0x59: {  	_ =	swait.ge [sflag:s8], $0x2000  }
0x5a: {  	[sflag:s8] =	ssyncset.done $0x0  }
0x5b: {  	[sflag:s8] =	ssyncadd.s32 $0xFFFFE000  }
0x5c: {  	[spmem:s0] =	stream.linear.scatter [tilespmem:s10], [sflag:$0x2], $0x2000, $0x38;
	[tilespmem:$0x17740] =	vst v63  }
0x5d: {  	_ =	swait.ge [sflag:s8], $0x2000  }
0x5e: {  	[sflag:s8] =	ssyncset.done $0x0  }
0x5f: {  	[sflag:s8] =	ssyncadd.s32 $0xFFFFE000  }
0x60: {  	[spmem:s4] =	stream.linear.scatter [tilespmem:s10], [sflag:$0x2], $0x2000, $0x38;
	[tilespmem:$0x17740] =	vst v63  }
0x61: {  	_ =	swait.ge [sflag:s8], $0x2000  }
0x62: {  	[sflag:s8] =	ssyncset.done $0x0  }
0x63: {  	s7 =	simm.s32 @!p0 $0x9180;
	s22 =	rddreg [dreg:$0x10];
	[sflag:s8] =	ssyncadd.s32 $0xFFFFE000  }
0x64: {  	[spmem:s22] =	stream.linear.scatter @!p0 [tilespmem:s7], [sflag:$0x2], $0x800, $0x38;
	[tilespmem:$0x17740] =	vst v63  }
0x65: {  	s7 =	simm.s32 @!p0 $0x2  }
0x66: {  	_ =	swait.ge @!p0 [sflag:s7], $0x800  }
0x67: {  	[sflag:s7] =	ssyncset.done @!p0 $0x0  }
0x68: {  	[sflag:s7] =	ssyncadd.s32 @!p0 $0xFFFFF800  }
0x69: {  	s23 =	simm.s32 $0x0;
	s24 =	simm.s32 $0x0;
	[bflag:$0x0] =	sbarrier.arrive $0xFFFF  }
.LBB2_4:
0x6a: {  	s7 =	sshll.u32 s24, $0x7  }
0x6b: {  	s7 =	sadd.s32 s5, s7  }
0x6c: {  	s7 =	sshrl.u32 s7, $0x3  }
0x6d: {  	s22 =	sadd.s32 s16, s7  }
0x6e: {  	[tilespmem:s11], [sflag:$0x2] =	stream.linear.gather [hbm4b:s22+s23], $0x80, $0x38;
	[tilespmem:$0x17740] =	vst v63  }
0x6f: {  	_ =	swait.ge [sflag:s8], $0x80  }
0x70: {  	[sflag:s8] =	ssyncset.done $0x0  }
0x71: {  	s7 =	sadd.s32 s17, s7;
	[sflag:s8] =	ssyncadd.s32 $0xFFFFFF80  }
0x72: {  	[tilespmem:s12], [sflag:$0x2] =	stream.linear.gather [hbm4b:s7+s23], $0x80, $0x38;
	[tilespmem:$0x17740] =	vst v63  }
0x73: {  	_ =	swait.ge [sflag:s8], $0x80  }
0x74: {  	[sflag:s8] =	ssyncset.done $0x0  }
0x75: {  	[sflag:s8] =	ssyncadd.s32 $0xFFFFFF80  }
0x76: {  	[tilespmem:s10], [sflag:$0x1] =	stream.indirect.gather [hbm4b:s18+s6], $0x80, s11, s6, $0xb8;
	[tilespmem:$0x17740] =	vst v63  }
0x77: {  	v9 =	vld [tilespmem:$0x5000]  }
0x78: {  	v10 =	vld [tilespmem:$0x5080];
	_ =	sdelay $0x6  }
0x79: {  	v9 =	vld.idx.msk [tilespmem:v9+s23+$0x0], $0xffff  }
0x7a: {  	v11 =	vld.idx.msk [tilespmem:v10+s9+$0x0], $0xffff;
	_ =	sdelay $0x4  }
0x7b: {  	v9 =	vadd.f32 v11, v9;
	_ =	sdelay $0x1  }
0x7c: {  	v11 =	vmul.f32 $2.000000030e-01, v9  }
0x7d: {  	vm0 =	vgt.f32 v9, $0.0e+00  }
0x7e: {  	v9 =	vsel vm0, v9, v11  }
0x7f: {  	v9 =	vmul.f32 $1.442695020e+00, v9;
	_ =	sdelay $0x1  }
0x80: {  	(erf) = vpow2.f32 v9;
	_ =	sdelay $0x3  }
0x81: {  	v9 =	vshll.u32 v10, $0x1  }
0x82: {  	v9 =	vand.u32 $0x7E, v9  }
0x83: {  	v9 =	vor.u32 v0, v9;
	_ =	sdelay $0x2  }
0x84: {  	v11 =	vpop (erf)  }
0x85: {  	[tilespmem:$0xD180] =	vst v11  }
0x86: {  	[tilespmem:v9+s13+$0x0] =	vst.idx.msk $0xffff, v11  }
0x87: {  	v9 =	vld [tilespmem:$0x5010]  }
0x88: {  	v11 =	vld [tilespmem:$0x5090];
	_ =	sdelay $0x4  }
0x89: {  	v10 =	vshrl.u32 v10, $0x6  }
0x8a: {  	[tilespmem:$0x5100] =	vst v10  }
0x8b: {  	v9 =	vld.idx.msk [tilespmem:v9+s23+$0x0], $0xffff  }
0x8c: {  	v10 =	vld.idx.msk [tilespmem:v11+s9+$0x0], $0xffff;
	_ =	sdelay $0x4  }
0x8d: {  	v9 =	vadd.f32 v10, v9;
	_ =	sdelay $0x1  }
0x8e: {  	v10 =	vmul.f32 $2.000000030e-01, v9  }
0x8f: {  	vm9 =	vgt.f32 v9, $0.0e+00  }
0x90: {  	v9 =	vsel vm9, v9, v10  }
0x91: {  	v9 =	vmul.f32 $1.442695020e+00, v9;
	_ =	sdelay $0x1  }
0x92: {  	(erf) = vpow2.f32 v9;
	_ =	sdelay $0x3  }
0x93: {  	v9 =	vshll.u32 v11, $0x1  }
0x94: {  	v9 =	vand.u32 $0x7E, v9  }
0x95: {  	v9 =	vor.u32 v2, v9;
	_ =	sdelay $0x2  }
0x96: {  	v10 =	vpop (erf)  }
0x97: {  	[tilespmem:$0xD190] =	vst v10  }
0x98: {  	[tilespmem:v9+s13+$0x0] =	vst.idx.msk $0xffff, v10  }
0x99: {  	v9 =	vld [tilespmem:$0x5020]  }
0x9a: {  	v10 =	vld [tilespmem:$0x50A0];
	_ =	sdelay $0x4  }
0x9b: {  	v11 =	vshrl.u32 v11, $0x6  }
0x9c: {  	[tilespmem:$0x5110] =	vst v11  }
0x9d: {  	v9 =	vld.idx.msk [tilespmem:v9+s23+$0x0], $0xffff  }
0x9e: {  	v11 =	vld.idx.msk [tilespmem:v10+s9+$0x0], $0xffff;
	_ =	sdelay $0x4  }
0x9f: {  	v9 =	vadd.f32 v11, v9;
	_ =	sdelay $0x1  }
0xa0: {  	v11 =	vmul.f32 $2.000000030e-01, v9  }
0xa1: {  	vm10 =	vgt.f32 v9, $0.0e+00  }
0xa2: {  	v9 =	vsel vm10, v9, v11  }
0xa3: {  	v9 =	vmul.f32 $1.442695020e+00, v9;
	_ =	sdelay $0x1  }
0xa4: {  	(erf) = vpow2.f32 v9;
	_ =	sdelay $0x3  }
0xa5: {  	v9 =	vshll.u32 v10, $0x1  }
0xa6: {  	v9 =	vand.u32 $0x7E, v9  }
0xa7: {  	v9 =	vor.u32 v3, v9;
	_ =	sdelay $0x2  }
0xa8: {  	v11 =	vpop (erf)  }
0xa9: {  	[tilespmem:$0xD1A0] =	vst v11  }
0xaa: {  	[tilespmem:v9+s13+$0x0] =	vst.idx.msk $0xffff, v11  }
0xab: {  	v9 =	vld [tilespmem:$0x5030]  }
0xac: {  	v11 =	vld [tilespmem:$0x50B0];
	_ =	sdelay $0x4  }
0xad: {  	v10 =	vshrl.u32 v10, $0x6  }
0xae: {  	[tilespmem:$0x5120] =	vst v10  }
0xaf: {  	v9 =	vld.idx.msk [tilespmem:v9+s23+$0x0], $0xffff  }
0xb0: {  	v10 =	vld.idx.msk [tilespmem:v11+s9+$0x0], $0xffff;
	_ =	sdelay $0x4  }
0xb1: {  	v9 =	vadd.f32 v10, v9;
	_ =	sdelay $0x1  }
0xb2: {  	v10 =	vmul.f32 $2.000000030e-01, v9  }
0xb3: {  	vm11 =	vgt.f32 v9, $0.0e+00  }
0xb4: {  	v9 =	vsel vm11, v9, v10  }
0xb5: {  	v9 =	vmul.f32 $1.442695020e+00, v9;
	_ =	sdelay $0x1  }
0xb6: {  	(erf) = vpow2.f32 v9;
	_ =	sdelay $0x3  }
0xb7: {  	v9 =	vshll.u32 v11, $0x1  }
0xb8: {  	v9 =	vand.u32 $0x7E, v9  }
0xb9: {  	v9 =	vor.u32 v4, v9;
	_ =	sdelay $0x2  }
0xba: {  	v10 =	vpop (erf)  }
0xbb: {  	[tilespmem:$0xD1B0] =	vst v10  }
0xbc: {  	[tilespmem:v9+s13+$0x0] =	vst.idx.msk $0xffff, v10  }
0xbd: {  	v9 =	vld [tilespmem:$0x5040]  }
0xbe: {  	v10 =	vld [tilespmem:$0x50C0];
	_ =	sdelay $0x4  }
0xbf: {  	v11 =	vshrl.u32 v11, $0x6  }
0xc0: {  	[tilespmem:$0x5130] =	vst v11  }
0xc1: {  	v9 =	vld.idx.msk [tilespmem:v9+s23+$0x0], $0xffff  }
0xc2: {  	v11 =	vld.idx.msk [tilespmem:v10+s9+$0x0], $0xffff;
	_ =	sdelay $0x4  }
0xc3: {  	v9 =	vadd.f32 v11, v9;
	_ =	sdelay $0x1  }
0xc4: {  	v11 =	vmul.f32 $2.000000030e-01, v9  }
0xc5: {  	vm12 =	vgt.f32 v9, $0.0e+00  }
0xc6: {  	v9 =	vsel vm12, v9, v11  }
0xc7: {  	v9 =	vmul.f32 $1.442695020e+00, v9;
	_ =	sdelay $0x1  }
0xc8: {  	(erf) = vpow2.f32 v9;
	_ =	sdelay $0x3  }
0xc9: {  	v9 =	vshll.u32 v10, $0x1  }
0xca: {  	v9 =	vand.u32 $0x7E, v9  }
0xcb: {  	v9 =	vor.u32 v5, v9;
	_ =	sdelay $0x2  }
0xcc: {  	v11 =	vpop (erf)  }
0xcd: {  	[tilespmem:$0xD1C0] =	vst v11  }
0xce: {  	[tilespmem:v9+s13+$0x0] =	vst.idx.msk $0xffff, v11  }
0xcf: {  	v9 =	vld [tilespmem:$0x5050]  }
0xd0: {  	v11 =	vld [tilespmem:$0x50D0];
	_ =	sdelay $0x4  }
0xd1: {  	v10 =	vshrl.u32 v10, $0x6  }
0xd2: {  	[tilespmem:$0x5140] =	vst v10  }
0xd3: {  	v9 =	vld.idx.msk [tilespmem:v9+s23+$0x0], $0xffff  }
0xd4: {  	v10 =	vld.idx.msk [tilespmem:v11+s9+$0x0], $0xffff;
	_ =	sdelay $0x4  }
0xd5: {  	v9 =	vadd.f32 v10, v9;
	_ =	sdelay $0x1  }
0xd6: {  	v10 =	vmul.f32 $2.000000030e-01, v9  }
0xd7: {  	vm13 =	vgt.f32 v9, $0.0e+00  }
0xd8: {  	v9 =	vsel vm13, v9, v10  }
0xd9: {  	v9 =	vmul.f32 $1.442695020e+00, v9;
	_ =	sdelay $0x1  }
0xda: {  	(erf) = vpow2.f32 v9;
	_ =	sdelay $0x3  }
0xdb: {  	v9 =	vshll.u32 v11, $0x1  }
0xdc: {  	v9 =	vand.u32 $0x7E, v9  }
0xdd: {  	v9 =	vor.u32 v6, v9;
	_ =	sdelay $0x2  }
0xde: {  	v10 =	vpop (erf)  }
0xdf: {  	[tilespmem:$0xD1D0] =	vst v10  }
0xe0: {  	[tilespmem:v9+s13+$0x0] =	vst.idx.msk $0xffff, v10  }
0xe1: {  	v9 =	vld [tilespmem:$0x5060]  }
0xe2: {  	v10 =	vld [tilespmem:$0x50E0];
	_ =	sdelay $0x4  }
0xe3: {  	v11 =	vshrl.u32 v11, $0x6  }
0xe4: {  	[tilespmem:$0x5150] =	vst v11  }
0xe5: {  	v9 =	vld.idx.msk [tilespmem:v9+s23+$0x0], $0xffff  }
0xe6: {  	v11 =	vld.idx.msk [tilespmem:v10+s9+$0x0], $0xffff;
	_ =	sdelay $0x4  }
0xe7: {  	v9 =	vadd.f32 v11, v9;
	_ =	sdelay $0x1  }
0xe8: {  	v11 =	vmul.f32 $2.000000030e-01, v9  }
0xe9: {  	vm14 =	vgt.f32 v9, $0.0e+00  }
0xea: {  	v9 =	vsel vm14, v9, v11  }
0xeb: {  	v9 =	vmul.f32 $1.442695020e+00, v9;
	_ =	sdelay $0x1  }
0xec: {  	(erf) = vpow2.f32 v9;
	_ =	sdelay $0x3  }
0xed: {  	v9 =	vshll.u32 v10, $0x1  }
0xee: {  	v9 =	vand.u32 $0x7E, v9  }
0xef: {  	v9 =	vor.u32 v7, v9;
	_ =	sdelay $0x2  }
0xf0: {  	v11 =	vpop (erf)  }
0xf1: {  	[tilespmem:$0xD1E0] =	vst v11  }
0xf2: {  	[tilespmem:v9+s13+$0x0] =	vst.idx.msk $0xffff, v11  }
0xf3: {  	v9 =	vld [tilespmem:$0x5070]  }
0xf4: {  	v11 =	vld [tilespmem:$0x50F0];
	_ =	sdelay $0x4  }
0xf5: {  	v10 =	vshrl.u32 v10, $0x6  }
0xf6: {  	[tilespmem:$0x5160] =	vst v10  }
0xf7: {  	v9 =	vld.idx.msk [tilespmem:v9+s23+$0x0], $0xffff  }
0xf8: {  	v10 =	vld.idx.msk [tilespmem:v11+s9+$0x0], $0xffff;
	_ =	sdelay $0x4  }
0xf9: {  	v9 =	vadd.f32 v10, v9;
	_ =	sdelay $0x1  }
0xfa: {  	v10 =	vmul.f32 $2.000000030e-01, v9  }
0xfb: {  	vm15 =	vgt.f32 v9, $0.0e+00  }
0xfc: {  	v9 =	vsel vm15, v9, v10  }
0xfd: {  	v9 =	vmul.f32 $1.442695020e+00, v9;
	_ =	sdelay $0x1  }
0xfe: {  	(erf) = vpow2.f32 v9;
	_ =	sdelay $0x3  }
0xff: {  	v9 =	vshll.u32 v11, $0x1  }
0x100: {  	v9 =	vand.u32 $0x7E, v9  }
0x101: {  	v9 =	vor.u32 v8, v9;
	_ =	sdelay $0x2  }
0x102: {  	v10 =	vpop (erf)  }
0x103: {  	[tilespmem:$0xD1F0] =	vst v10  }
0x104: {  	[tilespmem:v9+s13+$0x0] =	vst.idx.msk $0xffff, v10;
	v9 =	vshrl.u32 v11, $0x6  }
0x105: {  	[tilespmem:$0x5170] =	vst v9  }
0x106: {  	[spmem:s2] =	stream.indirect.scatter.add.f32 [tilespmem:s13], [sflag:$0x2], $0x80, s14, s6, $0xb8;
	[tilespmem:$0x17740] =	vst v63  }
0x107: {  	_ =	swait.ge [sflag:s8], $0x4000  }
0x108: {  	[sflag:s8] =	ssyncset.done $0x0  }
0x109: {  	[sflag:s8] =	ssyncadd.s32 $0xFFFFC000  }
0x10a: {  	v9 =	vld [tilespmem:$0x5080];
	_ =	sdelay $0x4  }
0x10b: {  	v9 =	vshll.u32 v9, $0x1  }
0x10c: {  	v9 =	vand.u32 $0x7E, v9  }
0x10d: {  	v9 =	vor.u32 v0, v9;
	_ =	sdelay $0x4  }
0x10e: {  	[tilespmem:v9+s13+$0x0] =	vst.idx.msk $0xffff, v1  }
0x10f: {  	v9 =	vld [tilespmem:$0x5090];
	_ =	sdelay $0x4  }
0x110: {  	v9 =	vshll.u32 v9, $0x1  }
0x111: {  	v9 =	vand.u32 $0x7E, v9  }
0x112: {  	v9 =	vor.u32 v2, v9;
	_ =	sdelay $0x4  }
0x113: {  	[tilespmem:v9+s13+$0x0] =	vst.idx.msk $0xffff, v1  }
0x114: {  	v9 =	vld [tilespmem:$0x50A0];
	_ =	sdelay $0x4  }
0x115: {  	v9 =	vshll.u32 v9, $0x1  }
0x116: {  	v9 =	vand.u32 $0x7E, v9  }
0x117: {  	v9 =	vor.u32 v3, v9;
	_ =	sdelay $0x4  }
0x118: {  	[tilespmem:v9+s13+$0x0] =	vst.idx.msk $0xffff, v1  }
0x119: {  	v9 =	vld [tilespmem:$0x50B0];
	_ =	sdelay $0x4  }
0x11a: {  	v9 =	vshll.u32 v9, $0x1  }
0x11b: {  	v9 =	vand.u32 $0x7E, v9  }
0x11c: {  	v9 =	vor.u32 v4, v9;
	_ =	sdelay $0x4  }
0x11d: {  	[tilespmem:v9+s13+$0x0] =	vst.idx.msk $0xffff, v1  }
0x11e: {  	v9 =	vld [tilespmem:$0x50C0];
	_ =	sdelay $0x4  }
0x11f: {  	v9 =	vshll.u32 v9, $0x1  }
0x120: {  	v9 =	vand.u32 $0x7E, v9  }
0x121: {  	v9 =	vor.u32 v5, v9;
	_ =	sdelay $0x4  }
0x122: {  	[tilespmem:v9+s13+$0x0] =	vst.idx.msk $0xffff, v1  }
0x123: {  	v9 =	vld [tilespmem:$0x50D0];
	_ =	sdelay $0x4  }
0x124: {  	v9 =	vshll.u32 v9, $0x1  }
0x125: {  	v9 =	vand.u32 $0x7E, v9  }
0x126: {  	v9 =	vor.u32 v6, v9;
	_ =	sdelay $0x4  }
0x127: {  	[tilespmem:v9+s13+$0x0] =	vst.idx.msk $0xffff, v1  }
0x128: {  	v9 =	vld [tilespmem:$0x50E0];
	_ =	sdelay $0x4  }
0x129: {  	v9 =	vshll.u32 v9, $0x1  }
0x12a: {  	v9 =	vand.u32 $0x7E, v9  }
0x12b: {  	v9 =	vor.u32 v7, v9;
	_ =	sdelay $0x4  }
0x12c: {  	[tilespmem:v9+s13+$0x0] =	vst.idx.msk $0xffff, v1  }
0x12d: {  	v9 =	vld [tilespmem:$0x50F0];
	_ =	sdelay $0x4  }
0x12e: {  	v9 =	vshll.u32 v9, $0x1  }
0x12f: {  	v9 =	vand.u32 $0x7E, v9  }
0x130: {  	v9 =	vor.u32 v8, v9;
	_ =	sdelay $0x4  }
0x131: {  	[tilespmem:v9+s13+$0x0] =	vst.idx.msk $0xffff, v1  }
0x132: {  	v9 =	vld [tilespmem:$0x5080]  }
0x133: {  	v10 =	vld [tilespmem:$0x5090]  }
0x134: {  	v11 =	vld [tilespmem:$0x50A0]  }
0x135: {  	v12 =	vld [tilespmem:$0x50B0]  }
0x136: {  	v13 =	vld [tilespmem:$0x50C0]  }
0x137: {  	v14 =	vld [tilespmem:$0x50D0];
	v9 =	vmin.u32 v9, $0x1400  }
0x138: {  	[tilespmem:$0x5080] =	vst v9;
	v9 =	vmin.u32 v10, $0x1400;
	v10 =	vld [tilespmem:$0x50E0]  }
0x139: {  	[tilespmem:$0x5090] =	vst v9;
	v9 =	vmin.u32 v11, $0x1400;
	v11 =	vld [tilespmem:$0x50F0]  }
0x13a: {  	[tilespmem:$0x50A0] =	vst v9;
	v9 =	vmin.u32 v12, $0x1400  }
0x13b: {  	[tilespmem:$0x50B0] =	vst v9;
	v9 =	vmin.u32 v13, $0x1400  }
0x13c: {  	[tilespmem:$0x50C0] =	vst v9;
	v9 =	vmin.u32 v14, $0x1400  }
0x13d: {  	[tilespmem:$0x50D0] =	vst v9;
	v9 =	vmin.u32 v10, $0x1400  }
0x13e: {  	[tilespmem:$0x50E0] =	vst v9;
	v9 =	vmin.u32 v11, $0x1400  }
0x13f: {  	[tilespmem:$0x50F0] =	vst v9  }
0x140: {  	v9 =	vmov s23;
	_ =	swait.ge [sflag:s15], $0x4000  }
0x141: {  	[sflag:s15] =	ssyncset.done $0x0  }
0x142: {  	s7 =	simm.s32 $0x51A0;
	[sflag:s15] =	ssyncadd.s32 $0xFFFFC000  }
0x143: {  	v11 =	vld [tilespmem:s7+$0xFFFFFFF0]  }
0x144: {  	v12 =	vld [tilespmem:s7+$0x10]  }
0x145: {  	v14 =	vld.idx.msk [tilespmem:v9+s19+$0x0], $0xffff  }
0x146: {  	v9 =	vld [tilespmem:s7+$0xFFFFFFE0]  }
0x147: {  	v15 =	vld [tilespmem:s7+$0x0];
	_ =	sdelay $0x3  }
0x148: {  	s25 =	simm.s32 $0x1;
	v10 =	vmul.f32 v9, v14;
	v13 =	vmul.f32 v12, v14  }
0x149: {  	s22 =	simm.s32 $0x2;
	v9 =	vmov s25;
	v12 =	vmul.f32 v11, v14;
	v11 =	vmul.f32 v15, v14;
	s25 =	simm.s32 $0x51A0  }
.LBB2_5:
0x14a: {  	p1 =	sne.s32 s22, $0x7F  }
0x14b: {  	[tilespmem:s7+$0x10] =	vst v13;
	s25 =	sadd.s32 $0x80, s25;
	s26 =	smov.u32 s22;
	s22 =	sadd.s32 $0x1, s22  }
0x14c: {  	[tilespmem:s7+$0xFFFFFFE0] =	vst v10  }
0x14d: {  	v14 =	vld [tilespmem:s25+$0xFFFFFFF0];
	[tilespmem:s7+$0xFFFFFFF0] =	vst v12  }
0x14e: {  	v12 =	vld [tilespmem:s25+$0x10];
	[tilespmem:s7+$0x0] =	vst v11;
	s7 =	smov.u32 s25  }
0x14f: {  	v11 =	vld.idx.msk [tilespmem:v9+s19+$0x0], $0xffff  }
0x150: {  	v9 =	vld [tilespmem:s25+$0xFFFFFFE0]  }
0x151: {  	v15 =	vld [tilespmem:s25+$0x0]  }
.Ltmp1:
0x152: {  	(pc) =	sbr.rel @p1 .LBB2_5-.Ltmp1, $3  }
0x153: {  	_ =	sdelay $0x1  }
0x154: {  	v13 =	vmul.f32 v12, v11;
	v10 =	vmul.f32 v9, v11  }
0x155: {  	v12 =	vmul.f32 v14, v11;
	v9 =	vmov s26;
	v11 =	vmul.f32 v15, v11  }
0x156: {  	[tilespmem:s7+$0x10] =	vst v13  }
0x157: {  	s22 =	sadd.s32 $0x80, s25;
	[tilespmem:s7+$0xFFFFFFE0] =	vst v10  }
0x158: {  	v10 =	vld [tilespmem:s22+$0xFFFFFFF0];
	[tilespmem:s7+$0xFFFFFFF0] =	vst v12  }
0x159: {  	v12 =	vld [tilespmem:s22+$0x10];
	[tilespmem:s7+$0x0] =	vst v11  }
0x15a: {  	v9 =	vld.idx.msk [tilespmem:v9+s19+$0x0], $0xffff  }
0x15b: {  	v11 =	vld [tilespmem:s22+$0xFFFFFFE0];
	_ =	sdelay $0x1  }
0x15c: {  	v13 =	vld [tilespmem:s22+$0x0];
	_ =	sdelay $0x1  }
0x15d: {  	v12 =	vmul.f32 v12, v9  }
0x15e: {  	v11 =	vmul.f32 v11, v9  }
0x15f: {  	v10 =	vmul.f32 v10, v9;
	[tilespmem:s22+$0x10] =	vst v12  }
0x160: {  	s24 =	sadd.s32 $0x1, s24;
	v9 =	vmul.f32 v13, v9;
	[tilespmem:s22+$0xFFFFFFE0] =	vst v11  }
0x161: {  	p1 =	sne.s32 s24, $0x51;
	[tilespmem:s22+$0xFFFFFFF0] =	vst v10  }
.Ltmp2:
0x162: {  	[tilespmem:s22+$0x0] =	vst v9;
	(pc) =	sbr.rel @p1 .LBB2_4-.Ltmp2, $4  }
0x163: {  	[spmem:s1] =	stream.indirect.scatter.add.f32 [tilespmem:s10], [sflag:$0x2], $0x80, s12, s6, $0xb8;
	[tilespmem:$0x17740] =	vst v63  }
0x164: {  	_ =	swait.ge [sflag:s8], $0x4000  }
0x165: {  	[sflag:s8] =	ssyncset.done $0x0  }
0x166: {  	[sflag:s8] =	ssyncadd.s32 $0xFFFFC000  }
0x167: {  	[bflag:$0x0] =	sbarrier.arrive $0xFFFF  }
0x168: {  	[tilespmem:s10], [sflag:$0x2] =	stream.linear.gather [spmem:s21], $0x2000, $0x38;
	[tilespmem:$0x17740] =	vst v63  }
0x169: {  	_ =	swait.ge [sflag:s8], $0x2000  }
0x16a: {  	[sflag:s8] =	ssyncset.done $0x0  }
0x16b: {  	s7 =	rddreg [dreg:$0x4];
	[sflag:s8] =	ssyncadd.s32 $0xFFFFE000  }
0x16c: {  	[hbm4b:s7+s3] =	stream.linear.scatter [tilespmem:s10], [sflag:$0x2], $0x2000, $0x38;
	[tilespmem:$0x17740] =	vst v63  }
0x16d: {  	_ =	swait.ge [sflag:s8], $0x2000  }
0x16e: {  	[sflag:s8] =	ssyncset.done $0x0  }
0x16f: {  	s26 =	rddreg [dreg:$0x13];
	[sflag:s8] =	ssyncadd.s32 $0xFFFFE000  }
0x170: {  	[tilespmem:s10], [sflag:$0x2] =	stream.linear.gather [spmem:s26], $0x2000, $0x38;
	[tilespmem:$0x17740] =	vst v63  }
0x171: {  	_ =	swait.ge [sflag:s8], $0x2000  }
0x172: {  	[sflag:s8] =	ssyncset.done $0x0  }
0x173: {  	s22 =	rddreg [dreg:$0x5];
	[sflag:s8] =	ssyncadd.s32 $0xFFFFE000  }
0x174: {  	[hbm4b:s22+s3] =	stream.linear.scatter [tilespmem:s10], [sflag:$0x2], $0x2000, $0x38;
	[tilespmem:$0x17740] =	vst v63  }
0x175: {  	_ =	swait.ge [sflag:s8], $0x2000  }
0x176: {  	[sflag:s8] =	ssyncset.done $0x0  }
0x177: {  	s23 =	rddreg [dreg:$0x14];
	[sflag:s8] =	ssyncadd.s32 $0xFFFFE000  }
0x178: {  	[tilespmem:s10], [sflag:$0x2] =	stream.linear.gather [spmem:s23], $0x2000, $0x38;
	[tilespmem:$0x17740] =	vst v63  }
0x179: {  	_ =	swait.ge [sflag:s8], $0x2000  }
0x17a: {  	[sflag:s8] =	ssyncset.done $0x0  }
0x17b: {  	s24 =	rddreg [dreg:$0x6];
	[sflag:s8] =	ssyncadd.s32 $0xFFFFE000  }
0x17c: {  	[hbm4b:s24+s3] =	stream.linear.scatter [tilespmem:s10], [sflag:$0x2], $0x2000, $0x38;
	[tilespmem:$0x17740] =	vst v63  }
0x17d: {  	_ =	swait.ge [sflag:s8], $0x2000  }
0x17e: {  	[sflag:s8] =	ssyncset.done $0x0  }
0x17f: {  	[sflag:s8] =	ssyncadd.s32 $0xFFFFE000  }
0x180: {  	[tilespmem:s10], [sflag:$0x2] =	stream.linear.gather [spmem:s28], $0x2000, $0x38;
	[tilespmem:$0x17740] =	vst v63  }
0x181: {  	_ =	swait.ge [sflag:s8], $0x2000  }
0x182: {  	[sflag:s8] =	ssyncset.done $0x0  }
0x183: {  	s25 =	rddreg [dreg:$0x7];
	[sflag:s8] =	ssyncadd.s32 $0xFFFFE000  }
0x184: {  	[hbm4b:s25+s3] =	stream.linear.scatter [tilespmem:s10], [sflag:$0x2], $0x2000, $0x38;
	[tilespmem:$0x17740] =	vst v63  }
0x185: {  	_ =	swait.ge [sflag:s8], $0x2000  }
0x186: {  	[sflag:s8] =	ssyncset.done $0x0  }
0x187: {  	[sflag:s8] =	ssyncadd.s32 $0xFFFFE000  }
0x188: {  	[tilespmem:s10], [sflag:$0x2] =	stream.linear.gather [spmem:s29], $0x2000, $0x38;
	[tilespmem:$0x17740] =	vst v63  }
0x189: {  	_ =	swait.ge [sflag:s8], $0x2000  }
0x18a: {  	[sflag:s8] =	ssyncset.done $0x0  }
0x18b: {  	s26 =	rddreg [dreg:$0x8];
	[sflag:s8] =	ssyncadd.s32 $0xFFFFE000  }
0x18c: {  	[hbm4b:s26+s3] =	stream.linear.scatter [tilespmem:s10], [sflag:$0x2], $0x2000, $0x38;
	[tilespmem:$0x17740] =	vst v63  }
0x18d: {  	_ =	swait.ge [sflag:s8], $0x2000  }
0x18e: {  	[sflag:s8] =	ssyncset.done $0x0  }
0x18f: {  	s7 =	simm.s32 @!p0 $0x9180;
	s22 =	rddreg [dreg:$0x10];
	[sflag:s8] =	ssyncadd.s32 $0xFFFFE000  }
0x190: {  	[tilespmem:s7], [sflag:$0x2] =	stream.linear.gather @!p0 [spmem:s22], $0x800, $0x38;
	[tilespmem:$0x17740] =	vst v63  }
0x191: {  	s22 =	simm.s32 @!p0 $0x2  }
0x192: {  	_ =	swait.ge @!p0 [sflag:s22], $0x800  }
0x193: {  	[sflag:s22] =	ssyncset.done @!p0 $0x0  }
0x194: {  	s23 =	simm.s32 @!p0 $0x0;
	s24 =	rddreg [dreg:$0x11];
	[sflag:s22] =	ssyncadd.s32 @!p0 $0xFFFFF800  }
0x195: {  	[hbm4b:s24+s23] =	stream.linear.scatter @!p0 [tilespmem:s7], [sflag:$0x2], $0x800, $0x38;
	[tilespmem:$0x17740] =	vst v63  }
0x196: {  	_ =	swait.ge @!p0 [sflag:s22], $0x800  }
0x197: {  	[sflag:s22] =	ssyncset.done @!p0 $0x0  }
0x198: {  	[sflag:s22] =	ssyncadd.s32 @!p0 $0xFFFFF800  }
0x199: {  	s7 =	simm.s32 $0x0;
	s22 =	simm.s32 $0x200;
	[bflag:$0x0] =	sbarrier.arrive $0xFFFF  }
.LBB2_8:
0x19a: {  	p1 =	sne.s32 s22, $0xFE00;
	[tilespmem:s7+$0x51F0] =	vst v1  }
0x19b: {  	[tilespmem:s7+$0x5180] =	vst v1  }
0x19c: {  	[tilespmem:s7+$0x5190] =	vst v1  }
.Ltmp3:
0x19d: {  	[tilespmem:s7+$0x51A0] =	vst v1;
	(pc) =	sbr.rel @p1 .LBB2_8-.Ltmp3, $4  }
0x19e: {  	[tilespmem:s7+$0x51B0] =	vst v1  }
0x19f: {  	[tilespmem:s7+$0x51C0] =	vst v1  }
0x1a0: {  	[tilespmem:s7+$0x51D0] =	vst v1  }
0x1a1: {  	[tilespmem:s7+$0x51E0] =	vst v1;
	s7 =	sshra.s32 s22, $0x2;
	s22 =	sadd.s32 $0x200, s22  }
0x1a2: {  	[tilespmem:s7+$0x51F0] =	vst v1  }
0x1a3: {  	[tilespmem:s7+$0x5180] =	vst v1  }
0x1a4: {  	[tilespmem:s7+$0x5190] =	vst v1  }
0x1a5: {  	[tilespmem:s7+$0x51A0] =	vst v1  }
0x1a6: {  	[tilespmem:s7+$0x51B0] =	vst v1  }
0x1a7: {  	[tilespmem:s7+$0x51C0] =	vst v1  }
0x1a8: {  	[tilespmem:s7+$0x51D0] =	vst v1  }
0x1a9: {  	[tilespmem:s7+$0x51E0] =	vst v1  }
0x1aa: {  	[spmem:s21] =	stream.linear.scatter [tilespmem:s10], [sflag:$0x2], $0x2000, $0x38;
	[tilespmem:$0x17740] =	vst v63  }
0x1ab: {  	_ =	swait.ge [sflag:s8], $0x2000  }
0x1ac: {  	[sflag:s8] =	ssyncset.done $0x0  }
0x1ad: {  	[sflag:s8] =	ssyncadd.s32 $0xFFFFE000  }
0x1ae: {  	[spmem:s30] =	stream.linear.scatter [tilespmem:s10], [sflag:$0x2], $0x2000, $0x38;
	[tilespmem:$0x17740] =	vst v63  }
0x1af: {  	_ =	swait.ge [sflag:s8], $0x2000  }
0x1b0: {  	[sflag:s8] =	ssyncset.done $0x0  }
0x1b1: {  	[sflag:s8] =	ssyncadd.s32 $0xFFFFE000  }
0x1b2: {  	[spmem:s31] =	stream.linear.scatter [tilespmem:s10], [sflag:$0x2], $0x2000, $0x38;
	[tilespmem:$0x17740] =	vst v63  }
0x1b3: {  	_ =	swait.ge [sflag:s8], $0x2000  }
0x1b4: {  	[sflag:s8] =	ssyncset.done $0x0  }
0x1b5: {  	[sflag:s8] =	ssyncadd.s32 $0xFFFFE000  }
0x1b6: {  	[spmem:s0] =	stream.linear.scatter [tilespmem:s10], [sflag:$0x2], $0x2000, $0x38;
	[tilespmem:$0x17740] =	vst v63  }
0x1b7: {  	_ =	swait.ge [sflag:s8], $0x2000  }
0x1b8: {  	[sflag:s8] =	ssyncset.done $0x0  }
0x1b9: {  	[sflag:s8] =	ssyncadd.s32 $0xFFFFE000  }
0x1ba: {  	[spmem:s4] =	stream.linear.scatter [tilespmem:s10], [sflag:$0x2], $0x2000, $0x38;
	[tilespmem:$0x17740] =	vst v63  }
0x1bb: {  	_ =	swait.ge [sflag:s8], $0x2000  }
0x1bc: {  	[sflag:s8] =	ssyncset.done $0x0  }
0x1bd: {  	[sflag:s8] =	ssyncadd.s32 $0xFFFFE000  }
0x1be: {  	s23 =	simm.s32 $0x0;
	s24 =	simm.s32 $0x0;
	[bflag:$0x0] =	sbarrier.arrive $0xFFFF  }
.LBB2_10:
0x1bf: {  	s7 =	sshll.u32 s24, $0x7  }
0x1c0: {  	s7 =	sadd.s32 s5, s7  }
0x1c1: {  	s7 =	sshrl.u32 s7, $0x3  }
0x1c2: {  	s22 =	sadd.s32 s16, s7  }
0x1c3: {  	[tilespmem:s11], [sflag:$0x2] =	stream.linear.gather [hbm4b:s22+s23], $0x80, $0x38;
	[tilespmem:$0x17740] =	vst v63  }
0x1c4: {  	_ =	swait.ge [sflag:s8], $0x80  }
0x1c5: {  	[sflag:s8] =	ssyncset.done $0x0  }
0x1c6: {  	s7 =	sadd.s32 s17, s7;
	[sflag:s8] =	ssyncadd.s32 $0xFFFFFF80  }
0x1c7: {  	[tilespmem:s12], [sflag:$0x2] =	stream.linear.gather [hbm4b:s7+s23], $0x80, $0x38;
	[tilespmem:$0x17740] =	vst v63  }
0x1c8: {  	_ =	swait.ge [sflag:s8], $0x80  }
0x1c9: {  	[sflag:s8] =	ssyncset.done $0x0  }
0x1ca: {  	[sflag:s8] =	ssyncadd.s32 $0xFFFFFF80  }
0x1cb: {  	[tilespmem:s10], [sflag:$0x1] =	stream.indirect.gather [hbm4b:s18+s6], $0x80, s11, s6, $0xb8;
	[tilespmem:$0x17740] =	vst v63  }
0x1cc: {  	v9 =	vld [tilespmem:$0x5000]  }
0x1cd: {  	v10 =	vld [tilespmem:$0x5080];
	_ =	sdelay $0x6  }
0x1ce: {  	v9 =	vld.idx.msk [tilespmem:v9+s23+$0x0], $0xffff  }
0x1cf: {  	v10 =	vld.idx.msk [tilespmem:v10+s9+$0x0], $0xffff;
	_ =	sdelay $0x4  }
0x1d0: {  	v9 =	vadd.f32 v10, v9;
	_ =	sdelay $0x1  }
0x1d1: {  	v10 =	vmul.f32 $2.000000030e-01, v9  }
0x1d2: {  	vm0 =	vgt.f32 v9, $0.0e+00  }
0x1d3: {  	v9 =	vsel vm0, v9, v10  }
0x1d4: {  	v9 =	vmul.f32 $1.442695020e+00, v9;
	_ =	sdelay $0x1  }
0x1d5: {  	(erf) = vpow2.f32 v9;
	_ =	sdelay $0x2  }
0x1d6: {  	v9 =	vld [tilespmem:$0x5010]  }
0x1d7: {  	v10 =	vld [tilespmem:$0x5090];
	_ =	sdelay $0x4  }
0x1d8: {  	v11 =	vpop (erf)  }
0x1d9: {  	[tilespmem:$0xD180] =	vst v11  }
0x1da: {  	v9 =	vld.idx.msk [tilespmem:v9+s23+$0x0], $0xffff  }
0x1db: {  	v10 =	vld.idx.msk [tilespmem:v10+s9+$0x0], $0xffff;
	_ =	sdelay $0x4  }
0x1dc: {  	v9 =	vadd.f32 v10, v9;
	_ =	sdelay $0x1  }
0x1dd: {  	v10 =	vmul.f32 $2.000000030e-01, v9  }
0x1de: {  	vm9 =	vgt.f32 v9, $0.0e+00  }
0x1df: {  	v9 =	vsel vm9, v9, v10  }
0x1e0: {  	v9 =	vmul.f32 $1.442695020e+00, v9;
	_ =	sdelay $0x1  }
0x1e1: {  	(erf) = vpow2.f32 v9;
	_ =	sdelay $0x2  }
0x1e2: {  	v9 =	vld [tilespmem:$0x5020]  }
0x1e3: {  	v10 =	vld [tilespmem:$0x50A0];
	_ =	sdelay $0x4  }
0x1e4: {  	v11 =	vpop (erf)  }
0x1e5: {  	[tilespmem:$0xD190] =	vst v11  }
0x1e6: {  	v9 =	vld.idx.msk [tilespmem:v9+s23+$0x0], $0xffff  }
0x1e7: {  	v10 =	vld.idx.msk [tilespmem:v10+s9+$0x0], $0xffff;
	_ =	sdelay $0x4  }
0x1e8: {  	v9 =	vadd.f32 v10, v9;
	_ =	sdelay $0x1  }
0x1e9: {  	v10 =	vmul.f32 $2.000000030e-01, v9  }
0x1ea: {  	vm10 =	vgt.f32 v9, $0.0e+00  }
0x1eb: {  	v9 =	vsel vm10, v9, v10  }
0x1ec: {  	v9 =	vmul.f32 $1.442695020e+00, v9;
	_ =	sdelay $0x1  }
0x1ed: {  	(erf) = vpow2.f32 v9;
	_ =	sdelay $0x2  }
0x1ee: {  	v9 =	vld [tilespmem:$0x5030]  }
0x1ef: {  	v10 =	vld [tilespmem:$0x50B0];
	_ =	sdelay $0x4  }
0x1f0: {  	v11 =	vpop (erf)  }
0x1f1: {  	[tilespmem:$0xD1A0] =	vst v11  }
0x1f2: {  	v9 =	vld.idx.msk [tilespmem:v9+s23+$0x0], $0xffff  }
0x1f3: {  	v10 =	vld.idx.msk [tilespmem:v10+s9+$0x0], $0xffff;
	_ =	sdelay $0x4  }
0x1f4: {  	v9 =	vadd.f32 v10, v9;
	_ =	sdelay $0x1  }
0x1f5: {  	v10 =	vmul.f32 $2.000000030e-01, v9  }
0x1f6: {  	vm11 =	vgt.f32 v9, $0.0e+00  }
0x1f7: {  	v9 =	vsel vm11, v9, v10  }
0x1f8: {  	v9 =	vmul.f32 $1.442695020e+00, v9;
	_ =	sdelay $0x1  }
0x1f9: {  	(erf) = vpow2.f32 v9;
	_ =	sdelay $0x2  }
0x1fa: {  	v9 =	vld [tilespmem:$0x5040]  }
0x1fb: {  	v10 =	vld [tilespmem:$0x50C0];
	_ =	sdelay $0x4  }
0x1fc: {  	v11 =	vpop (erf)  }
0x1fd: {  	[tilespmem:$0xD1B0] =	vst v11  }
0x1fe: {  	v9 =	vld.idx.msk [tilespmem:v9+s23+$0x0], $0xffff  }
0x1ff: {  	v10 =	vld.idx.msk [tilespmem:v10+s9+$0x0], $0xffff;
	_ =	sdelay $0x4  }
0x200: {  	v9 =	vadd.f32 v10, v9;
	_ =	sdelay $0x1  }
0x201: {  	v10 =	vmul.f32 $2.000000030e-01, v9  }
0x202: {  	vm12 =	vgt.f32 v9, $0.0e+00  }
0x203: {  	v9 =	vsel vm12, v9, v10  }
0x204: {  	v9 =	vmul.f32 $1.442695020e+00, v9;
	_ =	sdelay $0x1  }
0x205: {  	(erf) = vpow2.f32 v9;
	_ =	sdelay $0x2  }
0x206: {  	v9 =	vld [tilespmem:$0x5050]  }
0x207: {  	v10 =	vld [tilespmem:$0x50D0];
	_ =	sdelay $0x4  }
0x208: {  	v11 =	vpop (erf)  }
0x209: {  	[tilespmem:$0xD1C0] =	vst v11  }
0x20a: {  	v9 =	vld.idx.msk [tilespmem:v9+s23+$0x0], $0xffff  }
0x20b: {  	v10 =	vld.idx.msk [tilespmem:v10+s9+$0x0], $0xffff;
	_ =	sdelay $0x4  }
0x20c: {  	v9 =	vadd.f32 v10, v9;
	_ =	sdelay $0x1  }
0x20d: {  	v10 =	vmul.f32 $2.000000030e-01, v9  }
0x20e: {  	vm13 =	vgt.f32 v9, $0.0e+00  }
0x20f: {  	v9 =	vsel vm13, v9, v10  }
0x210: {  	v9 =	vmul.f32 $1.442695020e+00, v9;
	_ =	sdelay $0x1  }
0x211: {  	(erf) = vpow2.f32 v9;
	_ =	sdelay $0x2  }
0x212: {  	v9 =	vld [tilespmem:$0x5060]  }
0x213: {  	v10 =	vld [tilespmem:$0x50E0];
	_ =	sdelay $0x4  }
0x214: {  	v11 =	vpop (erf)  }
0x215: {  	[tilespmem:$0xD1D0] =	vst v11  }
0x216: {  	v9 =	vld.idx.msk [tilespmem:v9+s23+$0x0], $0xffff  }
0x217: {  	v10 =	vld.idx.msk [tilespmem:v10+s9+$0x0], $0xffff;
	_ =	sdelay $0x4  }
0x218: {  	v9 =	vadd.f32 v10, v9;
	_ =	sdelay $0x1  }
0x219: {  	v10 =	vmul.f32 $2.000000030e-01, v9  }
0x21a: {  	vm14 =	vgt.f32 v9, $0.0e+00  }
0x21b: {  	v9 =	vsel vm14, v9, v10  }
0x21c: {  	v9 =	vmul.f32 $1.442695020e+00, v9;
	_ =	sdelay $0x1  }
0x21d: {  	(erf) = vpow2.f32 v9;
	_ =	sdelay $0x2  }
0x21e: {  	v9 =	vld [tilespmem:$0x5070]  }
0x21f: {  	v10 =	vld [tilespmem:$0x50F0];
	_ =	sdelay $0x4  }
0x220: {  	v11 =	vpop (erf)  }
0x221: {  	[tilespmem:$0xD1E0] =	vst v11  }
0x222: {  	v9 =	vld.idx.msk [tilespmem:v9+s23+$0x0], $0xffff  }
0x223: {  	v10 =	vld.idx.msk [tilespmem:v10+s9+$0x0], $0xffff;
	_ =	sdelay $0x4  }
0x224: {  	v9 =	vadd.f32 v10, v9;
	_ =	sdelay $0x1  }
0x225: {  	v10 =	vmul.f32 $2.000000030e-01, v9  }
0x226: {  	vm15 =	vgt.f32 v9, $0.0e+00  }
0x227: {  	v9 =	vsel vm15, v9, v10  }
0x228: {  	v9 =	vmul.f32 $1.442695020e+00, v9;
	_ =	sdelay $0x1  }
0x229: {  	(erf) = vpow2.f32 v9;
	_ =	sdelay $0x3  }
0x22a: {  	v9 =	vld [tilespmem:$0x5080]  }
0x22b: {  	v10 =	vld [tilespmem:$0x5090]  }
0x22c: {  	v11 =	vld [tilespmem:$0x50A0]  }
0x22d: {  	v12 =	vld [tilespmem:$0x50B0]  }
0x22e: {  	v13 =	vld [tilespmem:$0x50C0]  }
0x22f: {  	v15 =	vld [tilespmem:$0x50D0];
	v9 =	vadd.s32 $0xFFFFEC00, v9;
	v14 =	vpop (erf)  }
0x230: {  	v10 =	vadd.s32 $0xFFFFEC00, v10;
	v9 =	vmin.u32 v9, $0x1400;
	[tilespmem:$0xD1F0] =	vst v14;
	v14 =	vld [tilespmem:$0x50E0]  }
0x231: {  	[tilespmem:$0x5080] =	vst v9;
	v9 =	vmin.u32 v10, $0x1400;
	v10 =	vadd.s32 $0xFFFFEC00, v11;
	v11 =	vld [tilespmem:$0x50F0]  }
0x232: {  	[tilespmem:$0x5090] =	vst v9;
	v9 =	vmin.u32 v10, $0x1400;
	v10 =	vadd.s32 $0xFFFFEC00, v12  }
0x233: {  	[tilespmem:$0x50A0] =	vst v9;
	v9 =	vmin.u32 v10, $0x1400;
	v10 =	vadd.s32 $0xFFFFEC00, v13  }
0x234: {  	[tilespmem:$0x50B0] =	vst v9;
	v9 =	vmin.u32 v10, $0x1400;
	v10 =	vadd.s32 $0xFFFFEC00, v15  }
0x235: {  	[tilespmem:$0x50C0] =	vst v9;
	v9 =	vmin.u32 v10, $0x1400;
	v10 =	vadd.s32 $0xFFFFEC00, v14  }
0x236: {  	[tilespmem:$0x50D0] =	vst v9;
	v9 =	vmin.u32 v10, $0x1400;
	v10 =	vadd.s32 $0xFFFFEC00, v11  }
0x237: {  	[tilespmem:$0x50E0] =	vst v9;
	v9 =	vmin.u32 v10, $0x1400  }
0x238: {  	[tilespmem:$0x50F0] =	vst v9  }
0x239: {  	v9 =	vmov s23;
	_ =	swait.ge [sflag:s15], $0x4000  }
0x23a: {  	[sflag:s15] =	ssyncset.done $0x0  }
0x23b: {  	s7 =	simm.s32 $0x51A0;
	[sflag:s15] =	ssyncadd.s32 $0xFFFFC000  }
0x23c: {  	v11 =	vld [tilespmem:s7+$0xFFFFFFF0]  }
0x23d: {  	v12 =	vld [tilespmem:s7+$0x10]  }
0x23e: {  	v14 =	vld.idx.msk [tilespmem:v9+s19+$0x0], $0xffff  }
0x23f: {  	v9 =	vld [tilespmem:s7+$0xFFFFFFE0]  }
0x240: {  	v15 =	vld [tilespmem:s7+$0x0];
	_ =	sdelay $0x3  }
0x241: {  	s25 =	simm.s32 $0x1;
	v10 =	vmul.f32 v9, v14;
	v13 =	vmul.f32 v12, v14  }
0x242: {  	s22 =	simm.s32 $0x2;
	v9 =	vmov s25;
	v12 =	vmul.f32 v11, v14;
	v11 =	vmul.f32 v15, v14;
	s25 =	simm.s32 $0x51A0  }
.LBB2_11:
0x243: {  	p1 =	sne.s32 s22, $0x7F  }
0x244: {  	[tilespmem:s7+$0x10] =	vst v13;
	s25 =	sadd.s32 $0x80, s25;
	s26 =	smov.u32 s22;
	s22 =	sadd.s32 $0x1, s22  }
0x245: {  	[tilespmem:s7+$0xFFFFFFE0] =	vst v10  }
0x246: {  	v14 =	vld [tilespmem:s25+$0xFFFFFFF0];
	[tilespmem:s7+$0xFFFFFFF0] =	vst v12  }
0x247: {  	v12 =	vld [tilespmem:s25+$0x10];
	[tilespmem:s7+$0x0] =	vst v11;
	s7 =	smov.u32 s25  }
0x248: {  	v11 =	vld.idx.msk [tilespmem:v9+s19+$0x0], $0xffff  }
0x249: {  	v9 =	vld [tilespmem:s25+$0xFFFFFFE0]  }
0x24a: {  	v15 =	vld [tilespmem:s25+$0x0]  }
.Ltmp4:
0x24b: {  	(pc) =	sbr.rel @p1 .LBB2_11-.Ltmp4, $3  }
0x24c: {  	_ =	sdelay $0x1  }
0x24d: {  	v13 =	vmul.f32 v12, v11;
	v10 =	vmul.f32 v9, v11  }
0x24e: {  	v12 =	vmul.f32 v14, v11;
	v9 =	vmov s26;
	v11 =	vmul.f32 v15, v11  }
0x24f: {  	[tilespmem:s7+$0x10] =	vst v13  }
0x250: {  	s22 =	sadd.s32 $0x80, s25;
	[tilespmem:s7+$0xFFFFFFE0] =	vst v10  }
0x251: {  	v10 =	vld [tilespmem:s22+$0xFFFFFFF0];
	[tilespmem:s7+$0xFFFFFFF0] =	vst v12  }
0x252: {  	v12 =	vld [tilespmem:s22+$0x10];
	[tilespmem:s7+$0x0] =	vst v11  }
0x253: {  	v9 =	vld.idx.msk [tilespmem:v9+s19+$0x0], $0xffff  }
0x254: {  	v11 =	vld [tilespmem:s22+$0xFFFFFFE0];
	_ =	sdelay $0x1  }
0x255: {  	v13 =	vld [tilespmem:s22+$0x0];
	_ =	sdelay $0x1  }
0x256: {  	v12 =	vmul.f32 v12, v9  }
0x257: {  	v11 =	vmul.f32 v11, v9  }
0x258: {  	v10 =	vmul.f32 v10, v9;
	[tilespmem:s22+$0x10] =	vst v12  }
0x259: {  	s24 =	sadd.s32 $0x1, s24;
	v9 =	vmul.f32 v13, v9;
	[tilespmem:s22+$0xFFFFFFE0] =	vst v11  }
0x25a: {  	p1 =	sne.s32 s24, $0x51;
	[tilespmem:s22+$0xFFFFFFF0] =	vst v10  }
.Ltmp5:
0x25b: {  	[tilespmem:s22+$0x0] =	vst v9;
	(pc) =	sbr.rel @p1 .LBB2_10-.Ltmp5, $4  }
0x25c: {  	[spmem:s1] =	stream.indirect.scatter.add.f32 [tilespmem:s10], [sflag:$0x2], $0x80, s12, s6, $0xb8;
	[tilespmem:$0x17740] =	vst v63  }
0x25d: {  	_ =	swait.ge [sflag:s8], $0x4000  }
0x25e: {  	[sflag:s8] =	ssyncset.done $0x0  }
0x25f: {  	[sflag:s8] =	ssyncadd.s32 $0xFFFFC000  }
0x260: {  	[bflag:$0x0] =	sbarrier.arrive $0xFFFF  }
0x261: {  	[tilespmem:s10], [sflag:$0x2] =	stream.linear.gather [spmem:s21], $0x2000, $0x38;
	[tilespmem:$0x17740] =	vst v63  }
0x262: {  	_ =	swait.ge [sflag:s8], $0x2000  }
0x263: {  	[sflag:s8] =	ssyncset.done $0x0  }
0x264: {  	s7 =	rddreg [dreg:$0x9];
	[sflag:s8] =	ssyncadd.s32 $0xFFFFE000  }
0x265: {  	[hbm4b:s7+s3] =	stream.linear.scatter [tilespmem:s10], [sflag:$0x2], $0x2000, $0x38;
	[tilespmem:$0x17740] =	vst v63  }
0x266: {  	_ =	swait.ge [sflag:s8], $0x2000  }
0x267: {  	[sflag:s8] =	ssyncset.done $0x0  }
0x268: {  	s25 =	rddreg [dreg:$0x13];
	[sflag:s8] =	ssyncadd.s32 $0xFFFFE000  }
0x269: {  	[tilespmem:s10], [sflag:$0x2] =	stream.linear.gather [spmem:s25], $0x2000, $0x38;
	[tilespmem:$0x17740] =	vst v63  }
0x26a: {  	_ =	swait.ge [sflag:s8], $0x2000  }
0x26b: {  	[sflag:s8] =	ssyncset.done $0x0  }
0x26c: {  	s26 =	rddreg [dreg:$0xa];
	[sflag:s8] =	ssyncadd.s32 $0xFFFFE000  }
0x26d: {  	[hbm4b:s26+s3] =	stream.linear.scatter [tilespmem:s10], [sflag:$0x2], $0x2000, $0x38;
	[tilespmem:$0x17740] =	vst v63  }
0x26e: {  	_ =	swait.ge [sflag:s8], $0x2000  }
0x26f: {  	[sflag:s8] =	ssyncset.done $0x0  }
0x270: {  	s22 =	rddreg [dreg:$0x14];
	[sflag:s8] =	ssyncadd.s32 $0xFFFFE000  }
0x271: {  	[tilespmem:s10], [sflag:$0x2] =	stream.linear.gather [spmem:s22], $0x2000, $0x38;
	[tilespmem:$0x17740] =	vst v63  }
0x272: {  	_ =	swait.ge [sflag:s8], $0x2000  }
0x273: {  	[sflag:s8] =	ssyncset.done $0x0  }
0x274: {  	s23 =	rddreg [dreg:$0xb];
	[sflag:s8] =	ssyncadd.s32 $0xFFFFE000  }
0x275: {  	[hbm4b:s23+s3] =	stream.linear.scatter [tilespmem:s10], [sflag:$0x2], $0x2000, $0x38;
	[tilespmem:$0x17740] =	vst v63  }
0x276: {  	_ =	swait.ge [sflag:s8], $0x2000  }
0x277: {  	[sflag:s8] =	ssyncset.done $0x0  }
0x278: {  	[sflag:s8] =	ssyncadd.s32 $0xFFFFE000  }
0x279: {  	[tilespmem:s10], [sflag:$0x2] =	stream.linear.gather [spmem:s28], $0x2000, $0x38;
	[tilespmem:$0x17740] =	vst v63  }
0x27a: {  	_ =	swait.ge [sflag:s8], $0x2000  }
0x27b: {  	[sflag:s8] =	ssyncset.done $0x0  }
0x27c: {  	s24 =	rddreg [dreg:$0xc];
	[sflag:s8] =	ssyncadd.s32 $0xFFFFE000  }
0x27d: {  	[hbm4b:s24+s3] =	stream.linear.scatter [tilespmem:s10], [sflag:$0x2], $0x2000, $0x38;
	[tilespmem:$0x17740] =	vst v63  }
0x27e: {  	_ =	swait.ge [sflag:s8], $0x2000  }
0x27f: {  	[sflag:s8] =	ssyncset.done $0x0  }
0x280: {  	[sflag:s8] =	ssyncadd.s32 $0xFFFFE000  }
0x281: {  	[tilespmem:s10], [sflag:$0x2] =	stream.linear.gather [spmem:s29], $0x2000, $0x38;
	[tilespmem:$0x17740] =	vst v63  }
0x282: {  	_ =	swait.ge [sflag:s8], $0x2000  }
0x283: {  	[sflag:s8] =	ssyncset.done $0x0  }
0x284: {  	s25 =	rddreg [dreg:$0xd];
	[sflag:s8] =	ssyncadd.s32 $0xFFFFE000  }
0x285: {  	[hbm4b:s25+s3] =	stream.linear.scatter [tilespmem:s10], [sflag:$0x2], $0x2000, $0x38;
	[tilespmem:$0x17740] =	vst v63  }
0x286: {  	_ =	swait.ge [sflag:s8], $0x2000  }
0x287: {  	s20 =	sadd.s32 $0x1, s20;
	s26 =	rddreg [dreg:$0x12]  }
0x288: {  	p1 =	sne.s32 s20, s26  }
.Ltmp6:
0x289: {  	_ = 	snop;
	(pc) =	sbr.rel @p1 .LBB2_1-.Ltmp6, $3  }
0x28a: {  	_ =	sdelay $0x1  }
0x28b: {  	[sflag:s8] =	ssyncset.done $0x0  }
0x28c: {  	[sflag:s8] =	ssyncadd.s32 $0xFFFFE000  }
0x28d: {  	_ =	sfence.sel $0x180000  }
0x28e: {  	[bflag:$0x0] =	sbarrier.arrive $0xFFFF  }
0x28f: {  	_ =	strace $0x9000004A  }
0x290: {  	s0 =	stileid.u32;
	[bflag:$0x2] =	sbarrier.arrive $0xFFFF  }
0x291: {  	p0 =	sne.s32 s0, $0x0;
	s0 =	rddreg [dreg:$0x3]  }
0x292: {  	s0 =	sadd.s32 @!p0 $0x100000, s0  }
0x293: {  	[sflag:s0] =	ssyncadd.tile.s32 @!p0 $0x1;
	_ =	shalt  }
.Lfunc_end2:
_tile_overlayer_lowered:
.L_overlay_start_2:
0x294: {  	(tag) =	ssettag $0x2  }
0x295: {  	s0 =	rddreg [dreg:$0x0];
	s2 =	stileid.u32  }
0x296: {  	s1 =	rddreg [dreg:$0x1];
	p0 =	sne.s32 s2, $0x0  }
0x297: {  	s3 =	rddreg [dreg:$0x2];
	[bflag:$0x3] =	sbarrier.arrive $0xFFFF;
	s2 =	simm.s32 @!p0 $0x1C02  }
0x298: {  	[timem:s3], [sflag:s2] =	dma.local @!p0 [hbm:s0], s1  }
0x299: {  	s0 =	simm.s32 @!p0 $0x2  }
0x29a: {  	_ =	swait.ge @!p0 [sflag:s0], s1  }
0x29b: {  	s1 =	ssub.s32 @!p0 $0x0, s1;
	[sflag:s0] =	ssyncset.done @!p0 $0x0  }
0x29c: {  	[sflag:s0] =	ssyncadd.s32 @!p0 s1  }
0x29d: {  	[bflag:$0x3] =	sbarrier.arrive $0xFFFF  }
0x29e: {  	_ =	shalt  }

</sc_bundles>
